<compile_context>
chip_gen: v7x
topology: tpu7x:2x2x1
jax: 0.10.2.dev20260603
libtpu: 0.0.44.dev20260713+nightly
codegen_flags: <defaults>
</compile_context>

<pallas_src>
import functools

import jax
import jax.numpy as jnp
import numpy as np
from jax import lax
from jax.experimental import pallas as pl
from jax.experimental.pallas import tpu as pltpu
from jax.experimental.pallas import tpu_sc as plsc

N = 10000
E = 160000
D = 256
DH = 128
NPAD = 10240
ROWS_PER_TILE = NPAD // 16
CHUNK = 84
BI = 10
NBLK = 12
CPB = 80
NBUF = 2
PIPE = NBUF - 1
NCH = BI * NBLK
E_TILE = NCH * CHUNK
EPAD = 16 * E_TILE
DUMMY = N

_MESH = plsc.VectorSubcoreMesh(core_axis_name="c", subcore_axis_name="s",
                               num_cores=2, num_subcores=16)


def _degree_body(sdidx_hbm, out_hbm, idx_v, ones_v, row_v, hist_s):
    c = lax.axis_index("c")
    s = lax.axis_index("s")

    def _fill_ones(i, carry):
        ones_v[pl.ds(i * 16, 16)] = jnp.ones((16,), jnp.float32)
        return carry

    lax.fori_loop(0, (CHUNK + 15) // 16, _fill_ones, 0)

    def _fill_zero(i, carry):
        row_v[pl.ds(i * 16, 16)] = jnp.zeros((16,), jnp.float32)
        return carry

    lax.fori_loop(0, ROWS_PER_TILE // 16, _fill_zero, 0)
    pltpu.sync_copy(row_v, hist_s.at[pl.ds(s * ROWS_PER_TILE, ROWS_PER_TILE)])
    pltpu.sync_copy(sdidx_hbm.at[0, s], idx_v)
    plsc.subcore_barrier()

    def _accum(b, carry):
        for i in range(BI):
            pltpu.sync_copy(ones_v.at[pl.ds(0, CHUNK)],
                            hist_s.at[idx_v.at[b, i, c]], add=True)
        return carry

    lax.fori_loop(0, NBLK, _accum, 0)
    plsc.subcore_barrier()
    pltpu.sync_copy(hist_s.at[pl.ds(s * ROWS_PER_TILE, ROWS_PER_TILE)], row_v)
    pltpu.sync_copy(row_v, out_hbm.at[c, pl.ds(s * ROWS_PER_TILE, ROWS_PER_TILE)])


_degree_kernel = functools.partial(
    pl.kernel,
    out_type=jax.ShapeDtypeStruct((2, NPAD), jnp.float32),
    mesh=_MESH,
    scratch_types=[
        pltpu.VMEM((NBLK, BI, 2, CHUNK), jnp.int32),
        pltpu.VMEM((16 * ((CHUNK + 15) // 16),), jnp.float32),
        pltpu.VMEM((ROWS_PER_TILE,), jnp.float32),
        pltpu.VMEM_SHARED((NPAD,), jnp.float32),
    ],
)(_degree_body)


def _agg_body(table_hbm, sdidx_hbm, out_hbm,
              sd_v0, sd_v1, buf_a, buf_b, agg_s,
              sem_g0, sem_g1, sem_i0, sem_i1):
    c = lax.axis_index("c")
    s = lax.axis_index("s")
    bufs = (buf_a, buf_b)
    gsems = (sem_g0, sem_g1)
    sds = (sd_v0, sd_v1)
    isems = (sem_i0, sem_i1)

    def _zero_row(i, carry):
        for l in range(DH // 16):
            buf_a[i, pl.ds(l * 16, 16)] = jnp.zeros((16,), jnp.float32)
        return carry

    lax.fori_loop(0, CPB, _zero_row, 0)
    for k in range(ROWS_PER_TILE // CPB):
        pltpu.sync_copy(buf_a.at[pl.ds(0, CPB)],
                        agg_s.at[pl.ds(s * ROWS_PER_TILE + k * CPB, CPB)])
    plsc.subcore_barrier()

    def _gather(sd, i, p):
        pltpu.async_copy(table_hbm.at[sd.at[i, 0]], bufs[p], gsems[p])

    def _wait_gather(sd, i, p):
        pltpu.make_async_copy(table_hbm.at[sd.at[i, 0]], bufs[p], gsems[p]).wait()

    pltpu.sync_copy(sdidx_hbm.at[c, s, 0], sd_v0)
    pltpu.async_copy(sdidx_hbm.at[c, s, 1], sd_v1, sem_i1)
    for i in range(PIPE):
        _gather(sd_v0, i, i)

    def _dblk(t, carry):
        for half in range(2):
            sd = sds[half]
            nxt = sds[(half + 1) % 2]
            blk = 2 * t + half
            last = half == 1
            for i in range(BI):
                p = i % NBUF
                if i < BI - PIPE:
                    _gather(sd, i + PIPE, (i + PIPE) % NBUF)
                else:
                    ii = i + PIPE - BI

                    def _issue_next(ii=ii):
                        if ii == 0:
                            pltpu.make_async_copy(
                                sdidx_hbm.at[c, s, blk + 1], nxt,
                                isems[(half + 1) % 2]).wait()
                        _gather(nxt, ii, ii % NBUF)

                    if not last:
                        _issue_next()
                    else:
                        pl.when(t < NBLK // 2 - 1)(_issue_next)
                _wait_gather(sd, i, p)
                pltpu.sync_copy(bufs[p], agg_s.at[sd.at[i, 1]], add=True)

            def _prefetch():
                pltpu.async_copy(sdidx_hbm.at[c, s, blk + 2], sd,
                                 isems[half])

            pl.when(blk + 2 < NBLK)(_prefetch)
        return carry

    lax.fori_loop(0, NBLK // 2, _dblk, 0)

    plsc.subcore_barrier()
    for k in range(ROWS_PER_TILE // CPB):
        off = s * ROWS_PER_TILE + k * CPB
        pltpu.sync_copy(agg_s.at[pl.ds(off, CPB)], buf_a.at[pl.ds(0, CPB)])
        pltpu.sync_copy(buf_a.at[pl.ds(0, CPB)],
                        out_hbm.at[pl.ds(c * NPAD + off, CPB)])


_agg_kernel = functools.partial(
    pl.kernel,
    out_type=jax.ShapeDtypeStruct((2 * NPAD, DH), jnp.float32),
    mesh=_MESH,
    scratch_types=[
        pltpu.VMEM((BI, 2, CHUNK), jnp.int32),
        pltpu.VMEM((BI, 2, CHUNK), jnp.int32),
        pltpu.VMEM((CHUNK, DH), jnp.float32),
        pltpu.VMEM((CHUNK, DH), jnp.float32),
        pltpu.VMEM_SHARED((NPAD, DH), jnp.float32),
        pltpu.SemaphoreType.DMA,
        pltpu.SemaphoreType.DMA,
        pltpu.SemaphoreType.DMA,
        pltpu.SemaphoreType.DMA,
    ],
)(_agg_body)


_BN = 640


def _tc1_body(f_ref, w_ref, d_ref, o_ref):
    norm = lax.rsqrt(jnp.maximum(d_ref[...], 1.0))
    o_ref[...] = jnp.dot(f_ref[...], w_ref[...],
                         preferred_element_type=jnp.float32) * norm


def _tc2_body(a0_ref, a1_ref, w_ref, b_ref, dd_ref, ds_ref, o_ref):
    nd = lax.rsqrt(jnp.maximum(dd_ref[...], 1.0))
    ns = lax.rsqrt(jnp.maximum(ds_ref[...], 1.0))
    h = jnp.concatenate([a0_ref[...], a1_ref[...]], axis=1) * nd + b_ref[...]
    h = jnp.maximum(h, 0.0)
    o_ref[...] = jnp.dot(h, w_ref[...], preferred_element_type=jnp.float32) * ns


def _tc3_body(a0_ref, a1_ref, b_ref, dd_ref, o_ref):
    nd = lax.rsqrt(jnp.maximum(dd_ref[...], 1.0))
    h = jnp.concatenate([a0_ref[...], a1_ref[...]], axis=1) * nd + b_ref[...]
    o_ref[...] = jnp.maximum(h, 0.0)


def _tc1(feat, w, deg_src):
    return pl.pallas_call(
        _tc1_body,
        grid=(NPAD // _BN, 2),
        in_specs=[
            pl.BlockSpec((_BN, D), lambda i, c: (i, 0)),
            pl.BlockSpec((D, DH), lambda i, c: (0, c)),
            pl.BlockSpec((_BN, 1), lambda i, c: (i, 0)),
        ],
        out_specs=pl.BlockSpec((_BN, DH), lambda i, c: (c * (NPAD // _BN) + i, 0)),
        out_shape=jax.ShapeDtypeStruct((2 * NPAD, DH), jnp.float32),
    )(feat, w, deg_src)


def _tc2(agg, w, b, deg_dst, deg_src):
    nb = NPAD // _BN
    return pl.pallas_call(
        _tc2_body,
        grid=(nb, 2),
        in_specs=[
            pl.BlockSpec((_BN, DH), lambda i, c: (i, 0)),
            pl.BlockSpec((_BN, DH), lambda i, c: (nb + i, 0)),
            pl.BlockSpec((D, DH), lambda i, c: (0, c)),
            pl.BlockSpec((1, D), lambda i, c: (0, 0)),
            pl.BlockSpec((_BN, 1), lambda i, c: (i, 0)),
            pl.BlockSpec((_BN, 1), lambda i, c: (i, 0)),
        ],
        out_specs=pl.BlockSpec((_BN, DH), lambda i, c: (c * nb + i, 0)),
        out_shape=jax.ShapeDtypeStruct((2 * NPAD, DH), jnp.float32),
    )(agg, agg, w, b, deg_dst, deg_src)


def _tc3(agg, b, deg_dst):
    nb = NPAD // _BN
    return pl.pallas_call(
        _tc3_body,
        grid=(nb,),
        in_specs=[
            pl.BlockSpec((_BN, DH), lambda i: (i, 0)),
            pl.BlockSpec((_BN, DH), lambda i: (nb + i, 0)),
            pl.BlockSpec((1, D), lambda i: (0, 0)),
            pl.BlockSpec((_BN, 1), lambda i: (i, 0)),
        ],
        out_specs=pl.BlockSpec((_BN, D), lambda i: (i, 0)),
        out_shape=jax.ShapeDtypeStruct((N, D), jnp.float32),
    )(agg, agg, b, deg_dst)


def kernel(feat, edge_index, W1, b1, W2, b2):
    src = edge_index[0]
    dst = edge_index[1]
    pad = EPAD - E
    src_p = jnp.concatenate([src, jnp.full((pad,), DUMMY, jnp.int32)])
    dst_p = jnp.concatenate([dst, jnp.full((pad,), DUMMY, jnp.int32)])
    src4 = src_p.reshape(16, NBLK, BI, CHUNK)
    dst4 = dst_p.reshape(16, NBLK, BI, CHUNK)
    sdidx = jnp.stack([
        jnp.stack([src4, dst4], axis=3),
        jnp.stack([src4 + NPAD, dst4], axis=3),
    ])

    degs = _degree_kernel(sdidx)
    deg_src = degs[0].reshape(NPAD, 1)
    deg_dst = degs[1].reshape(NPAD, 1)

    b1r = b1.reshape(1, D)
    b2r = b2.reshape(1, D)
    hs1 = _tc1(feat, W1, deg_src)
    agg1 = _agg_kernel(hs1, sdidx)
    hs2 = _tc2(agg1, W2, b1r, deg_dst, deg_src)
    agg2 = _agg_kernel(hs2, sdidx)
    return _tc3(agg2, b2r, deg_dst)

# --- scband reference (transcript-rebuilt; emitter-appended) ---
"""Pipeline reference for scband-gcn-dgl-22608707846324 (READ-ONLY COPY).

The authoritative reference and input builder live on the scoring server;
editing this copy changes nothing except your own understanding.
"""

import jax, jax.numpy as jnp
import numpy as np

N_NODES = 10000
N_EDGES = 160000
D_IN = 256
D_H = 256


def setup_inputs(seed: int = 0) -> dict:
    key = jax.random.key(seed)
    k1, k2, k3, k4, k5, k6 = jax.random.split(key, 6)
    feat = jax.random.normal(k1, (N_NODES, D_IN), dtype=jnp.float32)
    edge_index = jax.random.randint(k2, (2, N_EDGES), 0, N_NODES, dtype=jnp.int32)
    W1 = jax.random.normal(k3, (D_IN, D_H), dtype=jnp.float32) * (1.0 / np.sqrt(D_IN))
    b1 = jnp.zeros((D_H,), dtype=jnp.float32)
    W2 = jax.random.normal(k4, (D_H, D_H), dtype=jnp.float32) * (1.0 / np.sqrt(D_H))
    b2 = jnp.zeros((D_H,), dtype=jnp.float32)
    return {"feat": feat, "edge_index": edge_index, "W1": W1, "b1": b1, "W2": W2, "b2": b2}


def _graph_conv(h, src, dst, norm_src, norm_dst, W, b):
    # DGL GraphConv with norm='both': D_out^{-1/2} A^T D_in^{-1/2} (math-equivalent ordering)
    h = h @ W
    h = h * norm_src[:, None]
    msgs = jnp.take(h, src, axis=0)
    agg = jax.ops.segment_sum(msgs, dst, num_segments=N_NODES)
    agg = agg * norm_dst[:, None]
    agg = agg + b
    return jax.nn.relu(agg)


def reference(feat, edge_index, W1, b1, W2, b2):
    src = edge_index[0]
    dst = edge_index[1]
    out_deg = jnp.zeros((N_NODES,), dtype=jnp.float32).at[src].add(1.0)
    in_deg = jnp.zeros((N_NODES,), dtype=jnp.float32).at[dst].add(1.0)
    norm_src = jax.lax.rsqrt(jnp.clip(out_deg, 1.0))
    norm_dst = jax.lax.rsqrt(jnp.clip(in_deg, 1.0))
    h = feat
    h = _graph_conv(h, src, dst, norm_src, norm_dst, W1, b1)
    h = _graph_conv(h, src, dst, norm_src, norm_dst, W2, b2)
    return h

if __name__ == "__main__":
    import jax
    _d = setup_inputs()
    print(jax.jit(kernel)(*tuple(_d.values())))

</pallas_src>

<mosaic_0001>
#map = affine_map<(d0, d1) -> (0, 0)>
#map1 = affine_map<(d0, d1) -> (0, 0, 0, 0, 0, 0)>
module attributes {stable_mosaic.version = 14 : i64} {
  func.func @_agg_body(%arg0: i32, %arg1: i32, %arg2: memref<20480x128xf32, #tpu.memory_space<hbm>>, %arg3: memref<2x16x12x10x2x84xi32, #tpu.memory_space<hbm>>, %arg4: memref<20480x128xf32, #tpu.memory_space<hbm>>, %arg5: memref<10x2x84xi32, #tpu.memory_space<vmem>>, %arg6: memref<10x2x84xi32, #tpu.memory_space<vmem>>, %arg7: memref<84x128xf32, #tpu.memory_space<vmem>>, %arg8: memref<84x128xf32, #tpu.memory_space<vmem>>, %arg9: memref<10240x128xf32, #tpu.memory_space<vmem_shared>>, %arg10: memref<!tpu.dma_semaphore, #tpu.memory_space<semaphore_mem>>, %arg11: memref<!tpu.dma_semaphore, #tpu.memory_space<semaphore_mem>>, %arg12: memref<!tpu.dma_semaphore, #tpu.memory_space<semaphore_mem>>, %arg13: memref<!tpu.dma_semaphore, #tpu.memory_space<semaphore_mem>>) attributes {dimension_semantics = [#tpu.dimension_semantics<core_parallel>, #tpu.dimension_semantics<subcore_parallel>], iteration_bounds = array<i64: 2, 16>, scalar_prefetch = 0 : i64, scratch_operands = 9 : i64, tpu.core_type = #tpu.core_type<sc_vector_subcore>, window_params = [{transform_indices = #map}, {transform_indices = #map1}, {transform_indices = #map}]} {
    %scan3A = arith.constant 0 : i32
    %scan3A_0 = arith.constant 0 : i32
    %scan3A_1 = arith.constant 80 : i32
    %scan3A_2 = arith.addi %scan3A_0, %scan3A_1 : i32
    %scan3A_3 = arith.constant 1 : i32
    scf.for %scan3A_116 = %scan3A_0 to %scan3A_2 step %scan3A_3  : i32 {
      %broadcast_in_dim3A = arith.constant 0.000000e+00 : f32
      %broadcast_in_dim3A_117 = vector.broadcast %broadcast_in_dim3A : f32 to vector<16xf32>
      %swap3A = arith.index_cast %scan3A_116 : i32 to index
      %swap3A_118 = arith.constant 0 : index
      %swap3A_119 = tpu.vector_load %arg7[%swap3A, %swap3A_118] {strides = array<i32>} : memref<84x128xf32, #tpu.memory_space<vmem>>, vector<1x16xf32>,
      %swap3A_120 = vector.shape_cast %swap3A_119 : vector<1x16xf32> to vector<16xf32>
      %swap3A_121 = vector.shape_cast %broadcast_in_dim3A_117 : vector<16xf32> to vector<1x16xf32>
      tpu.vector_store %arg7[%swap3A, %swap3A_118], %swap3A_121 {strides = array<i32>} : memref<84x128xf32, #tpu.memory_space<vmem>>, vector<1x16xf32>,
      %broadcast_in_dim3A_122 = arith.constant 0.000000e+00 : f32
      %broadcast_in_dim3A_123 = vector.broadcast %broadcast_in_dim3A_122 : f32 to vector<16xf32>
      %swap3A_124 = arith.index_cast %scan3A_116 : i32 to index
      %swap3A_125 = arith.constant 16 : index
      %swap3A_126 = tpu.vector_load %arg7[%swap3A_124, %swap3A_125] {strides = array<i32>} : memref<84x128xf32, #tpu.memory_space<vmem>>, vector<1x16xf32>,
      %swap3A_127 = vector.shape_cast %swap3A_126 : vector<1x16xf32> to vector<16xf32>
      %swap3A_128 = vector.shape_cast %broadcast_in_dim3A_123 : vector<16xf32> to vector<1x16xf32>
      tpu.vector_store %arg7[%swap3A_124, %swap3A_125], %swap3A_128 {strides = array<i32>} : memref<84x128xf32, #tpu.memory_space<vmem>>, vector<1x16xf32>,
      %broadcast_in_dim3A_129 = arith.constant 0.000000e+00 : f32
      %broadcast_in_dim3A_130 = vector.broadcast %broadcast_in_dim3A_129 : f32 to vector<16xf32>
      %swap3A_131 = arith.index_cast %scan3A_116 : i32 to index
      %swap3A_132 = arith.constant 32 : index
      %swap3A_133 = tpu.vector_load %arg7[%swap3A_131, %swap3A_132] {strides = array<i32>} : memref<84x128xf32, #tpu.memory_space<vmem>>, vector<1x16xf32>,
      %swap3A_134 = vector.shape_cast %swap3A_133 : vector<1x16xf32> to vector<16xf32>
      %swap3A_135 = vector.shape_cast %broadcast_in_dim3A_130 : vector<16xf32> to vector<1x16xf32>
      tpu.vector_store %arg7[%swap3A_131, %swap3A_132], %swap3A_135 {strides = array<i32>} : memref<84x128xf32, #tpu.memory_space<vmem>>, vector<1x16xf32>,
      %broadcast_in_dim3A_136 = arith.constant 0.000000e+00 : f32
      %broadcast_in_dim3A_137 = vector.broadcast %broadcast_in_dim3A_136 : f32 to vector<16xf32>
      %swap3A_138 = arith.index_cast %scan3A_116 : i32 to index
      %swap3A_139 = arith.constant 48 : index
      %swap3A_140 = tpu.vector_load %arg7[%swap3A_138, %swap3A_139] {strides = array<i32>} : memref<84x128xf32, #tpu.memory_space<vmem>>, vector<1x16xf32>,
      %swap3A_141 = vector.shape_cast %swap3A_140 : vector<1x16xf32> to vector<16xf32>
      %swap3A_142 = vector.shape_cast %broadcast_in_dim3A_137 : vector<16xf32> to vector<1x16xf32>
      tpu.vector_store %arg7[%swap3A_138, %swap3A_139], %swap3A_142 {strides = array<i32>} : memref<84x128xf32, #tpu.memory_space<vmem>>, vector<1x16xf32>,
      %broadcast_in_dim3A_143 = arith.constant 0.000000e+00 : f32
      %broadcast_in_dim3A_144 = vector.broadcast %broadcast_in_dim3A_143 : f32 to vector<16xf32>
      %swap3A_145 = arith.index_cast %scan3A_116 : i32 to index
      %swap3A_146 = arith.constant 64 : index
      %swap3A_147 = tpu.vector_load %arg7[%swap3A_145, %swap3A_146] {strides = array<i32>} : memref<84x128xf32, #tpu.memory_space<vmem>>, vector<1x16xf32>,
      %swap3A_148 = vector.shape_cast %swap3A_147 : vector<1x16xf32> to vector<16xf32>
      %swap3A_149 = vector.shape_cast %broadcast_in_dim3A_144 : vector<16xf32> to vector<1x16xf32>
      tpu.vector_store %arg7[%swap3A_145, %swap3A_146], %swap3A_149 {strides = array<i32>} : memref<84x128xf32, #tpu.memory_space<vmem>>, vector<1x16xf32>,
      %broadcast_in_dim3A_150 = arith.constant 0.000000e+00 : f32
      %broadcast_in_dim3A_151 = vector.broadcast %broadcast_in_dim3A_150 : f32 to vector<16xf32>
      %swap3A_152 = arith.index_cast %scan3A_116 : i32 to index
      %swap3A_153 = arith.constant 80 : index
      %swap3A_154 = tpu.vector_load %arg7[%swap3A_152, %swap3A_153] {strides = array<i32>} : memref<84x128xf32, #tpu.memory_space<vmem>>, vector<1x16xf32>,
      %swap3A_155 = vector.shape_cast %swap3A_154 : vector<1x16xf32> to vector<16xf32>
      %swap3A_156 = vector.shape_cast %broadcast_in_dim3A_151 : vector<16xf32> to vector<1x16xf32>
      tpu.vector_store %arg7[%swap3A_152, %swap3A_153], %swap3A_156 {strides = array<i32>} : memref<84x128xf32, #tpu.memory_space<vmem>>, vector<1x16xf32>,
      %broadcast_in_dim3A_157 = arith.constant 0.000000e+00 : f32
      %broadcast_in_dim3A_158 = vector.broadcast %broadcast_in_dim3A_157 : f32 to vector<16xf32>
      %swap3A_159 = arith.index_cast %scan3A_116 : i32 to index
      %swap3A_160 = arith.constant 96 : index
      %swap3A_161 = tpu.vector_load %arg7[%swap3A_159, %swap3A_160] {strides = array<i32>} : memref<84x128xf32, #tpu.memory_space<vmem>>, vector<1x16xf32>,
      %swap3A_162 = vector.shape_cast %swap3A_161 : vector<1x16xf32> to vector<16xf32>
      %swap3A_163 = vector.shape_cast %broadcast_in_dim3A_158 : vector<16xf32> to vector<1x16xf32>
      tpu.vector_store %arg7[%swap3A_159, %swap3A_160], %swap3A_163 {strides = array<i32>} : memref<84x128xf32, #tpu.memory_space<vmem>>, vector<1x16xf32>,
      %broadcast_in_dim3A_164 = arith.constant 0.000000e+00 : f32
      %broadcast_in_dim3A_165 = vector.broadcast %broadcast_in_dim3A_164 : f32 to vector<16xf32>
      %swap3A_166 = arith.index_cast %scan3A_116 : i32 to index
      %swap3A_167 = arith.constant 112 : index
      %swap3A_168 = tpu.vector_load %arg7[%swap3A_166, %swap3A_167] {strides = array<i32>} : memref<84x128xf32, #tpu.memory_space<vmem>>, vector<1x16xf32>,
      %swap3A_169 = vector.shape_cast %swap3A_168 : vector<1x16xf32> to vector<16xf32>
      %swap3A_170 = vector.shape_cast %broadcast_in_dim3A_165 : vector<16xf32> to vector<1x16xf32>
      tpu.vector_store %arg7[%swap3A_166, %swap3A_167], %swap3A_170 {strides = array<i32>} : memref<84x128xf32, #tpu.memory_space<vmem>>, vector<1x16xf32>,
    }
    %scan3A_4 = arith.constant 80 : i32
    %mul3A = arith.constant 640 : i32
    %mul3A_5 = arith.muli %arg1, %mul3A : i32
    %add3A = arith.constant 0 : i32
    %add3A_6 = arith.addi %mul3A_5, %add3A : i32
    "tpu.region"() ({
      %run_scoped3A_116 = tpu.sem_alloc : memref<!tpu.dma_semaphore, #tpu.memory_space<semaphore_mem>>
      %dma_start3A_117 = arith.constant 0 : i32
      %dma_start3A_118 = arith.constant 0 : i32
      %dma_start3A_119 = tpu.memref_slice %arg7[%dma_start3A_117, %dma_start3A_118] : memref<84x128xf32, #tpu.memory_space<vmem>> -> memref<80x128xf32, #tpu.memory_space<vmem>>
      %dma_start3A_120 = arith.constant 0 : i32
      %dma_start3A_121 = tpu.memref_slice %arg9[%add3A_6, %dma_start3A_120] : memref<10240x128xf32, #tpu.memory_space<vmem_shared>> -> memref<80x128xf32, #tpu.memory_space<vmem_shared>>
      %dma_start3A_122 = arith.constant 0 : i32
      %dma_start3A_123 = tpu.memref_slice %arg9[%add3A_6, %dma_start3A_122] : memref<10240x128xf32, #tpu.memory_space<vmem_shared>> -> memref<80x128xf32, #tpu.memory_space<vmem_shared>>
      %dma_start3A_124 = arith.constant 0 : i32
      %dma_start3A_125 = arith.constant 0 : i32
      %dma_start3A_126 = tpu.memref_slice %arg7[%dma_start3A_124, %dma_start3A_125] : memref<84x128xf32, #tpu.memory_space<vmem>> -> memref<80x128xf32, #tpu.memory_space<vmem>>
      tpu.enqueue_dma source(%dma_start3A_126 : memref<80x128xf32, #tpu.memory_space<vmem>>) target(%dma_start3A_123 : memref<80x128xf32, #tpu.memory_space<vmem_shared>>) target_semaphore(%run_scoped3A_116 : memref<!tpu.dma_semaphore, #tpu.memory_space<semaphore_mem>>)
      %dma_wait3A = arith.constant 0 : i32
      %dma_wait3A_127 = arith.constant 0 : i32
      %dma_wait3A_128 = tpu.memref_slice %arg7[%dma_wait3A, %dma_wait3A_127] : memref<84x128xf32, #tpu.memory_space<vmem>> -> memref<80x128xf32, #tpu.memory_space<vmem>>
      %dma_wait3A_129 = arith.constant 0 : i32
      %dma_wait3A_130 = tpu.memref_slice %arg9[%add3A_6, %dma_wait3A_129] : memref<10240x128xf32, #tpu.memory_space<vmem_shared>> -> memref<80x128xf32, #tpu.memory_space<vmem_shared>>
      %dma_wait3A_131 = arith.constant 0 : i32
      %dma_wait3A_132 = tpu.memref_slice %arg9[%add3A_6, %dma_wait3A_131] : memref<10240x128xf32, #tpu.memory_space<vmem_shared>> -> memref<80x128xf32, #tpu.memory_space<vmem_shared>>
      %dma_wait3A_133 = arith.constant 0 : i32
      %dma_wait3A_134 = arith.constant 0 : i32
      %dma_wait3A_135 = tpu.memref_slice %arg7[%dma_wait3A_133, %dma_wait3A_134] : memref<84x128xf32, #tpu.memory_space<vmem>> -> memref<80x128xf32, #tpu.memory_space<vmem>>
      tpu.wait_dma2 semaphore(%run_scoped3A_116 : memref<!tpu.dma_semaphore, #tpu.memory_space<semaphore_mem>>) src(%dma_wait3A_135 : memref<80x128xf32, #tpu.memory_space<vmem>>) dst(%dma_wait3A_132 : memref<80x128xf32, #tpu.memory_space<vmem_shared>>)
      tpu.yield
    }) : () -> ()
    %mul3A_7 = arith.constant 640 : i32
    %mul3A_8 = arith.muli %arg1, %mul3A_7 : i32
    %add3A_9 = arith.constant 80 : i32
    %add3A_10 = arith.addi %mul3A_8, %add3A_9 : i32
    "tpu.region"() ({
      %run_scoped3A_116 = tpu.sem_alloc : memref<!tpu.dma_semaphore, #tpu.memory_space<semaphore_mem>>
      %dma_start3A_117 = arith.constant 0 : i32
      %dma_start3A_118 = arith.constant 0 : i32
      %dma_start3A_119 = tpu.memref_slice %arg7[%dma_start3A_117, %dma_start3A_118] : memref<84x128xf32, #tpu.memory_space<vmem>> -> memref<80x128xf32, #tpu.memory_space<vmem>>
      %dma_start3A_120 = arith.constant 0 : i32
      %dma_start3A_121 = tpu.memref_slice %arg9[%add3A_10, %dma_start3A_120] : memref<10240x128xf32, #tpu.memory_space<vmem_shared>> -> memref<80x128xf32, #tpu.memory_space<vmem_shared>>
      %dma_start3A_122 = arith.constant 0 : i32
      %dma_start3A_123 = tpu.memref_slice %arg9[%add3A_10, %dma_start3A_122] : memref<10240x128xf32, #tpu.memory_space<vmem_shared>> -> memref<80x128xf32, #tpu.memory_space<vmem_shared>>
      %dma_start3A_124 = arith.constant 0 : i32
      %dma_start3A_125 = arith.constant 0 : i32
      %dma_start3A_126 = tpu.memref_slice %arg7[%dma_start3A_124, %dma_start3A_125] : memref<84x128xf32, #tpu.memory_space<vmem>> -> memref<80x128xf32, #tpu.memory_space<vmem>>
      tpu.enqueue_dma source(%dma_start3A_126 : memref<80x128xf32, #tpu.memory_space<vmem>>) target(%dma_start3A_123 : memref<80x128xf32, #tpu.memory_space<vmem_shared>>) target_semaphore(%run_scoped3A_116 : memref<!tpu.dma_semaphore, #tpu.memory_space<semaphore_mem>>)
      %dma_wait3A = arith.constant 0 : i32
      %dma_wait3A_127 = arith.constant 0 : i32
      %dma_wait3A_128 = tpu.memref_slice %arg7[%dma_wait3A, %dma_wait3A_127] : memref<84x128xf32, #tpu.memory_space<vmem>> -> memref<80x128xf32, #tpu.memory_space<vmem>>
      %dma_wait3A_129 = arith.constant 0 : i32
      %dma_wait3A_130 = tpu.memref_slice %arg9[%add3A_10, %dma_wait3A_129] : memref<10240x128xf32, #tpu.memory_space<vmem_shared>> -> memref<80x128xf32, #tpu.memory_space<vmem_shared>>
      %dma_wait3A_131 = arith.constant 0 : i32
      %dma_wait3A_132 = tpu.memref_slice %arg9[%add3A_10, %dma_wait3A_131] : memref<10240x128xf32, #tpu.memory_space<vmem_shared>> -> memref<80x128xf32, #tpu.memory_space<vmem_shared>>
      %dma_wait3A_133 = arith.constant 0 : i32
      %dma_wait3A_134 = arith.constant 0 : i32
      %dma_wait3A_135 = tpu.memref_slice %arg7[%dma_wait3A_133, %dma_wait3A_134] : memref<84x128xf32, #tpu.memory_space<vmem>> -> memref<80x128xf32, #tpu.memory_space<vmem>>
      tpu.wait_dma2 semaphore(%run_scoped3A_116 : memref<!tpu.dma_semaphore, #tpu.memory_space<semaphore_mem>>) src(%dma_wait3A_135 : memref<80x128xf32, #tpu.memory_space<vmem>>) dst(%dma_wait3A_132 : memref<80x128xf32, #tpu.memory_space<vmem_shared>>)
      tpu.yield
    }) : () -> ()
    %mul3A_11 = arith.constant 640 : i32
    %mul3A_12 = arith.muli %arg1, %mul3A_11 : i32
    %add3A_13 = arith.constant 160 : i32
    %add3A_14 = arith.addi %mul3A_12, %add3A_13 : i32
    "tpu.region"() ({
      %run_scoped3A_116 = tpu.sem_alloc : memref<!tpu.dma_semaphore, #tpu.memory_space<semaphore_mem>>
      %dma_start3A_117 = arith.constant 0 : i32
      %dma_start3A_118 = arith.constant 0 : i32
      %dma_start3A_119 = tpu.memref_slice %arg7[%dma_start3A_117, %dma_start3A_118] : memref<84x128xf32, #tpu.memory_space<vmem>> -> memref<80x128xf32, #tpu.memory_space<vmem>>
      %dma_start3A_120 = arith.constant 0 : i32
      %dma_start3A_121 = tpu.memref_slice %arg9[%add3A_14, %dma_start3A_120] : memref<10240x128xf32, #tpu.memory_space<vmem_shared>> -> memref<80x128xf32, #tpu.memory_space<vmem_shared>>
      %dma_start3A_122 = arith.constant 0 : i32
      %dma_start3A_123 = tpu.memref_slice %arg9[%add3A_14, %dma_start3A_122] : memref<10240x128xf32, #tpu.memory_space<vmem_shared>> -> memref<80x128xf32, #tpu.memory_space<vmem_shared>>
      %dma_start3A_124 = arith.constant 0 : i32
      %dma_start3A_125 = arith.constant 0 : i32
      %dma_start3A_126 = tpu.memref_slice %arg7[%dma_start3A_124, %dma_start3A_125] : memref<84x128xf32, #tpu.memory_space<vmem>> -> memref<80x128xf32, #tpu.memory_space<vmem>>
      tpu.enqueue_dma source(%dma_start3A_126 : memref<80x128xf32, #tpu.memory_space<vmem>>) target(%dma_start3A_123 : memref<80x128xf32, #tpu.memory_space<vmem_shared>>) target_semaphore(%run_scoped3A_116 : memref<!tpu.dma_semaphore, #tpu.memory_space<semaphore_mem>>)
      %dma_wait3A = arith.constant 0 : i32
      %dma_wait3A_127 = arith.constant 0 : i32
      %dma_wait3A_128 = tpu.memref_slice %arg7[%dma_wait3A, %dma_wait3A_127] : memref<84x128xf32, #tpu.memory_space<vmem>> -> memref<80x128xf32, #tpu.memory_space<vmem>>
      %dma_wait3A_129 = arith.constant 0 : i32
      %dma_wait3A_130 = tpu.memref_slice %arg9[%add3A_14, %dma_wait3A_129] : memref<10240x128xf32, #tpu.memory_space<vmem_shared>> -> memref<80x128xf32, #tpu.memory_space<vmem_shared>>
      %dma_wait3A_131 = arith.constant 0 : i32
      %dma_wait3A_132 = tpu.memref_slice %arg9[%add3A_14, %dma_wait3A_131] : memref<10240x128xf32, #tpu.memory_space<vmem_shared>> -> memref<80x128xf32, #tpu.memory_space<vmem_shared>>
      %dma_wait3A_133 = arith.constant 0 : i32
      %dma_wait3A_134 = arith.constant 0 : i32
      %dma_wait3A_135 = tpu.memref_slice %arg7[%dma_wait3A_133, %dma_wait3A_134] : memref<84x128xf32, #tpu.memory_space<vmem>> -> memref<80x128xf32, #tpu.memory_space<vmem>>
      tpu.wait_dma2 semaphore(%run_scoped3A_116 : memref<!tpu.dma_semaphore, #tpu.memory_space<semaphore_mem>>) src(%dma_wait3A_135 : memref<80x128xf32, #tpu.memory_space<vmem>>) dst(%dma_wait3A_132 : memref<80x128xf32, #tpu.memory_space<vmem_shared>>)
      tpu.yield
    }) : () -> ()
    %mul3A_15 = arith.constant 640 : i32
    %mul3A_16 = arith.muli %arg1, %mul3A_15 : i32
    %add3A_17 = arith.constant 240 : i32
    %add3A_18 = arith.addi %mul3A_16, %add3A_17 : i32
    "tpu.region"() ({
      %run_scoped3A_116 = tpu.sem_alloc : memref<!tpu.dma_semaphore, #tpu.memory_space<semaphore_mem>>
      %dma_start3A_117 = arith.constant 0 : i32
      %dma_start3A_118 = arith.constant 0 : i32
      %dma_start3A_119 = tpu.memref_slice %arg7[%dma_start3A_117, %dma_start3A_118] : memref<84x128xf32, #tpu.memory_space<vmem>> -> memref<80x128xf32, #tpu.memory_space<vmem>>
      %dma_start3A_120 = arith.constant 0 : i32
      %dma_start3A_121 = tpu.memref_slice %arg9[%add3A_18, %dma_start3A_120] : memref<10240x128xf32, #tpu.memory_space<vmem_shared>> -> memref<80x128xf32, #tpu.memory_space<vmem_shared>>
      %dma_start3A_122 = arith.constant 0 : i32
      %dma_start3A_123 = tpu.memref_slice %arg9[%add3A_18, %dma_start3A_122] : memref<10240x128xf32, #tpu.memory_space<vmem_shared>> -> memref<80x128xf32, #tpu.memory_space<vmem_shared>>
      %dma_start3A_124 = arith.constant 0 : i32
      %dma_start3A_125 = arith.constant 0 : i32
      %dma_start3A_126 = tpu.memref_slice %arg7[%dma_start3A_124, %dma_start3A_125] : memref<84x128xf32, #tpu.memory_space<vmem>> -> memref<80x128xf32, #tpu.memory_space<vmem>>
      tpu.enqueue_dma source(%dma_start3A_126 : memref<80x128xf32, #tpu.memory_space<vmem>>) target(%dma_start3A_123 : memref<80x128xf32, #tpu.memory_space<vmem_shared>>) target_semaphore(%run_scoped3A_116 : memref<!tpu.dma_semaphore, #tpu.memory_space<semaphore_mem>>)
      %dma_wait3A = arith.constant 0 : i32
      %dma_wait3A_127 = arith.constant 0 : i32
      %dma_wait3A_128 = tpu.memref_slice %arg7[%dma_wait3A, %dma_wait3A_127] : memref<84x128xf32, #tpu.memory_space<vmem>> -> memref<80x128xf32, #tpu.memory_space<vmem>>
      %dma_wait3A_129 = arith.constant 0 : i32
      %dma_wait3A_130 = tpu.memref_slice %arg9[%add3A_18, %dma_wait3A_129] : memref<10240x128xf32, #tpu.memory_space<vmem_shared>> -> memref<80x128xf32, #tpu.memory_space<vmem_shared>>
      %dma_wait3A_131 = arith.constant 0 : i32
      %dma_wait3A_132 = tpu.memref_slice %arg9[%add3A_18, %dma_wait3A_131] : memref<10240x128xf32, #tpu.memory_space<vmem_shared>> -> memref<80x128xf32, #tpu.memory_space<vmem_shared>>
      %dma_wait3A_133 = arith.constant 0 : i32
      %dma_wait3A_134 = arith.constant 0 : i32
      %dma_wait3A_135 = tpu.memref_slice %arg7[%dma_wait3A_133, %dma_wait3A_134] : memref<84x128xf32, #tpu.memory_space<vmem>> -> memref<80x128xf32, #tpu.memory_space<vmem>>
      tpu.wait_dma2 semaphore(%run_scoped3A_116 : memref<!tpu.dma_semaphore, #tpu.memory_space<semaphore_mem>>) src(%dma_wait3A_135 : memref<80x128xf32, #tpu.memory_space<vmem>>) dst(%dma_wait3A_132 : memref<80x128xf32, #tpu.memory_space<vmem_shared>>)
      tpu.yield
    }) : () -> ()
    %mul3A_19 = arith.constant 640 : i32
    %mul3A_20 = arith.muli %arg1, %mul3A_19 : i32
    %add3A_21 = arith.constant 320 : i32
    %add3A_22 = arith.addi %mul3A_20, %add3A_21 : i32
    "tpu.region"() ({
      %run_scoped3A_116 = tpu.sem_alloc : memref<!tpu.dma_semaphore, #tpu.memory_space<semaphore_mem>>
      %dma_start3A_117 = arith.constant 0 : i32
      %dma_start3A_118 = arith.constant 0 : i32
      %dma_start3A_119 = tpu.memref_slice %arg7[%dma_start3A_117, %dma_start3A_118] : memref<84x128xf32, #tpu.memory_space<vmem>> -> memref<80x128xf32, #tpu.memory_space<vmem>>
      %dma_start3A_120 = arith.constant 0 : i32
      %dma_start3A_121 = tpu.memref_slice %arg9[%add3A_22, %dma_start3A_120] : memref<10240x128xf32, #tpu.memory_space<vmem_shared>> -> memref<80x128xf32, #tpu.memory_space<vmem_shared>>
      %dma_start3A_122 = arith.constant 0 : i32
      %dma_start3A_123 = tpu.memref_slice %arg9[%add3A_22, %dma_start3A_122] : memref<10240x128xf32, #tpu.memory_space<vmem_shared>> -> memref<80x128xf32, #tpu.memory_space<vmem_shared>>
      %dma_start3A_124 = arith.constant 0 : i32
      %dma_start3A_125 = arith.constant 0 : i32
      %dma_start3A_126 = tpu.memref_slice %arg7[%dma_start3A_124, %dma_start3A_125] : memref<84x128xf32, #tpu.memory_space<vmem>> -> memref<80x128xf32, #tpu.memory_space<vmem>>
      tpu.enqueue_dma source(%dma_start3A_126 : memref<80x128xf32, #tpu.memory_space<vmem>>) target(%dma_start3A_123 : memref<80x128xf32, #tpu.memory_space<vmem_shared>>) target_semaphore(%run_scoped3A_116 : memref<!tpu.dma_semaphore, #tpu.memory_space<semaphore_mem>>)
      %dma_wait3A = arith.constant 0 : i32
      %dma_wait3A_127 = arith.constant 0 : i32
      %dma_wait3A_128 = tpu.memref_slice %arg7[%dma_wait3A, %dma_wait3A_127] : memref<84x128xf32, #tpu.memory_space<vmem>> -> memref<80x128xf32, #tpu.memory_space<vmem>>
      %dma_wait3A_129 = arith.constant 0 : i32
      %dma_wait3A_130 = tpu.memref_slice %arg9[%add3A_22, %dma_wait3A_129] : memref<10240x128xf32, #tpu.memory_space<vmem_shared>> -> memref<80x128xf32, #tpu.memory_space<vmem_shared>>
      %dma_wait3A_131 = arith.constant 0 : i32
      %dma_wait3A_132 = tpu.memref_slice %arg9[%add3A_22, %dma_wait3A_131] : memref<10240x128xf32, #tpu.memory_space<vmem_shared>> -> memref<80x128xf32, #tpu.memory_space<vmem_shared>>
      %dma_wait3A_133 = arith.constant 0 : i32
      %dma_wait3A_134 = arith.constant 0 : i32
      %dma_wait3A_135 = tpu.memref_slice %arg7[%dma_wait3A_133, %dma_wait3A_134] : memref<84x128xf32, #tpu.memory_space<vmem>> -> memref<80x128xf32, #tpu.memory_space<vmem>>
      tpu.wait_dma2 semaphore(%run_scoped3A_116 : memref<!tpu.dma_semaphore, #tpu.memory_space<semaphore_mem>>) src(%dma_wait3A_135 : memref<80x128xf32, #tpu.memory_space<vmem>>) dst(%dma_wait3A_132 : memref<80x128xf32, #tpu.memory_space<vmem_shared>>)
      tpu.yield
    }) : () -> ()
    %mul3A_23 = arith.constant 640 : i32
    %mul3A_24 = arith.muli %arg1, %mul3A_23 : i32
    %add3A_25 = arith.constant 400 : i32
    %add3A_26 = arith.addi %mul3A_24, %add3A_25 : i32
    "tpu.region"() ({
      %run_scoped3A_116 = tpu.sem_alloc : memref<!tpu.dma_semaphore, #tpu.memory_space<semaphore_mem>>
      %dma_start3A_117 = arith.constant 0 : i32
      %dma_start3A_118 = arith.constant 0 : i32
      %dma_start3A_119 = tpu.memref_slice %arg7[%dma_start3A_117, %dma_start3A_118] : memref<84x128xf32, #tpu.memory_space<vmem>> -> memref<80x128xf32, #tpu.memory_space<vmem>>
      %dma_start3A_120 = arith.constant 0 : i32
      %dma_start3A_121 = tpu.memref_slice %arg9[%add3A_26, %dma_start3A_120] : memref<10240x128xf32, #tpu.memory_space<vmem_shared>> -> memref<80x128xf32, #tpu.memory_space<vmem_shared>>
      %dma_start3A_122 = arith.constant 0 : i32
      %dma_start3A_123 = tpu.memref_slice %arg9[%add3A_26, %dma_start3A_122] : memref<10240x128xf32, #tpu.memory_space<vmem_shared>> -> memref<80x128xf32, #tpu.memory_space<vmem_shared>>
      %dma_start3A_124 = arith.constant 0 : i32
      %dma_start3A_125 = arith.constant 0 : i32
      %dma_start3A_126 = tpu.memref_slice %arg7[%dma_start3A_124, %dma_start3A_125] : memref<84x128xf32, #tpu.memory_space<vmem>> -> memref<80x128xf32, #tpu.memory_space<vmem>>
      tpu.enqueue_dma source(%dma_start3A_126 : memref<80x128xf32, #tpu.memory_space<vmem>>) target(%dma_start3A_123 : memref<80x128xf32, #tpu.memory_space<vmem_shared>>) target_semaphore(%run_scoped3A_116 : memref<!tpu.dma_semaphore, #tpu.memory_space<semaphore_mem>>)
      %dma_wait3A = arith.constant 0 : i32
      %dma_wait3A_127 = arith.constant 0 : i32
      %dma_wait3A_128 = tpu.memref_slice %arg7[%dma_wait3A, %dma_wait3A_127] : memref<84x128xf32, #tpu.memory_space<vmem>> -> memref<80x128xf32, #tpu.memory_space<vmem>>
      %dma_wait3A_129 = arith.constant 0 : i32
      %dma_wait3A_130 = tpu.memref_slice %arg9[%add3A_26, %dma_wait3A_129] : memref<10240x128xf32, #tpu.memory_space<vmem_shared>> -> memref<80x128xf32, #tpu.memory_space<vmem_shared>>
      %dma_wait3A_131 = arith.constant 0 : i32
      %dma_wait3A_132 = tpu.memref_slice %arg9[%add3A_26, %dma_wait3A_131] : memref<10240x128xf32, #tpu.memory_space<vmem_shared>> -> memref<80x128xf32, #tpu.memory_space<vmem_shared>>
      %dma_wait3A_133 = arith.constant 0 : i32
      %dma_wait3A_134 = arith.constant 0 : i32
      %dma_wait3A_135 = tpu.memref_slice %arg7[%dma_wait3A_133, %dma_wait3A_134] : memref<84x128xf32, #tpu.memory_space<vmem>> -> memref<80x128xf32, #tpu.memory_space<vmem>>
      tpu.wait_dma2 semaphore(%run_scoped3A_116 : memref<!tpu.dma_semaphore, #tpu.memory_space<semaphore_mem>>) src(%dma_wait3A_135 : memref<80x128xf32, #tpu.memory_space<vmem>>) dst(%dma_wait3A_132 : memref<80x128xf32, #tpu.memory_space<vmem_shared>>)
      tpu.yield
    }) : () -> ()
    %mul3A_27 = arith.constant 640 : i32
    %mul3A_28 = arith.muli %arg1, %mul3A_27 : i32
    %add3A_29 = arith.constant 480 : i32
    %add3A_30 = arith.addi %mul3A_28, %add3A_29 : i32
    "tpu.region"() ({
      %run_scoped3A_116 = tpu.sem_alloc : memref<!tpu.dma_semaphore, #tpu.memory_space<semaphore_mem>>
      %dma_start3A_117 = arith.constant 0 : i32
      %dma_start3A_118 = arith.constant 0 : i32
      %dma_start3A_119 = tpu.memref_slice %arg7[%dma_start3A_117, %dma_start3A_118] : memref<84x128xf32, #tpu.memory_space<vmem>> -> memref<80x128xf32, #tpu.memory_space<vmem>>
      %dma_start3A_120 = arith.constant 0 : i32
      %dma_start3A_121 = tpu.memref_slice %arg9[%add3A_30, %dma_start3A_120] : memref<10240x128xf32, #tpu.memory_space<vmem_shared>> -> memref<80x128xf32, #tpu.memory_space<vmem_shared>>
      %dma_start3A_122 = arith.constant 0 : i32
      %dma_start3A_123 = tpu.memref_slice %arg9[%add3A_30, %dma_start3A_122] : memref<10240x128xf32, #tpu.memory_space<vmem_shared>> -> memref<80x128xf32, #tpu.memory_space<vmem_shared>>
      %dma_start3A_124 = arith.constant 0 : i32
      %dma_start3A_125 = arith.constant 0 : i32
      %dma_start3A_126 = tpu.memref_slice %arg7[%dma_start3A_124, %dma_start3A_125] : memref<84x128xf32, #tpu.memory_space<vmem>> -> memref<80x128xf32, #tpu.memory_space<vmem>>
      tpu.enqueue_dma source(%dma_start3A_126 : memref<80x128xf32, #tpu.memory_space<vmem>>) target(%dma_start3A_123 : memref<80x128xf32, #tpu.memory_space<vmem_shared>>) target_semaphore(%run_scoped3A_116 : memref<!tpu.dma_semaphore, #tpu.memory_space<semaphore_mem>>)
      %dma_wait3A = arith.constant 0 : i32
      %dma_wait3A_127 = arith.constant 0 : i32
      %dma_wait3A_128 = tpu.memref_slice %arg7[%dma_wait3A, %dma_wait3A_127] : memref<84x128xf32, #tpu.memory_space<vmem>> -> memref<80x128xf32, #tpu.memory_space<vmem>>
      %dma_wait3A_129 = arith.constant 0 : i32
      %dma_wait3A_130 = tpu.memref_slice %arg9[%add3A_30, %dma_wait3A_129] : memref<10240x128xf32, #tpu.memory_space<vmem_shared>> -> memref<80x128xf32, #tpu.memory_space<vmem_shared>>
      %dma_wait3A_131 = arith.constant 0 : i32
      %dma_wait3A_132 = tpu.memref_slice %arg9[%add3A_30, %dma_wait3A_131] : memref<10240x128xf32, #tpu.memory_space<vmem_shared>> -> memref<80x128xf32, #tpu.memory_space<vmem_shared>>
      %dma_wait3A_133 = arith.constant 0 : i32
      %dma_wait3A_134 = arith.constant 0 : i32
      %dma_wait3A_135 = tpu.memref_slice %arg7[%dma_wait3A_133, %dma_wait3A_134] : memref<84x128xf32, #tpu.memory_space<vmem>> -> memref<80x128xf32, #tpu.memory_space<vmem>>
      tpu.wait_dma2 semaphore(%run_scoped3A_116 : memref<!tpu.dma_semaphore, #tpu.memory_space<semaphore_mem>>) src(%dma_wait3A_135 : memref<80x128xf32, #tpu.memory_space<vmem>>) dst(%dma_wait3A_132 : memref<80x128xf32, #tpu.memory_space<vmem_shared>>)
      tpu.yield
    }) : () -> ()
    %mul3A_31 = arith.constant 640 : i32
    %mul3A_32 = arith.muli %arg1, %mul3A_31 : i32
    %add3A_33 = arith.constant 560 : i32
    %add3A_34 = arith.addi %mul3A_32, %add3A_33 : i32
    "tpu.region"() ({
      %run_scoped3A_116 = tpu.sem_alloc : memref<!tpu.dma_semaphore, #tpu.memory_space<semaphore_mem>>
      %dma_start3A_117 = arith.constant 0 : i32
      %dma_start3A_118 = arith.constant 0 : i32
      %dma_start3A_119 = tpu.memref_slice %arg7[%dma_start3A_117, %dma_start3A_118] : memref<84x128xf32, #tpu.memory_space<vmem>> -> memref<80x128xf32, #tpu.memory_space<vmem>>
      %dma_start3A_120 = arith.constant 0 : i32
      %dma_start3A_121 = tpu.memref_slice %arg9[%add3A_34, %dma_start3A_120] : memref<10240x128xf32, #tpu.memory_space<vmem_shared>> -> memref<80x128xf32, #tpu.memory_space<vmem_shared>>
      %dma_start3A_122 = arith.constant 0 : i32
      %dma_start3A_123 = tpu.memref_slice %arg9[%add3A_34, %dma_start3A_122] : memref<10240x128xf32, #tpu.memory_space<vmem_shared>> -> memref<80x128xf32, #tpu.memory_space<vmem_shared>>
      %dma_start3A_124 = arith.constant 0 : i32
      %dma_start3A_125 = arith.constant 0 : i32
      %dma_start3A_126 = tpu.memref_slice %arg7[%dma_start3A_124, %dma_start3A_125] : memref<84x128xf32, #tpu.memory_space<vmem>> -> memref<80x128xf32, #tpu.memory_space<vmem>>
      tpu.enqueue_dma source(%dma_start3A_126 : memref<80x128xf32, #tpu.memory_space<vmem>>) target(%dma_start3A_123 : memref<80x128xf32, #tpu.memory_space<vmem_shared>>) target_semaphore(%run_scoped3A_116 : memref<!tpu.dma_semaphore, #tpu.memory_space<semaphore_mem>>)
      %dma_wait3A = arith.constant 0 : i32
      %dma_wait3A_127 = arith.constant 0 : i32
      %dma_wait3A_128 = tpu.memref_slice %arg7[%dma_wait3A, %dma_wait3A_127] : memref<84x128xf32, #tpu.memory_space<vmem>> -> memref<80x128xf32, #tpu.memory_space<vmem>>
      %dma_wait3A_129 = arith.constant 0 : i32
      %dma_wait3A_130 = tpu.memref_slice %arg9[%add3A_34, %dma_wait3A_129] : memref<10240x128xf32, #tpu.memory_space<vmem_shared>> -> memref<80x128xf32, #tpu.memory_space<vmem_shared>>
      %dma_wait3A_131 = arith.constant 0 : i32
      %dma_wait3A_132 = tpu.memref_slice %arg9[%add3A_34, %dma_wait3A_131] : memref<10240x128xf32, #tpu.memory_space<vmem_shared>> -> memref<80x128xf32, #tpu.memory_space<vmem_shared>>
      %dma_wait3A_133 = arith.constant 0 : i32
      %dma_wait3A_134 = arith.constant 0 : i32
      %dma_wait3A_135 = tpu.memref_slice %arg7[%dma_wait3A_133, %dma_wait3A_134] : memref<84x128xf32, #tpu.memory_space<vmem>> -> memref<80x128xf32, #tpu.memory_space<vmem>>
      tpu.wait_dma2 semaphore(%run_scoped3A_116 : memref<!tpu.dma_semaphore, #tpu.memory_space<semaphore_mem>>) src(%dma_wait3A_135 : memref<80x128xf32, #tpu.memory_space<vmem>>) dst(%dma_wait3A_132 : memref<80x128xf32, #tpu.memory_space<vmem_shared>>)
      tpu.yield
    }) : () -> ()
    %barrier3A = arith.constant 0 : index
    tpu.barrier barrier_id(%barrier3A)
    %run_scoped3A = arith.constant 0 : i32
    "tpu.region"() ({
      %run_scoped3A_116 = tpu.sem_alloc : memref<!tpu.dma_semaphore, #tpu.memory_space<semaphore_mem>>
      %dma_start3A_117 = arith.constant 0 : i32
      %dma_start3A_118 = arith.constant 0 : i32
      %dma_start3A_119 = arith.constant 0 : i32
      %dma_start3A_120 = tpu.memref_slice %arg3[%arg0, %arg1, %run_scoped3A, %dma_start3A_117, %dma_start3A_118, %dma_start3A_119] : memref<2x16x12x10x2x84xi32, #tpu.memory_space<hbm>> -> memref<1x1x1x10x2x84xi32, #tpu.memory_space<hbm>>
      %dma_start3A_121 = tpu.memref_squeeze %dma_start3A_120 : memref<1x1x1x10x2x84xi32, #tpu.memory_space<hbm>> -> memref<10x2x84xi32, #tpu.memory_space<hbm>>
      %dma_start3A_122 = arith.constant 0 : i32
      %dma_start3A_123 = arith.constant 0 : i32
      %dma_start3A_124 = arith.constant 0 : i32
      %dma_start3A_125 = tpu.memref_slice %arg3[%arg0, %arg1, %run_scoped3A, %dma_start3A_122, %dma_start3A_123, %dma_start3A_124] : memref<2x16x12x10x2x84xi32, #tpu.memory_space<hbm>> -> memref<1x1x1x10x2x84xi32, #tpu.memory_space<hbm>>
      %dma_start3A_126 = tpu.memref_squeeze %dma_start3A_125 : memref<1x1x1x10x2x84xi32, #tpu.memory_space<hbm>> -> memref<10x2x84xi32, #tpu.memory_space<hbm>>
      tpu.enqueue_dma source(%dma_start3A_126 : memref<10x2x84xi32, #tpu.memory_space<hbm>>) target(%arg5 : memref<10x2x84xi32, #tpu.memory_space<vmem>>) target_semaphore(%run_scoped3A_116 : memref<!tpu.dma_semaphore, #tpu.memory_space<semaphore_mem>>)
      %dma_wait3A = arith.constant 0 : i32
      %dma_wait3A_127 = arith.constant 0 : i32
      %dma_wait3A_128 = arith.constant 0 : i32
      %dma_wait3A_129 = tpu.memref_slice %arg3[%arg0, %arg1, %run_scoped3A, %dma_wait3A, %dma_wait3A_127, %dma_wait3A_128] : memref<2x16x12x10x2x84xi32, #tpu.memory_space<hbm>> -> memref<1x1x1x10x2x84xi32, #tpu.memory_space<hbm>>
      %dma_wait3A_130 = tpu.memref_squeeze %dma_wait3A_129 : memref<1x1x1x10x2x84xi32, #tpu.memory_space<hbm>> -> memref<10x2x84xi32, #tpu.memory_space<hbm>>
      %dma_wait3A_131 = arith.constant 0 : i32
      %dma_wait3A_132 = arith.constant 0 : i32
      %dma_wait3A_133 = arith.constant 0 : i32
      %dma_wait3A_134 = tpu.memref_slice %arg3[%arg0, %arg1, %run_scoped3A, %dma_wait3A_131, %dma_wait3A_132, %dma_wait3A_133] : memref<2x16x12x10x2x84xi32, #tpu.memory_space<hbm>> -> memref<1x1x1x10x2x84xi32, #tpu.memory_space<hbm>>
      %dma_wait3A_135 = tpu.memref_squeeze %dma_wait3A_134 : memref<1x1x1x10x2x84xi32, #tpu.memory_space<hbm>> -> memref<10x2x84xi32, #tpu.memory_space<hbm>>
      tpu.wait_dma2 semaphore(%run_scoped3A_116 : memref<!tpu.dma_semaphore, #tpu.memory_space<semaphore_mem>>) src(%dma_wait3A_135 : memref<10x2x84xi32, #tpu.memory_space<hbm>>) dst(%arg5 : memref<10x2x84xi32, #tpu.memory_space<vmem>>)
      tpu.yield
    }) : () -> ()
    %dma_start3A = arith.constant 1 : i32
    %dma_start3A_35 = arith.constant 0 : i32
    %dma_start3A_36 = arith.constant 0 : i32
    %dma_start3A_37 = arith.constant 0 : i32
    %dma_start3A_38 = tpu.memref_slice %arg3[%arg0, %arg1, %dma_start3A, %dma_start3A_35, %dma_start3A_36, %dma_start3A_37] : memref<2x16x12x10x2x84xi32, #tpu.memory_space<hbm>> -> memref<1x1x1x10x2x84xi32, #tpu.memory_space<hbm>>
    %dma_start3A_39 = tpu.memref_squeeze %dma_start3A_38 : memref<1x1x1x10x2x84xi32, #tpu.memory_space<hbm>> -> memref<10x2x84xi32, #tpu.memory_space<hbm>>
    %dma_start3A_40 = arith.constant 0 : i32
    %dma_start3A_41 = arith.constant 0 : i32
    %dma_start3A_42 = arith.constant 0 : i32
    %dma_start3A_43 = tpu.memref_slice %arg3[%arg0, %arg1, %dma_start3A, %dma_start3A_40, %dma_start3A_41, %dma_start3A_42] : memref<2x16x12x10x2x84xi32, #tpu.memory_space<hbm>> -> memref<1x1x1x10x2x84xi32, #tpu.memory_space<hbm>>
    %dma_start3A_44 = tpu.memref_squeeze %dma_start3A_43 : memref<1x1x1x10x2x84xi32, #tpu.memory_space<hbm>> -> memref<10x2x84xi32, #tpu.memory_space<hbm>>
    tpu.enqueue_dma source(%dma_start3A_44 : memref<10x2x84xi32, #tpu.memory_space<hbm>>) target(%arg6 : memref<10x2x84xi32, #tpu.memory_space<vmem>>) target_semaphore(%arg13 : memref<!tpu.dma_semaphore, #tpu.memory_space<semaphore_mem>>)
    %dma_start3A_45 = arith.constant 0 : i32
    %dma_start3A_46 = arith.constant 0 : i32
    %dma_start3A_47 = arith.constant 0 : i32
    %dma_start3A_48 = tpu.memref_slice %arg5[%dma_start3A_45, %dma_start3A_46, %dma_start3A_47] : memref<10x2x84xi32, #tpu.memory_space<vmem>> -> memref<1x1x84xi32, #tpu.memory_space<vmem>>
    %dma_start3A_49 = tpu.memref_squeeze %dma_start3A_48 : memref<1x1x84xi32, #tpu.memory_space<vmem>> -> memref<84xi32, #tpu.memory_space<vmem>>
    %dma_start3A_50 = arith.constant 0 : i32
    %dma_start3A_51 = arith.constant 0 : i32
    %dma_start3A_52 = tpu.memref_slice %arg2[%dma_start3A_50, %dma_start3A_51] : memref<20480x128xf32, #tpu.memory_space<hbm>> -> memref<20480x128xf32, #tpu.memory_space<hbm>>
    tpu.enqueue_indirect_dma source(%dma_start3A_52 : memref<20480x128xf32, #tpu.memory_space<hbm>>) target(%arg7 : memref<84x128xf32, #tpu.memory_space<vmem>>) offsets(%dma_start3A_49 : memref<84xi32, #tpu.memory_space<vmem>>) semaphore(%arg10 : memref<!tpu.dma_semaphore, #tpu.memory_space<semaphore_mem>>)
    %scan3A_53 = arith.constant 0 : i32
    %scan3A_54 = arith.constant 0 : i32
    %scan3A_55 = arith.constant 6 : i32
    %scan3A_56 = arith.addi %scan3A_54, %scan3A_55 : i32
    %scan3A_57 = arith.constant 1 : i32
    scf.for %scan3A_116 = %scan3A_54 to %scan3A_56 step %scan3A_57  : i32 {
      %mul3A_117 = arith.constant 2 : i32
      %mul3A_118 = arith.muli %mul3A_117, %scan3A_116 : i32
      %add3A_119 = arith.constant 0 : i32
      %add3A_120 = arith.addi %mul3A_118, %add3A_119 : i32
      %dma_start3A_121 = arith.constant 1 : i32
      %dma_start3A_122 = arith.constant 0 : i32
      %dma_start3A_123 = arith.constant 0 : i32
      %dma_start3A_124 = tpu.memref_slice %arg5[%dma_start3A_121, %dma_start3A_122, %dma_start3A_123] : memref<10x2x84xi32, #tpu.memory_space<vmem>> -> memref<1x1x84xi32, #tpu.memory_space<vmem>>
      %dma_start3A_125 = tpu.memref_squeeze %dma_start3A_124 : memref<1x1x84xi32, #tpu.memory_space<vmem>> -> memref<84xi32, #tpu.memory_space<vmem>>
      %dma_start3A_126 = arith.constant 0 : i32
      %dma_start3A_127 = arith.constant 0 : i32
      %dma_start3A_128 = tpu.memref_slice %arg2[%dma_start3A_126, %dma_start3A_127] : memref<20480x128xf32, #tpu.memory_space<hbm>> -> memref<20480x128xf32, #tpu.memory_space<hbm>>
      tpu.enqueue_indirect_dma source(%dma_start3A_128 : memref<20480x128xf32, #tpu.memory_space<hbm>>) target(%arg8 : memref<84x128xf32, #tpu.memory_space<vmem>>) offsets(%dma_start3A_125 : memref<84xi32, #tpu.memory_space<vmem>>) semaphore(%arg11 : memref<!tpu.dma_semaphore, #tpu.memory_space<semaphore_mem>>)
      %dma_wait3A = arith.constant 0 : i32
      %dma_wait3A_129 = arith.constant 0 : i32
      %dma_wait3A_130 = arith.constant 0 : i32
      %dma_wait3A_131 = tpu.memref_slice %arg5[%dma_wait3A, %dma_wait3A_129, %dma_wait3A_130] : memref<10x2x84xi32, #tpu.memory_space<vmem>> -> memref<1x1x84xi32, #tpu.memory_space<vmem>>
      %dma_wait3A_132 = tpu.memref_squeeze %dma_wait3A_131 : memref<1x1x84xi32, #tpu.memory_space<vmem>> -> memref<84xi32, #tpu.memory_space<vmem>>
      %dma_wait3A_133 = arith.constant 0 : i32
      %dma_wait3A_134 = arith.constant 0 : i32
      %dma_wait3A_135 = tpu.memref_slice %arg2[%dma_wait3A_133, %dma_wait3A_134] : memref<20480x128xf32, #tpu.memory_space<hbm>> -> memref<20480x128xf32, #tpu.memory_space<hbm>>
      tpu.wait_indirect_dma semaphore(%arg10 : memref<!tpu.dma_semaphore, #tpu.memory_space<semaphore_mem>>) src(%dma_wait3A_135 : memref<20480x128xf32, #tpu.memory_space<hbm>>) dst(%arg7 : memref<84x128xf32, #tpu.memory_space<vmem>>)
      %run_scoped3A_136 = arith.constant 0 : i32
      %run_scoped3A_137 = arith.constant 1 : i32
      "tpu.region"() ({
        %run_scoped3A_504 = tpu.sem_alloc : memref<!tpu.dma_semaphore, #tpu.memory_space<semaphore_mem>>
        %dma_start3A_505 = arith.constant 0 : i32
        %dma_start3A_506 = tpu.memref_slice %arg5[%run_scoped3A_136, %run_scoped3A_137, %dma_start3A_505] : memref<10x2x84xi32, #tpu.memory_space<vmem>> -> memref<1x1x84xi32, #tpu.memory_space<vmem>>
        %dma_start3A_507 = tpu.memref_squeeze %dma_start3A_506 : memref<1x1x84xi32, #tpu.memory_space<vmem>> -> memref<84xi32, #tpu.memory_space<vmem>>
        %dma_start3A_508 = arith.constant 0 : i32
        %dma_start3A_509 = arith.constant 0 : i32
        %dma_start3A_510 = tpu.memref_slice %arg9[%dma_start3A_508, %dma_start3A_509] : memref<10240x128xf32, #tpu.memory_space<vmem_shared>> -> memref<10240x128xf32, #tpu.memory_space<vmem_shared>>
        tpu.enqueue_indirect_dma source(%arg7 : memref<84x128xf32, #tpu.memory_space<vmem>>) target(%dma_start3A_510 : memref<10240x128xf32, #tpu.memory_space<vmem_shared>>) offsets(%dma_start3A_507 : memref<84xi32, #tpu.memory_space<vmem>>) semaphore(%run_scoped3A_504 : memref<!tpu.dma_semaphore, #tpu.memory_space<semaphore_mem>>) {add = true}
        %dma_wait3A_511 = arith.constant 0 : i32
        %dma_wait3A_512 = tpu.memref_slice %arg5[%run_scoped3A_136, %run_scoped3A_137, %dma_wait3A_511] : memref<10x2x84xi32, #tpu.memory_space<vmem>> -> memref<1x1x84xi32, #tpu.memory_space<vmem>>
        %dma_wait3A_513 = tpu.memref_squeeze %dma_wait3A_512 : memref<1x1x84xi32, #tpu.memory_space<vmem>> -> memref<84xi32, #tpu.memory_space<vmem>>
        %dma_wait3A_514 = arith.constant 0 : i32
        %dma_wait3A_515 = arith.constant 0 : i32
        %dma_wait3A_516 = tpu.memref_slice %arg9[%dma_wait3A_514, %dma_wait3A_515] : memref<10240x128xf32, #tpu.memory_space<vmem_shared>> -> memref<10240x128xf32, #tpu.memory_space<vmem_shared>>
        tpu.wait_indirect_dma semaphore(%run_scoped3A_504 : memref<!tpu.dma_semaphore, #tpu.memory_space<semaphore_mem>>) src(%arg7 : memref<84x128xf32, #tpu.memory_space<vmem>>) dst(%dma_wait3A_516 : memref<10240x128xf32, #tpu.memory_space<vmem_shared>>)
        tpu.yield
      }) : () -> ()
      %dma_start3A_138 = arith.constant 2 : i32
      %dma_start3A_139 = arith.constant 0 : i32
      %dma_start3A_140 = arith.constant 0 : i32
      %dma_start3A_141 = tpu.memref_slice %arg5[%dma_start3A_138, %dma_start3A_139, %dma_start3A_140] : memref<10x2x84xi32, #tpu.memory_space<vmem>> -> memref<1x1x84xi32, #tpu.memory_space<vmem>>
      %dma_start3A_142 = tpu.memref_squeeze %dma_start3A_141 : memref<1x1x84xi32, #tpu.memory_space<vmem>> -> memref<84xi32, #tpu.memory_space<vmem>>
      %dma_start3A_143 = arith.constant 0 : i32
      %dma_start3A_144 = arith.constant 0 : i32
      %dma_start3A_145 = tpu.memref_slice %arg2[%dma_start3A_143, %dma_start3A_144] : memref<20480x128xf32, #tpu.memory_space<hbm>> -> memref<20480x128xf32, #tpu.memory_space<hbm>>
      tpu.enqueue_indirect_dma source(%dma_start3A_145 : memref<20480x128xf32, #tpu.memory_space<hbm>>) target(%arg7 : memref<84x128xf32, #tpu.memory_space<vmem>>) offsets(%dma_start3A_142 : memref<84xi32, #tpu.memory_space<vmem>>) semaphore(%arg10 : memref<!tpu.dma_semaphore, #tpu.memory_space<semaphore_mem>>)
      %dma_wait3A_146 = arith.constant 1 : i32
      %dma_wait3A_147 = arith.constant 0 : i32
      %dma_wait3A_148 = arith.constant 0 : i32
      %dma_wait3A_149 = tpu.memref_slice %arg5[%dma_wait3A_146, %dma_wait3A_147, %dma_wait3A_148] : memref<10x2x84xi32, #tpu.memory_space<vmem>> -> memref<1x1x84xi32, #tpu.memory_space<vmem>>
      %dma_wait3A_150 = tpu.memref_squeeze %dma_wait3A_149 : memref<1x1x84xi32, #tpu.memory_space<vmem>> -> memref<84xi32, #tpu.memory_space<vmem>>
      %dma_wait3A_151 = arith.constant 0 : i32
      %dma_wait3A_152 = arith.constant 0 : i32
      %dma_wait3A_153 = tpu.memref_slice %arg2[%dma_wait3A_151, %dma_wait3A_152] : memref<20480x128xf32, #tpu.memory_space<hbm>> -> memref<20480x128xf32, #tpu.memory_space<hbm>>
      tpu.wait_indirect_dma semaphore(%arg11 : memref<!tpu.dma_semaphore, #tpu.memory_space<semaphore_mem>>) src(%dma_wait3A_153 : memref<20480x128xf32, #tpu.memory_space<hbm>>) dst(%arg8 : memref<84x128xf32, #tpu.memory_space<vmem>>)
      %run_scoped3A_154 = arith.constant 1 : i32
      %run_scoped3A_155 = arith.constant 1 : i32
      "tpu.region"() ({
        %run_scoped3A_504 = tpu.sem_alloc : memref<!tpu.dma_semaphore, #tpu.memory_space<semaphore_mem>>
        %dma_start3A_505 = arith.constant 0 : i32
        %dma_start3A_506 = tpu.memref_slice %arg5[%run_scoped3A_154, %run_scoped3A_155, %dma_start3A_505] : memref<10x2x84xi32, #tpu.memory_space<vmem>> -> memref<1x1x84xi32, #tpu.memory_space<vmem>>
        %dma_start3A_507 = tpu.memref_squeeze %dma_start3A_506 : memref<1x1x84xi32, #tpu.memory_space<vmem>> -> memref<84xi32, #tpu.memory_space<vmem>>
        %dma_start3A_508 = arith.constant 0 : i32
        %dma_start3A_509 = arith.constant 0 : i32
        %dma_start3A_510 = tpu.memref_slice %arg9[%dma_start3A_508, %dma_start3A_509] : memref<10240x128xf32, #tpu.memory_space<vmem_shared>> -> memref<10240x128xf32, #tpu.memory_space<vmem_shared>>
        tpu.enqueue_indirect_dma source(%arg8 : memref<84x128xf32, #tpu.memory_space<vmem>>) target(%dma_start3A_510 : memref<10240x128xf32, #tpu.memory_space<vmem_shared>>) offsets(%dma_start3A_507 : memref<84xi32, #tpu.memory_space<vmem>>) semaphore(%run_scoped3A_504 : memref<!tpu.dma_semaphore, #tpu.memory_space<semaphore_mem>>) {add = true}
        %dma_wait3A_511 = arith.constant 0 : i32
        %dma_wait3A_512 = tpu.memref_slice %arg5[%run_scoped3A_154, %run_scoped3A_155, %dma_wait3A_511] : memref<10x2x84xi32, #tpu.memory_space<vmem>> -> memref<1x1x84xi32, #tpu.memory_space<vmem>>
        %dma_wait3A_513 = tpu.memref_squeeze %dma_wait3A_512 : memref<1x1x84xi32, #tpu.memory_space<vmem>> -> memref<84xi32, #tpu.memory_space<vmem>>
        %dma_wait3A_514 = arith.constant 0 : i32
        %dma_wait3A_515 = arith.constant 0 : i32
        %dma_wait3A_516 = tpu.memref_slice %arg9[%dma_wait3A_514, %dma_wait3A_515] : memref<10240x128xf32, #tpu.memory_space<vmem_shared>> -> memref<10240x128xf32, #tpu.memory_space<vmem_shared>>
        tpu.wait_indirect_dma semaphore(%run_scoped3A_504 : memref<!tpu.dma_semaphore, #tpu.memory_space<semaphore_mem>>) src(%arg8 : memref<84x128xf32, #tpu.memory_space<vmem>>) dst(%dma_wait3A_516 : memref<10240x128xf32, #tpu.memory_space<vmem_shared>>)
        tpu.yield
      }) : () -> ()
      %dma_start3A_156 = arith.constant 3 : i32
      %dma_start3A_157 = arith.constant 0 : i32
      %dma_start3A_158 = arith.constant 0 : i32
      %dma_start3A_159 = tpu.memref_slice %arg5[%dma_start3A_156, %dma_start3A_157, %dma_start3A_158] : memref<10x2x84xi32, #tpu.memory_space<vmem>> -> memref<1x1x84xi32, #tpu.memory_space<vmem>>
      %dma_start3A_160 = tpu.memref_squeeze %dma_start3A_159 : memref<1x1x84xi32, #tpu.memory_space<vmem>> -> memref<84xi32, #tpu.memory_space<vmem>>
      %dma_start3A_161 = arith.constant 0 : i32
      %dma_start3A_162 = arith.constant 0 : i32
      %dma_start3A_163 = tpu.memref_slice %arg2[%dma_start3A_161, %dma_start3A_162] : memref<20480x128xf32, #tpu.memory_space<hbm>> -> memref<20480x128xf32, #tpu.memory_space<hbm>>
      tpu.enqueue_indirect_dma source(%dma_start3A_163 : memref<20480x128xf32, #tpu.memory_space<hbm>>) target(%arg8 : memref<84x128xf32, #tpu.memory_space<vmem>>) offsets(%dma_start3A_160 : memref<84xi32, #tpu.memory_space<vmem>>) semaphore(%arg11 : memref<!tpu.dma_semaphore, #tpu.memory_space<semaphore_mem>>)
      %dma_wait3A_164 = arith.constant 2 : i32
      %dma_wait3A_165 = arith.constant 0 : i32
      %dma_wait3A_166 = arith.constant 0 : i32
      %dma_wait3A_167 = tpu.memref_slice %arg5[%dma_wait3A_164, %dma_wait3A_165, %dma_wait3A_166] : memref<10x2x84xi32, #tpu.memory_space<vmem>> -> memref<1x1x84xi32, #tpu.memory_space<vmem>>
      %dma_wait3A_168 = tpu.memref_squeeze %dma_wait3A_167 : memref<1x1x84xi32, #tpu.memory_space<vmem>> -> memref<84xi32, #tpu.memory_space<vmem>>
      %dma_wait3A_169 = arith.constant 0 : i32
      %dma_wait3A_170 = arith.constant 0 : i32
      %dma_wait3A_171 = tpu.memref_slice %arg2[%dma_wait3A_169, %dma_wait3A_170] : memref<20480x128xf32, #tpu.memory_space<hbm>> -> memref<20480x128xf32, #tpu.memory_space<hbm>>
      tpu.wait_indirect_dma semaphore(%arg10 : memref<!tpu.dma_semaphore, #tpu.memory_space<semaphore_mem>>) src(%dma_wait3A_171 : memref<20480x128xf32, #tpu.memory_space<hbm>>) dst(%arg7 : memref<84x128xf32, #tpu.memory_space<vmem>>)
      %run_scoped3A_172 = arith.constant 2 : i32
      %run_scoped3A_173 = arith.constant 1 : i32
      "tpu.region"() ({
        %run_scoped3A_504 = tpu.sem_alloc : memref<!tpu.dma_semaphore, #tpu.memory_space<semaphore_mem>>
        %dma_start3A_505 = arith.constant 0 : i32
        %dma_start3A_506 = tpu.memref_slice %arg5[%run_scoped3A_172, %run_scoped3A_173, %dma_start3A_505] : memref<10x2x84xi32, #tpu.memory_space<vmem>> -> memref<1x1x84xi32, #tpu.memory_space<vmem>>
        %dma_start3A_507 = tpu.memref_squeeze %dma_start3A_506 : memref<1x1x84xi32, #tpu.memory_space<vmem>> -> memref<84xi32, #tpu.memory_space<vmem>>
        %dma_start3A_508 = arith.constant 0 : i32
        %dma_start3A_509 = arith.constant 0 : i32
        %dma_start3A_510 = tpu.memref_slice %arg9[%dma_start3A_508, %dma_start3A_509] : memref<10240x128xf32, #tpu.memory_space<vmem_shared>> -> memref<10240x128xf32, #tpu.memory_space<vmem_shared>>
        tpu.enqueue_indirect_dma source(%arg7 : memref<84x128xf32, #tpu.memory_space<vmem>>) target(%dma_start3A_510 : memref<10240x128xf32, #tpu.memory_space<vmem_shared>>) offsets(%dma_start3A_507 : memref<84xi32, #tpu.memory_space<vmem>>) semaphore(%run_scoped3A_504 : memref<!tpu.dma_semaphore, #tpu.memory_space<semaphore_mem>>) {add = true}
        %dma_wait3A_511 = arith.constant 0 : i32
        %dma_wait3A_512 = tpu.memref_slice %arg5[%run_scoped3A_172, %run_scoped3A_173, %dma_wait3A_511] : memref<10x2x84xi32, #tpu.memory_space<vmem>> -> memref<1x1x84xi32, #tpu.memory_space<vmem>>
        %dma_wait3A_513 = tpu.memref_squeeze %dma_wait3A_512 : memref<1x1x84xi32, #tpu.memory_space<vmem>> -> memref<84xi32, #tpu.memory_space<vmem>>
        %dma_wait3A_514 = arith.constant 0 : i32
        %dma_wait3A_515 = arith.constant 0 : i32
        %dma_wait3A_516 = tpu.memref_slice %arg9[%dma_wait3A_514, %dma_wait3A_515] : memref<10240x128xf32, #tpu.memory_space<vmem_shared>> -> memref<10240x128xf32, #tpu.memory_space<vmem_shared>>
        tpu.wait_indirect_dma semaphore(%run_scoped3A_504 : memref<!tpu.dma_semaphore, #tpu.memory_space<semaphore_mem>>) src(%arg7 : memref<84x128xf32, #tpu.memory_space<vmem>>) dst(%dma_wait3A_516 : memref<10240x128xf32, #tpu.memory_space<vmem_shared>>)
        tpu.yield
      }) : () -> ()
      %dma_start3A_174 = arith.constant 4 : i32
      %dma_start3A_175 = arith.constant 0 : i32
      %dma_start3A_176 = arith.constant 0 : i32
      %dma_start3A_177 = tpu.memref_slice %arg5[%dma_start3A_174, %dma_start3A_175, %dma_start3A_176] : memref<10x2x84xi32, #tpu.memory_space<vmem>> -> memref<1x1x84xi32, #tpu.memory_space<vmem>>
      %dma_start3A_178 = tpu.memref_squeeze %dma_start3A_177 : memref<1x1x84xi32, #tpu.memory_space<vmem>> -> memref<84xi32, #tpu.memory_space<vmem>>
      %dma_start3A_179 = arith.constant 0 : i32
      %dma_start3A_180 = arith.constant 0 : i32
      %dma_start3A_181 = tpu.memref_slice %arg2[%dma_start3A_179, %dma_start3A_180] : memref<20480x128xf32, #tpu.memory_space<hbm>> -> memref<20480x128xf32, #tpu.memory_space<hbm>>
      tpu.enqueue_indirect_dma source(%dma_start3A_181 : memref<20480x128xf32, #tpu.memory_space<hbm>>) target(%arg7 : memref<84x128xf32, #tpu.memory_space<vmem>>) offsets(%dma_start3A_178 : memref<84xi32, #tpu.memory_space<vmem>>) semaphore(%arg10 : memref<!tpu.dma_semaphore, #tpu.memory_space<semaphore_mem>>)
      %dma_wait3A_182 = arith.constant 3 : i32
      %dma_wait3A_183 = arith.constant 0 : i32
      %dma_wait3A_184 = arith.constant 0 : i32
      %dma_wait3A_185 = tpu.memref_slice %arg5[%dma_wait3A_182, %dma_wait3A_183, %dma_wait3A_184] : memref<10x2x84xi32, #tpu.memory_space<vmem>> -> memref<1x1x84xi32, #tpu.memory_space<vmem>>
      %dma_wait3A_186 = tpu.memref_squeeze %dma_wait3A_185 : memref<1x1x84xi32, #tpu.memory_space<vmem>> -> memref<84xi32, #tpu.memory_space<vmem>>
      %dma_wait3A_187 = arith.constant 0 : i32
      %dma_wait3A_188 = arith.constant 0 : i32
      %dma_wait3A_189 = tpu.memref_slice %arg2[%dma_wait3A_187, %dma_wait3A_188] : memref<20480x128xf32, #tpu.memory_space<hbm>> -> memref<20480x128xf32, #tpu.memory_space<hbm>>
      tpu.wait_indirect_dma semaphore(%arg11 : memref<!tpu.dma_semaphore, #tpu.memory_space<semaphore_mem>>) src(%dma_wait3A_189 : memref<20480x128xf32, #tpu.memory_space<hbm>>) dst(%arg8 : memref<84x128xf32, #tpu.memory_space<vmem>>)
      %run_scoped3A_190 = arith.constant 3 : i32
      %run_scoped3A_191 = arith.constant 1 : i32
      "tpu.region"() ({
        %run_scoped3A_504 = tpu.sem_alloc : memref<!tpu.dma_semaphore, #tpu.memory_space<semaphore_mem>>
        %dma_start3A_505 = arith.constant 0 : i32
        %dma_start3A_506 = tpu.memref_slice %arg5[%run_scoped3A_190, %run_scoped3A_191, %dma_start3A_505] : memref<10x2x84xi32, #tpu.memory_space<vmem>> -> memref<1x1x84xi32, #tpu.memory_space<vmem>>
        %dma_start3A_507 = tpu.memref_squeeze %dma_start3A_506 : memref<1x1x84xi32, #tpu.memory_space<vmem>> -> memref<84xi32, #tpu.memory_space<vmem>>
        %dma_start3A_508 = arith.constant 0 : i32
        %dma_start3A_509 = arith.constant 0 : i32
        %dma_start3A_510 = tpu.memref_slice %arg9[%dma_start3A_508, %dma_start3A_509] : memref<10240x128xf32, #tpu.memory_space<vmem_shared>> -> memref<10240x128xf32, #tpu.memory_space<vmem_shared>>
        tpu.enqueue_indirect_dma source(%arg8 : memref<84x128xf32, #tpu.memory_space<vmem>>) target(%dma_start3A_510 : memref<10240x128xf32, #tpu.memory_space<vmem_shared>>) offsets(%dma_start3A_507 : memref<84xi32, #tpu.memory_space<vmem>>) semaphore(%run_scoped3A_504 : memref<!tpu.dma_semaphore, #tpu.memory_space<semaphore_mem>>) {add = true}
        %dma_wait3A_511 = arith.constant 0 : i32
        %dma_wait3A_512 = tpu.memref_slice %arg5[%run_scoped3A_190, %run_scoped3A_191, %dma_wait3A_511] : memref<10x2x84xi32, #tpu.memory_space<vmem>> -> memref<1x1x84xi32, #tpu.memory_space<vmem>>
        %dma_wait3A_513 = tpu.memref_squeeze %dma_wait3A_512 : memref<1x1x84xi32, #tpu.memory_space<vmem>> -> memref<84xi32, #tpu.memory_space<vmem>>
        %dma_wait3A_514 = arith.constant 0 : i32
        %dma_wait3A_515 = arith.constant 0 : i32
        %dma_wait3A_516 = tpu.memref_slice %arg9[%dma_wait3A_514, %dma_wait3A_515] : memref<10240x128xf32, #tpu.memory_space<vmem_shared>> -> memref<10240x128xf32, #tpu.memory_space<vmem_shared>>
        tpu.wait_indirect_dma semaphore(%run_scoped3A_504 : memref<!tpu.dma_semaphore, #tpu.memory_space<semaphore_mem>>) src(%arg8 : memref<84x128xf32, #tpu.memory_space<vmem>>) dst(%dma_wait3A_516 : memref<10240x128xf32, #tpu.memory_space<vmem_shared>>)
        tpu.yield
      }) : () -> ()
      %dma_start3A_192 = arith.constant 5 : i32
      %dma_start3A_193 = arith.constant 0 : i32
      %dma_start3A_194 = arith.constant 0 : i32
      %dma_start3A_195 = tpu.memref_slice %arg5[%dma_start3A_192, %dma_start3A_193, %dma_start3A_194] : memref<10x2x84xi32, #tpu.memory_space<vmem>> -> memref<1x1x84xi32, #tpu.memory_space<vmem>>
      %dma_start3A_196 = tpu.memref_squeeze %dma_start3A_195 : memref<1x1x84xi32, #tpu.memory_space<vmem>> -> memref<84xi32, #tpu.memory_space<vmem>>
      %dma_start3A_197 = arith.constant 0 : i32
      %dma_start3A_198 = arith.constant 0 : i32
      %dma_start3A_199 = tpu.memref_slice %arg2[%dma_start3A_197, %dma_start3A_198] : memref<20480x128xf32, #tpu.memory_space<hbm>> -> memref<20480x128xf32, #tpu.memory_space<hbm>>
      tpu.enqueue_indirect_dma source(%dma_start3A_199 : memref<20480x128xf32, #tpu.memory_space<hbm>>) target(%arg8 : memref<84x128xf32, #tpu.memory_space<vmem>>) offsets(%dma_start3A_196 : memref<84xi32, #tpu.memory_space<vmem>>) semaphore(%arg11 : memref<!tpu.dma_semaphore, #tpu.memory_space<semaphore_mem>>)
      %dma_wait3A_200 = arith.constant 4 : i32
      %dma_wait3A_201 = arith.constant 0 : i32
      %dma_wait3A_202 = arith.constant 0 : i32
      %dma_wait3A_203 = tpu.memref_slice %arg5[%dma_wait3A_200, %dma_wait3A_201, %dma_wait3A_202] : memref<10x2x84xi32, #tpu.memory_space<vmem>> -> memref<1x1x84xi32, #tpu.memory_space<vmem>>
      %dma_wait3A_204 = tpu.memref_squeeze %dma_wait3A_203 : memref<1x1x84xi32, #tpu.memory_space<vmem>> -> memref<84xi32, #tpu.memory_space<vmem>>
      %dma_wait3A_205 = arith.constant 0 : i32
      %dma_wait3A_206 = arith.constant 0 : i32
      %dma_wait3A_207 = tpu.memref_slice %arg2[%dma_wait3A_205, %dma_wait3A_206] : memref<20480x128xf32, #tpu.memory_space<hbm>> -> memref<20480x128xf32, #tpu.memory_space<hbm>>
      tpu.wait_indirect_dma semaphore(%arg10 : memref<!tpu.dma_semaphore, #tpu.memory_space<semaphore_mem>>) src(%dma_wait3A_207 : memref<20480x128xf32, #tpu.memory_space<hbm>>) dst(%arg7 : memref<84x128xf32, #tpu.memory_space<vmem>>)
      %run_scoped3A_208 = arith.constant 4 : i32
      %run_scoped3A_209 = arith.constant 1 : i32
      "tpu.region"() ({
        %run_scoped3A_504 = tpu.sem_alloc : memref<!tpu.dma_semaphore, #tpu.memory_space<semaphore_mem>>
        %dma_start3A_505 = arith.constant 0 : i32
        %dma_start3A_506 = tpu.memref_slice %arg5[%run_scoped3A_208, %run_scoped3A_209, %dma_start3A_505] : memref<10x2x84xi32, #tpu.memory_space<vmem>> -> memref<1x1x84xi32, #tpu.memory_space<vmem>>
        %dma_start3A_507 = tpu.memref_squeeze %dma_start3A_506 : memref<1x1x84xi32, #tpu.memory_space<vmem>> -> memref<84xi32, #tpu.memory_space<vmem>>
        %dma_start3A_508 = arith.constant 0 : i32
        %dma_start3A_509 = arith.constant 0 : i32
        %dma_start3A_510 = tpu.memref_slice %arg9[%dma_start3A_508, %dma_start3A_509] : memref<10240x128xf32, #tpu.memory_space<vmem_shared>> -> memref<10240x128xf32, #tpu.memory_space<vmem_shared>>
        tpu.enqueue_indirect_dma source(%arg7 : memref<84x128xf32, #tpu.memory_space<vmem>>) target(%dma_start3A_510 : memref<10240x128xf32, #tpu.memory_space<vmem_shared>>) offsets(%dma_start3A_507 : memref<84xi32, #tpu.memory_space<vmem>>) semaphore(%run_scoped3A_504 : memref<!tpu.dma_semaphore, #tpu.memory_space<semaphore_mem>>) {add = true}
        %dma_wait3A_511 = arith.constant 0 : i32
        %dma_wait3A_512 = tpu.memref_slice %arg5[%run_scoped3A_208, %run_scoped3A_209, %dma_wait3A_511] : memref<10x2x84xi32, #tpu.memory_space<vmem>> -> memref<1x1x84xi32, #tpu.memory_space<vmem>>
        %dma_wait3A_513 = tpu.memref_squeeze %dma_wait3A_512 : memref<1x1x84xi32, #tpu.memory_space<vmem>> -> memref<84xi32, #tpu.memory_space<vmem>>
        %dma_wait3A_514 = arith.constant 0 : i32
        %dma_wait3A_515 = arith.constant 0 : i32
        %dma_wait3A_516 = tpu.memref_slice %arg9[%dma_wait3A_514, %dma_wait3A_515] : memref<10240x128xf32, #tpu.memory_space<vmem_shared>> -> memref<10240x128xf32, #tpu.memory_space<vmem_shared>>
        tpu.wait_indirect_dma semaphore(%run_scoped3A_504 : memref<!tpu.dma_semaphore, #tpu.memory_space<semaphore_mem>>) src(%arg7 : memref<84x128xf32, #tpu.memory_space<vmem>>) dst(%dma_wait3A_516 : memref<10240x128xf32, #tpu.memory_space<vmem_shared>>)
        tpu.yield
      }) : () -> ()
      %dma_start3A_210 = arith.constant 6 : i32
      %dma_start3A_211 = arith.constant 0 : i32
      %dma_start3A_212 = arith.constant 0 : i32
      %dma_start3A_213 = tpu.memref_slice %arg5[%dma_start3A_210, %dma_start3A_211, %dma_start3A_212] : memref<10x2x84xi32, #tpu.memory_space<vmem>> -> memref<1x1x84xi32, #tpu.memory_space<vmem>>
      %dma_start3A_214 = tpu.memref_squeeze %dma_start3A_213 : memref<1x1x84xi32, #tpu.memory_space<vmem>> -> memref<84xi32, #tpu.memory_space<vmem>>
      %dma_start3A_215 = arith.constant 0 : i32
      %dma_start3A_216 = arith.constant 0 : i32
      %dma_start3A_217 = tpu.memref_slice %arg2[%dma_start3A_215, %dma_start3A_216] : memref<20480x128xf32, #tpu.memory_space<hbm>> -> memref<20480x128xf32, #tpu.memory_space<hbm>>
      tpu.enqueue_indirect_dma source(%dma_start3A_217 : memref<20480x128xf32, #tpu.memory_space<hbm>>) target(%arg7 : memref<84x128xf32, #tpu.memory_space<vmem>>) offsets(%dma_start3A_214 : memref<84xi32, #tpu.memory_space<vmem>>) semaphore(%arg10 : memref<!tpu.dma_semaphore, #tpu.memory_space<semaphore_mem>>)
      %dma_wait3A_218 = arith.constant 5 : i32
      %dma_wait3A_219 = arith.constant 0 : i32
      %dma_wait3A_220 = arith.constant 0 : i32
      %dma_wait3A_221 = tpu.memref_slice %arg5[%dma_wait3A_218, %dma_wait3A_219, %dma_wait3A_220] : memref<10x2x84xi32, #tpu.memory_space<vmem>> -> memref<1x1x84xi32, #tpu.memory_space<vmem>>
      %dma_wait3A_222 = tpu.memref_squeeze %dma_wait3A_221 : memref<1x1x84xi32, #tpu.memory_space<vmem>> -> memref<84xi32, #tpu.memory_space<vmem>>
      %dma_wait3A_223 = arith.constant 0 : i32
      %dma_wait3A_224 = arith.constant 0 : i32
      %dma_wait3A_225 = tpu.memref_slice %arg2[%dma_wait3A_223, %dma_wait3A_224] : memref<20480x128xf32, #tpu.memory_space<hbm>> -> memref<20480x128xf32, #tpu.memory_space<hbm>>
      tpu.wait_indirect_dma semaphore(%arg11 : memref<!tpu.dma_semaphore, #tpu.memory_space<semaphore_mem>>) src(%dma_wait3A_225 : memref<20480x128xf32, #tpu.memory_space<hbm>>) dst(%arg8 : memref<84x128xf32, #tpu.memory_space<vmem>>)
      %run_scoped3A_226 = arith.constant 5 : i32
      %run_scoped3A_227 = arith.constant 1 : i32
      "tpu.region"() ({
        %run_scoped3A_504 = tpu.sem_alloc : memref<!tpu.dma_semaphore, #tpu.memory_space<semaphore_mem>>
        %dma_start3A_505 = arith.constant 0 : i32
        %dma_start3A_506 = tpu.memref_slice %arg5[%run_scoped3A_226, %run_scoped3A_227, %dma_start3A_505] : memref<10x2x84xi32, #tpu.memory_space<vmem>> -> memref<1x1x84xi32, #tpu.memory_space<vmem>>
        %dma_start3A_507 = tpu.memref_squeeze %dma_start3A_506 : memref<1x1x84xi32, #tpu.memory_space<vmem>> -> memref<84xi32, #tpu.memory_space<vmem>>
        %dma_start3A_508 = arith.constant 0 : i32
        %dma_start3A_509 = arith.constant 0 : i32
        %dma_start3A_510 = tpu.memref_slice %arg9[%dma_start3A_508, %dma_start3A_509] : memref<10240x128xf32, #tpu.memory_space<vmem_shared>> -> memref<10240x128xf32, #tpu.memory_space<vmem_shared>>
        tpu.enqueue_indirect_dma source(%arg8 : memref<84x128xf32, #tpu.memory_space<vmem>>) target(%dma_start3A_510 : memref<10240x128xf32, #tpu.memory_space<vmem_shared>>) offsets(%dma_start3A_507 : memref<84xi32, #tpu.memory_space<vmem>>) semaphore(%run_scoped3A_504 : memref<!tpu.dma_semaphore, #tpu.memory_space<semaphore_mem>>) {add = true}
        %dma_wait3A_511 = arith.constant 0 : i32
        %dma_wait3A_512 = tpu.memref_slice %arg5[%run_scoped3A_226, %run_scoped3A_227, %dma_wait3A_511] : memref<10x2x84xi32, #tpu.memory_space<vmem>> -> memref<1x1x84xi32, #tpu.memory_space<vmem>>
        %dma_wait3A_513 = tpu.memref_squeeze %dma_wait3A_512 : memref<1x1x84xi32, #tpu.memory_space<vmem>> -> memref<84xi32, #tpu.memory_space<vmem>>
        %dma_wait3A_514 = arith.constant 0 : i32
        %dma_wait3A_515 = arith.constant 0 : i32
        %dma_wait3A_516 = tpu.memref_slice %arg9[%dma_wait3A_514, %dma_wait3A_515] : memref<10240x128xf32, #tpu.memory_space<vmem_shared>> -> memref<10240x128xf32, #tpu.memory_space<vmem_shared>>
        tpu.wait_indirect_dma semaphore(%run_scoped3A_504 : memref<!tpu.dma_semaphore, #tpu.memory_space<semaphore_mem>>) src(%arg8 : memref<84x128xf32, #tpu.memory_space<vmem>>) dst(%dma_wait3A_516 : memref<10240x128xf32, #tpu.memory_space<vmem_shared>>)
        tpu.yield
      }) : () -> ()
      %dma_start3A_228 = arith.constant 7 : i32
      %dma_start3A_229 = arith.constant 0 : i32
      %dma_start3A_230 = arith.constant 0 : i32
      %dma_start3A_231 = tpu.memref_slice %arg5[%dma_start3A_228, %dma_start3A_229, %dma_start3A_230] : memref<10x2x84xi32, #tpu.memory_space<vmem>> -> memref<1x1x84xi32, #tpu.memory_space<vmem>>
      %dma_start3A_232 = tpu.memref_squeeze %dma_start3A_231 : memref<1x1x84xi32, #tpu.memory_space<vmem>> -> memref<84xi32, #tpu.memory_space<vmem>>
      %dma_start3A_233 = arith.constant 0 : i32
      %dma_start3A_234 = arith.constant 0 : i32
      %dma_start3A_235 = tpu.memref_slice %arg2[%dma_start3A_233, %dma_start3A_234] : memref<20480x128xf32, #tpu.memory_space<hbm>> -> memref<20480x128xf32, #tpu.memory_space<hbm>>
      tpu.enqueue_indirect_dma source(%dma_start3A_235 : memref<20480x128xf32, #tpu.memory_space<hbm>>) target(%arg8 : memref<84x128xf32, #tpu.memory_space<vmem>>) offsets(%dma_start3A_232 : memref<84xi32, #tpu.memory_space<vmem>>) semaphore(%arg11 : memref<!tpu.dma_semaphore, #tpu.memory_space<semaphore_mem>>)
      %dma_wait3A_236 = arith.constant 6 : i32
      %dma_wait3A_237 = arith.constant 0 : i32
      %dma_wait3A_238 = arith.constant 0 : i32
      %dma_wait3A_239 = tpu.memref_slice %arg5[%dma_wait3A_236, %dma_wait3A_237, %dma_wait3A_238] : memref<10x2x84xi32, #tpu.memory_space<vmem>> -> memref<1x1x84xi32, #tpu.memory_space<vmem>>
      %dma_wait3A_240 = tpu.memref_squeeze %dma_wait3A_239 : memref<1x1x84xi32, #tpu.memory_space<vmem>> -> memref<84xi32, #tpu.memory_space<vmem>>
      %dma_wait3A_241 = arith.constant 0 : i32
      %dma_wait3A_242 = arith.constant 0 : i32
      %dma_wait3A_243 = tpu.memref_slice %arg2[%dma_wait3A_241, %dma_wait3A_242] : memref<20480x128xf32, #tpu.memory_space<hbm>> -> memref<20480x128xf32, #tpu.memory_space<hbm>>
      tpu.wait_indirect_dma semaphore(%arg10 : memref<!tpu.dma_semaphore, #tpu.memory_space<semaphore_mem>>) src(%dma_wait3A_243 : memref<20480x128xf32, #tpu.memory_space<hbm>>) dst(%arg7 : memref<84x128xf32, #tpu.memory_space<vmem>>)
      %run_scoped3A_244 = arith.constant 6 : i32
      %run_scoped3A_245 = arith.constant 1 : i32
      "tpu.region"() ({
        %run_scoped3A_504 = tpu.sem_alloc : memref<!tpu.dma_semaphore, #tpu.memory_space<semaphore_mem>>
        %dma_start3A_505 = arith.constant 0 : i32
        %dma_start3A_506 = tpu.memref_slice %arg5[%run_scoped3A_244, %run_scoped3A_245, %dma_start3A_505] : memref<10x2x84xi32, #tpu.memory_space<vmem>> -> memref<1x1x84xi32, #tpu.memory_space<vmem>>
        %dma_start3A_507 = tpu.memref_squeeze %dma_start3A_506 : memref<1x1x84xi32, #tpu.memory_space<vmem>> -> memref<84xi32, #tpu.memory_space<vmem>>
        %dma_start3A_508 = arith.constant 0 : i32
        %dma_start3A_509 = arith.constant 0 : i32
        %dma_start3A_510 = tpu.memref_slice %arg9[%dma_start3A_508, %dma_start3A_509] : memref<10240x128xf32, #tpu.memory_space<vmem_shared>> -> memref<10240x128xf32, #tpu.memory_space<vmem_shared>>
        tpu.enqueue_indirect_dma source(%arg7 : memref<84x128xf32, #tpu.memory_space<vmem>>) target(%dma_start3A_510 : memref<10240x128xf32, #tpu.memory_space<vmem_shared>>) offsets(%dma_start3A_507 : memref<84xi32, #tpu.memory_space<vmem>>) semaphore(%run_scoped3A_504 : memref<!tpu.dma_semaphore, #tpu.memory_space<semaphore_mem>>) {add = true}
        %dma_wait3A_511 = arith.constant 0 : i32
        %dma_wait3A_512 = tpu.memref_slice %arg5[%run_scoped3A_244, %run_scoped3A_245, %dma_wait3A_511] : memref<10x2x84xi32, #tpu.memory_space<vmem>> -> memref<1x1x84xi32, #tpu.memory_space<vmem>>
        %dma_wait3A_513 = tpu.memref_squeeze %dma_wait3A_512 : memref<1x1x84xi32, #tpu.memory_space<vmem>> -> memref<84xi32, #tpu.memory_space<vmem>>
        %dma_wait3A_514 = arith.constant 0 : i32
        %dma_wait3A_515 = arith.constant 0 : i32
        %dma_wait3A_516 = tpu.memref_slice %arg9[%dma_wait3A_514, %dma_wait3A_515] : memref<10240x128xf32, #tpu.memory_space<vmem_shared>> -> memref<10240x128xf32, #tpu.memory_space<vmem_shared>>
        tpu.wait_indirect_dma semaphore(%run_scoped3A_504 : memref<!tpu.dma_semaphore, #tpu.memory_space<semaphore_mem>>) src(%arg7 : memref<84x128xf32, #tpu.memory_space<vmem>>) dst(%dma_wait3A_516 : memref<10240x128xf32, #tpu.memory_space<vmem_shared>>)
        tpu.yield
      }) : () -> ()
      %dma_start3A_246 = arith.constant 8 : i32
      %dma_start3A_247 = arith.constant 0 : i32
      %dma_start3A_248 = arith.constant 0 : i32
      %dma_start3A_249 = tpu.memref_slice %arg5[%dma_start3A_246, %dma_start3A_247, %dma_start3A_248] : memref<10x2x84xi32, #tpu.memory_space<vmem>> -> memref<1x1x84xi32, #tpu.memory_space<vmem>>
      %dma_start3A_250 = tpu.memref_squeeze %dma_start3A_249 : memref<1x1x84xi32, #tpu.memory_space<vmem>> -> memref<84xi32, #tpu.memory_space<vmem>>
      %dma_start3A_251 = arith.constant 0 : i32
      %dma_start3A_252 = arith.constant 0 : i32
      %dma_start3A_253 = tpu.memref_slice %arg2[%dma_start3A_251, %dma_start3A_252] : memref<20480x128xf32, #tpu.memory_space<hbm>> -> memref<20480x128xf32, #tpu.memory_space<hbm>>
      tpu.enqueue_indirect_dma source(%dma_start3A_253 : memref<20480x128xf32, #tpu.memory_space<hbm>>) target(%arg7 : memref<84x128xf32, #tpu.memory_space<vmem>>) offsets(%dma_start3A_250 : memref<84xi32, #tpu.memory_space<vmem>>) semaphore(%arg10 : memref<!tpu.dma_semaphore, #tpu.memory_space<semaphore_mem>>)
      %dma_wait3A_254 = arith.constant 7 : i32
      %dma_wait3A_255 = arith.constant 0 : i32
      %dma_wait3A_256 = arith.constant 0 : i32
      %dma_wait3A_257 = tpu.memref_slice %arg5[%dma_wait3A_254, %dma_wait3A_255, %dma_wait3A_256] : memref<10x2x84xi32, #tpu.memory_space<vmem>> -> memref<1x1x84xi32, #tpu.memory_space<vmem>>
      %dma_wait3A_258 = tpu.memref_squeeze %dma_wait3A_257 : memref<1x1x84xi32, #tpu.memory_space<vmem>> -> memref<84xi32, #tpu.memory_space<vmem>>
      %dma_wait3A_259 = arith.constant 0 : i32
      %dma_wait3A_260 = arith.constant 0 : i32
      %dma_wait3A_261 = tpu.memref_slice %arg2[%dma_wait3A_259, %dma_wait3A_260] : memref<20480x128xf32, #tpu.memory_space<hbm>> -> memref<20480x128xf32, #tpu.memory_space<hbm>>
      tpu.wait_indirect_dma semaphore(%arg11 : memref<!tpu.dma_semaphore, #tpu.memory_space<semaphore_mem>>) src(%dma_wait3A_261 : memref<20480x128xf32, #tpu.memory_space<hbm>>) dst(%arg8 : memref<84x128xf32, #tpu.memory_space<vmem>>)
      %run_scoped3A_262 = arith.constant 7 : i32
      %run_scoped3A_263 = arith.constant 1 : i32
      "tpu.region"() ({
        %run_scoped3A_504 = tpu.sem_alloc : memref<!tpu.dma_semaphore, #tpu.memory_space<semaphore_mem>>
        %dma_start3A_505 = arith.constant 0 : i32
        %dma_start3A_506 = tpu.memref_slice %arg5[%run_scoped3A_262, %run_scoped3A_263, %dma_start3A_505] : memref<10x2x84xi32, #tpu.memory_space<vmem>> -> memref<1x1x84xi32, #tpu.memory_space<vmem>>
        %dma_start3A_507 = tpu.memref_squeeze %dma_start3A_506 : memref<1x1x84xi32, #tpu.memory_space<vmem>> -> memref<84xi32, #tpu.memory_space<vmem>>
        %dma_start3A_508 = arith.constant 0 : i32
        %dma_start3A_509 = arith.constant 0 : i32
        %dma_start3A_510 = tpu.memref_slice %arg9[%dma_start3A_508, %dma_start3A_509] : memref<10240x128xf32, #tpu.memory_space<vmem_shared>> -> memref<10240x128xf32, #tpu.memory_space<vmem_shared>>
        tpu.enqueue_indirect_dma source(%arg8 : memref<84x128xf32, #tpu.memory_space<vmem>>) target(%dma_start3A_510 : memref<10240x128xf32, #tpu.memory_space<vmem_shared>>) offsets(%dma_start3A_507 : memref<84xi32, #tpu.memory_space<vmem>>) semaphore(%run_scoped3A_504 : memref<!tpu.dma_semaphore, #tpu.memory_space<semaphore_mem>>) {add = true}
        %dma_wait3A_511 = arith.constant 0 : i32
        %dma_wait3A_512 = tpu.memref_slice %arg5[%run_scoped3A_262, %run_scoped3A_263, %dma_wait3A_511] : memref<10x2x84xi32, #tpu.memory_space<vmem>> -> memref<1x1x84xi32, #tpu.memory_space<vmem>>
        %dma_wait3A_513 = tpu.memref_squeeze %dma_wait3A_512 : memref<1x1x84xi32, #tpu.memory_space<vmem>> -> memref<84xi32, #tpu.memory_space<vmem>>
        %dma_wait3A_514 = arith.constant 0 : i32
        %dma_wait3A_515 = arith.constant 0 : i32
        %dma_wait3A_516 = tpu.memref_slice %arg9[%dma_wait3A_514, %dma_wait3A_515] : memref<10240x128xf32, #tpu.memory_space<vmem_shared>> -> memref<10240x128xf32, #tpu.memory_space<vmem_shared>>
        tpu.wait_indirect_dma semaphore(%run_scoped3A_504 : memref<!tpu.dma_semaphore, #tpu.memory_space<semaphore_mem>>) src(%arg8 : memref<84x128xf32, #tpu.memory_space<vmem>>) dst(%dma_wait3A_516 : memref<10240x128xf32, #tpu.memory_space<vmem_shared>>)
        tpu.yield
      }) : () -> ()
      %dma_start3A_264 = arith.constant 9 : i32
      %dma_start3A_265 = arith.constant 0 : i32
      %dma_start3A_266 = arith.constant 0 : i32
      %dma_start3A_267 = tpu.memref_slice %arg5[%dma_start3A_264, %dma_start3A_265, %dma_start3A_266] : memref<10x2x84xi32, #tpu.memory_space<vmem>> -> memref<1x1x84xi32, #tpu.memory_space<vmem>>
      %dma_start3A_268 = tpu.memref_squeeze %dma_start3A_267 : memref<1x1x84xi32, #tpu.memory_space<vmem>> -> memref<84xi32, #tpu.memory_space<vmem>>
      %dma_start3A_269 = arith.constant 0 : i32
      %dma_start3A_270 = arith.constant 0 : i32
      %dma_start3A_271 = tpu.memref_slice %arg2[%dma_start3A_269, %dma_start3A_270] : memref<20480x128xf32, #tpu.memory_space<hbm>> -> memref<20480x128xf32, #tpu.memory_space<hbm>>
      tpu.enqueue_indirect_dma source(%dma_start3A_271 : memref<20480x128xf32, #tpu.memory_space<hbm>>) target(%arg8 : memref<84x128xf32, #tpu.memory_space<vmem>>) offsets(%dma_start3A_268 : memref<84xi32, #tpu.memory_space<vmem>>) semaphore(%arg11 : memref<!tpu.dma_semaphore, #tpu.memory_space<semaphore_mem>>)
      %dma_wait3A_272 = arith.constant 8 : i32
      %dma_wait3A_273 = arith.constant 0 : i32
      %dma_wait3A_274 = arith.constant 0 : i32
      %dma_wait3A_275 = tpu.memref_slice %arg5[%dma_wait3A_272, %dma_wait3A_273, %dma_wait3A_274] : memref<10x2x84xi32, #tpu.memory_space<vmem>> -> memref<1x1x84xi32, #tpu.memory_space<vmem>>
      %dma_wait3A_276 = tpu.memref_squeeze %dma_wait3A_275 : memref<1x1x84xi32, #tpu.memory_space<vmem>> -> memref<84xi32, #tpu.memory_space<vmem>>
      %dma_wait3A_277 = arith.constant 0 : i32
      %dma_wait3A_278 = arith.constant 0 : i32
      %dma_wait3A_279 = tpu.memref_slice %arg2[%dma_wait3A_277, %dma_wait3A_278] : memref<20480x128xf32, #tpu.memory_space<hbm>> -> memref<20480x128xf32, #tpu.memory_space<hbm>>
      tpu.wait_indirect_dma semaphore(%arg10 : memref<!tpu.dma_semaphore, #tpu.memory_space<semaphore_mem>>) src(%dma_wait3A_279 : memref<20480x128xf32, #tpu.memory_space<hbm>>) dst(%arg7 : memref<84x128xf32, #tpu.memory_space<vmem>>)
      %run_scoped3A_280 = arith.constant 8 : i32
      %run_scoped3A_281 = arith.constant 1 : i32
      "tpu.region"() ({
        %run_scoped3A_504 = tpu.sem_alloc : memref<!tpu.dma_semaphore, #tpu.memory_space<semaphore_mem>>
        %dma_start3A_505 = arith.constant 0 : i32
        %dma_start3A_506 = tpu.memref_slice %arg5[%run_scoped3A_280, %run_scoped3A_281, %dma_start3A_505] : memref<10x2x84xi32, #tpu.memory_space<vmem>> -> memref<1x1x84xi32, #tpu.memory_space<vmem>>
        %dma_start3A_507 = tpu.memref_squeeze %dma_start3A_506 : memref<1x1x84xi32, #tpu.memory_space<vmem>> -> memref<84xi32, #tpu.memory_space<vmem>>
        %dma_start3A_508 = arith.constant 0 : i32
        %dma_start3A_509 = arith.constant 0 : i32
        %dma_start3A_510 = tpu.memref_slice %arg9[%dma_start3A_508, %dma_start3A_509] : memref<10240x128xf32, #tpu.memory_space<vmem_shared>> -> memref<10240x128xf32, #tpu.memory_space<vmem_shared>>
        tpu.enqueue_indirect_dma source(%arg7 : memref<84x128xf32, #tpu.memory_space<vmem>>) target(%dma_start3A_510 : memref<10240x128xf32, #tpu.memory_space<vmem_shared>>) offsets(%dma_start3A_507 : memref<84xi32, #tpu.memory_space<vmem>>) semaphore(%run_scoped3A_504 : memref<!tpu.dma_semaphore, #tpu.memory_space<semaphore_mem>>) {add = true}
        %dma_wait3A_511 = arith.constant 0 : i32
        %dma_wait3A_512 = tpu.memref_slice %arg5[%run_scoped3A_280, %run_scoped3A_281, %dma_wait3A_511] : memref<10x2x84xi32, #tpu.memory_space<vmem>> -> memref<1x1x84xi32, #tpu.memory_space<vmem>>
        %dma_wait3A_513 = tpu.memref_squeeze %dma_wait3A_512 : memref<1x1x84xi32, #tpu.memory_space<vmem>> -> memref<84xi32, #tpu.memory_space<vmem>>
        %dma_wait3A_514 = arith.constant 0 : i32
        %dma_wait3A_515 = arith.constant 0 : i32
        %dma_wait3A_516 = tpu.memref_slice %arg9[%dma_wait3A_514, %dma_wait3A_515] : memref<10240x128xf32, #tpu.memory_space<vmem_shared>> -> memref<10240x128xf32, #tpu.memory_space<vmem_shared>>
        tpu.wait_indirect_dma semaphore(%run_scoped3A_504 : memref<!tpu.dma_semaphore, #tpu.memory_space<semaphore_mem>>) src(%arg7 : memref<84x128xf32, #tpu.memory_space<vmem>>) dst(%dma_wait3A_516 : memref<10240x128xf32, #tpu.memory_space<vmem_shared>>)
        tpu.yield
      }) : () -> ()
      %add3A_282 = arith.constant 1 : i32
      %add3A_283 = arith.addi %add3A_120, %add3A_282 : i32
      %dma_wait3A_284 = arith.constant 0 : i32
      %dma_wait3A_285 = arith.constant 0 : i32
      %dma_wait3A_286 = arith.constant 0 : i32
      %dma_wait3A_287 = tpu.memref_slice %arg3[%arg0, %arg1, %add3A_283, %dma_wait3A_284, %dma_wait3A_285, %dma_wait3A_286] : memref<2x16x12x10x2x84xi32, #tpu.memory_space<hbm>> -> memref<1x1x1x10x2x84xi32, #tpu.memory_space<hbm>>
      %dma_wait3A_288 = tpu.memref_squeeze %dma_wait3A_287 : memref<1x1x1x10x2x84xi32, #tpu.memory_space<hbm>> -> memref<10x2x84xi32, #tpu.memory_space<hbm>>
      %dma_wait3A_289 = arith.constant 0 : i32
      %dma_wait3A_290 = arith.constant 0 : i32
      %dma_wait3A_291 = arith.constant 0 : i32
      %dma_wait3A_292 = tpu.memref_slice %arg3[%arg0, %arg1, %add3A_283, %dma_wait3A_289, %dma_wait3A_290, %dma_wait3A_291] : memref<2x16x12x10x2x84xi32, #tpu.memory_space<hbm>> -> memref<1x1x1x10x2x84xi32, #tpu.memory_space<hbm>>
      %dma_wait3A_293 = tpu.memref_squeeze %dma_wait3A_292 : memref<1x1x1x10x2x84xi32, #tpu.memory_space<hbm>> -> memref<10x2x84xi32, #tpu.memory_space<hbm>>
      tpu.wait_dma2 semaphore(%arg13 : memref<!tpu.dma_semaphore, #tpu.memory_space<semaphore_mem>>) src(%dma_wait3A_293 : memref<10x2x84xi32, #tpu.memory_space<hbm>>) dst(%arg6 : memref<10x2x84xi32, #tpu.memory_space<vmem>>)
      %dma_start3A_294 = arith.constant 0 : i32
      %dma_start3A_295 = arith.constant 0 : i32
      %dma_start3A_296 = arith.constant 0 : i32
      %dma_start3A_297 = tpu.memref_slice %arg6[%dma_start3A_294, %dma_start3A_295, %dma_start3A_296] : memref<10x2x84xi32, #tpu.memory_space<vmem>> -> memref<1x1x84xi32, #tpu.memory_space<vmem>>
      %dma_start3A_298 = tpu.memref_squeeze %dma_start3A_297 : memref<1x1x84xi32, #tpu.memory_space<vmem>> -> memref<84xi32, #tpu.memory_space<vmem>>
      %dma_start3A_299 = arith.constant 0 : i32
      %dma_start3A_300 = arith.constant 0 : i32
      %dma_start3A_301 = tpu.memref_slice %arg2[%dma_start3A_299, %dma_start3A_300] : memref<20480x128xf32, #tpu.memory_space<hbm>> -> memref<20480x128xf32, #tpu.memory_space<hbm>>
      tpu.enqueue_indirect_dma source(%dma_start3A_301 : memref<20480x128xf32, #tpu.memory_space<hbm>>) target(%arg7 : memref<84x128xf32, #tpu.memory_space<vmem>>) offsets(%dma_start3A_298 : memref<84xi32, #tpu.memory_space<vmem>>) semaphore(%arg10 : memref<!tpu.dma_semaphore, #tpu.memory_space<semaphore_mem>>)
      %dma_wait3A_302 = arith.constant 9 : i32
      %dma_wait3A_303 = arith.constant 0 : i32
      %dma_wait3A_304 = arith.constant 0 : i32
      %dma_wait3A_305 = tpu.memref_slice %arg5[%dma_wait3A_302, %dma_wait3A_303, %dma_wait3A_304] : memref<10x2x84xi32, #tpu.memory_space<vmem>> -> memref<1x1x84xi32, #tpu.memory_space<vmem>>
      %dma_wait3A_306 = tpu.memref_squeeze %dma_wait3A_305 : memref<1x1x84xi32, #tpu.memory_space<vmem>> -> memref<84xi32, #tpu.memory_space<vmem>>
      %dma_wait3A_307 = arith.constant 0 : i32
      %dma_wait3A_308 = arith.constant 0 : i32
      %dma_wait3A_309 = tpu.memref_slice %arg2[%dma_wait3A_307, %dma_wait3A_308] : memref<20480x128xf32, #tpu.memory_space<hbm>> -> memref<20480x128xf32, #tpu.memory_space<hbm>>
      tpu.wait_indirect_dma semaphore(%arg11 : memref<!tpu.dma_semaphore, #tpu.memory_space<semaphore_mem>>) src(%dma_wait3A_309 : memref<20480x128xf32, #tpu.memory_space<hbm>>) dst(%arg8 : memref<84x128xf32, #tpu.memory_space<vmem>>)
      %run_scoped3A_310 = arith.constant 9 : i32
      %run_scoped3A_311 = arith.constant 1 : i32
      "tpu.region"() ({
        %run_scoped3A_504 = tpu.sem_alloc : memref<!tpu.dma_semaphore, #tpu.memory_space<semaphore_mem>>
        %dma_start3A_505 = arith.constant 0 : i32
        %dma_start3A_506 = tpu.memref_slice %arg5[%run_scoped3A_310, %run_scoped3A_311, %dma_start3A_505] : memref<10x2x84xi32, #tpu.memory_space<vmem>> -> memref<1x1x84xi32, #tpu.memory_space<vmem>>
        %dma_start3A_507 = tpu.memref_squeeze %dma_start3A_506 : memref<1x1x84xi32, #tpu.memory_space<vmem>> -> memref<84xi32, #tpu.memory_space<vmem>>
        %dma_start3A_508 = arith.constant 0 : i32
        %dma_start3A_509 = arith.constant 0 : i32
        %dma_start3A_510 = tpu.memref_slice %arg9[%dma_start3A_508, %dma_start3A_509] : memref<10240x128xf32, #tpu.memory_space<vmem_shared>> -> memref<10240x128xf32, #tpu.memory_space<vmem_shared>>
        tpu.enqueue_indirect_dma source(%arg8 : memref<84x128xf32, #tpu.memory_space<vmem>>) target(%dma_start3A_510 : memref<10240x128xf32, #tpu.memory_space<vmem_shared>>) offsets(%dma_start3A_507 : memref<84xi32, #tpu.memory_space<vmem>>) semaphore(%run_scoped3A_504 : memref<!tpu.dma_semaphore, #tpu.memory_space<semaphore_mem>>) {add = true}
        %dma_wait3A_511 = arith.constant 0 : i32
        %dma_wait3A_512 = tpu.memref_slice %arg5[%run_scoped3A_310, %run_scoped3A_311, %dma_wait3A_511] : memref<10x2x84xi32, #tpu.memory_space<vmem>> -> memref<1x1x84xi32, #tpu.memory_space<vmem>>
        %dma_wait3A_513 = tpu.memref_squeeze %dma_wait3A_512 : memref<1x1x84xi32, #tpu.memory_space<vmem>> -> memref<84xi32, #tpu.memory_space<vmem>>
        %dma_wait3A_514 = arith.constant 0 : i32
        %dma_wait3A_515 = arith.constant 0 : i32
        %dma_wait3A_516 = tpu.memref_slice %arg9[%dma_wait3A_514, %dma_wait3A_515] : memref<10240x128xf32, #tpu.memory_space<vmem_shared>> -> memref<10240x128xf32, #tpu.memory_space<vmem_shared>>
        tpu.wait_indirect_dma semaphore(%run_scoped3A_504 : memref<!tpu.dma_semaphore, #tpu.memory_space<semaphore_mem>>) src(%arg8 : memref<84x128xf32, #tpu.memory_space<vmem>>) dst(%dma_wait3A_516 : memref<10240x128xf32, #tpu.memory_space<vmem_shared>>)
        tpu.yield
      }) : () -> ()
      %add3A_312 = arith.constant 2 : i32
      %add3A_313 = arith.addi %add3A_120, %add3A_312 : i32
      %lt3A = arith.constant 12 : i32
      %lt3A_314 = arith.cmpi slt, %add3A_313, %lt3A : i32
      %convert_element_type3A = arith.extui %lt3A_314 : i1 to i32
      %cond3A = arith.constant 0 : i32
      %cond3A_315 = arith.cmpi ne, %convert_element_type3A, %cond3A : i32
      scf.if %cond3A_315 {
        %add3A_504 = arith.constant 2 : i32
        %add3A_505 = arith.addi %add3A_120, %add3A_504 : i32
        %dma_start3A_506 = arith.constant 0 : i32
        %dma_start3A_507 = arith.constant 0 : i32
        %dma_start3A_508 = arith.constant 0 : i32
        %dma_start3A_509 = tpu.memref_slice %arg3[%arg0, %arg1, %add3A_505, %dma_start3A_506, %dma_start3A_507, %dma_start3A_508] : memref<2x16x12x10x2x84xi32, #tpu.memory_space<hbm>> -> memref<1x1x1x10x2x84xi32, #tpu.memory_space<hbm>>
        %dma_start3A_510 = tpu.memref_squeeze %dma_start3A_509 : memref<1x1x1x10x2x84xi32, #tpu.memory_space<hbm>> -> memref<10x2x84xi32, #tpu.memory_space<hbm>>
        %dma_start3A_511 = arith.constant 0 : i32
        %dma_start3A_512 = arith.constant 0 : i32
        %dma_start3A_513 = arith.constant 0 : i32
        %dma_start3A_514 = tpu.memref_slice %arg3[%arg0, %arg1, %add3A_505, %dma_start3A_511, %dma_start3A_512, %dma_start3A_513] : memref<2x16x12x10x2x84xi32, #tpu.memory_space<hbm>> -> memref<1x1x1x10x2x84xi32, #tpu.memory_space<hbm>>
        %dma_start3A_515 = tpu.memref_squeeze %dma_start3A_514 : memref<1x1x1x10x2x84xi32, #tpu.memory_space<hbm>> -> memref<10x2x84xi32, #tpu.memory_space<hbm>>
        tpu.enqueue_dma source(%dma_start3A_515 : memref<10x2x84xi32, #tpu.memory_space<hbm>>) target(%arg5 : memref<10x2x84xi32, #tpu.memory_space<vmem>>) target_semaphore(%arg12 : memref<!tpu.dma_semaphore, #tpu.memory_space<semaphore_mem>>)
      } else {
      }
      %mul3A_316 = arith.constant 2 : i32
      %mul3A_317 = arith.muli %mul3A_316, %scan3A_116 : i32
      %add3A_318 = arith.constant 1 : i32
      %add3A_319 = arith.addi %mul3A_317, %add3A_318 : i32
      %dma_start3A_320 = arith.constant 1 : i32
      %dma_start3A_321 = arith.constant 0 : i32
      %dma_start3A_322 = arith.constant 0 : i32
      %dma_start3A_323 = tpu.memref_slice %arg6[%dma_start3A_320, %dma_start3A_321, %dma_start3A_322] : memref<10x2x84xi32, #tpu.memory_space<vmem>> -> memref<1x1x84xi32, #tpu.memory_space<vmem>>
      %dma_start3A_324 = tpu.memref_squeeze %dma_start3A_323 : memref<1x1x84xi32, #tpu.memory_space<vmem>> -> memref<84xi32, #tpu.memory_space<vmem>>
      %dma_start3A_325 = arith.constant 0 : i32
      %dma_start3A_326 = arith.constant 0 : i32
      %dma_start3A_327 = tpu.memref_slice %arg2[%dma_start3A_325, %dma_start3A_326] : memref<20480x128xf32, #tpu.memory_space<hbm>> -> memref<20480x128xf32, #tpu.memory_space<hbm>>
      tpu.enqueue_indirect_dma source(%dma_start3A_327 : memref<20480x128xf32, #tpu.memory_space<hbm>>) target(%arg8 : memref<84x128xf32, #tpu.memory_space<vmem>>) offsets(%dma_start3A_324 : memref<84xi32, #tpu.memory_space<vmem>>) semaphore(%arg11 : memref<!tpu.dma_semaphore, #tpu.memory_space<semaphore_mem>>)
      %dma_wait3A_328 = arith.constant 0 : i32
      %dma_wait3A_329 = arith.constant 0 : i32
      %dma_wait3A_330 = arith.constant 0 : i32
      %dma_wait3A_331 = tpu.memref_slice %arg6[%dma_wait3A_328, %dma_wait3A_329, %dma_wait3A_330] : memref<10x2x84xi32, #tpu.memory_space<vmem>> -> memref<1x1x84xi32, #tpu.memory_space<vmem>>
      %dma_wait3A_332 = tpu.memref_squeeze %dma_wait3A_331 : memref<1x1x84xi32, #tpu.memory_space<vmem>> -> memref<84xi32, #tpu.memory_space<vmem>>
      %dma_wait3A_333 = arith.constant 0 : i32
      %dma_wait3A_334 = arith.constant 0 : i32
      %dma_wait3A_335 = tpu.memref_slice %arg2[%dma_wait3A_333, %dma_wait3A_334] : memref<20480x128xf32, #tpu.memory_space<hbm>> -> memref<20480x128xf32, #tpu.memory_space<hbm>>
      tpu.wait_indirect_dma semaphore(%arg10 : memref<!tpu.dma_semaphore, #tpu.memory_space<semaphore_mem>>) src(%dma_wait3A_335 : memref<20480x128xf32, #tpu.memory_space<hbm>>) dst(%arg7 : memref<84x128xf32, #tpu.memory_space<vmem>>)
      %run_scoped3A_336 = arith.constant 0 : i32
      %run_scoped3A_337 = arith.constant 1 : i32
      "tpu.region"() ({
        %run_scoped3A_504 = tpu.sem_alloc : memref<!tpu.dma_semaphore, #tpu.memory_space<semaphore_mem>>
        %dma_start3A_505 = arith.constant 0 : i32
        %dma_start3A_506 = tpu.memref_slice %arg6[%run_scoped3A_336, %run_scoped3A_337, %dma_start3A_505] : memref<10x2x84xi32, #tpu.memory_space<vmem>> -> memref<1x1x84xi32, #tpu.memory_space<vmem>>
        %dma_start3A_507 = tpu.memref_squeeze %dma_start3A_506 : memref<1x1x84xi32, #tpu.memory_space<vmem>> -> memref<84xi32, #tpu.memory_space<vmem>>
        %dma_start3A_508 = arith.constant 0 : i32
        %dma_start3A_509 = arith.constant 0 : i32
        %dma_start3A_510 = tpu.memref_slice %arg9[%dma_start3A_508, %dma_start3A_509] : memref<10240x128xf32, #tpu.memory_space<vmem_shared>> -> memref<10240x128xf32, #tpu.memory_space<vmem_shared>>
        tpu.enqueue_indirect_dma source(%arg7 : memref<84x128xf32, #tpu.memory_space<vmem>>) target(%dma_start3A_510 : memref<10240x128xf32, #tpu.memory_space<vmem_shared>>) offsets(%dma_start3A_507 : memref<84xi32, #tpu.memory_space<vmem>>) semaphore(%run_scoped3A_504 : memref<!tpu.dma_semaphore, #tpu.memory_space<semaphore_mem>>) {add = true}
        %dma_wait3A_511 = arith.constant 0 : i32
        %dma_wait3A_512 = tpu.memref_slice %arg6[%run_scoped3A_336, %run_scoped3A_337, %dma_wait3A_511] : memref<10x2x84xi32, #tpu.memory_space<vmem>> -> memref<1x1x84xi32, #tpu.memory_space<vmem>>
        %dma_wait3A_513 = tpu.memref_squeeze %dma_wait3A_512 : memref<1x1x84xi32, #tpu.memory_space<vmem>> -> memref<84xi32, #tpu.memory_space<vmem>>
        %dma_wait3A_514 = arith.constant 0 : i32
        %dma_wait3A_515 = arith.constant 0 : i32
        %dma_wait3A_516 = tpu.memref_slice %arg9[%dma_wait3A_514, %dma_wait3A_515] : memref<10240x128xf32, #tpu.memory_space<vmem_shared>> -> memref<10240x128xf32, #tpu.memory_space<vmem_shared>>
        tpu.wait_indirect_dma semaphore(%run_scoped3A_504 : memref<!tpu.dma_semaphore, #tpu.memory_space<semaphore_mem>>) src(%arg7 : memref<84x128xf32, #tpu.memory_space<vmem>>) dst(%dma_wait3A_516 : memref<10240x128xf32, #tpu.memory_space<vmem_shared>>)
        tpu.yield
      }) : () -> ()
      %dma_start3A_338 = arith.constant 2 : i32
      %dma_start3A_339 = arith.constant 0 : i32
      %dma_start3A_340 = arith.constant 0 : i32
      %dma_start3A_341 = tpu.memref_slice %arg6[%dma_start3A_338, %dma_start3A_339, %dma_start3A_340] : memref<10x2x84xi32, #tpu.memory_space<vmem>> -> memref<1x1x84xi32, #tpu.memory_space<vmem>>
      %dma_start3A_342 = tpu.memref_squeeze %dma_start3A_341 : memref<1x1x84xi32, #tpu.memory_space<vmem>> -> memref<84xi32, #tpu.memory_space<vmem>>
      %dma_start3A_343 = arith.constant 0 : i32
      %dma_start3A_344 = arith.constant 0 : i32
      %dma_start3A_345 = tpu.memref_slice %arg2[%dma_start3A_343, %dma_start3A_344] : memref<20480x128xf32, #tpu.memory_space<hbm>> -> memref<20480x128xf32, #tpu.memory_space<hbm>>
      tpu.enqueue_indirect_dma source(%dma_start3A_345 : memref<20480x128xf32, #tpu.memory_space<hbm>>) target(%arg7 : memref<84x128xf32, #tpu.memory_space<vmem>>) offsets(%dma_start3A_342 : memref<84xi32, #tpu.memory_space<vmem>>) semaphore(%arg10 : memref<!tpu.dma_semaphore, #tpu.memory_space<semaphore_mem>>)
      %dma_wait3A_346 = arith.constant 1 : i32
      %dma_wait3A_347 = arith.constant 0 : i32
      %dma_wait3A_348 = arith.constant 0 : i32
      %dma_wait3A_349 = tpu.memref_slice %arg6[%dma_wait3A_346, %dma_wait3A_347, %dma_wait3A_348] : memref<10x2x84xi32, #tpu.memory_space<vmem>> -> memref<1x1x84xi32, #tpu.memory_space<vmem>>
      %dma_wait3A_350 = tpu.memref_squeeze %dma_wait3A_349 : memref<1x1x84xi32, #tpu.memory_space<vmem>> -> memref<84xi32, #tpu.memory_space<vmem>>
      %dma_wait3A_351 = arith.constant 0 : i32
      %dma_wait3A_352 = arith.constant 0 : i32
      %dma_wait3A_353 = tpu.memref_slice %arg2[%dma_wait3A_351, %dma_wait3A_352] : memref<20480x128xf32, #tpu.memory_space<hbm>> -> memref<20480x128xf32, #tpu.memory_space<hbm>>
      tpu.wait_indirect_dma semaphore(%arg11 : memref<!tpu.dma_semaphore, #tpu.memory_space<semaphore_mem>>) src(%dma_wait3A_353 : memref<20480x128xf32, #tpu.memory_space<hbm>>) dst(%arg8 : memref<84x128xf32, #tpu.memory_space<vmem>>)
      %run_scoped3A_354 = arith.constant 1 : i32
      %run_scoped3A_355 = arith.constant 1 : i32
      "tpu.region"() ({
        %run_scoped3A_504 = tpu.sem_alloc : memref<!tpu.dma_semaphore, #tpu.memory_space<semaphore_mem>>
        %dma_start3A_505 = arith.constant 0 : i32
        %dma_start3A_506 = tpu.memref_slice %arg6[%run_scoped3A_354, %run_scoped3A_355, %dma_start3A_505] : memref<10x2x84xi32, #tpu.memory_space<vmem>> -> memref<1x1x84xi32, #tpu.memory_space<vmem>>
        %dma_start3A_507 = tpu.memref_squeeze %dma_start3A_506 : memref<1x1x84xi32, #tpu.memory_space<vmem>> -> memref<84xi32, #tpu.memory_space<vmem>>
        %dma_start3A_508 = arith.constant 0 : i32
        %dma_start3A_509 = arith.constant 0 : i32
        %dma_start3A_510 = tpu.memref_slice %arg9[%dma_start3A_508, %dma_start3A_509] : memref<10240x128xf32, #tpu.memory_space<vmem_shared>> -> memref<10240x128xf32, #tpu.memory_space<vmem_shared>>
        tpu.enqueue_indirect_dma source(%arg8 : memref<84x128xf32, #tpu.memory_space<vmem>>) target(%dma_start3A_510 : memref<10240x128xf32, #tpu.memory_space<vmem_shared>>) offsets(%dma_start3A_507 : memref<84xi32, #tpu.memory_space<vmem>>) semaphore(%run_scoped3A_504 : memref<!tpu.dma_semaphore, #tpu.memory_space<semaphore_mem>>) {add = true}
        %dma_wait3A_511 = arith.constant 0 : i32
        %dma_wait3A_512 = tpu.memref_slice %arg6[%run_scoped3A_354, %run_scoped3A_355, %dma_wait3A_511] : memref<10x2x84xi32, #tpu.memory_space<vmem>> -> memref<1x1x84xi32, #tpu.memory_space<vmem>>
        %dma_wait3A_513 = tpu.memref_squeeze %dma_wait3A_512 : memref<1x1x84xi32, #tpu.memory_space<vmem>> -> memref<84xi32, #tpu.memory_space<vmem>>
        %dma_wait3A_514 = arith.constant 0 : i32
        %dma_wait3A_515 = arith.constant 0 : i32
        %dma_wait3A_516 = tpu.memref_slice %arg9[%dma_wait3A_514, %dma_wait3A_515] : memref<10240x128xf32, #tpu.memory_space<vmem_shared>> -> memref<10240x128xf32, #tpu.memory_space<vmem_shared>>
        tpu.wait_indirect_dma semaphore(%run_scoped3A_504 : memref<!tpu.dma_semaphore, #tpu.memory_space<semaphore_mem>>) src(%arg8 : memref<84x128xf32, #tpu.memory_space<vmem>>) dst(%dma_wait3A_516 : memref<10240x128xf32, #tpu.memory_space<vmem_shared>>)
        tpu.yield
      }) : () -> ()
      %dma_start3A_356 = arith.constant 3 : i32
      %dma_start3A_357 = arith.constant 0 : i32
      %dma_start3A_358 = arith.constant 0 : i32
      %dma_start3A_359 = tpu.memref_slice %arg6[%dma_start3A_356, %dma_start3A_357, %dma_start3A_358] : memref<10x2x84xi32, #tpu.memory_space<vmem>> -> memref<1x1x84xi32, #tpu.memory_space<vmem>>
      %dma_start3A_360 = tpu.memref_squeeze %dma_start3A_359 : memref<1x1x84xi32, #tpu.memory_space<vmem>> -> memref<84xi32, #tpu.memory_space<vmem>>
      %dma_start3A_361 = arith.constant 0 : i32
      %dma_start3A_362 = arith.constant 0 : i32
      %dma_start3A_363 = tpu.memref_slice %arg2[%dma_start3A_361, %dma_start3A_362] : memref<20480x128xf32, #tpu.memory_space<hbm>> -> memref<20480x128xf32, #tpu.memory_space<hbm>>
      tpu.enqueue_indirect_dma source(%dma_start3A_363 : memref<20480x128xf32, #tpu.memory_space<hbm>>) target(%arg8 : memref<84x128xf32, #tpu.memory_space<vmem>>) offsets(%dma_start3A_360 : memref<84xi32, #tpu.memory_space<vmem>>) semaphore(%arg11 : memref<!tpu.dma_semaphore, #tpu.memory_space<semaphore_mem>>)
      %dma_wait3A_364 = arith.constant 2 : i32
      %dma_wait3A_365 = arith.constant 0 : i32
      %dma_wait3A_366 = arith.constant 0 : i32
      %dma_wait3A_367 = tpu.memref_slice %arg6[%dma_wait3A_364, %dma_wait3A_365, %dma_wait3A_366] : memref<10x2x84xi32, #tpu.memory_space<vmem>> -> memref<1x1x84xi32, #tpu.memory_space<vmem>>
      %dma_wait3A_368 = tpu.memref_squeeze %dma_wait3A_367 : memref<1x1x84xi32, #tpu.memory_space<vmem>> -> memref<84xi32, #tpu.memory_space<vmem>>
      %dma_wait3A_369 = arith.constant 0 : i32
      %dma_wait3A_370 = arith.constant 0 : i32
      %dma_wait3A_371 = tpu.memref_slice %arg2[%dma_wait3A_369, %dma_wait3A_370] : memref<20480x128xf32, #tpu.memory_space<hbm>> -> memref<20480x128xf32, #tpu.memory_space<hbm>>
      tpu.wait_indirect_dma semaphore(%arg10 : memref<!tpu.dma_semaphore, #tpu.memory_space<semaphore_mem>>) src(%dma_wait3A_371 : memref<20480x128xf32, #tpu.memory_space<hbm>>) dst(%arg7 : memref<84x128xf32, #tpu.memory_space<vmem>>)
      %run_scoped3A_372 = arith.constant 2 : i32
      %run_scoped3A_373 = arith.constant 1 : i32
      "tpu.region"() ({
        %run_scoped3A_504 = tpu.sem_alloc : memref<!tpu.dma_semaphore, #tpu.memory_space<semaphore_mem>>
        %dma_start3A_505 = arith.constant 0 : i32
        %dma_start3A_506 = tpu.memref_slice %arg6[%run_scoped3A_372, %run_scoped3A_373, %dma_start3A_505] : memref<10x2x84xi32, #tpu.memory_space<vmem>> -> memref<1x1x84xi32, #tpu.memory_space<vmem>>
        %dma_start3A_507 = tpu.memref_squeeze %dma_start3A_506 : memref<1x1x84xi32, #tpu.memory_space<vmem>> -> memref<84xi32, #tpu.memory_space<vmem>>
        %dma_start3A_508 = arith.constant 0 : i32
        %dma_start3A_509 = arith.constant 0 : i32
        %dma_start3A_510 = tpu.memref_slice %arg9[%dma_start3A_508, %dma_start3A_509] : memref<10240x128xf32, #tpu.memory_space<vmem_shared>> -> memref<10240x128xf32, #tpu.memory_space<vmem_shared>>
        tpu.enqueue_indirect_dma source(%arg7 : memref<84x128xf32, #tpu.memory_space<vmem>>) target(%dma_start3A_510 : memref<10240x128xf32, #tpu.memory_space<vmem_shared>>) offsets(%dma_start3A_507 : memref<84xi32, #tpu.memory_space<vmem>>) semaphore(%run_scoped3A_504 : memref<!tpu.dma_semaphore, #tpu.memory_space<semaphore_mem>>) {add = true}
        %dma_wait3A_511 = arith.constant 0 : i32
        %dma_wait3A_512 = tpu.memref_slice %arg6[%run_scoped3A_372, %run_scoped3A_373, %dma_wait3A_511] : memref<10x2x84xi32, #tpu.memory_space<vmem>> -> memref<1x1x84xi32, #tpu.memory_space<vmem>>
        %dma_wait3A_513 = tpu.memref_squeeze %dma_wait3A_512 : memref<1x1x84xi32, #tpu.memory_space<vmem>> -> memref<84xi32, #tpu.memory_space<vmem>>
        %dma_wait3A_514 = arith.constant 0 : i32
        %dma_wait3A_515 = arith.constant 0 : i32
        %dma_wait3A_516 = tpu.memref_slice %arg9[%dma_wait3A_514, %dma_wait3A_515] : memref<10240x128xf32, #tpu.memory_space<vmem_shared>> -> memref<10240x128xf32, #tpu.memory_space<vmem_shared>>
        tpu.wait_indirect_dma semaphore(%run_scoped3A_504 : memref<!tpu.dma_semaphore, #tpu.memory_space<semaphore_mem>>) src(%arg7 : memref<84x128xf32, #tpu.memory_space<vmem>>) dst(%dma_wait3A_516 : memref<10240x128xf32, #tpu.memory_space<vmem_shared>>)
        tpu.yield
      }) : () -> ()
      %dma_start3A_374 = arith.constant 4 : i32
      %dma_start3A_375 = arith.constant 0 : i32
      %dma_start3A_376 = arith.constant 0 : i32
      %dma_start3A_377 = tpu.memref_slice %arg6[%dma_start3A_374, %dma_start3A_375, %dma_start3A_376] : memref<10x2x84xi32, #tpu.memory_space<vmem>> -> memref<1x1x84xi32, #tpu.memory_space<vmem>>
      %dma_start3A_378 = tpu.memref_squeeze %dma_start3A_377 : memref<1x1x84xi32, #tpu.memory_space<vmem>> -> memref<84xi32, #tpu.memory_space<vmem>>
      %dma_start3A_379 = arith.constant 0 : i32
      %dma_start3A_380 = arith.constant 0 : i32
      %dma_start3A_381 = tpu.memref_slice %arg2[%dma_start3A_379, %dma_start3A_380] : memref<20480x128xf32, #tpu.memory_space<hbm>> -> memref<20480x128xf32, #tpu.memory_space<hbm>>
      tpu.enqueue_indirect_dma source(%dma_start3A_381 : memref<20480x128xf32, #tpu.memory_space<hbm>>) target(%arg7 : memref<84x128xf32, #tpu.memory_space<vmem>>) offsets(%dma_start3A_378 : memref<84xi32, #tpu.memory_space<vmem>>) semaphore(%arg10 : memref<!tpu.dma_semaphore, #tpu.memory_space<semaphore_mem>>)
      %dma_wait3A_382 = arith.constant 3 : i32
      %dma_wait3A_383 = arith.constant 0 : i32
      %dma_wait3A_384 = arith.constant 0 : i32
      %dma_wait3A_385 = tpu.memref_slice %arg6[%dma_wait3A_382, %dma_wait3A_383, %dma_wait3A_384] : memref<10x2x84xi32, #tpu.memory_space<vmem>> -> memref<1x1x84xi32, #tpu.memory_space<vmem>>
      %dma_wait3A_386 = tpu.memref_squeeze %dma_wait3A_385 : memref<1x1x84xi32, #tpu.memory_space<vmem>> -> memref<84xi32, #tpu.memory_space<vmem>>
      %dma_wait3A_387 = arith.constant 0 : i32
      %dma_wait3A_388 = arith.constant 0 : i32
      %dma_wait3A_389 = tpu.memref_slice %arg2[%dma_wait3A_387, %dma_wait3A_388] : memref<20480x128xf32, #tpu.memory_space<hbm>> -> memref<20480x128xf32, #tpu.memory_space<hbm>>
      tpu.wait_indirect_dma semaphore(%arg11 : memref<!tpu.dma_semaphore, #tpu.memory_space<semaphore_mem>>) src(%dma_wait3A_389 : memref<20480x128xf32, #tpu.memory_space<hbm>>) dst(%arg8 : memref<84x128xf32, #tpu.memory_space<vmem>>)
      %run_scoped3A_390 = arith.constant 3 : i32
      %run_scoped3A_391 = arith.constant 1 : i32
      "tpu.region"() ({
        %run_scoped3A_504 = tpu.sem_alloc : memref<!tpu.dma_semaphore, #tpu.memory_space<semaphore_mem>>
        %dma_start3A_505 = arith.constant 0 : i32
        %dma_start3A_506 = tpu.memref_slice %arg6[%run_scoped3A_390, %run_scoped3A_391, %dma_start3A_505] : memref<10x2x84xi32, #tpu.memory_space<vmem>> -> memref<1x1x84xi32, #tpu.memory_space<vmem>>
        %dma_start3A_507 = tpu.memref_squeeze %dma_start3A_506 : memref<1x1x84xi32, #tpu.memory_space<vmem>> -> memref<84xi32, #tpu.memory_space<vmem>>
        %dma_start3A_508 = arith.constant 0 : i32
        %dma_start3A_509 = arith.constant 0 : i32
        %dma_start3A_510 = tpu.memref_slice %arg9[%dma_start3A_508, %dma_start3A_509] : memref<10240x128xf32, #tpu.memory_space<vmem_shared>> -> memref<10240x128xf32, #tpu.memory_space<vmem_shared>>
        tpu.enqueue_indirect_dma source(%arg8 : memref<84x128xf32, #tpu.memory_space<vmem>>) target(%dma_start3A_510 : memref<10240x128xf32, #tpu.memory_space<vmem_shared>>) offsets(%dma_start3A_507 : memref<84xi32, #tpu.memory_space<vmem>>) semaphore(%run_scoped3A_504 : memref<!tpu.dma_semaphore, #tpu.memory_space<semaphore_mem>>) {add = true}
        %dma_wait3A_511 = arith.constant 0 : i32
        %dma_wait3A_512 = tpu.memref_slice %arg6[%run_scoped3A_390, %run_scoped3A_391, %dma_wait3A_511] : memref<10x2x84xi32, #tpu.memory_space<vmem>> -> memref<1x1x84xi32, #tpu.memory_space<vmem>>
        %dma_wait3A_513 = tpu.memref_squeeze %dma_wait3A_512 : memref<1x1x84xi32, #tpu.memory_space<vmem>> -> memref<84xi32, #tpu.memory_space<vmem>>
        %dma_wait3A_514 = arith.constant 0 : i32
        %dma_wait3A_515 = arith.constant 0 : i32
        %dma_wait3A_516 = tpu.memref_slice %arg9[%dma_wait3A_514, %dma_wait3A_515] : memref<10240x128xf32, #tpu.memory_space<vmem_shared>> -> memref<10240x128xf32, #tpu.memory_space<vmem_shared>>
        tpu.wait_indirect_dma semaphore(%run_scoped3A_504 : memref<!tpu.dma_semaphore, #tpu.memory_space<semaphore_mem>>) src(%arg8 : memref<84x128xf32, #tpu.memory_space<vmem>>) dst(%dma_wait3A_516 : memref<10240x128xf32, #tpu.memory_space<vmem_shared>>)
        tpu.yield
      }) : () -> ()
      %dma_start3A_392 = arith.constant 5 : i32
      %dma_start3A_393 = arith.constant 0 : i32
      %dma_start3A_394 = arith.constant 0 : i32
      %dma_start3A_395 = tpu.memref_slice %arg6[%dma_start3A_392, %dma_start3A_393, %dma_start3A_394] : memref<10x2x84xi32, #tpu.memory_space<vmem>> -> memref<1x1x84xi32, #tpu.memory_space<vmem>>
      %dma_start3A_396 = tpu.memref_squeeze %dma_start3A_395 : memref<1x1x84xi32, #tpu.memory_space<vmem>> -> memref<84xi32, #tpu.memory_space<vmem>>
      %dma_start3A_397 = arith.constant 0 : i32
      %dma_start3A_398 = arith.constant 0 : i32
      %dma_start3A_399 = tpu.memref_slice %arg2[%dma_start3A_397, %dma_start3A_398] : memref<20480x128xf32, #tpu.memory_space<hbm>> -> memref<20480x128xf32, #tpu.memory_space<hbm>>
      tpu.enqueue_indirect_dma source(%dma_start3A_399 : memref<20480x128xf32, #tpu.memory_space<hbm>>) target(%arg8 : memref<84x128xf32, #tpu.memory_space<vmem>>) offsets(%dma_start3A_396 : memref<84xi32, #tpu.memory_space<vmem>>) semaphore(%arg11 : memref<!tpu.dma_semaphore, #tpu.memory_space<semaphore_mem>>)
      %dma_wait3A_400 = arith.constant 4 : i32
      %dma_wait3A_401 = arith.constant 0 : i32
      %dma_wait3A_402 = arith.constant 0 : i32
      %dma_wait3A_403 = tpu.memref_slice %arg6[%dma_wait3A_400, %dma_wait3A_401, %dma_wait3A_402] : memref<10x2x84xi32, #tpu.memory_space<vmem>> -> memref<1x1x84xi32, #tpu.memory_space<vmem>>
      %dma_wait3A_404 = tpu.memref_squeeze %dma_wait3A_403 : memref<1x1x84xi32, #tpu.memory_space<vmem>> -> memref<84xi32, #tpu.memory_space<vmem>>
      %dma_wait3A_405 = arith.constant 0 : i32
      %dma_wait3A_406 = arith.constant 0 : i32
      %dma_wait3A_407 = tpu.memref_slice %arg2[%dma_wait3A_405, %dma_wait3A_406] : memref<20480x128xf32, #tpu.memory_space<hbm>> -> memref<20480x128xf32, #tpu.memory_space<hbm>>
      tpu.wait_indirect_dma semaphore(%arg10 : memref<!tpu.dma_semaphore, #tpu.memory_space<semaphore_mem>>) src(%dma_wait3A_407 : memref<20480x128xf32, #tpu.memory_space<hbm>>) dst(%arg7 : memref<84x128xf32, #tpu.memory_space<vmem>>)
      %run_scoped3A_408 = arith.constant 4 : i32
      %run_scoped3A_409 = arith.constant 1 : i32
      "tpu.region"() ({
        %run_scoped3A_504 = tpu.sem_alloc : memref<!tpu.dma_semaphore, #tpu.memory_space<semaphore_mem>>
        %dma_start3A_505 = arith.constant 0 : i32
        %dma_start3A_506 = tpu.memref_slice %arg6[%run_scoped3A_408, %run_scoped3A_409, %dma_start3A_505] : memref<10x2x84xi32, #tpu.memory_space<vmem>> -> memref<1x1x84xi32, #tpu.memory_space<vmem>>
        %dma_start3A_507 = tpu.memref_squeeze %dma_start3A_506 : memref<1x1x84xi32, #tpu.memory_space<vmem>> -> memref<84xi32, #tpu.memory_space<vmem>>
        %dma_start3A_508 = arith.constant 0 : i32
        %dma_start3A_509 = arith.constant 0 : i32
        %dma_start3A_510 = tpu.memref_slice %arg9[%dma_start3A_508, %dma_start3A_509] : memref<10240x128xf32, #tpu.memory_space<vmem_shared>> -> memref<10240x128xf32, #tpu.memory_space<vmem_shared>>
        tpu.enqueue_indirect_dma source(%arg7 : memref<84x128xf32, #tpu.memory_space<vmem>>) target(%dma_start3A_510 : memref<10240x128xf32, #tpu.memory_space<vmem_shared>>) offsets(%dma_start3A_507 : memref<84xi32, #tpu.memory_space<vmem>>) semaphore(%run_scoped3A_504 : memref<!tpu.dma_semaphore, #tpu.memory_space<semaphore_mem>>) {add = true}
        %dma_wait3A_511 = arith.constant 0 : i32
        %dma_wait3A_512 = tpu.memref_slice %arg6[%run_scoped3A_408, %run_scoped3A_409, %dma_wait3A_511] : memref<10x2x84xi32, #tpu.memory_space<vmem>> -> memref<1x1x84xi32, #tpu.memory_space<vmem>>
        %dma_wait3A_513 = tpu.memref_squeeze %dma_wait3A_512 : memref<1x1x84xi32, #tpu.memory_space<vmem>> -> memref<84xi32, #tpu.memory_space<vmem>>
        %dma_wait3A_514 = arith.constant 0 : i32
        %dma_wait3A_515 = arith.constant 0 : i32
        %dma_wait3A_516 = tpu.memref_slice %arg9[%dma_wait3A_514, %dma_wait3A_515] : memref<10240x128xf32, #tpu.memory_space<vmem_shared>> -> memref<10240x128xf32, #tpu.memory_space<vmem_shared>>
        tpu.wait_indirect_dma semaphore(%run_scoped3A_504 : memref<!tpu.dma_semaphore, #tpu.memory_space<semaphore_mem>>) src(%arg7 : memref<84x128xf32, #tpu.memory_space<vmem>>) dst(%dma_wait3A_516 : memref<10240x128xf32, #tpu.memory_space<vmem_shared>>)
        tpu.yield
      }) : () -> ()
      %dma_start3A_410 = arith.constant 6 : i32
      %dma_start3A_411 = arith.constant 0 : i32
      %dma_start3A_412 = arith.constant 0 : i32
      %dma_start3A_413 = tpu.memref_slice %arg6[%dma_start3A_410, %dma_start3A_411, %dma_start3A_412] : memref<10x2x84xi32, #tpu.memory_space<vmem>> -> memref<1x1x84xi32, #tpu.memory_space<vmem>>
      %dma_start3A_414 = tpu.memref_squeeze %dma_start3A_413 : memref<1x1x84xi32, #tpu.memory_space<vmem>> -> memref<84xi32, #tpu.memory_space<vmem>>
      %dma_start3A_415 = arith.constant 0 : i32
      %dma_start3A_416 = arith.constant 0 : i32
      %dma_start3A_417 = tpu.memref_slice %arg2[%dma_start3A_415, %dma_start3A_416] : memref<20480x128xf32, #tpu.memory_space<hbm>> -> memref<20480x128xf32, #tpu.memory_space<hbm>>
      tpu.enqueue_indirect_dma source(%dma_start3A_417 : memref<20480x128xf32, #tpu.memory_space<hbm>>) target(%arg7 : memref<84x128xf32, #tpu.memory_space<vmem>>) offsets(%dma_start3A_414 : memref<84xi32, #tpu.memory_space<vmem>>) semaphore(%arg10 : memref<!tpu.dma_semaphore, #tpu.memory_space<semaphore_mem>>)
      %dma_wait3A_418 = arith.constant 5 : i32
      %dma_wait3A_419 = arith.constant 0 : i32
      %dma_wait3A_420 = arith.constant 0 : i32
      %dma_wait3A_421 = tpu.memref_slice %arg6[%dma_wait3A_418, %dma_wait3A_419, %dma_wait3A_420] : memref<10x2x84xi32, #tpu.memory_space<vmem>> -> memref<1x1x84xi32, #tpu.memory_space<vmem>>
      %dma_wait3A_422 = tpu.memref_squeeze %dma_wait3A_421 : memref<1x1x84xi32, #tpu.memory_space<vmem>> -> memref<84xi32, #tpu.memory_space<vmem>>
      %dma_wait3A_423 = arith.constant 0 : i32
      %dma_wait3A_424 = arith.constant 0 : i32
      %dma_wait3A_425 = tpu.memref_slice %arg2[%dma_wait3A_423, %dma_wait3A_424] : memref<20480x128xf32, #tpu.memory_space<hbm>> -> memref<20480x128xf32, #tpu.memory_space<hbm>>
      tpu.wait_indirect_dma semaphore(%arg11 : memref<!tpu.dma_semaphore, #tpu.memory_space<semaphore_mem>>) src(%dma_wait3A_425 : memref<20480x128xf32, #tpu.memory_space<hbm>>) dst(%arg8 : memref<84x128xf32, #tpu.memory_space<vmem>>)
      %run_scoped3A_426 = arith.constant 5 : i32
      %run_scoped3A_427 = arith.constant 1 : i32
      "tpu.region"() ({
        %run_scoped3A_504 = tpu.sem_alloc : memref<!tpu.dma_semaphore, #tpu.memory_space<semaphore_mem>>
        %dma_start3A_505 = arith.constant 0 : i32
        %dma_start3A_506 = tpu.memref_slice %arg6[%run_scoped3A_426, %run_scoped3A_427, %dma_start3A_505] : memref<10x2x84xi32, #tpu.memory_space<vmem>> -> memref<1x1x84xi32, #tpu.memory_space<vmem>>
        %dma_start3A_507 = tpu.memref_squeeze %dma_start3A_506 : memref<1x1x84xi32, #tpu.memory_space<vmem>> -> memref<84xi32, #tpu.memory_space<vmem>>
        %dma_start3A_508 = arith.constant 0 : i32
        %dma_start3A_509 = arith.constant 0 : i32
        %dma_start3A_510 = tpu.memref_slice %arg9[%dma_start3A_508, %dma_start3A_509] : memref<10240x128xf32, #tpu.memory_space<vmem_shared>> -> memref<10240x128xf32, #tpu.memory_space<vmem_shared>>
        tpu.enqueue_indirect_dma source(%arg8 : memref<84x128xf32, #tpu.memory_space<vmem>>) target(%dma_start3A_510 : memref<10240x128xf32, #tpu.memory_space<vmem_shared>>) offsets(%dma_start3A_507 : memref<84xi32, #tpu.memory_space<vmem>>) semaphore(%run_scoped3A_504 : memref<!tpu.dma_semaphore, #tpu.memory_space<semaphore_mem>>) {add = true}
        %dma_wait3A_511 = arith.constant 0 : i32
        %dma_wait3A_512 = tpu.memref_slice %arg6[%run_scoped3A_426, %run_scoped3A_427, %dma_wait3A_511] : memref<10x2x84xi32, #tpu.memory_space<vmem>> -> memref<1x1x84xi32, #tpu.memory_space<vmem>>
        %dma_wait3A_513 = tpu.memref_squeeze %dma_wait3A_512 : memref<1x1x84xi32, #tpu.memory_space<vmem>> -> memref<84xi32, #tpu.memory_space<vmem>>
        %dma_wait3A_514 = arith.constant 0 : i32
        %dma_wait3A_515 = arith.constant 0 : i32
        %dma_wait3A_516 = tpu.memref_slice %arg9[%dma_wait3A_514, %dma_wait3A_515] : memref<10240x128xf32, #tpu.memory_space<vmem_shared>> -> memref<10240x128xf32, #tpu.memory_space<vmem_shared>>
        tpu.wait_indirect_dma semaphore(%run_scoped3A_504 : memref<!tpu.dma_semaphore, #tpu.memory_space<semaphore_mem>>) src(%arg8 : memref<84x128xf32, #tpu.memory_space<vmem>>) dst(%dma_wait3A_516 : memref<10240x128xf32, #tpu.memory_space<vmem_shared>>)
        tpu.yield
      }) : () -> ()
      %dma_start3A_428 = arith.constant 7 : i32
      %dma_start3A_429 = arith.constant 0 : i32
      %dma_start3A_430 = arith.constant 0 : i32
      %dma_start3A_431 = tpu.memref_slice %arg6[%dma_start3A_428, %dma_start3A_429, %dma_start3A_430] : memref<10x2x84xi32, #tpu.memory_space<vmem>> -> memref<1x1x84xi32, #tpu.memory_space<vmem>>
      %dma_start3A_432 = tpu.memref_squeeze %dma_start3A_431 : memref<1x1x84xi32, #tpu.memory_space<vmem>> -> memref<84xi32, #tpu.memory_space<vmem>>
      %dma_start3A_433 = arith.constant 0 : i32
      %dma_start3A_434 = arith.constant 0 : i32
      %dma_start3A_435 = tpu.memref_slice %arg2[%dma_start3A_433, %dma_start3A_434] : memref<20480x128xf32, #tpu.memory_space<hbm>> -> memref<20480x128xf32, #tpu.memory_space<hbm>>
      tpu.enqueue_indirect_dma source(%dma_start3A_435 : memref<20480x128xf32, #tpu.memory_space<hbm>>) target(%arg8 : memref<84x128xf32, #tpu.memory_space<vmem>>) offsets(%dma_start3A_432 : memref<84xi32, #tpu.memory_space<vmem>>) semaphore(%arg11 : memref<!tpu.dma_semaphore, #tpu.memory_space<semaphore_mem>>)
      %dma_wait3A_436 = arith.constant 6 : i32
      %dma_wait3A_437 = arith.constant 0 : i32
      %dma_wait3A_438 = arith.constant 0 : i32
      %dma_wait3A_439 = tpu.memref_slice %arg6[%dma_wait3A_436, %dma_wait3A_437, %dma_wait3A_438] : memref<10x2x84xi32, #tpu.memory_space<vmem>> -> memref<1x1x84xi32, #tpu.memory_space<vmem>>
      %dma_wait3A_440 = tpu.memref_squeeze %dma_wait3A_439 : memref<1x1x84xi32, #tpu.memory_space<vmem>> -> memref<84xi32, #tpu.memory_space<vmem>>
      %dma_wait3A_441 = arith.constant 0 : i32
      %dma_wait3A_442 = arith.constant 0 : i32
      %dma_wait3A_443 = tpu.memref_slice %arg2[%dma_wait3A_441, %dma_wait3A_442] : memref<20480x128xf32, #tpu.memory_space<hbm>> -> memref<20480x128xf32, #tpu.memory_space<hbm>>
      tpu.wait_indirect_dma semaphore(%arg10 : memref<!tpu.dma_semaphore, #tpu.memory_space<semaphore_mem>>) src(%dma_wait3A_443 : memref<20480x128xf32, #tpu.memory_space<hbm>>) dst(%arg7 : memref<84x128xf32, #tpu.memory_space<vmem>>)
      %run_scoped3A_444 = arith.constant 6 : i32
      %run_scoped3A_445 = arith.constant 1 : i32
      "tpu.region"() ({
        %run_scoped3A_504 = tpu.sem_alloc : memref<!tpu.dma_semaphore, #tpu.memory_space<semaphore_mem>>
        %dma_start3A_505 = arith.constant 0 : i32
        %dma_start3A_506 = tpu.memref_slice %arg6[%run_scoped3A_444, %run_scoped3A_445, %dma_start3A_505] : memref<10x2x84xi32, #tpu.memory_space<vmem>> -> memref<1x1x84xi32, #tpu.memory_space<vmem>>
        %dma_start3A_507 = tpu.memref_squeeze %dma_start3A_506 : memref<1x1x84xi32, #tpu.memory_space<vmem>> -> memref<84xi32, #tpu.memory_space<vmem>>
        %dma_start3A_508 = arith.constant 0 : i32
        %dma_start3A_509 = arith.constant 0 : i32
        %dma_start3A_510 = tpu.memref_slice %arg9[%dma_start3A_508, %dma_start3A_509] : memref<10240x128xf32, #tpu.memory_space<vmem_shared>> -> memref<10240x128xf32, #tpu.memory_space<vmem_shared>>
        tpu.enqueue_indirect_dma source(%arg7 : memref<84x128xf32, #tpu.memory_space<vmem>>) target(%dma_start3A_510 : memref<10240x128xf32, #tpu.memory_space<vmem_shared>>) offsets(%dma_start3A_507 : memref<84xi32, #tpu.memory_space<vmem>>) semaphore(%run_scoped3A_504 : memref<!tpu.dma_semaphore, #tpu.memory_space<semaphore_mem>>) {add = true}
        %dma_wait3A_511 = arith.constant 0 : i32
        %dma_wait3A_512 = tpu.memref_slice %arg6[%run_scoped3A_444, %run_scoped3A_445, %dma_wait3A_511] : memref<10x2x84xi32, #tpu.memory_space<vmem>> -> memref<1x1x84xi32, #tpu.memory_space<vmem>>
        %dma_wait3A_513 = tpu.memref_squeeze %dma_wait3A_512 : memref<1x1x84xi32, #tpu.memory_space<vmem>> -> memref<84xi32, #tpu.memory_space<vmem>>
        %dma_wait3A_514 = arith.constant 0 : i32
        %dma_wait3A_515 = arith.constant 0 : i32
        %dma_wait3A_516 = tpu.memref_slice %arg9[%dma_wait3A_514, %dma_wait3A_515] : memref<10240x128xf32, #tpu.memory_space<vmem_shared>> -> memref<10240x128xf32, #tpu.memory_space<vmem_shared>>
        tpu.wait_indirect_dma semaphore(%run_scoped3A_504 : memref<!tpu.dma_semaphore, #tpu.memory_space<semaphore_mem>>) src(%arg7 : memref<84x128xf32, #tpu.memory_space<vmem>>) dst(%dma_wait3A_516 : memref<10240x128xf32, #tpu.memory_space<vmem_shared>>)
        tpu.yield
      }) : () -> ()
      %dma_start3A_446 = arith.constant 8 : i32
      %dma_start3A_447 = arith.constant 0 : i32
      %dma_start3A_448 = arith.constant 0 : i32
      %dma_start3A_449 = tpu.memref_slice %arg6[%dma_start3A_446, %dma_start3A_447, %dma_start3A_448] : memref<10x2x84xi32, #tpu.memory_space<vmem>> -> memref<1x1x84xi32, #tpu.memory_space<vmem>>
      %dma_start3A_450 = tpu.memref_squeeze %dma_start3A_449 : memref<1x1x84xi32, #tpu.memory_space<vmem>> -> memref<84xi32, #tpu.memory_space<vmem>>
      %dma_start3A_451 = arith.constant 0 : i32
      %dma_start3A_452 = arith.constant 0 : i32
      %dma_start3A_453 = tpu.memref_slice %arg2[%dma_start3A_451, %dma_start3A_452] : memref<20480x128xf32, #tpu.memory_space<hbm>> -> memref<20480x128xf32, #tpu.memory_space<hbm>>
      tpu.enqueue_indirect_dma source(%dma_start3A_453 : memref<20480x128xf32, #tpu.memory_space<hbm>>) target(%arg7 : memref<84x128xf32, #tpu.memory_space<vmem>>) offsets(%dma_start3A_450 : memref<84xi32, #tpu.memory_space<vmem>>) semaphore(%arg10 : memref<!tpu.dma_semaphore, #tpu.memory_space<semaphore_mem>>)
      %dma_wait3A_454 = arith.constant 7 : i32
      %dma_wait3A_455 = arith.constant 0 : i32
      %dma_wait3A_456 = arith.constant 0 : i32
      %dma_wait3A_457 = tpu.memref_slice %arg6[%dma_wait3A_454, %dma_wait3A_455, %dma_wait3A_456] : memref<10x2x84xi32, #tpu.memory_space<vmem>> -> memref<1x1x84xi32, #tpu.memory_space<vmem>>
      %dma_wait3A_458 = tpu.memref_squeeze %dma_wait3A_457 : memref<1x1x84xi32, #tpu.memory_space<vmem>> -> memref<84xi32, #tpu.memory_space<vmem>>
      %dma_wait3A_459 = arith.constant 0 : i32
      %dma_wait3A_460 = arith.constant 0 : i32
      %dma_wait3A_461 = tpu.memref_slice %arg2[%dma_wait3A_459, %dma_wait3A_460] : memref<20480x128xf32, #tpu.memory_space<hbm>> -> memref<20480x128xf32, #tpu.memory_space<hbm>>
      tpu.wait_indirect_dma semaphore(%arg11 : memref<!tpu.dma_semaphore, #tpu.memory_space<semaphore_mem>>) src(%dma_wait3A_461 : memref<20480x128xf32, #tpu.memory_space<hbm>>) dst(%arg8 : memref<84x128xf32, #tpu.memory_space<vmem>>)
      %run_scoped3A_462 = arith.constant 7 : i32
      %run_scoped3A_463 = arith.constant 1 : i32
      "tpu.region"() ({
        %run_scoped3A_504 = tpu.sem_alloc : memref<!tpu.dma_semaphore, #tpu.memory_space<semaphore_mem>>
        %dma_start3A_505 = arith.constant 0 : i32
        %dma_start3A_506 = tpu.memref_slice %arg6[%run_scoped3A_462, %run_scoped3A_463, %dma_start3A_505] : memref<10x2x84xi32, #tpu.memory_space<vmem>> -> memref<1x1x84xi32, #tpu.memory_space<vmem>>
        %dma_start3A_507 = tpu.memref_squeeze %dma_start3A_506 : memref<1x1x84xi32, #tpu.memory_space<vmem>> -> memref<84xi32, #tpu.memory_space<vmem>>
        %dma_start3A_508 = arith.constant 0 : i32
        %dma_start3A_509 = arith.constant 0 : i32
        %dma_start3A_510 = tpu.memref_slice %arg9[%dma_start3A_508, %dma_start3A_509] : memref<10240x128xf32, #tpu.memory_space<vmem_shared>> -> memref<10240x128xf32, #tpu.memory_space<vmem_shared>>
        tpu.enqueue_indirect_dma source(%arg8 : memref<84x128xf32, #tpu.memory_space<vmem>>) target(%dma_start3A_510 : memref<10240x128xf32, #tpu.memory_space<vmem_shared>>) offsets(%dma_start3A_507 : memref<84xi32, #tpu.memory_space<vmem>>) semaphore(%run_scoped3A_504 : memref<!tpu.dma_semaphore, #tpu.memory_space<semaphore_mem>>) {add = true}
        %dma_wait3A_511 = arith.constant 0 : i32
        %dma_wait3A_512 = tpu.memref_slice %arg6[%run_scoped3A_462, %run_scoped3A_463, %dma_wait3A_511] : memref<10x2x84xi32, #tpu.memory_space<vmem>> -> memref<1x1x84xi32, #tpu.memory_space<vmem>>
        %dma_wait3A_513 = tpu.memref_squeeze %dma_wait3A_512 : memref<1x1x84xi32, #tpu.memory_space<vmem>> -> memref<84xi32, #tpu.memory_space<vmem>>
        %dma_wait3A_514 = arith.constant 0 : i32
        %dma_wait3A_515 = arith.constant 0 : i32
        %dma_wait3A_516 = tpu.memref_slice %arg9[%dma_wait3A_514, %dma_wait3A_515] : memref<10240x128xf32, #tpu.memory_space<vmem_shared>> -> memref<10240x128xf32, #tpu.memory_space<vmem_shared>>
        tpu.wait_indirect_dma semaphore(%run_scoped3A_504 : memref<!tpu.dma_semaphore, #tpu.memory_space<semaphore_mem>>) src(%arg8 : memref<84x128xf32, #tpu.memory_space<vmem>>) dst(%dma_wait3A_516 : memref<10240x128xf32, #tpu.memory_space<vmem_shared>>)
        tpu.yield
      }) : () -> ()
      %dma_start3A_464 = arith.constant 9 : i32
      %dma_start3A_465 = arith.constant 0 : i32
      %dma_start3A_466 = arith.constant 0 : i32
      %dma_start3A_467 = tpu.memref_slice %arg6[%dma_start3A_464, %dma_start3A_465, %dma_start3A_466] : memref<10x2x84xi32, #tpu.memory_space<vmem>> -> memref<1x1x84xi32, #tpu.memory_space<vmem>>
      %dma_start3A_468 = tpu.memref_squeeze %dma_start3A_467 : memref<1x1x84xi32, #tpu.memory_space<vmem>> -> memref<84xi32, #tpu.memory_space<vmem>>
      %dma_start3A_469 = arith.constant 0 : i32
      %dma_start3A_470 = arith.constant 0 : i32
      %dma_start3A_471 = tpu.memref_slice %arg2[%dma_start3A_469, %dma_start3A_470] : memref<20480x128xf32, #tpu.memory_space<hbm>> -> memref<20480x128xf32, #tpu.memory_space<hbm>>
      tpu.enqueue_indirect_dma source(%dma_start3A_471 : memref<20480x128xf32, #tpu.memory_space<hbm>>) target(%arg8 : memref<84x128xf32, #tpu.memory_space<vmem>>) offsets(%dma_start3A_468 : memref<84xi32, #tpu.memory_space<vmem>>) semaphore(%arg11 : memref<!tpu.dma_semaphore, #tpu.memory_space<semaphore_mem>>)
      %dma_wait3A_472 = arith.constant 8 : i32
      %dma_wait3A_473 = arith.constant 0 : i32
      %dma_wait3A_474 = arith.constant 0 : i32
      %dma_wait3A_475 = tpu.memref_slice %arg6[%dma_wait3A_472, %dma_wait3A_473, %dma_wait3A_474] : memref<10x2x84xi32, #tpu.memory_space<vmem>> -> memref<1x1x84xi32, #tpu.memory_space<vmem>>
      %dma_wait3A_476 = tpu.memref_squeeze %dma_wait3A_475 : memref<1x1x84xi32, #tpu.memory_space<vmem>> -> memref<84xi32, #tpu.memory_space<vmem>>
      %dma_wait3A_477 = arith.constant 0 : i32
      %dma_wait3A_478 = arith.constant 0 : i32
      %dma_wait3A_479 = tpu.memref_slice %arg2[%dma_wait3A_477, %dma_wait3A_478] : memref<20480x128xf32, #tpu.memory_space<hbm>> -> memref<20480x128xf32, #tpu.memory_space<hbm>>
      tpu.wait_indirect_dma semaphore(%arg10 : memref<!tpu.dma_semaphore, #tpu.memory_space<semaphore_mem>>) src(%dma_wait3A_479 : memref<20480x128xf32, #tpu.memory_space<hbm>>) dst(%arg7 : memref<84x128xf32, #tpu.memory_space<vmem>>)
      %run_scoped3A_480 = arith.constant 8 : i32
      %run_scoped3A_481 = arith.constant 1 : i32
      "tpu.region"() ({
        %run_scoped3A_504 = tpu.sem_alloc : memref<!tpu.dma_semaphore, #tpu.memory_space<semaphore_mem>>
        %dma_start3A_505 = arith.constant 0 : i32
        %dma_start3A_506 = tpu.memref_slice %arg6[%run_scoped3A_480, %run_scoped3A_481, %dma_start3A_505] : memref<10x2x84xi32, #tpu.memory_space<vmem>> -> memref<1x1x84xi32, #tpu.memory_space<vmem>>
        %dma_start3A_507 = tpu.memref_squeeze %dma_start3A_506 : memref<1x1x84xi32, #tpu.memory_space<vmem>> -> memref<84xi32, #tpu.memory_space<vmem>>
        %dma_start3A_508 = arith.constant 0 : i32
        %dma_start3A_509 = arith.constant 0 : i32
        %dma_start3A_510 = tpu.memref_slice %arg9[%dma_start3A_508, %dma_start3A_509] : memref<10240x128xf32, #tpu.memory_space<vmem_shared>> -> memref<10240x128xf32, #tpu.memory_space<vmem_shared>>
        tpu.enqueue_indirect_dma source(%arg7 : memref<84x128xf32, #tpu.memory_space<vmem>>) target(%dma_start3A_510 : memref<10240x128xf32, #tpu.memory_space<vmem_shared>>) offsets(%dma_start3A_507 : memref<84xi32, #tpu.memory_space<vmem>>) semaphore(%run_scoped3A_504 : memref<!tpu.dma_semaphore, #tpu.memory_space<semaphore_mem>>) {add = true}
        %dma_wait3A_511 = arith.constant 0 : i32
        %dma_wait3A_512 = tpu.memref_slice %arg6[%run_scoped3A_480, %run_scoped3A_481, %dma_wait3A_511] : memref<10x2x84xi32, #tpu.memory_space<vmem>> -> memref<1x1x84xi32, #tpu.memory_space<vmem>>
        %dma_wait3A_513 = tpu.memref_squeeze %dma_wait3A_512 : memref<1x1x84xi32, #tpu.memory_space<vmem>> -> memref<84xi32, #tpu.memory_space<vmem>>
        %dma_wait3A_514 = arith.constant 0 : i32
        %dma_wait3A_515 = arith.constant 0 : i32
        %dma_wait3A_516 = tpu.memref_slice %arg9[%dma_wait3A_514, %dma_wait3A_515] : memref<10240x128xf32, #tpu.memory_space<vmem_shared>> -> memref<10240x128xf32, #tpu.memory_space<vmem_shared>>
        tpu.wait_indirect_dma semaphore(%run_scoped3A_504 : memref<!tpu.dma_semaphore, #tpu.memory_space<semaphore_mem>>) src(%arg7 : memref<84x128xf32, #tpu.memory_space<vmem>>) dst(%dma_wait3A_516 : memref<10240x128xf32, #tpu.memory_space<vmem_shared>>)
        tpu.yield
      }) : () -> ()
      %lt3A_482 = arith.constant 5 : i32
      %lt3A_483 = arith.cmpi slt, %scan3A_116, %lt3A_482 : i32
      %convert_element_type3A_484 = arith.extui %lt3A_483 : i1 to i32
      %cond3A_485 = arith.constant 0 : i32
      %cond3A_486 = arith.cmpi ne, %convert_element_type3A_484, %cond3A_485 : i32
      scf.if %cond3A_486 {
        %add3A_504 = arith.constant 1 : i32
        %add3A_505 = arith.addi %add3A_319, %add3A_504 : i32
        %dma_wait3A_506 = arith.constant 0 : i32
        %dma_wait3A_507 = arith.constant 0 : i32
        %dma_wait3A_508 = arith.constant 0 : i32
        %dma_wait3A_509 = tpu.memref_slice %arg3[%arg0, %arg1, %add3A_505, %dma_wait3A_506, %dma_wait3A_507, %dma_wait3A_508] : memref<2x16x12x10x2x84xi32, #tpu.memory_space<hbm>> -> memref<1x1x1x10x2x84xi32, #tpu.memory_space<hbm>>
        %dma_wait3A_510 = tpu.memref_squeeze %dma_wait3A_509 : memref<1x1x1x10x2x84xi32, #tpu.memory_space<hbm>> -> memref<10x2x84xi32, #tpu.memory_space<hbm>>
        %dma_wait3A_511 = arith.constant 0 : i32
        %dma_wait3A_512 = arith.constant 0 : i32
        %dma_wait3A_513 = arith.constant 0 : i32
        %dma_wait3A_514 = tpu.memref_slice %arg3[%arg0, %arg1, %add3A_505, %dma_wait3A_511, %dma_wait3A_512, %dma_wait3A_513] : memref<2x16x12x10x2x84xi32, #tpu.memory_space<hbm>> -> memref<1x1x1x10x2x84xi32, #tpu.memory_space<hbm>>
        %dma_wait3A_515 = tpu.memref_squeeze %dma_wait3A_514 : memref<1x1x1x10x2x84xi32, #tpu.memory_space<hbm>> -> memref<10x2x84xi32, #tpu.memory_space<hbm>>
        tpu.wait_dma2 semaphore(%arg12 : memref<!tpu.dma_semaphore, #tpu.memory_space<semaphore_mem>>) src(%dma_wait3A_515 : memref<10x2x84xi32, #tpu.memory_space<hbm>>) dst(%arg5 : memref<10x2x84xi32, #tpu.memory_space<vmem>>)
        %dma_start3A_516 = arith.constant 0 : i32
        %dma_start3A_517 = arith.constant 0 : i32
        %dma_start3A_518 = arith.constant 0 : i32
        %dma_start3A_519 = tpu.memref_slice %arg5[%dma_start3A_516, %dma_start3A_517, %dma_start3A_518] : memref<10x2x84xi32, #tpu.memory_space<vmem>> -> memref<1x1x84xi32, #tpu.memory_space<vmem>>
        %dma_start3A_520 = tpu.memref_squeeze %dma_start3A_519 : memref<1x1x84xi32, #tpu.memory_space<vmem>> -> memref<84xi32, #tpu.memory_space<vmem>>
        %dma_start3A_521 = arith.constant 0 : i32
        %dma_start3A_522 = arith.constant 0 : i32
        %dma_start3A_523 = tpu.memref_slice %arg2[%dma_start3A_521, %dma_start3A_522] : memref<20480x128xf32, #tpu.memory_space<hbm>> -> memref<20480x128xf32, #tpu.memory_space<hbm>>
        tpu.enqueue_indirect_dma source(%dma_start3A_523 : memref<20480x128xf32, #tpu.memory_space<hbm>>) target(%arg7 : memref<84x128xf32, #tpu.memory_space<vmem>>) offsets(%dma_start3A_520 : memref<84xi32, #tpu.memory_space<vmem>>) semaphore(%arg10 : memref<!tpu.dma_semaphore, #tpu.memory_space<semaphore_mem>>)
      } else {
      }
      %dma_wait3A_487 = arith.constant 9 : i32
      %dma_wait3A_488 = arith.constant 0 : i32
      %dma_wait3A_489 = arith.constant 0 : i32
      %dma_wait3A_490 = tpu.memref_slice %arg6[%dma_wait3A_487, %dma_wait3A_488, %dma_wait3A_489] : memref<10x2x84xi32, #tpu.memory_space<vmem>> -> memref<1x1x84xi32, #tpu.memory_space<vmem>>
      %dma_wait3A_491 = tpu.memref_squeeze %dma_wait3A_490 : memref<1x1x84xi32, #tpu.memory_space<vmem>> -> memref<84xi32, #tpu.memory_space<vmem>>
      %dma_wait3A_492 = arith.constant 0 : i32
      %dma_wait3A_493 = arith.constant 0 : i32
      %dma_wait3A_494 = tpu.memref_slice %arg2[%dma_wait3A_492, %dma_wait3A_493] : memref<20480x128xf32, #tpu.memory_space<hbm>> -> memref<20480x128xf32, #tpu.memory_space<hbm>>
      tpu.wait_indirect_dma semaphore(%arg11 : memref<!tpu.dma_semaphore, #tpu.memory_space<semaphore_mem>>) src(%dma_wait3A_494 : memref<20480x128xf32, #tpu.memory_space<hbm>>) dst(%arg8 : memref<84x128xf32, #tpu.memory_space<vmem>>)
      %run_scoped3A_495 = arith.constant 9 : i32
      %run_scoped3A_496 = arith.constant 1 : i32
      "tpu.region"() ({
        %run_scoped3A_504 = tpu.sem_alloc : memref<!tpu.dma_semaphore, #tpu.memory_space<semaphore_mem>>
        %dma_start3A_505 = arith.constant 0 : i32
        %dma_start3A_506 = tpu.memref_slice %arg6[%run_scoped3A_495, %run_scoped3A_496, %dma_start3A_505] : memref<10x2x84xi32, #tpu.memory_space<vmem>> -> memref<1x1x84xi32, #tpu.memory_space<vmem>>
        %dma_start3A_507 = tpu.memref_squeeze %dma_start3A_506 : memref<1x1x84xi32, #tpu.memory_space<vmem>> -> memref<84xi32, #tpu.memory_space<vmem>>
        %dma_start3A_508 = arith.constant 0 : i32
        %dma_start3A_509 = arith.constant 0 : i32
        %dma_start3A_510 = tpu.memref_slice %arg9[%dma_start3A_508, %dma_start3A_509] : memref<10240x128xf32, #tpu.memory_space<vmem_shared>> -> memref<10240x128xf32, #tpu.memory_space<vmem_shared>>
        tpu.enqueue_indirect_dma source(%arg8 : memref<84x128xf32, #tpu.memory_space<vmem>>) target(%dma_start3A_510 : memref<10240x128xf32, #tpu.memory_space<vmem_shared>>) offsets(%dma_start3A_507 : memref<84xi32, #tpu.memory_space<vmem>>) semaphore(%run_scoped3A_504 : memref<!tpu.dma_semaphore, #tpu.memory_space<semaphore_mem>>) {add = true}
        %dma_wait3A_511 = arith.constant 0 : i32
        %dma_wait3A_512 = tpu.memref_slice %arg6[%run_scoped3A_495, %run_scoped3A_496, %dma_wait3A_511] : memref<10x2x84xi32, #tpu.memory_space<vmem>> -> memref<1x1x84xi32, #tpu.memory_space<vmem>>
        %dma_wait3A_513 = tpu.memref_squeeze %dma_wait3A_512 : memref<1x1x84xi32, #tpu.memory_space<vmem>> -> memref<84xi32, #tpu.memory_space<vmem>>
        %dma_wait3A_514 = arith.constant 0 : i32
        %dma_wait3A_515 = arith.constant 0 : i32
        %dma_wait3A_516 = tpu.memref_slice %arg9[%dma_wait3A_514, %dma_wait3A_515] : memref<10240x128xf32, #tpu.memory_space<vmem_shared>> -> memref<10240x128xf32, #tpu.memory_space<vmem_shared>>
        tpu.wait_indirect_dma semaphore(%run_scoped3A_504 : memref<!tpu.dma_semaphore, #tpu.memory_space<semaphore_mem>>) src(%arg8 : memref<84x128xf32, #tpu.memory_space<vmem>>) dst(%dma_wait3A_516 : memref<10240x128xf32, #tpu.memory_space<vmem_shared>>)
        tpu.yield
      }) : () -> ()
      %add3A_497 = arith.constant 2 : i32
      %add3A_498 = arith.addi %add3A_319, %add3A_497 : i32
      %lt3A_499 = arith.constant 12 : i32
      %lt3A_500 = arith.cmpi slt, %add3A_498, %lt3A_499 : i32
      %convert_element_type3A_501 = arith.extui %lt3A_500 : i1 to i32
      %cond3A_502 = arith.constant 0 : i32
      %cond3A_503 = arith.cmpi ne, %convert_element_type3A_501, %cond3A_502 : i32
      scf.if %cond3A_503 {
        %add3A_504 = arith.constant 2 : i32
        %add3A_505 = arith.addi %add3A_319, %add3A_504 : i32
        %dma_start3A_506 = arith.constant 0 : i32
        %dma_start3A_507 = arith.constant 0 : i32
        %dma_start3A_508 = arith.constant 0 : i32
        %dma_start3A_509 = tpu.memref_slice %arg3[%arg0, %arg1, %add3A_505, %dma_start3A_506, %dma_start3A_507, %dma_start3A_508] : memref<2x16x12x10x2x84xi32, #tpu.memory_space<hbm>> -> memref<1x1x1x10x2x84xi32, #tpu.memory_space<hbm>>
        %dma_start3A_510 = tpu.memref_squeeze %dma_start3A_509 : memref<1x1x1x10x2x84xi32, #tpu.memory_space<hbm>> -> memref<10x2x84xi32, #tpu.memory_space<hbm>>
        %dma_start3A_511 = arith.constant 0 : i32
        %dma_start3A_512 = arith.constant 0 : i32
        %dma_start3A_513 = arith.constant 0 : i32
        %dma_start3A_514 = tpu.memref_slice %arg3[%arg0, %arg1, %add3A_505, %dma_start3A_511, %dma_start3A_512, %dma_start3A_513] : memref<2x16x12x10x2x84xi32, #tpu.memory_space<hbm>> -> memref<1x1x1x10x2x84xi32, #tpu.memory_space<hbm>>
        %dma_start3A_515 = tpu.memref_squeeze %dma_start3A_514 : memref<1x1x1x10x2x84xi32, #tpu.memory_space<hbm>> -> memref<10x2x84xi32, #tpu.memory_space<hbm>>
        tpu.enqueue_dma source(%dma_start3A_515 : memref<10x2x84xi32, #tpu.memory_space<hbm>>) target(%arg6 : memref<10x2x84xi32, #tpu.memory_space<vmem>>) target_semaphore(%arg13 : memref<!tpu.dma_semaphore, #tpu.memory_space<semaphore_mem>>)
      } else {
      }
    }
    %scan3A_58 = arith.constant 6 : i32
    %barrier3A_59 = arith.constant 0 : index
    tpu.barrier barrier_id(%barrier3A_59)
    %mul3A_60 = arith.constant 640 : i32
    %mul3A_61 = arith.muli %arg1, %mul3A_60 : i32
    %add3A_62 = arith.constant 0 : i32
    %add3A_63 = arith.addi %mul3A_61, %add3A_62 : i32
    "tpu.region"() ({
      %run_scoped3A_116 = tpu.sem_alloc : memref<!tpu.dma_semaphore, #tpu.memory_space<semaphore_mem>>
      %dma_start3A_117 = arith.constant 0 : i32
      %dma_start3A_118 = arith.constant 0 : i32
      %dma_start3A_119 = tpu.memref_slice %arg7[%dma_start3A_117, %dma_start3A_118] : memref<84x128xf32, #tpu.memory_space<vmem>> -> memref<80x128xf32, #tpu.memory_space<vmem>>
      %dma_start3A_120 = arith.constant 0 : i32
      %dma_start3A_121 = tpu.memref_slice %arg9[%add3A_63, %dma_start3A_120] : memref<10240x128xf32, #tpu.memory_space<vmem_shared>> -> memref<80x128xf32, #tpu.memory_space<vmem_shared>>
      %dma_start3A_122 = arith.constant 0 : i32
      %dma_start3A_123 = arith.constant 0 : i32
      %dma_start3A_124 = tpu.memref_slice %arg7[%dma_start3A_122, %dma_start3A_123] : memref<84x128xf32, #tpu.memory_space<vmem>> -> memref<80x128xf32, #tpu.memory_space<vmem>>
      %dma_start3A_125 = arith.constant 0 : i32
      %dma_start3A_126 = tpu.memref_slice %arg9[%add3A_63, %dma_start3A_125] : memref<10240x128xf32, #tpu.memory_space<vmem_shared>> -> memref<80x128xf32, #tpu.memory_space<vmem_shared>>
      tpu.enqueue_dma source(%dma_start3A_126 : memref<80x128xf32, #tpu.memory_space<vmem_shared>>) target(%dma_start3A_124 : memref<80x128xf32, #tpu.memory_space<vmem>>) target_semaphore(%run_scoped3A_116 : memref<!tpu.dma_semaphore, #tpu.memory_space<semaphore_mem>>)
      %dma_wait3A = arith.constant 0 : i32
      %dma_wait3A_127 = arith.constant 0 : i32
      %dma_wait3A_128 = tpu.memref_slice %arg7[%dma_wait3A, %dma_wait3A_127] : memref<84x128xf32, #tpu.memory_space<vmem>> -> memref<80x128xf32, #tpu.memory_space<vmem>>
      %dma_wait3A_129 = arith.constant 0 : i32
      %dma_wait3A_130 = tpu.memref_slice %arg9[%add3A_63, %dma_wait3A_129] : memref<10240x128xf32, #tpu.memory_space<vmem_shared>> -> memref<80x128xf32, #tpu.memory_space<vmem_shared>>
      %dma_wait3A_131 = arith.constant 0 : i32
      %dma_wait3A_132 = arith.constant 0 : i32
      %dma_wait3A_133 = tpu.memref_slice %arg7[%dma_wait3A_131, %dma_wait3A_132] : memref<84x128xf32, #tpu.memory_space<vmem>> -> memref<80x128xf32, #tpu.memory_space<vmem>>
      %dma_wait3A_134 = arith.constant 0 : i32
      %dma_wait3A_135 = tpu.memref_slice %arg9[%add3A_63, %dma_wait3A_134] : memref<10240x128xf32, #tpu.memory_space<vmem_shared>> -> memref<80x128xf32, #tpu.memory_space<vmem_shared>>
      tpu.wait_dma2 semaphore(%run_scoped3A_116 : memref<!tpu.dma_semaphore, #tpu.memory_space<semaphore_mem>>) src(%dma_wait3A_135 : memref<80x128xf32, #tpu.memory_space<vmem_shared>>) dst(%dma_wait3A_133 : memref<80x128xf32, #tpu.memory_space<vmem>>)
      tpu.yield
    }) : () -> ()
    %mul3A_64 = arith.constant 10240 : i32
    %mul3A_65 = arith.muli %arg0, %mul3A_64 : i32
    %add3A_66 = arith.addi %mul3A_65, %add3A_63 : i32
    "tpu.region"() ({
      %run_scoped3A_116 = tpu.sem_alloc : memref<!tpu.dma_semaphore, #tpu.memory_space<semaphore_mem>>
      %dma_start3A_117 = arith.constant 0 : i32
      %dma_start3A_118 = arith.constant 0 : i32
      %dma_start3A_119 = tpu.memref_slice %arg7[%dma_start3A_117, %dma_start3A_118] : memref<84x128xf32, #tpu.memory_space<vmem>> -> memref<80x128xf32, #tpu.memory_space<vmem>>
      %dma_start3A_120 = arith.constant 0 : i32
      %dma_start3A_121 = tpu.memref_slice %arg4[%add3A_66, %dma_start3A_120] : memref<20480x128xf32, #tpu.memory_space<hbm>> -> memref<80x128xf32, #tpu.memory_space<hbm>>
      %dma_start3A_122 = arith.constant 0 : i32
      %dma_start3A_123 = tpu.memref_slice %arg4[%add3A_66, %dma_start3A_122] : memref<20480x128xf32, #tpu.memory_space<hbm>> -> memref<80x128xf32, #tpu.memory_space<hbm>>
      %dma_start3A_124 = arith.constant 0 : i32
      %dma_start3A_125 = arith.constant 0 : i32
      %dma_start3A_126 = tpu.memref_slice %arg7[%dma_start3A_124, %dma_start3A_125] : memref<84x128xf32, #tpu.memory_space<vmem>> -> memref<80x128xf32, #tpu.memory_space<vmem>>
      tpu.enqueue_dma source(%dma_start3A_126 : memref<80x128xf32, #tpu.memory_space<vmem>>) target(%dma_start3A_123 : memref<80x128xf32, #tpu.memory_space<hbm>>) target_semaphore(%run_scoped3A_116 : memref<!tpu.dma_semaphore, #tpu.memory_space<semaphore_mem>>)
      %dma_wait3A = arith.constant 0 : i32
      %dma_wait3A_127 = arith.constant 0 : i32
      %dma_wait3A_128 = tpu.memref_slice %arg7[%dma_wait3A, %dma_wait3A_127] : memref<84x128xf32, #tpu.memory_space<vmem>> -> memref<80x128xf32, #tpu.memory_space<vmem>>
      %dma_wait3A_129 = arith.constant 0 : i32
      %dma_wait3A_130 = tpu.memref_slice %arg4[%add3A_66, %dma_wait3A_129] : memref<20480x128xf32, #tpu.memory_space<hbm>> -> memref<80x128xf32, #tpu.memory_space<hbm>>
      %dma_wait3A_131 = arith.constant 0 : i32
      %dma_wait3A_132 = tpu.memref_slice %arg4[%add3A_66, %dma_wait3A_131] : memref<20480x128xf32, #tpu.memory_space<hbm>> -> memref<80x128xf32, #tpu.memory_space<hbm>>
      %dma_wait3A_133 = arith.constant 0 : i32
      %dma_wait3A_134 = arith.constant 0 : i32
      %dma_wait3A_135 = tpu.memref_slice %arg7[%dma_wait3A_133, %dma_wait3A_134] : memref<84x128xf32, #tpu.memory_space<vmem>> -> memref<80x128xf32, #tpu.memory_space<vmem>>
      tpu.wait_dma2 semaphore(%run_scoped3A_116 : memref<!tpu.dma_semaphore, #tpu.memory_space<semaphore_mem>>) src(%dma_wait3A_135 : memref<80x128xf32, #tpu.memory_space<vmem>>) dst(%dma_wait3A_132 : memref<80x128xf32, #tpu.memory_space<hbm>>)
      tpu.yield
    }) : () -> ()
    %mul3A_67 = arith.constant 640 : i32
    %mul3A_68 = arith.muli %arg1, %mul3A_67 : i32
    %add3A_69 = arith.constant 80 : i32
    %add3A_70 = arith.addi %mul3A_68, %add3A_69 : i32
    "tpu.region"() ({
      %run_scoped3A_116 = tpu.sem_alloc : memref<!tpu.dma_semaphore, #tpu.memory_space<semaphore_mem>>
      %dma_start3A_117 = arith.constant 0 : i32
      %dma_start3A_118 = arith.constant 0 : i32
      %dma_start3A_119 = tpu.memref_slice %arg7[%dma_start3A_117, %dma_start3A_118] : memref<84x128xf32, #tpu.memory_space<vmem>> -> memref<80x128xf32, #tpu.memory_space<vmem>>
      %dma_start3A_120 = arith.constant 0 : i32
      %dma_start3A_121 = tpu.memref_slice %arg9[%add3A_70, %dma_start3A_120] : memref<10240x128xf32, #tpu.memory_space<vmem_shared>> -> memref<80x128xf32, #tpu.memory_space<vmem_shared>>
      %dma_start3A_122 = arith.constant 0 : i32
      %dma_start3A_123 = arith.constant 0 : i32
      %dma_start3A_124 = tpu.memref_slice %arg7[%dma_start3A_122, %dma_start3A_123] : memref<84x128xf32, #tpu.memory_space<vmem>> -> memref<80x128xf32, #tpu.memory_space<vmem>>
      %dma_start3A_125 = arith.constant 0 : i32
      %dma_start3A_126 = tpu.memref_slice %arg9[%add3A_70, %dma_start3A_125] : memref<10240x128xf32, #tpu.memory_space<vmem_shared>> -> memref<80x128xf32, #tpu.memory_space<vmem_shared>>
      tpu.enqueue_dma source(%dma_start3A_126 : memref<80x128xf32, #tpu.memory_space<vmem_shared>>) target(%dma_start3A_124 : memref<80x128xf32, #tpu.memory_space<vmem>>) target_semaphore(%run_scoped3A_116 : memref<!tpu.dma_semaphore, #tpu.memory_space<semaphore_mem>>)
      %dma_wait3A = arith.constant 0 : i32
      %dma_wait3A_127 = arith.constant 0 : i32
      %dma_wait3A_128 = tpu.memref_slice %arg7[%dma_wait3A, %dma_wait3A_127] : memref<84x128xf32, #tpu.memory_space<vmem>> -> memref<80x128xf32, #tpu.memory_space<vmem>>
      %dma_wait3A_129 = arith.constant 0 : i32
      %dma_wait3A_130 = tpu.memref_slice %arg9[%add3A_70, %dma_wait3A_129] : memref<10240x128xf32, #tpu.memory_space<vmem_shared>> -> memref<80x128xf32, #tpu.memory_space<vmem_shared>>
      %dma_wait3A_131 = arith.constant 0 : i32
      %dma_wait3A_132 = arith.constant 0 : i32
      %dma_wait3A_133 = tpu.memref_slice %arg7[%dma_wait3A_131, %dma_wait3A_132] : memref<84x128xf32, #tpu.memory_space<vmem>> -> memref<80x128xf32, #tpu.memory_space<vmem>>
      %dma_wait3A_134 = arith.constant 0 : i32
      %dma_wait3A_135 = tpu.memref_slice %arg9[%add3A_70, %dma_wait3A_134] : memref<10240x128xf32, #tpu.memory_space<vmem_shared>> -> memref<80x128xf32, #tpu.memory_space<vmem_shared>>
      tpu.wait_dma2 semaphore(%run_scoped3A_116 : memref<!tpu.dma_semaphore, #tpu.memory_space<semaphore_mem>>) src(%dma_wait3A_135 : memref<80x128xf32, #tpu.memory_space<vmem_shared>>) dst(%dma_wait3A_133 : memref<80x128xf32, #tpu.memory_space<vmem>>)
      tpu.yield
    }) : () -> ()
    %mul3A_71 = arith.constant 10240 : i32
    %mul3A_72 = arith.muli %arg0, %mul3A_71 : i32
    %add3A_73 = arith.addi %mul3A_72, %add3A_70 : i32
    "tpu.region"() ({
      %run_scoped3A_116 = tpu.sem_alloc : memref<!tpu.dma_semaphore, #tpu.memory_space<semaphore_mem>>
      %dma_start3A_117 = arith.constant 0 : i32
      %dma_start3A_118 = arith.constant 0 : i32
      %dma_start3A_119 = tpu.memref_slice %arg7[%dma_start3A_117, %dma_start3A_118] : memref<84x128xf32, #tpu.memory_space<vmem>> -> memref<80x128xf32, #tpu.memory_space<vmem>>
      %dma_start3A_120 = arith.constant 0 : i32
      %dma_start3A_121 = tpu.memref_slice %arg4[%add3A_73, %dma_start3A_120] : memref<20480x128xf32, #tpu.memory_space<hbm>> -> memref<80x128xf32, #tpu.memory_space<hbm>>
      %dma_start3A_122 = arith.constant 0 : i32
      %dma_start3A_123 = tpu.memref_slice %arg4[%add3A_73, %dma_start3A_122] : memref<20480x128xf32, #tpu.memory_space<hbm>> -> memref<80x128xf32, #tpu.memory_space<hbm>>
      %dma_start3A_124 = arith.constant 0 : i32
      %dma_start3A_125 = arith.constant 0 : i32
      %dma_start3A_126 = tpu.memref_slice %arg7[%dma_start3A_124, %dma_start3A_125] : memref<84x128xf32, #tpu.memory_space<vmem>> -> memref<80x128xf32, #tpu.memory_space<vmem>>
      tpu.enqueue_dma source(%dma_start3A_126 : memref<80x128xf32, #tpu.memory_space<vmem>>) target(%dma_start3A_123 : memref<80x128xf32, #tpu.memory_space<hbm>>) target_semaphore(%run_scoped3A_116 : memref<!tpu.dma_semaphore, #tpu.memory_space<semaphore_mem>>)
      %dma_wait3A = arith.constant 0 : i32
      %dma_wait3A_127 = arith.constant 0 : i32
      %dma_wait3A_128 = tpu.memref_slice %arg7[%dma_wait3A, %dma_wait3A_127] : memref<84x128xf32, #tpu.memory_space<vmem>> -> memref<80x128xf32, #tpu.memory_space<vmem>>
      %dma_wait3A_129 = arith.constant 0 : i32
      %dma_wait3A_130 = tpu.memref_slice %arg4[%add3A_73, %dma_wait3A_129] : memref<20480x128xf32, #tpu.memory_space<hbm>> -> memref<80x128xf32, #tpu.memory_space<hbm>>
      %dma_wait3A_131 = arith.constant 0 : i32
      %dma_wait3A_132 = tpu.memref_slice %arg4[%add3A_73, %dma_wait3A_131] : memref<20480x128xf32, #tpu.memory_space<hbm>> -> memref<80x128xf32, #tpu.memory_space<hbm>>
      %dma_wait3A_133 = arith.constant 0 : i32
      %dma_wait3A_134 = arith.constant 0 : i32
      %dma_wait3A_135 = tpu.memref_slice %arg7[%dma_wait3A_133, %dma_wait3A_134] : memref<84x128xf32, #tpu.memory_space<vmem>> -> memref<80x128xf32, #tpu.memory_space<vmem>>
      tpu.wait_dma2 semaphore(%run_scoped3A_116 : memref<!tpu.dma_semaphore, #tpu.memory_space<semaphore_mem>>) src(%dma_wait3A_135 : memref<80x128xf32, #tpu.memory_space<vmem>>) dst(%dma_wait3A_132 : memref<80x128xf32, #tpu.memory_space<hbm>>)
      tpu.yield
    }) : () -> ()
    %mul3A_74 = arith.constant 640 : i32
    %mul3A_75 = arith.muli %arg1, %mul3A_74 : i32
    %add3A_76 = arith.constant 160 : i32
    %add3A_77 = arith.addi %mul3A_75, %add3A_76 : i32
    "tpu.region"() ({
      %run_scoped3A_116 = tpu.sem_alloc : memref<!tpu.dma_semaphore, #tpu.memory_space<semaphore_mem>>
      %dma_start3A_117 = arith.constant 0 : i32
      %dma_start3A_118 = arith.constant 0 : i32
      %dma_start3A_119 = tpu.memref_slice %arg7[%dma_start3A_117, %dma_start3A_118] : memref<84x128xf32, #tpu.memory_space<vmem>> -> memref<80x128xf32, #tpu.memory_space<vmem>>
      %dma_start3A_120 = arith.constant 0 : i32
      %dma_start3A_121 = tpu.memref_slice %arg9[%add3A_77, %dma_start3A_120] : memref<10240x128xf32, #tpu.memory_space<vmem_shared>> -> memref<80x128xf32, #tpu.memory_space<vmem_shared>>
      %dma_start3A_122 = arith.constant 0 : i32
      %dma_start3A_123 = arith.constant 0 : i32
      %dma_start3A_124 = tpu.memref_slice %arg7[%dma_start3A_122, %dma_start3A_123] : memref<84x128xf32, #tpu.memory_space<vmem>> -> memref<80x128xf32, #tpu.memory_space<vmem>>
      %dma_start3A_125 = arith.constant 0 : i32
      %dma_start3A_126 = tpu.memref_slice %arg9[%add3A_77, %dma_start3A_125] : memref<10240x128xf32, #tpu.memory_space<vmem_shared>> -> memref<80x128xf32, #tpu.memory_space<vmem_shared>>
      tpu.enqueue_dma source(%dma_start3A_126 : memref<80x128xf32, #tpu.memory_space<vmem_shared>>) target(%dma_start3A_124 : memref<80x128xf32, #tpu.memory_space<vmem>>) target_semaphore(%run_scoped3A_116 : memref<!tpu.dma_semaphore, #tpu.memory_space<semaphore_mem>>)
      %dma_wait3A = arith.constant 0 : i32
      %dma_wait3A_127 = arith.constant 0 : i32
      %dma_wait3A_128 = tpu.memref_slice %arg7[%dma_wait3A, %dma_wait3A_127] : memref<84x128xf32, #tpu.memory_space<vmem>> -> memref<80x128xf32, #tpu.memory_space<vmem>>
      %dma_wait3A_129 = arith.constant 0 : i32
      %dma_wait3A_130 = tpu.memref_slice %arg9[%add3A_77, %dma_wait3A_129] : memref<10240x128xf32, #tpu.memory_space<vmem_shared>> -> memref<80x128xf32, #tpu.memory_space<vmem_shared>>
      %dma_wait3A_131 = arith.constant 0 : i32
      %dma_wait3A_132 = arith.constant 0 : i32
      %dma_wait3A_133 = tpu.memref_slice %arg7[%dma_wait3A_131, %dma_wait3A_132] : memref<84x128xf32, #tpu.memory_space<vmem>> -> memref<80x128xf32, #tpu.memory_space<vmem>>
      %dma_wait3A_134 = arith.constant 0 : i32
      %dma_wait3A_135 = tpu.memref_slice %arg9[%add3A_77, %dma_wait3A_134] : memref<10240x128xf32, #tpu.memory_space<vmem_shared>> -> memref<80x128xf32, #tpu.memory_space<vmem_shared>>
      tpu.wait_dma2 semaphore(%run_scoped3A_116 : memref<!tpu.dma_semaphore, #tpu.memory_space<semaphore_mem>>) src(%dma_wait3A_135 : memref<80x128xf32, #tpu.memory_space<vmem_shared>>) dst(%dma_wait3A_133 : memref<80x128xf32, #tpu.memory_space<vmem>>)
      tpu.yield
    }) : () -> ()
    %mul3A_78 = arith.constant 10240 : i32
    %mul3A_79 = arith.muli %arg0, %mul3A_78 : i32
    %add3A_80 = arith.addi %mul3A_79, %add3A_77 : i32
    "tpu.region"() ({
      %run_scoped3A_116 = tpu.sem_alloc : memref<!tpu.dma_semaphore, #tpu.memory_space<semaphore_mem>>
      %dma_start3A_117 = arith.constant 0 : i32
      %dma_start3A_118 = arith.constant 0 : i32
      %dma_start3A_119 = tpu.memref_slice %arg7[%dma_start3A_117, %dma_start3A_118] : memref<84x128xf32, #tpu.memory_space<vmem>> -> memref<80x128xf32, #tpu.memory_space<vmem>>
      %dma_start3A_120 = arith.constant 0 : i32
      %dma_start3A_121 = tpu.memref_slice %arg4[%add3A_80, %dma_start3A_120] : memref<20480x128xf32, #tpu.memory_space<hbm>> -> memref<80x128xf32, #tpu.memory_space<hbm>>
      %dma_start3A_122 = arith.constant 0 : i32
      %dma_start3A_123 = tpu.memref_slice %arg4[%add3A_80, %dma_start3A_122] : memref<20480x128xf32, #tpu.memory_space<hbm>> -> memref<80x128xf32, #tpu.memory_space<hbm>>
      %dma_start3A_124 = arith.constant 0 : i32
      %dma_start3A_125 = arith.constant 0 : i32
      %dma_start3A_126 = tpu.memref_slice %arg7[%dma_start3A_124, %dma_start3A_125] : memref<84x128xf32, #tpu.memory_space<vmem>> -> memref<80x128xf32, #tpu.memory_space<vmem>>
      tpu.enqueue_dma source(%dma_start3A_126 : memref<80x128xf32, #tpu.memory_space<vmem>>) target(%dma_start3A_123 : memref<80x128xf32, #tpu.memory_space<hbm>>) target_semaphore(%run_scoped3A_116 : memref<!tpu.dma_semaphore, #tpu.memory_space<semaphore_mem>>)
      %dma_wait3A = arith.constant 0 : i32
      %dma_wait3A_127 = arith.constant 0 : i32
      %dma_wait3A_128 = tpu.memref_slice %arg7[%dma_wait3A, %dma_wait3A_127] : memref<84x128xf32, #tpu.memory_space<vmem>> -> memref<80x128xf32, #tpu.memory_space<vmem>>
      %dma_wait3A_129 = arith.constant 0 : i32
      %dma_wait3A_130 = tpu.memref_slice %arg4[%add3A_80, %dma_wait3A_129] : memref<20480x128xf32, #tpu.memory_space<hbm>> -> memref<80x128xf32, #tpu.memory_space<hbm>>
      %dma_wait3A_131 = arith.constant 0 : i32
      %dma_wait3A_132 = tpu.memref_slice %arg4[%add3A_80, %dma_wait3A_131] : memref<20480x128xf32, #tpu.memory_space<hbm>> -> memref<80x128xf32, #tpu.memory_space<hbm>>
      %dma_wait3A_133 = arith.constant 0 : i32
      %dma_wait3A_134 = arith.constant 0 : i32
      %dma_wait3A_135 = tpu.memref_slice %arg7[%dma_wait3A_133, %dma_wait3A_134] : memref<84x128xf32, #tpu.memory_space<vmem>> -> memref<80x128xf32, #tpu.memory_space<vmem>>
      tpu.wait_dma2 semaphore(%run_scoped3A_116 : memref<!tpu.dma_semaphore, #tpu.memory_space<semaphore_mem>>) src(%dma_wait3A_135 : memref<80x128xf32, #tpu.memory_space<vmem>>) dst(%dma_wait3A_132 : memref<80x128xf32, #tpu.memory_space<hbm>>)
      tpu.yield
    }) : () -> ()
    %mul3A_81 = arith.constant 640 : i32
    %mul3A_82 = arith.muli %arg1, %mul3A_81 : i32
    %add3A_83 = arith.constant 240 : i32
    %add3A_84 = arith.addi %mul3A_82, %add3A_83 : i32
    "tpu.region"() ({
      %run_scoped3A_116 = tpu.sem_alloc : memref<!tpu.dma_semaphore, #tpu.memory_space<semaphore_mem>>
      %dma_start3A_117 = arith.constant 0 : i32
      %dma_start3A_118 = arith.constant 0 : i32
      %dma_start3A_119 = tpu.memref_slice %arg7[%dma_start3A_117, %dma_start3A_118] : memref<84x128xf32, #tpu.memory_space<vmem>> -> memref<80x128xf32, #tpu.memory_space<vmem>>
      %dma_start3A_120 = arith.constant 0 : i32
      %dma_start3A_121 = tpu.memref_slice %arg9[%add3A_84, %dma_start3A_120] : memref<10240x128xf32, #tpu.memory_space<vmem_shared>> -> memref<80x128xf32, #tpu.memory_space<vmem_shared>>
      %dma_start3A_122 = arith.constant 0 : i32
      %dma_start3A_123 = arith.constant 0 : i32
      %dma_start3A_124 = tpu.memref_slice %arg7[%dma_start3A_122, %dma_start3A_123] : memref<84x128xf32, #tpu.memory_space<vmem>> -> memref<80x128xf32, #tpu.memory_space<vmem>>
      %dma_start3A_125 = arith.constant 0 : i32
      %dma_start3A_126 = tpu.memref_slice %arg9[%add3A_84, %dma_start3A_125] : memref<10240x128xf32, #tpu.memory_space<vmem_shared>> -> memref<80x128xf32, #tpu.memory_space<vmem_shared>>
      tpu.enqueue_dma source(%dma_start3A_126 : memref<80x128xf32, #tpu.memory_space<vmem_shared>>) target(%dma_start3A_124 : memref<80x128xf32, #tpu.memory_space<vmem>>) target_semaphore(%run_scoped3A_116 : memref<!tpu.dma_semaphore, #tpu.memory_space<semaphore_mem>>)
      %dma_wait3A = arith.constant 0 : i32
      %dma_wait3A_127 = arith.constant 0 : i32
      %dma_wait3A_128 = tpu.memref_slice %arg7[%dma_wait3A, %dma_wait3A_127] : memref<84x128xf32, #tpu.memory_space<vmem>> -> memref<80x128xf32, #tpu.memory_space<vmem>>
      %dma_wait3A_129 = arith.constant 0 : i32
      %dma_wait3A_130 = tpu.memref_slice %arg9[%add3A_84, %dma_wait3A_129] : memref<10240x128xf32, #tpu.memory_space<vmem_shared>> -> memref<80x128xf32, #tpu.memory_space<vmem_shared>>
      %dma_wait3A_131 = arith.constant 0 : i32
      %dma_wait3A_132 = arith.constant 0 : i32
      %dma_wait3A_133 = tpu.memref_slice %arg7[%dma_wait3A_131, %dma_wait3A_132] : memref<84x128xf32, #tpu.memory_space<vmem>> -> memref<80x128xf32, #tpu.memory_space<vmem>>
      %dma_wait3A_134 = arith.constant 0 : i32
      %dma_wait3A_135 = tpu.memref_slice %arg9[%add3A_84, %dma_wait3A_134] : memref<10240x128xf32, #tpu.memory_space<vmem_shared>> -> memref<80x128xf32, #tpu.memory_space<vmem_shared>>
      tpu.wait_dma2 semaphore(%run_scoped3A_116 : memref<!tpu.dma_semaphore, #tpu.memory_space<semaphore_mem>>) src(%dma_wait3A_135 : memref<80x128xf32, #tpu.memory_space<vmem_shared>>) dst(%dma_wait3A_133 : memref<80x128xf32, #tpu.memory_space<vmem>>)
      tpu.yield
    }) : () -> ()
    %mul3A_85 = arith.constant 10240 : i32
    %mul3A_86 = arith.muli %arg0, %mul3A_85 : i32
    %add3A_87 = arith.addi %mul3A_86, %add3A_84 : i32
    "tpu.region"() ({
      %run_scoped3A_116 = tpu.sem_alloc : memref<!tpu.dma_semaphore, #tpu.memory_space<semaphore_mem>>
      %dma_start3A_117 = arith.constant 0 : i32
      %dma_start3A_118 = arith.constant 0 : i32
      %dma_start3A_119 = tpu.memref_slice %arg7[%dma_start3A_117, %dma_start3A_118] : memref<84x128xf32, #tpu.memory_space<vmem>> -> memref<80x128xf32, #tpu.memory_space<vmem>>
      %dma_start3A_120 = arith.constant 0 : i32
      %dma_start3A_121 = tpu.memref_slice %arg4[%add3A_87, %dma_start3A_120] : memref<20480x128xf32, #tpu.memory_space<hbm>> -> memref<80x128xf32, #tpu.memory_space<hbm>>
      %dma_start3A_122 = arith.constant 0 : i32
      %dma_start3A_123 = tpu.memref_slice %arg4[%add3A_87, %dma_start3A_122] : memref<20480x128xf32, #tpu.memory_space<hbm>> -> memref<80x128xf32, #tpu.memory_space<hbm>>
      %dma_start3A_124 = arith.constant 0 : i32
      %dma_start3A_125 = arith.constant 0 : i32
      %dma_start3A_126 = tpu.memref_slice %arg7[%dma_start3A_124, %dma_start3A_125] : memref<84x128xf32, #tpu.memory_space<vmem>> -> memref<80x128xf32, #tpu.memory_space<vmem>>
      tpu.enqueue_dma source(%dma_start3A_126 : memref<80x128xf32, #tpu.memory_space<vmem>>) target(%dma_start3A_123 : memref<80x128xf32, #tpu.memory_space<hbm>>) target_semaphore(%run_scoped3A_116 : memref<!tpu.dma_semaphore, #tpu.memory_space<semaphore_mem>>)
      %dma_wait3A = arith.constant 0 : i32
      %dma_wait3A_127 = arith.constant 0 : i32
      %dma_wait3A_128 = tpu.memref_slice %arg7[%dma_wait3A, %dma_wait3A_127] : memref<84x128xf32, #tpu.memory_space<vmem>> -> memref<80x128xf32, #tpu.memory_space<vmem>>
      %dma_wait3A_129 = arith.constant 0 : i32
      %dma_wait3A_130 = tpu.memref_slice %arg4[%add3A_87, %dma_wait3A_129] : memref<20480x128xf32, #tpu.memory_space<hbm>> -> memref<80x128xf32, #tpu.memory_space<hbm>>
      %dma_wait3A_131 = arith.constant 0 : i32
      %dma_wait3A_132 = tpu.memref_slice %arg4[%add3A_87, %dma_wait3A_131] : memref<20480x128xf32, #tpu.memory_space<hbm>> -> memref<80x128xf32, #tpu.memory_space<hbm>>
      %dma_wait3A_133 = arith.constant 0 : i32
      %dma_wait3A_134 = arith.constant 0 : i32
      %dma_wait3A_135 = tpu.memref_slice %arg7[%dma_wait3A_133, %dma_wait3A_134] : memref<84x128xf32, #tpu.memory_space<vmem>> -> memref<80x128xf32, #tpu.memory_space<vmem>>
      tpu.wait_dma2 semaphore(%run_scoped3A_116 : memref<!tpu.dma_semaphore, #tpu.memory_space<semaphore_mem>>) src(%dma_wait3A_135 : memref<80x128xf32, #tpu.memory_space<vmem>>) dst(%dma_wait3A_132 : memref<80x128xf32, #tpu.memory_space<hbm>>)
      tpu.yield
    }) : () -> ()
    %mul3A_88 = arith.constant 640 : i32
    %mul3A_89 = arith.muli %arg1, %mul3A_88 : i32
    %add3A_90 = arith.constant 320 : i32
    %add3A_91 = arith.addi %mul3A_89, %add3A_90 : i32
    "tpu.region"() ({
      %run_scoped3A_116 = tpu.sem_alloc : memref<!tpu.dma_semaphore, #tpu.memory_space<semaphore_mem>>
      %dma_start3A_117 = arith.constant 0 : i32
      %dma_start3A_118 = arith.constant 0 : i32
      %dma_start3A_119 = tpu.memref_slice %arg7[%dma_start3A_117, %dma_start3A_118] : memref<84x128xf32, #tpu.memory_space<vmem>> -> memref<80x128xf32, #tpu.memory_space<vmem>>
      %dma_start3A_120 = arith.constant 0 : i32
      %dma_start3A_121 = tpu.memref_slice %arg9[%add3A_91, %dma_start3A_120] : memref<10240x128xf32, #tpu.memory_space<vmem_shared>> -> memref<80x128xf32, #tpu.memory_space<vmem_shared>>
      %dma_start3A_122 = arith.constant 0 : i32
      %dma_start3A_123 = arith.constant 0 : i32
      %dma_start3A_124 = tpu.memref_slice %arg7[%dma_start3A_122, %dma_start3A_123] : memref<84x128xf32, #tpu.memory_space<vmem>> -> memref<80x128xf32, #tpu.memory_space<vmem>>
      %dma_start3A_125 = arith.constant 0 : i32
      %dma_start3A_126 = tpu.memref_slice %arg9[%add3A_91, %dma_start3A_125] : memref<10240x128xf32, #tpu.memory_space<vmem_shared>> -> memref<80x128xf32, #tpu.memory_space<vmem_shared>>
      tpu.enqueue_dma source(%dma_start3A_126 : memref<80x128xf32, #tpu.memory_space<vmem_shared>>) target(%dma_start3A_124 : memref<80x128xf32, #tpu.memory_space<vmem>>) target_semaphore(%run_scoped3A_116 : memref<!tpu.dma_semaphore, #tpu.memory_space<semaphore_mem>>)
      %dma_wait3A = arith.constant 0 : i32
      %dma_wait3A_127 = arith.constant 0 : i32
      %dma_wait3A_128 = tpu.memref_slice %arg7[%dma_wait3A, %dma_wait3A_127] : memref<84x128xf32, #tpu.memory_space<vmem>> -> memref<80x128xf32, #tpu.memory_space<vmem>>
      %dma_wait3A_129 = arith.constant 0 : i32
      %dma_wait3A_130 = tpu.memref_slice %arg9[%add3A_91, %dma_wait3A_129] : memref<10240x128xf32, #tpu.memory_space<vmem_shared>> -> memref<80x128xf32, #tpu.memory_space<vmem_shared>>
      %dma_wait3A_131 = arith.constant 0 : i32
      %dma_wait3A_132 = arith.constant 0 : i32
      %dma_wait3A_133 = tpu.memref_slice %arg7[%dma_wait3A_131, %dma_wait3A_132] : memref<84x128xf32, #tpu.memory_space<vmem>> -> memref<80x128xf32, #tpu.memory_space<vmem>>
      %dma_wait3A_134 = arith.constant 0 : i32
      %dma_wait3A_135 = tpu.memref_slice %arg9[%add3A_91, %dma_wait3A_134] : memref<10240x128xf32, #tpu.memory_space<vmem_shared>> -> memref<80x128xf32, #tpu.memory_space<vmem_shared>>
      tpu.wait_dma2 semaphore(%run_scoped3A_116 : memref<!tpu.dma_semaphore, #tpu.memory_space<semaphore_mem>>) src(%dma_wait3A_135 : memref<80x128xf32, #tpu.memory_space<vmem_shared>>) dst(%dma_wait3A_133 : memref<80x128xf32, #tpu.memory_space<vmem>>)
      tpu.yield
    }) : () -> ()
    %mul3A_92 = arith.constant 10240 : i32
    %mul3A_93 = arith.muli %arg0, %mul3A_92 : i32
    %add3A_94 = arith.addi %mul3A_93, %add3A_91 : i32
    "tpu.region"() ({
      %run_scoped3A_116 = tpu.sem_alloc : memref<!tpu.dma_semaphore, #tpu.memory_space<semaphore_mem>>
      %dma_start3A_117 = arith.constant 0 : i32
      %dma_start3A_118 = arith.constant 0 : i32
      %dma_start3A_119 = tpu.memref_slice %arg7[%dma_start3A_117, %dma_start3A_118] : memref<84x128xf32, #tpu.memory_space<vmem>> -> memref<80x128xf32, #tpu.memory_space<vmem>>
      %dma_start3A_120 = arith.constant 0 : i32
      %dma_start3A_121 = tpu.memref_slice %arg4[%add3A_94, %dma_start3A_120] : memref<20480x128xf32, #tpu.memory_space<hbm>> -> memref<80x128xf32, #tpu.memory_space<hbm>>
      %dma_start3A_122 = arith.constant 0 : i32
      %dma_start3A_123 = tpu.memref_slice %arg4[%add3A_94, %dma_start3A_122] : memref<20480x128xf32, #tpu.memory_space<hbm>> -> memref<80x128xf32, #tpu.memory_space<hbm>>
      %dma_start3A_124 = arith.constant 0 : i32
      %dma_start3A_125 = arith.constant 0 : i32
      %dma_start3A_126 = tpu.memref_slice %arg7[%dma_start3A_124, %dma_start3A_125] : memref<84x128xf32, #tpu.memory_space<vmem>> -> memref<80x128xf32, #tpu.memory_space<vmem>>
      tpu.enqueue_dma source(%dma_start3A_126 : memref<80x128xf32, #tpu.memory_space<vmem>>) target(%dma_start3A_123 : memref<80x128xf32, #tpu.memory_space<hbm>>) target_semaphore(%run_scoped3A_116 : memref<!tpu.dma_semaphore, #tpu.memory_space<semaphore_mem>>)
      %dma_wait3A = arith.constant 0 : i32
      %dma_wait3A_127 = arith.constant 0 : i32
      %dma_wait3A_128 = tpu.memref_slice %arg7[%dma_wait3A, %dma_wait3A_127] : memref<84x128xf32, #tpu.memory_space<vmem>> -> memref<80x128xf32, #tpu.memory_space<vmem>>
      %dma_wait3A_129 = arith.constant 0 : i32
      %dma_wait3A_130 = tpu.memref_slice %arg4[%add3A_94, %dma_wait3A_129] : memref<20480x128xf32, #tpu.memory_space<hbm>> -> memref<80x128xf32, #tpu.memory_space<hbm>>
      %dma_wait3A_131 = arith.constant 0 : i32
      %dma_wait3A_132 = tpu.memref_slice %arg4[%add3A_94, %dma_wait3A_131] : memref<20480x128xf32, #tpu.memory_space<hbm>> -> memref<80x128xf32, #tpu.memory_space<hbm>>
      %dma_wait3A_133 = arith.constant 0 : i32
      %dma_wait3A_134 = arith.constant 0 : i32
      %dma_wait3A_135 = tpu.memref_slice %arg7[%dma_wait3A_133, %dma_wait3A_134] : memref<84x128xf32, #tpu.memory_space<vmem>> -> memref<80x128xf32, #tpu.memory_space<vmem>>
      tpu.wait_dma2 semaphore(%run_scoped3A_116 : memref<!tpu.dma_semaphore, #tpu.memory_space<semaphore_mem>>) src(%dma_wait3A_135 : memref<80x128xf32, #tpu.memory_space<vmem>>) dst(%dma_wait3A_132 : memref<80x128xf32, #tpu.memory_space<hbm>>)
      tpu.yield
    }) : () -> ()
    %mul3A_95 = arith.constant 640 : i32
    %mul3A_96 = arith.muli %arg1, %mul3A_95 : i32
    %add3A_97 = arith.constant 400 : i32
    %add3A_98 = arith.addi %mul3A_96, %add3A_97 : i32
    "tpu.region"() ({
      %run_scoped3A_116 = tpu.sem_alloc : memref<!tpu.dma_semaphore, #tpu.memory_space<semaphore_mem>>
      %dma_start3A_117 = arith.constant 0 : i32
      %dma_start3A_118 = arith.constant 0 : i32
      %dma_start3A_119 = tpu.memref_slice %arg7[%dma_start3A_117, %dma_start3A_118] : memref<84x128xf32, #tpu.memory_space<vmem>> -> memref<80x128xf32, #tpu.memory_space<vmem>>
      %dma_start3A_120 = arith.constant 0 : i32
      %dma_start3A_121 = tpu.memref_slice %arg9[%add3A_98, %dma_start3A_120] : memref<10240x128xf32, #tpu.memory_space<vmem_shared>> -> memref<80x128xf32, #tpu.memory_space<vmem_shared>>
      %dma_start3A_122 = arith.constant 0 : i32
      %dma_start3A_123 = arith.constant 0 : i32
      %dma_start3A_124 = tpu.memref_slice %arg7[%dma_start3A_122, %dma_start3A_123] : memref<84x128xf32, #tpu.memory_space<vmem>> -> memref<80x128xf32, #tpu.memory_space<vmem>>
      %dma_start3A_125 = arith.constant 0 : i32
      %dma_start3A_126 = tpu.memref_slice %arg9[%add3A_98, %dma_start3A_125] : memref<10240x128xf32, #tpu.memory_space<vmem_shared>> -> memref<80x128xf32, #tpu.memory_space<vmem_shared>>
      tpu.enqueue_dma source(%dma_start3A_126 : memref<80x128xf32, #tpu.memory_space<vmem_shared>>) target(%dma_start3A_124 : memref<80x128xf32, #tpu.memory_space<vmem>>) target_semaphore(%run_scoped3A_116 : memref<!tpu.dma_semaphore, #tpu.memory_space<semaphore_mem>>)
      %dma_wait3A = arith.constant 0 : i32
      %dma_wait3A_127 = arith.constant 0 : i32
      %dma_wait3A_128 = tpu.memref_slice %arg7[%dma_wait3A, %dma_wait3A_127] : memref<84x128xf32, #tpu.memory_space<vmem>> -> memref<80x128xf32, #tpu.memory_space<vmem>>
      %dma_wait3A_129 = arith.constant 0 : i32
      %dma_wait3A_130 = tpu.memref_slice %arg9[%add3A_98, %dma_wait3A_129] : memref<10240x128xf32, #tpu.memory_space<vmem_shared>> -> memref<80x128xf32, #tpu.memory_space<vmem_shared>>
      %dma_wait3A_131 = arith.constant 0 : i32
      %dma_wait3A_132 = arith.constant 0 : i32
      %dma_wait3A_133 = tpu.memref_slice %arg7[%dma_wait3A_131, %dma_wait3A_132] : memref<84x128xf32, #tpu.memory_space<vmem>> -> memref<80x128xf32, #tpu.memory_space<vmem>>
      %dma_wait3A_134 = arith.constant 0 : i32
      %dma_wait3A_135 = tpu.memref_slice %arg9[%add3A_98, %dma_wait3A_134] : memref<10240x128xf32, #tpu.memory_space<vmem_shared>> -> memref<80x128xf32, #tpu.memory_space<vmem_shared>>
      tpu.wait_dma2 semaphore(%run_scoped3A_116 : memref<!tpu.dma_semaphore, #tpu.memory_space<semaphore_mem>>) src(%dma_wait3A_135 : memref<80x128xf32, #tpu.memory_space<vmem_shared>>) dst(%dma_wait3A_133 : memref<80x128xf32, #tpu.memory_space<vmem>>)
      tpu.yield
    }) : () -> ()
    %mul3A_99 = arith.constant 10240 : i32
    %mul3A_100 = arith.muli %arg0, %mul3A_99 : i32
    %add3A_101 = arith.addi %mul3A_100, %add3A_98 : i32
    "tpu.region"() ({
      %run_scoped3A_116 = tpu.sem_alloc : memref<!tpu.dma_semaphore, #tpu.memory_space<semaphore_mem>>
      %dma_start3A_117 = arith.constant 0 : i32
      %dma_start3A_118 = arith.constant 0 : i32
      %dma_start3A_119 = tpu.memref_slice %arg7[%dma_start3A_117, %dma_start3A_118] : memref<84x128xf32, #tpu.memory_space<vmem>> -> memref<80x128xf32, #tpu.memory_space<vmem>>
      %dma_start3A_120 = arith.constant 0 : i32
      %dma_start3A_121 = tpu.memref_slice %arg4[%add3A_101, %dma_start3A_120] : memref<20480x128xf32, #tpu.memory_space<hbm>> -> memref<80x128xf32, #tpu.memory_space<hbm>>
      %dma_start3A_122 = arith.constant 0 : i32
      %dma_start3A_123 = tpu.memref_slice %arg4[%add3A_101, %dma_start3A_122] : memref<20480x128xf32, #tpu.memory_space<hbm>> -> memref<80x128xf32, #tpu.memory_space<hbm>>
      %dma_start3A_124 = arith.constant 0 : i32
      %dma_start3A_125 = arith.constant 0 : i32
      %dma_start3A_126 = tpu.memref_slice %arg7[%dma_start3A_124, %dma_start3A_125] : memref<84x128xf32, #tpu.memory_space<vmem>> -> memref<80x128xf32, #tpu.memory_space<vmem>>
      tpu.enqueue_dma source(%dma_start3A_126 : memref<80x128xf32, #tpu.memory_space<vmem>>) target(%dma_start3A_123 : memref<80x128xf32, #tpu.memory_space<hbm>>) target_semaphore(%run_scoped3A_116 : memref<!tpu.dma_semaphore, #tpu.memory_space<semaphore_mem>>)
      %dma_wait3A = arith.constant 0 : i32
      %dma_wait3A_127 = arith.constant 0 : i32
      %dma_wait3A_128 = tpu.memref_slice %arg7[%dma_wait3A, %dma_wait3A_127] : memref<84x128xf32, #tpu.memory_space<vmem>> -> memref<80x128xf32, #tpu.memory_space<vmem>>
      %dma_wait3A_129 = arith.constant 0 : i32
      %dma_wait3A_130 = tpu.memref_slice %arg4[%add3A_101, %dma_wait3A_129] : memref<20480x128xf32, #tpu.memory_space<hbm>> -> memref<80x128xf32, #tpu.memory_space<hbm>>
      %dma_wait3A_131 = arith.constant 0 : i32
      %dma_wait3A_132 = tpu.memref_slice %arg4[%add3A_101, %dma_wait3A_131] : memref<20480x128xf32, #tpu.memory_space<hbm>> -> memref<80x128xf32, #tpu.memory_space<hbm>>
      %dma_wait3A_133 = arith.constant 0 : i32
      %dma_wait3A_134 = arith.constant 0 : i32
      %dma_wait3A_135 = tpu.memref_slice %arg7[%dma_wait3A_133, %dma_wait3A_134] : memref<84x128xf32, #tpu.memory_space<vmem>> -> memref<80x128xf32, #tpu.memory_space<vmem>>
      tpu.wait_dma2 semaphore(%run_scoped3A_116 : memref<!tpu.dma_semaphore, #tpu.memory_space<semaphore_mem>>) src(%dma_wait3A_135 : memref<80x128xf32, #tpu.memory_space<vmem>>) dst(%dma_wait3A_132 : memref<80x128xf32, #tpu.memory_space<hbm>>)
      tpu.yield
    }) : () -> ()
    %mul3A_102 = arith.constant 640 : i32
    %mul3A_103 = arith.muli %arg1, %mul3A_102 : i32
    %add3A_104 = arith.constant 480 : i32
    %add3A_105 = arith.addi %mul3A_103, %add3A_104 : i32
    "tpu.region"() ({
      %run_scoped3A_116 = tpu.sem_alloc : memref<!tpu.dma_semaphore, #tpu.memory_space<semaphore_mem>>
      %dma_start3A_117 = arith.constant 0 : i32
      %dma_start3A_118 = arith.constant 0 : i32
      %dma_start3A_119 = tpu.memref_slice %arg7[%dma_start3A_117, %dma_start3A_118] : memref<84x128xf32, #tpu.memory_space<vmem>> -> memref<80x128xf32, #tpu.memory_space<vmem>>
      %dma_start3A_120 = arith.constant 0 : i32
      %dma_start3A_121 = tpu.memref_slice %arg9[%add3A_105, %dma_start3A_120] : memref<10240x128xf32, #tpu.memory_space<vmem_shared>> -> memref<80x128xf32, #tpu.memory_space<vmem_shared>>
      %dma_start3A_122 = arith.constant 0 : i32
      %dma_start3A_123 = arith.constant 0 : i32
      %dma_start3A_124 = tpu.memref_slice %arg7[%dma_start3A_122, %dma_start3A_123] : memref<84x128xf32, #tpu.memory_space<vmem>> -> memref<80x128xf32, #tpu.memory_space<vmem>>
      %dma_start3A_125 = arith.constant 0 : i32
      %dma_start3A_126 = tpu.memref_slice %arg9[%add3A_105, %dma_start3A_125] : memref<10240x128xf32, #tpu.memory_space<vmem_shared>> -> memref<80x128xf32, #tpu.memory_space<vmem_shared>>
      tpu.enqueue_dma source(%dma_start3A_126 : memref<80x128xf32, #tpu.memory_space<vmem_shared>>) target(%dma_start3A_124 : memref<80x128xf32, #tpu.memory_space<vmem>>) target_semaphore(%run_scoped3A_116 : memref<!tpu.dma_semaphore, #tpu.memory_space<semaphore_mem>>)
      %dma_wait3A = arith.constant 0 : i32
      %dma_wait3A_127 = arith.constant 0 : i32
      %dma_wait3A_128 = tpu.memref_slice %arg7[%dma_wait3A, %dma_wait3A_127] : memref<84x128xf32, #tpu.memory_space<vmem>> -> memref<80x128xf32, #tpu.memory_space<vmem>>
      %dma_wait3A_129 = arith.constant 0 : i32
      %dma_wait3A_130 = tpu.memref_slice %arg9[%add3A_105, %dma_wait3A_129] : memref<10240x128xf32, #tpu.memory_space<vmem_shared>> -> memref<80x128xf32, #tpu.memory_space<vmem_shared>>
      %dma_wait3A_131 = arith.constant 0 : i32
      %dma_wait3A_132 = arith.constant 0 : i32
      %dma_wait3A_133 = tpu.memref_slice %arg7[%dma_wait3A_131, %dma_wait3A_132] : memref<84x128xf32, #tpu.memory_space<vmem>> -> memref<80x128xf32, #tpu.memory_space<vmem>>
      %dma_wait3A_134 = arith.constant 0 : i32
      %dma_wait3A_135 = tpu.memref_slice %arg9[%add3A_105, %dma_wait3A_134] : memref<10240x128xf32, #tpu.memory_space<vmem_shared>> -> memref<80x128xf32, #tpu.memory_space<vmem_shared>>
      tpu.wait_dma2 semaphore(%run_scoped3A_116 : memref<!tpu.dma_semaphore, #tpu.memory_space<semaphore_mem>>) src(%dma_wait3A_135 : memref<80x128xf32, #tpu.memory_space<vmem_shared>>) dst(%dma_wait3A_133 : memref<80x128xf32, #tpu.memory_space<vmem>>)
      tpu.yield
    }) : () -> ()
    %mul3A_106 = arith.constant 10240 : i32
    %mul3A_107 = arith.muli %arg0, %mul3A_106 : i32
    %add3A_108 = arith.addi %mul3A_107, %add3A_105 : i32
    "tpu.region"() ({
      %run_scoped3A_116 = tpu.sem_alloc : memref<!tpu.dma_semaphore, #tpu.memory_space<semaphore_mem>>
      %dma_start3A_117 = arith.constant 0 : i32
      %dma_start3A_118 = arith.constant 0 : i32
      %dma_start3A_119 = tpu.memref_slice %arg7[%dma_start3A_117, %dma_start3A_118] : memref<84x128xf32, #tpu.memory_space<vmem>> -> memref<80x128xf32, #tpu.memory_space<vmem>>
      %dma_start3A_120 = arith.constant 0 : i32
      %dma_start3A_121 = tpu.memref_slice %arg4[%add3A_108, %dma_start3A_120] : memref<20480x128xf32, #tpu.memory_space<hbm>> -> memref<80x128xf32, #tpu.memory_space<hbm>>
      %dma_start3A_122 = arith.constant 0 : i32
      %dma_start3A_123 = tpu.memref_slice %arg4[%add3A_108, %dma_start3A_122] : memref<20480x128xf32, #tpu.memory_space<hbm>> -> memref<80x128xf32, #tpu.memory_space<hbm>>
      %dma_start3A_124 = arith.constant 0 : i32
      %dma_start3A_125 = arith.constant 0 : i32
      %dma_start3A_126 = tpu.memref_slice %arg7[%dma_start3A_124, %dma_start3A_125] : memref<84x128xf32, #tpu.memory_space<vmem>> -> memref<80x128xf32, #tpu.memory_space<vmem>>
      tpu.enqueue_dma source(%dma_start3A_126 : memref<80x128xf32, #tpu.memory_space<vmem>>) target(%dma_start3A_123 : memref<80x128xf32, #tpu.memory_space<hbm>>) target_semaphore(%run_scoped3A_116 : memref<!tpu.dma_semaphore, #tpu.memory_space<semaphore_mem>>)
      %dma_wait3A = arith.constant 0 : i32
      %dma_wait3A_127 = arith.constant 0 : i32
      %dma_wait3A_128 = tpu.memref_slice %arg7[%dma_wait3A, %dma_wait3A_127] : memref<84x128xf32, #tpu.memory_space<vmem>> -> memref<80x128xf32, #tpu.memory_space<vmem>>
      %dma_wait3A_129 = arith.constant 0 : i32
      %dma_wait3A_130 = tpu.memref_slice %arg4[%add3A_108, %dma_wait3A_129] : memref<20480x128xf32, #tpu.memory_space<hbm>> -> memref<80x128xf32, #tpu.memory_space<hbm>>
      %dma_wait3A_131 = arith.constant 0 : i32
      %dma_wait3A_132 = tpu.memref_slice %arg4[%add3A_108, %dma_wait3A_131] : memref<20480x128xf32, #tpu.memory_space<hbm>> -> memref<80x128xf32, #tpu.memory_space<hbm>>
      %dma_wait3A_133 = arith.constant 0 : i32
      %dma_wait3A_134 = arith.constant 0 : i32
      %dma_wait3A_135 = tpu.memref_slice %arg7[%dma_wait3A_133, %dma_wait3A_134] : memref<84x128xf32, #tpu.memory_space<vmem>> -> memref<80x128xf32, #tpu.memory_space<vmem>>
      tpu.wait_dma2 semaphore(%run_scoped3A_116 : memref<!tpu.dma_semaphore, #tpu.memory_space<semaphore_mem>>) src(%dma_wait3A_135 : memref<80x128xf32, #tpu.memory_space<vmem>>) dst(%dma_wait3A_132 : memref<80x128xf32, #tpu.memory_space<hbm>>)
      tpu.yield
    }) : () -> ()
    %mul3A_109 = arith.constant 640 : i32
    %mul3A_110 = arith.muli %arg1, %mul3A_109 : i32
    %add3A_111 = arith.constant 560 : i32
    %add3A_112 = arith.addi %mul3A_110, %add3A_111 : i32
    "tpu.region"() ({
      %run_scoped3A_116 = tpu.sem_alloc : memref<!tpu.dma_semaphore, #tpu.memory_space<semaphore_mem>>
      %dma_start3A_117 = arith.constant 0 : i32
      %dma_start3A_118 = arith.constant 0 : i32
      %dma_start3A_119 = tpu.memref_slice %arg7[%dma_start3A_117, %dma_start3A_118] : memref<84x128xf32, #tpu.memory_space<vmem>> -> memref<80x128xf32, #tpu.memory_space<vmem>>
      %dma_start3A_120 = arith.constant 0 : i32
      %dma_start3A_121 = tpu.memref_slice %arg9[%add3A_112, %dma_start3A_120] : memref<10240x128xf32, #tpu.memory_space<vmem_shared>> -> memref<80x128xf32, #tpu.memory_space<vmem_shared>>
      %dma_start3A_122 = arith.constant 0 : i32
      %dma_start3A_123 = arith.constant 0 : i32
      %dma_start3A_124 = tpu.memref_slice %arg7[%dma_start3A_122, %dma_start3A_123] : memref<84x128xf32, #tpu.memory_space<vmem>> -> memref<80x128xf32, #tpu.memory_space<vmem>>
      %dma_start3A_125 = arith.constant 0 : i32
      %dma_start3A_126 = tpu.memref_slice %arg9[%add3A_112, %dma_start3A_125] : memref<10240x128xf32, #tpu.memory_space<vmem_shared>> -> memref<80x128xf32, #tpu.memory_space<vmem_shared>>
      tpu.enqueue_dma source(%dma_start3A_126 : memref<80x128xf32, #tpu.memory_space<vmem_shared>>) target(%dma_start3A_124 : memref<80x128xf32, #tpu.memory_space<vmem>>) target_semaphore(%run_scoped3A_116 : memref<!tpu.dma_semaphore, #tpu.memory_space<semaphore_mem>>)
      %dma_wait3A = arith.constant 0 : i32
      %dma_wait3A_127 = arith.constant 0 : i32
      %dma_wait3A_128 = tpu.memref_slice %arg7[%dma_wait3A, %dma_wait3A_127] : memref<84x128xf32, #tpu.memory_space<vmem>> -> memref<80x128xf32, #tpu.memory_space<vmem>>
      %dma_wait3A_129 = arith.constant 0 : i32
      %dma_wait3A_130 = tpu.memref_slice %arg9[%add3A_112, %dma_wait3A_129] : memref<10240x128xf32, #tpu.memory_space<vmem_shared>> -> memref<80x128xf32, #tpu.memory_space<vmem_shared>>
      %dma_wait3A_131 = arith.constant 0 : i32
      %dma_wait3A_132 = arith.constant 0 : i32
      %dma_wait3A_133 = tpu.memref_slice %arg7[%dma_wait3A_131, %dma_wait3A_132] : memref<84x128xf32, #tpu.memory_space<vmem>> -> memref<80x128xf32, #tpu.memory_space<vmem>>
      %dma_wait3A_134 = arith.constant 0 : i32
      %dma_wait3A_135 = tpu.memref_slice %arg9[%add3A_112, %dma_wait3A_134] : memref<10240x128xf32, #tpu.memory_space<vmem_shared>> -> memref<80x128xf32, #tpu.memory_space<vmem_shared>>
      tpu.wait_dma2 semaphore(%run_scoped3A_116 : memref<!tpu.dma_semaphore, #tpu.memory_space<semaphore_mem>>) src(%dma_wait3A_135 : memref<80x128xf32, #tpu.memory_space<vmem_shared>>) dst(%dma_wait3A_133 : memref<80x128xf32, #tpu.memory_space<vmem>>)
      tpu.yield
    }) : () -> ()
    %mul3A_113 = arith.constant 10240 : i32
    %mul3A_114 = arith.muli %arg0, %mul3A_113 : i32
    %add3A_115 = arith.addi %mul3A_114, %add3A_112 : i32
    "tpu.region"() ({
      %run_scoped3A_116 = tpu.sem_alloc : memref<!tpu.dma_semaphore, #tpu.memory_space<semaphore_mem>>
      %dma_start3A_117 = arith.constant 0 : i32
      %dma_start3A_118 = arith.constant 0 : i32
      %dma_start3A_119 = tpu.memref_slice %arg7[%dma_start3A_117, %dma_start3A_118] : memref<84x128xf32, #tpu.memory_space<vmem>> -> memref<80x128xf32, #tpu.memory_space<vmem>>
      %dma_start3A_120 = arith.constant 0 : i32
      %dma_start3A_121 = tpu.memref_slice %arg4[%add3A_115, %dma_start3A_120] : memref<20480x128xf32, #tpu.memory_space<hbm>> -> memref<80x128xf32, #tpu.memory_space<hbm>>
      %dma_start3A_122 = arith.constant 0 : i32
      %dma_start3A_123 = tpu.memref_slice %arg4[%add3A_115, %dma_start3A_122] : memref<20480x128xf32, #tpu.memory_space<hbm>> -> memref<80x128xf32, #tpu.memory_space<hbm>>
      %dma_start3A_124 = arith.constant 0 : i32
      %dma_start3A_125 = arith.constant 0 : i32
      %dma_start3A_126 = tpu.memref_slice %arg7[%dma_start3A_124, %dma_start3A_125] : memref<84x128xf32, #tpu.memory_space<vmem>> -> memref<80x128xf32, #tpu.memory_space<vmem>>
      tpu.enqueue_dma source(%dma_start3A_126 : memref<80x128xf32, #tpu.memory_space<vmem>>) target(%dma_start3A_123 : memref<80x128xf32, #tpu.memory_space<hbm>>) target_semaphore(%run_scoped3A_116 : memref<!tpu.dma_semaphore, #tpu.memory_space<semaphore_mem>>)
      %dma_wait3A = arith.constant 0 : i32
      %dma_wait3A_127 = arith.constant 0 : i32
      %dma_wait3A_128 = tpu.memref_slice %arg7[%dma_wait3A, %dma_wait3A_127] : memref<84x128xf32, #tpu.memory_space<vmem>> -> memref<80x128xf32, #tpu.memory_space<vmem>>
      %dma_wait3A_129 = arith.constant 0 : i32
      %dma_wait3A_130 = tpu.memref_slice %arg4[%add3A_115, %dma_wait3A_129] : memref<20480x128xf32, #tpu.memory_space<hbm>> -> memref<80x128xf32, #tpu.memory_space<hbm>>
      %dma_wait3A_131 = arith.constant 0 : i32
      %dma_wait3A_132 = tpu.memref_slice %arg4[%add3A_115, %dma_wait3A_131] : memref<20480x128xf32, #tpu.memory_space<hbm>> -> memref<80x128xf32, #tpu.memory_space<hbm>>
      %dma_wait3A_133 = arith.constant 0 : i32
      %dma_wait3A_134 = arith.constant 0 : i32
      %dma_wait3A_135 = tpu.memref_slice %arg7[%dma_wait3A_133, %dma_wait3A_134] : memref<84x128xf32, #tpu.memory_space<vmem>> -> memref<80x128xf32, #tpu.memory_space<vmem>>
      tpu.wait_dma2 semaphore(%run_scoped3A_116 : memref<!tpu.dma_semaphore, #tpu.memory_space<semaphore_mem>>) src(%dma_wait3A_135 : memref<80x128xf32, #tpu.memory_space<vmem>>) dst(%dma_wait3A_132 : memref<80x128xf32, #tpu.memory_space<hbm>>)
      tpu.yield
    }) : () -> ()
    return
  }
}

#map = affine_map<(d0, d1) -> (0, 0, 0, 0, 0, 0)>
#map1 = affine_map<(d0, d1) -> (0, 0)>
module attributes {stable_mosaic.version = 14 : i64} {
  func.func @_degree_body(%arg0: i32, %arg1: i32, %arg2: memref<2x16x12x10x2x84xi32, #tpu.memory_space<hbm>>, %arg3: memref<2x10240xf32, #tpu.memory_space<hbm>>, %arg4: memref<12x10x2x84xi32, #tpu.memory_space<vmem>>, %arg5: memref<96xf32, #tpu.memory_space<vmem>>, %arg6: memref<640xf32, #tpu.memory_space<vmem>>, %arg7: memref<10240xf32, #tpu.memory_space<vmem_shared>>) attributes {dimension_semantics = [#tpu.dimension_semantics<core_parallel>, #tpu.dimension_semantics<subcore_parallel>], iteration_bounds = array<i64: 2, 16>, scalar_prefetch = 0 : i64, scratch_operands = 4 : i64, tpu.core_type = #tpu.core_type<sc_vector_subcore>, window_params = [{transform_indices = #map}, {transform_indices = #map1}]} {
    %scan3A = arith.constant 0 : i32
    %scan3A_0 = arith.constant 0 : i32
    %scan3A_1 = arith.constant 6 : i32
    %scan3A_2 = arith.addi %scan3A_0, %scan3A_1 : i32
    %scan3A_3 = arith.constant 1 : i32
    scf.for %scan3A_23 = %scan3A_0 to %scan3A_2 step %scan3A_3  : i32 {
      %broadcast_in_dim3A = arith.constant 1.000000e+00 : f32
      %broadcast_in_dim3A_24 = vector.broadcast %broadcast_in_dim3A : f32 to vector<16xf32>
      %mul3A_25 = arith.constant 16 : i32
      %mul3A_26 = arith.muli %scan3A_23, %mul3A_25 : i32
      %swap3A = arith.index_cast %mul3A_26 : i32 to index
      %swap3A_27 = tpu.vector_load %arg5[%swap3A] {strides = array<i32>} : memref<96xf32, #tpu.memory_space<vmem>>, vector<16xf32>,
      %swap3A_28 = vector.shape_cast %swap3A_27 : vector<16xf32> to vector<16xf32>
      %swap3A_29 = vector.shape_cast %broadcast_in_dim3A_24 : vector<16xf32> to vector<16xf32>
      tpu.vector_store %arg5[%swap3A], %swap3A_29 {strides = array<i32>} : memref<96xf32, #tpu.memory_space<vmem>>, vector<16xf32>,
    }
    %scan3A_4 = arith.constant 6 : i32
    %scan3A_5 = arith.constant 0 : i32
    %scan3A_6 = arith.constant 0 : i32
    %scan3A_7 = arith.constant 40 : i32
    %scan3A_8 = arith.addi %scan3A_6, %scan3A_7 : i32
    %scan3A_9 = arith.constant 1 : i32
    scf.for %scan3A_23 = %scan3A_6 to %scan3A_8 step %scan3A_9  : i32 {
      %broadcast_in_dim3A = arith.constant 0.000000e+00 : f32
      %broadcast_in_dim3A_24 = vector.broadcast %broadcast_in_dim3A : f32 to vector<16xf32>
      %mul3A_25 = arith.constant 16 : i32
      %mul3A_26 = arith.muli %scan3A_23, %mul3A_25 : i32
      %swap3A = arith.index_cast %mul3A_26 : i32 to index
      %swap3A_27 = tpu.vector_load %arg6[%swap3A] {strides = array<i32>} : memref<640xf32, #tpu.memory_space<vmem>>, vector<16xf32>,
      %swap3A_28 = vector.shape_cast %swap3A_27 : vector<16xf32> to vector<16xf32>
      %swap3A_29 = vector.shape_cast %broadcast_in_dim3A_24 : vector<16xf32> to vector<16xf32>
      tpu.vector_store %arg6[%swap3A], %swap3A_29 {strides = array<i32>} : memref<640xf32, #tpu.memory_space<vmem>>, vector<16xf32>,
    }
    %scan3A_10 = arith.constant 40 : i32
    %mul3A = arith.constant 640 : i32
    %mul3A_11 = arith.muli %arg1, %mul3A : i32
    "tpu.region"() ({
      %run_scoped3A_23 = tpu.sem_alloc : memref<!tpu.dma_semaphore, #tpu.memory_space<semaphore_mem>>
      %dma_start3A = tpu.memref_slice %arg7[%mul3A_11] : memref<10240xf32, #tpu.memory_space<vmem_shared>> -> memref<640xf32, #tpu.memory_space<vmem_shared>>
      %dma_start3A_24 = tpu.memref_slice %arg7[%mul3A_11] : memref<10240xf32, #tpu.memory_space<vmem_shared>> -> memref<640xf32, #tpu.memory_space<vmem_shared>>
      tpu.enqueue_dma source(%arg6 : memref<640xf32, #tpu.memory_space<vmem>>) target(%dma_start3A_24 : memref<640xf32, #tpu.memory_space<vmem_shared>>) target_semaphore(%run_scoped3A_23 : memref<!tpu.dma_semaphore, #tpu.memory_space<semaphore_mem>>)
      %dma_wait3A = tpu.memref_slice %arg7[%mul3A_11] : memref<10240xf32, #tpu.memory_space<vmem_shared>> -> memref<640xf32, #tpu.memory_space<vmem_shared>>
      %dma_wait3A_25 = tpu.memref_slice %arg7[%mul3A_11] : memref<10240xf32, #tpu.memory_space<vmem_shared>> -> memref<640xf32, #tpu.memory_space<vmem_shared>>
      tpu.wait_dma2 semaphore(%run_scoped3A_23 : memref<!tpu.dma_semaphore, #tpu.memory_space<semaphore_mem>>) src(%arg6 : memref<640xf32, #tpu.memory_space<vmem>>) dst(%dma_wait3A_25 : memref<640xf32, #tpu.memory_space<vmem_shared>>)
      tpu.yield
    }) : () -> ()
    %run_scoped3A = arith.constant 0 : i32
    "tpu.region"() ({
      %run_scoped3A_23 = tpu.sem_alloc : memref<!tpu.dma_semaphore, #tpu.memory_space<semaphore_mem>>
      %dma_start3A = arith.constant 0 : i32
      %dma_start3A_24 = arith.constant 0 : i32
      %dma_start3A_25 = arith.constant 0 : i32
      %dma_start3A_26 = arith.constant 0 : i32
      %dma_start3A_27 = tpu.memref_slice %arg2[%run_scoped3A, %arg1, %dma_start3A, %dma_start3A_24, %dma_start3A_25, %dma_start3A_26] : memref<2x16x12x10x2x84xi32, #tpu.memory_space<hbm>> -> memref<1x1x12x10x2x84xi32, #tpu.memory_space<hbm>>
      %dma_start3A_28 = tpu.memref_squeeze %dma_start3A_27 : memref<1x1x12x10x2x84xi32, #tpu.memory_space<hbm>> -> memref<12x10x2x84xi32, #tpu.memory_space<hbm>>
      %dma_start3A_29 = arith.constant 0 : i32
      %dma_start3A_30 = arith.constant 0 : i32
      %dma_start3A_31 = arith.constant 0 : i32
      %dma_start3A_32 = arith.constant 0 : i32
      %dma_start3A_33 = tpu.memref_slice %arg2[%run_scoped3A, %arg1, %dma_start3A_29, %dma_start3A_30, %dma_start3A_31, %dma_start3A_32] : memref<2x16x12x10x2x84xi32, #tpu.memory_space<hbm>> -> memref<1x1x12x10x2x84xi32, #tpu.memory_space<hbm>>
      %dma_start3A_34 = tpu.memref_squeeze %dma_start3A_33 : memref<1x1x12x10x2x84xi32, #tpu.memory_space<hbm>> -> memref<12x10x2x84xi32, #tpu.memory_space<hbm>>
      tpu.enqueue_dma source(%dma_start3A_34 : memref<12x10x2x84xi32, #tpu.memory_space<hbm>>) target(%arg4 : memref<12x10x2x84xi32, #tpu.memory_space<vmem>>) target_semaphore(%run_scoped3A_23 : memref<!tpu.dma_semaphore, #tpu.memory_space<semaphore_mem>>)
      %dma_wait3A = arith.constant 0 : i32
      %dma_wait3A_35 = arith.constant 0 : i32
      %dma_wait3A_36 = arith.constant 0 : i32
      %dma_wait3A_37 = arith.constant 0 : i32
      %dma_wait3A_38 = tpu.memref_slice %arg2[%run_scoped3A, %arg1, %dma_wait3A, %dma_wait3A_35, %dma_wait3A_36, %dma_wait3A_37] : memref<2x16x12x10x2x84xi32, #tpu.memory_space<hbm>> -> memref<1x1x12x10x2x84xi32, #tpu.memory_space<hbm>>
      %dma_wait3A_39 = tpu.memref_squeeze %dma_wait3A_38 : memref<1x1x12x10x2x84xi32, #tpu.memory_space<hbm>> -> memref<12x10x2x84xi32, #tpu.memory_space<hbm>>
      %dma_wait3A_40 = arith.constant 0 : i32
      %dma_wait3A_41 = arith.constant 0 : i32
      %dma_wait3A_42 = arith.constant 0 : i32
      %dma_wait3A_43 = arith.constant 0 : i32
      %dma_wait3A_44 = tpu.memref_slice %arg2[%run_scoped3A, %arg1, %dma_wait3A_40, %dma_wait3A_41, %dma_wait3A_42, %dma_wait3A_43] : memref<2x16x12x10x2x84xi32, #tpu.memory_space<hbm>> -> memref<1x1x12x10x2x84xi32, #tpu.memory_space<hbm>>
      %dma_wait3A_45 = tpu.memref_squeeze %dma_wait3A_44 : memref<1x1x12x10x2x84xi32, #tpu.memory_space<hbm>> -> memref<12x10x2x84xi32, #tpu.memory_space<hbm>>
      tpu.wait_dma2 semaphore(%run_scoped3A_23 : memref<!tpu.dma_semaphore, #tpu.memory_space<semaphore_mem>>) src(%dma_wait3A_45 : memref<12x10x2x84xi32, #tpu.memory_space<hbm>>) dst(%arg4 : memref<12x10x2x84xi32, #tpu.memory_space<vmem>>)
      tpu.yield
    }) : () -> ()
    %barrier3A = arith.constant 0 : index
    tpu.barrier barrier_id(%barrier3A)
    %scan3A_12 = arith.constant 0 : i32
    %scan3A_13 = arith.constant 0 : i32
    %scan3A_14 = arith.constant 12 : i32
    %scan3A_15 = arith.addi %scan3A_13, %scan3A_14 : i32
    %scan3A_16 = arith.constant 1 : i32
    scf.for %scan3A_23 = %scan3A_13 to %scan3A_15 step %scan3A_16  : i32 {
      %run_scoped3A_24 = arith.constant 0 : i32
      "tpu.region"() ({
        %run_scoped3A_34 = tpu.sem_alloc : memref<!tpu.dma_semaphore, #tpu.memory_space<semaphore_mem>>
        %dma_start3A = arith.constant 0 : i32
        %dma_start3A_35 = tpu.memref_slice %arg5[%dma_start3A] : memref<96xf32, #tpu.memory_space<vmem>> -> memref<84xf32, #tpu.memory_space<vmem>>
        %dma_start3A_36 = arith.constant 0 : i32
        %dma_start3A_37 = tpu.memref_slice %arg4[%scan3A_23, %run_scoped3A_24, %arg0, %dma_start3A_36] : memref<12x10x2x84xi32, #tpu.memory_space<vmem>> -> memref<1x1x1x84xi32, #tpu.memory_space<vmem>>
        %dma_start3A_38 = tpu.memref_squeeze %dma_start3A_37 : memref<1x1x1x84xi32, #tpu.memory_space<vmem>> -> memref<84xi32, #tpu.memory_space<vmem>>
        %dma_start3A_39 = arith.constant 0 : i32
        %dma_start3A_40 = tpu.memref_slice %arg7[%dma_start3A_39] : memref<10240xf32, #tpu.memory_space<vmem_shared>> -> memref<10240xf32, #tpu.memory_space<vmem_shared>>
        tpu.enqueue_indirect_dma source(%dma_start3A_35 : memref<84xf32, #tpu.memory_space<vmem>>) target(%dma_start3A_40 : memref<10240xf32, #tpu.memory_space<vmem_shared>>) offsets(%dma_start3A_38 : memref<84xi32, #tpu.memory_space<vmem>>) semaphore(%run_scoped3A_34 : memref<!tpu.dma_semaphore, #tpu.memory_space<semaphore_mem>>) {add = true}
        %dma_wait3A = arith.constant 0 : i32
        %dma_wait3A_41 = tpu.memref_slice %arg5[%dma_wait3A] : memref<96xf32, #tpu.memory_space<vmem>> -> memref<84xf32, #tpu.memory_space<vmem>>
        %dma_wait3A_42 = arith.constant 0 : i32
        %dma_wait3A_43 = tpu.memref_slice %arg4[%scan3A_23, %run_scoped3A_24, %arg0, %dma_wait3A_42] : memref<12x10x2x84xi32, #tpu.memory_space<vmem>> -> memref<1x1x1x84xi32, #tpu.memory_space<vmem>>
        %dma_wait3A_44 = tpu.memref_squeeze %dma_wait3A_43 : memref<1x1x1x84xi32, #tpu.memory_space<vmem>> -> memref<84xi32, #tpu.memory_space<vmem>>
        %dma_wait3A_45 = arith.constant 0 : i32
        %dma_wait3A_46 = tpu.memref_slice %arg7[%dma_wait3A_45] : memref<10240xf32, #tpu.memory_space<vmem_shared>> -> memref<10240xf32, #tpu.memory_space<vmem_shared>>
        tpu.wait_indirect_dma semaphore(%run_scoped3A_34 : memref<!tpu.dma_semaphore, #tpu.memory_space<semaphore_mem>>) src(%dma_wait3A_41 : memref<84xf32, #tpu.memory_space<vmem>>) dst(%dma_wait3A_46 : memref<10240xf32, #tpu.memory_space<vmem_shared>>)
        tpu.yield
      }) : () -> ()
      %run_scoped3A_25 = arith.constant 1 : i32
      "tpu.region"() ({
        %run_scoped3A_34 = tpu.sem_alloc : memref<!tpu.dma_semaphore, #tpu.memory_space<semaphore_mem>>
        %dma_start3A = arith.constant 0 : i32
        %dma_start3A_35 = tpu.memref_slice %arg5[%dma_start3A] : memref<96xf32, #tpu.memory_space<vmem>> -> memref<84xf32, #tpu.memory_space<vmem>>
        %dma_start3A_36 = arith.constant 0 : i32
        %dma_start3A_37 = tpu.memref_slice %arg4[%scan3A_23, %run_scoped3A_25, %arg0, %dma_start3A_36] : memref<12x10x2x84xi32, #tpu.memory_space<vmem>> -> memref<1x1x1x84xi32, #tpu.memory_space<vmem>>
        %dma_start3A_38 = tpu.memref_squeeze %dma_start3A_37 : memref<1x1x1x84xi32, #tpu.memory_space<vmem>> -> memref<84xi32, #tpu.memory_space<vmem>>
        %dma_start3A_39 = arith.constant 0 : i32
        %dma_start3A_40 = tpu.memref_slice %arg7[%dma_start3A_39] : memref<10240xf32, #tpu.memory_space<vmem_shared>> -> memref<10240xf32, #tpu.memory_space<vmem_shared>>
        tpu.enqueue_indirect_dma source(%dma_start3A_35 : memref<84xf32, #tpu.memory_space<vmem>>) target(%dma_start3A_40 : memref<10240xf32, #tpu.memory_space<vmem_shared>>) offsets(%dma_start3A_38 : memref<84xi32, #tpu.memory_space<vmem>>) semaphore(%run_scoped3A_34 : memref<!tpu.dma_semaphore, #tpu.memory_space<semaphore_mem>>) {add = true}
        %dma_wait3A = arith.constant 0 : i32
        %dma_wait3A_41 = tpu.memref_slice %arg5[%dma_wait3A] : memref<96xf32, #tpu.memory_space<vmem>> -> memref<84xf32, #tpu.memory_space<vmem>>
        %dma_wait3A_42 = arith.constant 0 : i32
        %dma_wait3A_43 = tpu.memref_slice %arg4[%scan3A_23, %run_scoped3A_25, %arg0, %dma_wait3A_42] : memref<12x10x2x84xi32, #tpu.memory_space<vmem>> -> memref<1x1x1x84xi32, #tpu.memory_space<vmem>>
        %dma_wait3A_44 = tpu.memref_squeeze %dma_wait3A_43 : memref<1x1x1x84xi32, #tpu.memory_space<vmem>> -> memref<84xi32, #tpu.memory_space<vmem>>
        %dma_wait3A_45 = arith.constant 0 : i32
        %dma_wait3A_46 = tpu.memref_slice %arg7[%dma_wait3A_45] : memref<10240xf32, #tpu.memory_space<vmem_shared>> -> memref<10240xf32, #tpu.memory_space<vmem_shared>>
        tpu.wait_indirect_dma semaphore(%run_scoped3A_34 : memref<!tpu.dma_semaphore, #tpu.memory_space<semaphore_mem>>) src(%dma_wait3A_41 : memref<84xf32, #tpu.memory_space<vmem>>) dst(%dma_wait3A_46 : memref<10240xf32, #tpu.memory_space<vmem_shared>>)
        tpu.yield
      }) : () -> ()
      %run_scoped3A_26 = arith.constant 2 : i32
      "tpu.region"() ({
        %run_scoped3A_34 = tpu.sem_alloc : memref<!tpu.dma_semaphore, #tpu.memory_space<semaphore_mem>>
        %dma_start3A = arith.constant 0 : i32
        %dma_start3A_35 = tpu.memref_slice %arg5[%dma_start3A] : memref<96xf32, #tpu.memory_space<vmem>> -> memref<84xf32, #tpu.memory_space<vmem>>
        %dma_start3A_36 = arith.constant 0 : i32
        %dma_start3A_37 = tpu.memref_slice %arg4[%scan3A_23, %run_scoped3A_26, %arg0, %dma_start3A_36] : memref<12x10x2x84xi32, #tpu.memory_space<vmem>> -> memref<1x1x1x84xi32, #tpu.memory_space<vmem>>
        %dma_start3A_38 = tpu.memref_squeeze %dma_start3A_37 : memref<1x1x1x84xi32, #tpu.memory_space<vmem>> -> memref<84xi32, #tpu.memory_space<vmem>>
        %dma_start3A_39 = arith.constant 0 : i32
        %dma_start3A_40 = tpu.memref_slice %arg7[%dma_start3A_39] : memref<10240xf32, #tpu.memory_space<vmem_shared>> -> memref<10240xf32, #tpu.memory_space<vmem_shared>>
        tpu.enqueue_indirect_dma source(%dma_start3A_35 : memref<84xf32, #tpu.memory_space<vmem>>) target(%dma_start3A_40 : memref<10240xf32, #tpu.memory_space<vmem_shared>>) offsets(%dma_start3A_38 : memref<84xi32, #tpu.memory_space<vmem>>) semaphore(%run_scoped3A_34 : memref<!tpu.dma_semaphore, #tpu.memory_space<semaphore_mem>>) {add = true}
        %dma_wait3A = arith.constant 0 : i32
        %dma_wait3A_41 = tpu.memref_slice %arg5[%dma_wait3A] : memref<96xf32, #tpu.memory_space<vmem>> -> memref<84xf32, #tpu.memory_space<vmem>>
        %dma_wait3A_42 = arith.constant 0 : i32
        %dma_wait3A_43 = tpu.memref_slice %arg4[%scan3A_23, %run_scoped3A_26, %arg0, %dma_wait3A_42] : memref<12x10x2x84xi32, #tpu.memory_space<vmem>> -> memref<1x1x1x84xi32, #tpu.memory_space<vmem>>
        %dma_wait3A_44 = tpu.memref_squeeze %dma_wait3A_43 : memref<1x1x1x84xi32, #tpu.memory_space<vmem>> -> memref<84xi32, #tpu.memory_space<vmem>>
        %dma_wait3A_45 = arith.constant 0 : i32
        %dma_wait3A_46 = tpu.memref_slice %arg7[%dma_wait3A_45] : memref<10240xf32, #tpu.memory_space<vmem_shared>> -> memref<10240xf32, #tpu.memory_space<vmem_shared>>
        tpu.wait_indirect_dma semaphore(%run_scoped3A_34 : memref<!tpu.dma_semaphore, #tpu.memory_space<semaphore_mem>>) src(%dma_wait3A_41 : memref<84xf32, #tpu.memory_space<vmem>>) dst(%dma_wait3A_46 : memref<10240xf32, #tpu.memory_space<vmem_shared>>)
        tpu.yield
      }) : () -> ()
      %run_scoped3A_27 = arith.constant 3 : i32
      "tpu.region"() ({
        %run_scoped3A_34 = tpu.sem_alloc : memref<!tpu.dma_semaphore, #tpu.memory_space<semaphore_mem>>
        %dma_start3A = arith.constant 0 : i32
        %dma_start3A_35 = tpu.memref_slice %arg5[%dma_start3A] : memref<96xf32, #tpu.memory_space<vmem>> -> memref<84xf32, #tpu.memory_space<vmem>>
        %dma_start3A_36 = arith.constant 0 : i32
        %dma_start3A_37 = tpu.memref_slice %arg4[%scan3A_23, %run_scoped3A_27, %arg0, %dma_start3A_36] : memref<12x10x2x84xi32, #tpu.memory_space<vmem>> -> memref<1x1x1x84xi32, #tpu.memory_space<vmem>>
        %dma_start3A_38 = tpu.memref_squeeze %dma_start3A_37 : memref<1x1x1x84xi32, #tpu.memory_space<vmem>> -> memref<84xi32, #tpu.memory_space<vmem>>
        %dma_start3A_39 = arith.constant 0 : i32
        %dma_start3A_40 = tpu.memref_slice %arg7[%dma_start3A_39] : memref<10240xf32, #tpu.memory_space<vmem_shared>> -> memref<10240xf32, #tpu.memory_space<vmem_shared>>
        tpu.enqueue_indirect_dma source(%dma_start3A_35 : memref<84xf32, #tpu.memory_space<vmem>>) target(%dma_start3A_40 : memref<10240xf32, #tpu.memory_space<vmem_shared>>) offsets(%dma_start3A_38 : memref<84xi32, #tpu.memory_space<vmem>>) semaphore(%run_scoped3A_34 : memref<!tpu.dma_semaphore, #tpu.memory_space<semaphore_mem>>) {add = true}
        %dma_wait3A = arith.constant 0 : i32
        %dma_wait3A_41 = tpu.memref_slice %arg5[%dma_wait3A] : memref<96xf32, #tpu.memory_space<vmem>> -> memref<84xf32, #tpu.memory_space<vmem>>
        %dma_wait3A_42 = arith.constant 0 : i32
        %dma_wait3A_43 = tpu.memref_slice %arg4[%scan3A_23, %run_scoped3A_27, %arg0, %dma_wait3A_42] : memref<12x10x2x84xi32, #tpu.memory_space<vmem>> -> memref<1x1x1x84xi32, #tpu.memory_space<vmem>>
        %dma_wait3A_44 = tpu.memref_squeeze %dma_wait3A_43 : memref<1x1x1x84xi32, #tpu.memory_space<vmem>> -> memref<84xi32, #tpu.memory_space<vmem>>
        %dma_wait3A_45 = arith.constant 0 : i32
        %dma_wait3A_46 = tpu.memref_slice %arg7[%dma_wait3A_45] : memref<10240xf32, #tpu.memory_space<vmem_shared>> -> memref<10240xf32, #tpu.memory_space<vmem_shared>>
        tpu.wait_indirect_dma semaphore(%run_scoped3A_34 : memref<!tpu.dma_semaphore, #tpu.memory_space<semaphore_mem>>) src(%dma_wait3A_41 : memref<84xf32, #tpu.memory_space<vmem>>) dst(%dma_wait3A_46 : memref<10240xf32, #tpu.memory_space<vmem_shared>>)
        tpu.yield
      }) : () -> ()
      %run_scoped3A_28 = arith.constant 4 : i32
      "tpu.region"() ({
        %run_scoped3A_34 = tpu.sem_alloc : memref<!tpu.dma_semaphore, #tpu.memory_space<semaphore_mem>>
        %dma_start3A = arith.constant 0 : i32
        %dma_start3A_35 = tpu.memref_slice %arg5[%dma_start3A] : memref<96xf32, #tpu.memory_space<vmem>> -> memref<84xf32, #tpu.memory_space<vmem>>
        %dma_start3A_36 = arith.constant 0 : i32
        %dma_start3A_37 = tpu.memref_slice %arg4[%scan3A_23, %run_scoped3A_28, %arg0, %dma_start3A_36] : memref<12x10x2x84xi32, #tpu.memory_space<vmem>> -> memref<1x1x1x84xi32, #tpu.memory_space<vmem>>
        %dma_start3A_38 = tpu.memref_squeeze %dma_start3A_37 : memref<1x1x1x84xi32, #tpu.memory_space<vmem>> -> memref<84xi32, #tpu.memory_space<vmem>>
        %dma_start3A_39 = arith.constant 0 : i32
        %dma_start3A_40 = tpu.memref_slice %arg7[%dma_start3A_39] : memref<10240xf32, #tpu.memory_space<vmem_shared>> -> memref<10240xf32, #tpu.memory_space<vmem_shared>>
        tpu.enqueue_indirect_dma source(%dma_start3A_35 : memref<84xf32, #tpu.memory_space<vmem>>) target(%dma_start3A_40 : memref<10240xf32, #tpu.memory_space<vmem_shared>>) offsets(%dma_start3A_38 : memref<84xi32, #tpu.memory_space<vmem>>) semaphore(%run_scoped3A_34 : memref<!tpu.dma_semaphore, #tpu.memory_space<semaphore_mem>>) {add = true}
        %dma_wait3A = arith.constant 0 : i32
        %dma_wait3A_41 = tpu.memref_slice %arg5[%dma_wait3A] : memref<96xf32, #tpu.memory_space<vmem>> -> memref<84xf32, #tpu.memory_space<vmem>>
        %dma_wait3A_42 = arith.constant 0 : i32
        %dma_wait3A_43 = tpu.memref_slice %arg4[%scan3A_23, %run_scoped3A_28, %arg0, %dma_wait3A_42] : memref<12x10x2x84xi32, #tpu.memory_space<vmem>> -> memref<1x1x1x84xi32, #tpu.memory_space<vmem>>
        %dma_wait3A_44 = tpu.memref_squeeze %dma_wait3A_43 : memref<1x1x1x84xi32, #tpu.memory_space<vmem>> -> memref<84xi32, #tpu.memory_space<vmem>>
        %dma_wait3A_45 = arith.constant 0 : i32
        %dma_wait3A_46 = tpu.memref_slice %arg7[%dma_wait3A_45] : memref<10240xf32, #tpu.memory_space<vmem_shared>> -> memref<10240xf32, #tpu.memory_space<vmem_shared>>
        tpu.wait_indirect_dma semaphore(%run_scoped3A_34 : memref<!tpu.dma_semaphore, #tpu.memory_space<semaphore_mem>>) src(%dma_wait3A_41 : memref<84xf32, #tpu.memory_space<vmem>>) dst(%dma_wait3A_46 : memref<10240xf32, #tpu.memory_space<vmem_shared>>)
        tpu.yield
      }) : () -> ()
      %run_scoped3A_29 = arith.constant 5 : i32
      "tpu.region"() ({
        %run_scoped3A_34 = tpu.sem_alloc : memref<!tpu.dma_semaphore, #tpu.memory_space<semaphore_mem>>
        %dma_start3A = arith.constant 0 : i32
        %dma_start3A_35 = tpu.memref_slice %arg5[%dma_start3A] : memref<96xf32, #tpu.memory_space<vmem>> -> memref<84xf32, #tpu.memory_space<vmem>>
        %dma_start3A_36 = arith.constant 0 : i32
        %dma_start3A_37 = tpu.memref_slice %arg4[%scan3A_23, %run_scoped3A_29, %arg0, %dma_start3A_36] : memref<12x10x2x84xi32, #tpu.memory_space<vmem>> -> memref<1x1x1x84xi32, #tpu.memory_space<vmem>>
        %dma_start3A_38 = tpu.memref_squeeze %dma_start3A_37 : memref<1x1x1x84xi32, #tpu.memory_space<vmem>> -> memref<84xi32, #tpu.memory_space<vmem>>
        %dma_start3A_39 = arith.constant 0 : i32
        %dma_start3A_40 = tpu.memref_slice %arg7[%dma_start3A_39] : memref<10240xf32, #tpu.memory_space<vmem_shared>> -> memref<10240xf32, #tpu.memory_space<vmem_shared>>
        tpu.enqueue_indirect_dma source(%dma_start3A_35 : memref<84xf32, #tpu.memory_space<vmem>>) target(%dma_start3A_40 : memref<10240xf32, #tpu.memory_space<vmem_shared>>) offsets(%dma_start3A_38 : memref<84xi32, #tpu.memory_space<vmem>>) semaphore(%run_scoped3A_34 : memref<!tpu.dma_semaphore, #tpu.memory_space<semaphore_mem>>) {add = true}
        %dma_wait3A = arith.constant 0 : i32
        %dma_wait3A_41 = tpu.memref_slice %arg5[%dma_wait3A] : memref<96xf32, #tpu.memory_space<vmem>> -> memref<84xf32, #tpu.memory_space<vmem>>
        %dma_wait3A_42 = arith.constant 0 : i32
        %dma_wait3A_43 = tpu.memref_slice %arg4[%scan3A_23, %run_scoped3A_29, %arg0, %dma_wait3A_42] : memref<12x10x2x84xi32, #tpu.memory_space<vmem>> -> memref<1x1x1x84xi32, #tpu.memory_space<vmem>>
        %dma_wait3A_44 = tpu.memref_squeeze %dma_wait3A_43 : memref<1x1x1x84xi32, #tpu.memory_space<vmem>> -> memref<84xi32, #tpu.memory_space<vmem>>
        %dma_wait3A_45 = arith.constant 0 : i32
        %dma_wait3A_46 = tpu.memref_slice %arg7[%dma_wait3A_45] : memref<10240xf32, #tpu.memory_space<vmem_shared>> -> memref<10240xf32, #tpu.memory_space<vmem_shared>>
        tpu.wait_indirect_dma semaphore(%run_scoped3A_34 : memref<!tpu.dma_semaphore, #tpu.memory_space<semaphore_mem>>) src(%dma_wait3A_41 : memref<84xf32, #tpu.memory_space<vmem>>) dst(%dma_wait3A_46 : memref<10240xf32, #tpu.memory_space<vmem_shared>>)
        tpu.yield
      }) : () -> ()
      %run_scoped3A_30 = arith.constant 6 : i32
      "tpu.region"() ({
        %run_scoped3A_34 = tpu.sem_alloc : memref<!tpu.dma_semaphore, #tpu.memory_space<semaphore_mem>>
        %dma_start3A = arith.constant 0 : i32
        %dma_start3A_35 = tpu.memref_slice %arg5[%dma_start3A] : memref<96xf32, #tpu.memory_space<vmem>> -> memref<84xf32, #tpu.memory_space<vmem>>
        %dma_start3A_36 = arith.constant 0 : i32
        %dma_start3A_37 = tpu.memref_slice %arg4[%scan3A_23, %run_scoped3A_30, %arg0, %dma_start3A_36] : memref<12x10x2x84xi32, #tpu.memory_space<vmem>> -> memref<1x1x1x84xi32, #tpu.memory_space<vmem>>
        %dma_start3A_38 = tpu.memref_squeeze %dma_start3A_37 : memref<1x1x1x84xi32, #tpu.memory_space<vmem>> -> memref<84xi32, #tpu.memory_space<vmem>>
        %dma_start3A_39 = arith.constant 0 : i32
        %dma_start3A_40 = tpu.memref_slice %arg7[%dma_start3A_39] : memref<10240xf32, #tpu.memory_space<vmem_shared>> -> memref<10240xf32, #tpu.memory_space<vmem_shared>>
        tpu.enqueue_indirect_dma source(%dma_start3A_35 : memref<84xf32, #tpu.memory_space<vmem>>) target(%dma_start3A_40 : memref<10240xf32, #tpu.memory_space<vmem_shared>>) offsets(%dma_start3A_38 : memref<84xi32, #tpu.memory_space<vmem>>) semaphore(%run_scoped3A_34 : memref<!tpu.dma_semaphore, #tpu.memory_space<semaphore_mem>>) {add = true}
        %dma_wait3A = arith.constant 0 : i32
        %dma_wait3A_41 = tpu.memref_slice %arg5[%dma_wait3A] : memref<96xf32, #tpu.memory_space<vmem>> -> memref<84xf32, #tpu.memory_space<vmem>>
        %dma_wait3A_42 = arith.constant 0 : i32
        %dma_wait3A_43 = tpu.memref_slice %arg4[%scan3A_23, %run_scoped3A_30, %arg0, %dma_wait3A_42] : memref<12x10x2x84xi32, #tpu.memory_space<vmem>> -> memref<1x1x1x84xi32, #tpu.memory_space<vmem>>
        %dma_wait3A_44 = tpu.memref_squeeze %dma_wait3A_43 : memref<1x1x1x84xi32, #tpu.memory_space<vmem>> -> memref<84xi32, #tpu.memory_space<vmem>>
        %dma_wait3A_45 = arith.constant 0 : i32
        %dma_wait3A_46 = tpu.memref_slice %arg7[%dma_wait3A_45] : memref<10240xf32, #tpu.memory_space<vmem_shared>> -> memref<10240xf32, #tpu.memory_space<vmem_shared>>
        tpu.wait_indirect_dma semaphore(%run_scoped3A_34 : memref<!tpu.dma_semaphore, #tpu.memory_space<semaphore_mem>>) src(%dma_wait3A_41 : memref<84xf32, #tpu.memory_space<vmem>>) dst(%dma_wait3A_46 : memref<10240xf32, #tpu.memory_space<vmem_shared>>)
        tpu.yield
      }) : () -> ()
      %run_scoped3A_31 = arith.constant 7 : i32
      "tpu.region"() ({
        %run_scoped3A_34 = tpu.sem_alloc : memref<!tpu.dma_semaphore, #tpu.memory_space<semaphore_mem>>
        %dma_start3A = arith.constant 0 : i32
        %dma_start3A_35 = tpu.memref_slice %arg5[%dma_start3A] : memref<96xf32, #tpu.memory_space<vmem>> -> memref<84xf32, #tpu.memory_space<vmem>>
        %dma_start3A_36 = arith.constant 0 : i32
        %dma_start3A_37 = tpu.memref_slice %arg4[%scan3A_23, %run_scoped3A_31, %arg0, %dma_start3A_36] : memref<12x10x2x84xi32, #tpu.memory_space<vmem>> -> memref<1x1x1x84xi32, #tpu.memory_space<vmem>>
        %dma_start3A_38 = tpu.memref_squeeze %dma_start3A_37 : memref<1x1x1x84xi32, #tpu.memory_space<vmem>> -> memref<84xi32, #tpu.memory_space<vmem>>
        %dma_start3A_39 = arith.constant 0 : i32
        %dma_start3A_40 = tpu.memref_slice %arg7[%dma_start3A_39] : memref<10240xf32, #tpu.memory_space<vmem_shared>> -> memref<10240xf32, #tpu.memory_space<vmem_shared>>
        tpu.enqueue_indirect_dma source(%dma_start3A_35 : memref<84xf32, #tpu.memory_space<vmem>>) target(%dma_start3A_40 : memref<10240xf32, #tpu.memory_space<vmem_shared>>) offsets(%dma_start3A_38 : memref<84xi32, #tpu.memory_space<vmem>>) semaphore(%run_scoped3A_34 : memref<!tpu.dma_semaphore, #tpu.memory_space<semaphore_mem>>) {add = true}
        %dma_wait3A = arith.constant 0 : i32
        %dma_wait3A_41 = tpu.memref_slice %arg5[%dma_wait3A] : memref<96xf32, #tpu.memory_space<vmem>> -> memref<84xf32, #tpu.memory_space<vmem>>
        %dma_wait3A_42 = arith.constant 0 : i32
        %dma_wait3A_43 = tpu.memref_slice %arg4[%scan3A_23, %run_scoped3A_31, %arg0, %dma_wait3A_42] : memref<12x10x2x84xi32, #tpu.memory_space<vmem>> -> memref<1x1x1x84xi32, #tpu.memory_space<vmem>>
        %dma_wait3A_44 = tpu.memref_squeeze %dma_wait3A_43 : memref<1x1x1x84xi32, #tpu.memory_space<vmem>> -> memref<84xi32, #tpu.memory_space<vmem>>
        %dma_wait3A_45 = arith.constant 0 : i32
        %dma_wait3A_46 = tpu.memref_slice %arg7[%dma_wait3A_45] : memref<10240xf32, #tpu.memory_space<vmem_shared>> -> memref<10240xf32, #tpu.memory_space<vmem_shared>>
        tpu.wait_indirect_dma semaphore(%run_scoped3A_34 : memref<!tpu.dma_semaphore, #tpu.memory_space<semaphore_mem>>) src(%dma_wait3A_41 : memref<84xf32, #tpu.memory_space<vmem>>) dst(%dma_wait3A_46 : memref<10240xf32, #tpu.memory_space<vmem_shared>>)
        tpu.yield
      }) : () -> ()
      %run_scoped3A_32 = arith.constant 8 : i32
      "tpu.region"() ({
        %run_scoped3A_34 = tpu.sem_alloc : memref<!tpu.dma_semaphore, #tpu.memory_space<semaphore_mem>>
        %dma_start3A = arith.constant 0 : i32
        %dma_start3A_35 = tpu.memref_slice %arg5[%dma_start3A] : memref<96xf32, #tpu.memory_space<vmem>> -> memref<84xf32, #tpu.memory_space<vmem>>
        %dma_start3A_36 = arith.constant 0 : i32
        %dma_start3A_37 = tpu.memref_slice %arg4[%scan3A_23, %run_scoped3A_32, %arg0, %dma_start3A_36] : memref<12x10x2x84xi32, #tpu.memory_space<vmem>> -> memref<1x1x1x84xi32, #tpu.memory_space<vmem>>
        %dma_start3A_38 = tpu.memref_squeeze %dma_start3A_37 : memref<1x1x1x84xi32, #tpu.memory_space<vmem>> -> memref<84xi32, #tpu.memory_space<vmem>>
        %dma_start3A_39 = arith.constant 0 : i32
        %dma_start3A_40 = tpu.memref_slice %arg7[%dma_start3A_39] : memref<10240xf32, #tpu.memory_space<vmem_shared>> -> memref<10240xf32, #tpu.memory_space<vmem_shared>>
        tpu.enqueue_indirect_dma source(%dma_start3A_35 : memref<84xf32, #tpu.memory_space<vmem>>) target(%dma_start3A_40 : memref<10240xf32, #tpu.memory_space<vmem_shared>>) offsets(%dma_start3A_38 : memref<84xi32, #tpu.memory_space<vmem>>) semaphore(%run_scoped3A_34 : memref<!tpu.dma_semaphore, #tpu.memory_space<semaphore_mem>>) {add = true}
        %dma_wait3A = arith.constant 0 : i32
        %dma_wait3A_41 = tpu.memref_slice %arg5[%dma_wait3A] : memref<96xf32, #tpu.memory_space<vmem>> -> memref<84xf32, #tpu.memory_space<vmem>>
        %dma_wait3A_42 = arith.constant 0 : i32
        %dma_wait3A_43 = tpu.memref_slice %arg4[%scan3A_23, %run_scoped3A_32, %arg0, %dma_wait3A_42] : memref<12x10x2x84xi32, #tpu.memory_space<vmem>> -> memref<1x1x1x84xi32, #tpu.memory_space<vmem>>
        %dma_wait3A_44 = tpu.memref_squeeze %dma_wait3A_43 : memref<1x1x1x84xi32, #tpu.memory_space<vmem>> -> memref<84xi32, #tpu.memory_space<vmem>>
        %dma_wait3A_45 = arith.constant 0 : i32
        %dma_wait3A_46 = tpu.memref_slice %arg7[%dma_wait3A_45] : memref<10240xf32, #tpu.memory_space<vmem_shared>> -> memref<10240xf32, #tpu.memory_space<vmem_shared>>
        tpu.wait_indirect_dma semaphore(%run_scoped3A_34 : memref<!tpu.dma_semaphore, #tpu.memory_space<semaphore_mem>>) src(%dma_wait3A_41 : memref<84xf32, #tpu.memory_space<vmem>>) dst(%dma_wait3A_46 : memref<10240xf32, #tpu.memory_space<vmem_shared>>)
        tpu.yield
      }) : () -> ()
      %run_scoped3A_33 = arith.constant 9 : i32
      "tpu.region"() ({
        %run_scoped3A_34 = tpu.sem_alloc : memref<!tpu.dma_semaphore, #tpu.memory_space<semaphore_mem>>
        %dma_start3A = arith.constant 0 : i32
        %dma_start3A_35 = tpu.memref_slice %arg5[%dma_start3A] : memref<96xf32, #tpu.memory_space<vmem>> -> memref<84xf32, #tpu.memory_space<vmem>>
        %dma_start3A_36 = arith.constant 0 : i32
        %dma_start3A_37 = tpu.memref_slice %arg4[%scan3A_23, %run_scoped3A_33, %arg0, %dma_start3A_36] : memref<12x10x2x84xi32, #tpu.memory_space<vmem>> -> memref<1x1x1x84xi32, #tpu.memory_space<vmem>>
        %dma_start3A_38 = tpu.memref_squeeze %dma_start3A_37 : memref<1x1x1x84xi32, #tpu.memory_space<vmem>> -> memref<84xi32, #tpu.memory_space<vmem>>
        %dma_start3A_39 = arith.constant 0 : i32
        %dma_start3A_40 = tpu.memref_slice %arg7[%dma_start3A_39] : memref<10240xf32, #tpu.memory_space<vmem_shared>> -> memref<10240xf32, #tpu.memory_space<vmem_shared>>
        tpu.enqueue_indirect_dma source(%dma_start3A_35 : memref<84xf32, #tpu.memory_space<vmem>>) target(%dma_start3A_40 : memref<10240xf32, #tpu.memory_space<vmem_shared>>) offsets(%dma_start3A_38 : memref<84xi32, #tpu.memory_space<vmem>>) semaphore(%run_scoped3A_34 : memref<!tpu.dma_semaphore, #tpu.memory_space<semaphore_mem>>) {add = true}
        %dma_wait3A = arith.constant 0 : i32
        %dma_wait3A_41 = tpu.memref_slice %arg5[%dma_wait3A] : memref<96xf32, #tpu.memory_space<vmem>> -> memref<84xf32, #tpu.memory_space<vmem>>
        %dma_wait3A_42 = arith.constant 0 : i32
        %dma_wait3A_43 = tpu.memref_slice %arg4[%scan3A_23, %run_scoped3A_33, %arg0, %dma_wait3A_42] : memref<12x10x2x84xi32, #tpu.memory_space<vmem>> -> memref<1x1x1x84xi32, #tpu.memory_space<vmem>>
        %dma_wait3A_44 = tpu.memref_squeeze %dma_wait3A_43 : memref<1x1x1x84xi32, #tpu.memory_space<vmem>> -> memref<84xi32, #tpu.memory_space<vmem>>
        %dma_wait3A_45 = arith.constant 0 : i32
        %dma_wait3A_46 = tpu.memref_slice %arg7[%dma_wait3A_45] : memref<10240xf32, #tpu.memory_space<vmem_shared>> -> memref<10240xf32, #tpu.memory_space<vmem_shared>>
        tpu.wait_indirect_dma semaphore(%run_scoped3A_34 : memref<!tpu.dma_semaphore, #tpu.memory_space<semaphore_mem>>) src(%dma_wait3A_41 : memref<84xf32, #tpu.memory_space<vmem>>) dst(%dma_wait3A_46 : memref<10240xf32, #tpu.memory_space<vmem_shared>>)
        tpu.yield
      }) : () -> ()
    }
    %scan3A_17 = arith.constant 12 : i32
    %barrier3A_18 = arith.constant 0 : index
    tpu.barrier barrier_id(%barrier3A_18)
    %mul3A_19 = arith.constant 640 : i32
    %mul3A_20 = arith.muli %arg1, %mul3A_19 : i32
    "tpu.region"() ({
      %run_scoped3A_23 = tpu.sem_alloc : memref<!tpu.dma_semaphore, #tpu.memory_space<semaphore_mem>>
      %dma_start3A = tpu.memref_slice %arg7[%mul3A_20] : memref<10240xf32, #tpu.memory_space<vmem_shared>> -> memref<640xf32, #tpu.memory_space<vmem_shared>>
      %dma_start3A_24 = tpu.memref_slice %arg7[%mul3A_20] : memref<10240xf32, #tpu.memory_space<vmem_shared>> -> memref<640xf32, #tpu.memory_space<vmem_shared>>
      tpu.enqueue_dma source(%dma_start3A_24 : memref<640xf32, #tpu.memory_space<vmem_shared>>) target(%arg6 : memref<640xf32, #tpu.memory_space<vmem>>) target_semaphore(%run_scoped3A_23 : memref<!tpu.dma_semaphore, #tpu.memory_space<semaphore_mem>>)
      %dma_wait3A = tpu.memref_slice %arg7[%mul3A_20] : memref<10240xf32, #tpu.memory_space<vmem_shared>> -> memref<640xf32, #tpu.memory_space<vmem_shared>>
      %dma_wait3A_25 = tpu.memref_slice %arg7[%mul3A_20] : memref<10240xf32, #tpu.memory_space<vmem_shared>> -> memref<640xf32, #tpu.memory_space<vmem_shared>>
      tpu.wait_dma2 semaphore(%run_scoped3A_23 : memref<!tpu.dma_semaphore, #tpu.memory_space<semaphore_mem>>) src(%dma_wait3A_25 : memref<640xf32, #tpu.memory_space<vmem_shared>>) dst(%arg6 : memref<640xf32, #tpu.memory_space<vmem>>)
      tpu.yield
    }) : () -> ()
    %mul3A_21 = arith.constant 640 : i32
    %mul3A_22 = arith.muli %arg1, %mul3A_21 : i32
    "tpu.region"() ({
      %run_scoped3A_23 = tpu.sem_alloc : memref<!tpu.dma_semaphore, #tpu.memory_space<semaphore_mem>>
      %dma_start3A = tpu.memref_slice %arg3[%arg0, %mul3A_22] : memref<2x10240xf32, #tpu.memory_space<hbm>> -> memref<1x640xf32, #tpu.memory_space<hbm>>
      %dma_start3A_24 = tpu.memref_squeeze %dma_start3A : memref<1x640xf32, #tpu.memory_space<hbm>> -> memref<640xf32, #tpu.memory_space<hbm>>
      %dma_start3A_25 = tpu.memref_slice %arg3[%arg0, %mul3A_22] : memref<2x10240xf32, #tpu.memory_space<hbm>> -> memref<1x640xf32, #tpu.memory_space<hbm>>
      %dma_start3A_26 = tpu.memref_squeeze %dma_start3A_25 : memref<1x640xf32, #tpu.memory_space<hbm>> -> memref<640xf32, #tpu.memory_space<hbm>>
      tpu.enqueue_dma source(%arg6 : memref<640xf32, #tpu.memory_space<vmem>>) target(%dma_start3A_26 : memref<640xf32, #tpu.memory_space<hbm>>) target_semaphore(%run_scoped3A_23 : memref<!tpu.dma_semaphore, #tpu.memory_space<semaphore_mem>>)
      %dma_wait3A = tpu.memref_slice %arg3[%arg0, %mul3A_22] : memref<2x10240xf32, #tpu.memory_space<hbm>> -> memref<1x640xf32, #tpu.memory_space<hbm>>
      %dma_wait3A_27 = tpu.memref_squeeze %dma_wait3A : memref<1x640xf32, #tpu.memory_space<hbm>> -> memref<640xf32, #tpu.memory_space<hbm>>
      %dma_wait3A_28 = tpu.memref_slice %arg3[%arg0, %mul3A_22] : memref<2x10240xf32, #tpu.memory_space<hbm>> -> memref<1x640xf32, #tpu.memory_space<hbm>>
      %dma_wait3A_29 = tpu.memref_squeeze %dma_wait3A_28 : memref<1x640xf32, #tpu.memory_space<hbm>> -> memref<640xf32, #tpu.memory_space<hbm>>
      tpu.wait_dma2 semaphore(%run_scoped3A_23 : memref<!tpu.dma_semaphore, #tpu.memory_space<semaphore_mem>>) src(%arg6 : memref<640xf32, #tpu.memory_space<vmem>>) dst(%dma_wait3A_29 : memref<640xf32, #tpu.memory_space<hbm>>)
      tpu.yield
    }) : () -> ()
    return
  }
}

#map = affine_map<(d0, d1) -> (0, 0)>
#map1 = affine_map<(d0, d1) -> (0, 0, 0, 0, 0, 0)>
module attributes {stable_mosaic.version = 14 : i64} {
  func.func @_agg_body(%arg0: i32, %arg1: i32, %arg2: memref<20480x128xf32, #tpu.memory_space<hbm>>, %arg3: memref<2x16x12x10x2x84xi32, #tpu.memory_space<hbm>>, %arg4: memref<20480x128xf32, #tpu.memory_space<hbm>>, %arg5: memref<10x2x84xi32, #tpu.memory_space<vmem>>, %arg6: memref<10x2x84xi32, #tpu.memory_space<vmem>>, %arg7: memref<84x128xf32, #tpu.memory_space<vmem>>, %arg8: memref<84x128xf32, #tpu.memory_space<vmem>>, %arg9: memref<10240x128xf32, #tpu.memory_space<vmem_shared>>, %arg10: memref<!tpu.dma_semaphore, #tpu.memory_space<semaphore_mem>>, %arg11: memref<!tpu.dma_semaphore, #tpu.memory_space<semaphore_mem>>, %arg12: memref<!tpu.dma_semaphore, #tpu.memory_space<semaphore_mem>>, %arg13: memref<!tpu.dma_semaphore, #tpu.memory_space<semaphore_mem>>) attributes {dimension_semantics = [#tpu.dimension_semantics<core_parallel>, #tpu.dimension_semantics<subcore_parallel>], iteration_bounds = array<i64: 2, 16>, scalar_prefetch = 0 : i64, scratch_operands = 9 : i64, tpu.core_type = #tpu.core_type<sc_vector_subcore>, window_params = [{transform_indices = #map}, {transform_indices = #map1}, {transform_indices = #map}]} {
    %scan3A = arith.constant 0 : i32
    %scan3A_0 = arith.constant 0 : i32
    %scan3A_1 = arith.constant 80 : i32
    %scan3A_2 = arith.addi %scan3A_0, %scan3A_1 : i32
    %scan3A_3 = arith.constant 1 : i32
    scf.for %scan3A_116 = %scan3A_0 to %scan3A_2 step %scan3A_3  : i32 {
      %broadcast_in_dim3A = arith.constant 0.000000e+00 : f32
      %broadcast_in_dim3A_117 = vector.broadcast %broadcast_in_dim3A : f32 to vector<16xf32>
      %swap3A = arith.index_cast %scan3A_116 : i32 to index
      %swap3A_118 = arith.constant 0 : index
      %swap3A_119 = tpu.vector_load %arg7[%swap3A, %swap3A_118] {strides = array<i32>} : memref<84x128xf32, #tpu.memory_space<vmem>>, vector<1x16xf32>,
      %swap3A_120 = vector.shape_cast %swap3A_119 : vector<1x16xf32> to vector<16xf32>
      %swap3A_121 = vector.shape_cast %broadcast_in_dim3A_117 : vector<16xf32> to vector<1x16xf32>
      tpu.vector_store %arg7[%swap3A, %swap3A_118], %swap3A_121 {strides = array<i32>} : memref<84x128xf32, #tpu.memory_space<vmem>>, vector<1x16xf32>,
      %broadcast_in_dim3A_122 = arith.constant 0.000000e+00 : f32
      %broadcast_in_dim3A_123 = vector.broadcast %broadcast_in_dim3A_122 : f32 to vector<16xf32>
      %swap3A_124 = arith.index_cast %scan3A_116 : i32 to index
      %swap3A_125 = arith.constant 16 : index
      %swap3A_126 = tpu.vector_load %arg7[%swap3A_124, %swap3A_125] {strides = array<i32>} : memref<84x128xf32, #tpu.memory_space<vmem>>, vector<1x16xf32>,
      %swap3A_127 = vector.shape_cast %swap3A_126 : vector<1x16xf32> to vector<16xf32>
      %swap3A_128 = vector.shape_cast %broadcast_in_dim3A_123 : vector<16xf32> to vector<1x16xf32>
      tpu.vector_store %arg7[%swap3A_124, %swap3A_125], %swap3A_128 {strides = array<i32>} : memref<84x128xf32, #tpu.memory_space<vmem>>, vector<1x16xf32>,
      %broadcast_in_dim3A_129 = arith.constant 0.000000e+00 : f32
      %broadcast_in_dim3A_130 = vector.broadcast %broadcast_in_dim3A_129 : f32 to vector<16xf32>
      %swap3A_131 = arith.index_cast %scan3A_116 : i32 to index
      %swap3A_132 = arith.constant 32 : index
      %swap3A_133 = tpu.vector_load %arg7[%swap3A_131, %swap3A_132] {strides = array<i32>} : memref<84x128xf32, #tpu.memory_space<vmem>>, vector<1x16xf32>,
      %swap3A_134 = vector.shape_cast %swap3A_133 : vector<1x16xf32> to vector<16xf32>
      %swap3A_135 = vector.shape_cast %broadcast_in_dim3A_130 : vector<16xf32> to vector<1x16xf32>
      tpu.vector_store %arg7[%swap3A_131, %swap3A_132], %swap3A_135 {strides = array<i32>} : memref<84x128xf32, #tpu.memory_space<vmem>>, vector<1x16xf32>,
      %broadcast_in_dim3A_136 = arith.constant 0.000000e+00 : f32
      %broadcast_in_dim3A_137 = vector.broadcast %broadcast_in_dim3A_136 : f32 to vector<16xf32>
      %swap3A_138 = arith.index_cast %scan3A_116 : i32 to index
      %swap3A_139 = arith.constant 48 : index
      %swap3A_140 = tpu.vector_load %arg7[%swap3A_138, %swap3A_139] {strides = array<i32>} : memref<84x128xf32, #tpu.memory_space<vmem>>, vector<1x16xf32>,
      %swap3A_141 = vector.shape_cast %swap3A_140 : vector<1x16xf32> to vector<16xf32>
      %swap3A_142 = vector.shape_cast %broadcast_in_dim3A_137 : vector<16xf32> to vector<1x16xf32>
      tpu.vector_store %arg7[%swap3A_138, %swap3A_139], %swap3A_142 {strides = array<i32>} : memref<84x128xf32, #tpu.memory_space<vmem>>, vector<1x16xf32>,
      %broadcast_in_dim3A_143 = arith.constant 0.000000e+00 : f32
      %broadcast_in_dim3A_144 = vector.broadcast %broadcast_in_dim3A_143 : f32 to vector<16xf32>
      %swap3A_145 = arith.index_cast %scan3A_116 : i32 to index
      %swap3A_146 = arith.constant 64 : index
      %swap3A_147 = tpu.vector_load %arg7[%swap3A_145, %swap3A_146] {strides = array<i32>} : memref<84x128xf32, #tpu.memory_space<vmem>>, vector<1x16xf32>,
      %swap3A_148 = vector.shape_cast %swap3A_147 : vector<1x16xf32> to vector<16xf32>
      %swap3A_149 = vector.shape_cast %broadcast_in_dim3A_144 : vector<16xf32> to vector<1x16xf32>
      tpu.vector_store %arg7[%swap3A_145, %swap3A_146], %swap3A_149 {strides = array<i32>} : memref<84x128xf32, #tpu.memory_space<vmem>>, vector<1x16xf32>,
      %broadcast_in_dim3A_150 = arith.constant 0.000000e+00 : f32
      %broadcast_in_dim3A_151 = vector.broadcast %broadcast_in_dim3A_150 : f32 to vector<16xf32>
      %swap3A_152 = arith.index_cast %scan3A_116 : i32 to index
      %swap3A_153 = arith.constant 80 : index
      %swap3A_154 = tpu.vector_load %arg7[%swap3A_152, %swap3A_153] {strides = array<i32>} : memref<84x128xf32, #tpu.memory_space<vmem>>, vector<1x16xf32>,
      %swap3A_155 = vector.shape_cast %swap3A_154 : vector<1x16xf32> to vector<16xf32>
      %swap3A_156 = vector.shape_cast %broadcast_in_dim3A_151 : vector<16xf32> to vector<1x16xf32>
      tpu.vector_store %arg7[%swap3A_152, %swap3A_153], %swap3A_156 {strides = array<i32>} : memref<84x128xf32, #tpu.memory_space<vmem>>, vector<1x16xf32>,
      %broadcast_in_dim3A_157 = arith.constant 0.000000e+00 : f32
      %broadcast_in_dim3A_158 = vector.broadcast %broadcast_in_dim3A_157 : f32 to vector<16xf32>
      %swap3A_159 = arith.index_cast %scan3A_116 : i32 to index
      %swap3A_160 = arith.constant 96 : index
      %swap3A_161 = tpu.vector_load %arg7[%swap3A_159, %swap3A_160] {strides = array<i32>} : memref<84x128xf32, #tpu.memory_space<vmem>>, vector<1x16xf32>,
      %swap3A_162 = vector.shape_cast %swap3A_161 : vector<1x16xf32> to vector<16xf32>
      %swap3A_163 = vector.shape_cast %broadcast_in_dim3A_158 : vector<16xf32> to vector<1x16xf32>
      tpu.vector_store %arg7[%swap3A_159, %swap3A_160], %swap3A_163 {strides = array<i32>} : memref<84x128xf32, #tpu.memory_space<vmem>>, vector<1x16xf32>,
      %broadcast_in_dim3A_164 = arith.constant 0.000000e+00 : f32
      %broadcast_in_dim3A_165 = vector.broadcast %broadcast_in_dim3A_164 : f32 to vector<16xf32>
      %swap3A_166 = arith.index_cast %scan3A_116 : i32 to index
      %swap3A_167 = arith.constant 112 : index
      %swap3A_168 = tpu.vector_load %arg7[%swap3A_166, %swap3A_167] {strides = array<i32>} : memref<84x128xf32, #tpu.memory_space<vmem>>, vector<1x16xf32>,
      %swap3A_169 = vector.shape_cast %swap3A_168 : vector<1x16xf32> to vector<16xf32>
      %swap3A_170 = vector.shape_cast %broadcast_in_dim3A_165 : vector<16xf32> to vector<1x16xf32>
      tpu.vector_store %arg7[%swap3A_166, %swap3A_167], %swap3A_170 {strides = array<i32>} : memref<84x128xf32, #tpu.memory_space<vmem>>, vector<1x16xf32>,
    }
    %scan3A_4 = arith.constant 80 : i32
    %mul3A = arith.constant 640 : i32
    %mul3A_5 = arith.muli %arg1, %mul3A : i32
    %add3A = arith.constant 0 : i32
    %add3A_6 = arith.addi %mul3A_5, %add3A : i32
    "tpu.region"() ({
      %run_scoped3A_116 = tpu.sem_alloc : memref<!tpu.dma_semaphore, #tpu.memory_space<semaphore_mem>>
      %dma_start3A_117 = arith.constant 0 : i32
      %dma_start3A_118 = arith.constant 0 : i32
      %dma_start3A_119 = tpu.memref_slice %arg7[%dma_start3A_117, %dma_start3A_118] : memref<84x128xf32, #tpu.memory_space<vmem>> -> memref<80x128xf32, #tpu.memory_space<vmem>>
      %dma_start3A_120 = arith.constant 0 : i32
      %dma_start3A_121 = tpu.memref_slice %arg9[%add3A_6, %dma_start3A_120] : memref<10240x128xf32, #tpu.memory_space<vmem_shared>> -> memref<80x128xf32, #tpu.memory_space<vmem_shared>>
      %dma_start3A_122 = arith.constant 0 : i32
      %dma_start3A_123 = tpu.memref_slice %arg9[%add3A_6, %dma_start3A_122] : memref<10240x128xf32, #tpu.memory_space<vmem_shared>> -> memref<80x128xf32, #tpu.memory_space<vmem_shared>>
      %dma_start3A_124 = arith.constant 0 : i32
      %dma_start3A_125 = arith.constant 0 : i32
      %dma_start3A_126 = tpu.memref_slice %arg7[%dma_start3A_124, %dma_start3A_125] : memref<84x128xf32, #tpu.memory_space<vmem>> -> memref<80x128xf32, #tpu.memory_space<vmem>>
      tpu.enqueue_dma source(%dma_start3A_126 : memref<80x128xf32, #tpu.memory_space<vmem>>) target(%dma_start3A_123 : memref<80x128xf32, #tpu.memory_space<vmem_shared>>) target_semaphore(%run_scoped3A_116 : memref<!tpu.dma_semaphore, #tpu.memory_space<semaphore_mem>>)
      %dma_wait3A = arith.constant 0 : i32
      %dma_wait3A_127 = arith.constant 0 : i32
      %dma_wait3A_128 = tpu.memref_slice %arg7[%dma_wait3A, %dma_wait3A_127] : memref<84x128xf32, #tpu.memory_space<vmem>> -> memref<80x128xf32, #tpu.memory_space<vmem>>
      %dma_wait3A_129 = arith.constant 0 : i32
      %dma_wait3A_130 = tpu.memref_slice %arg9[%add3A_6, %dma_wait3A_129] : memref<10240x128xf32, #tpu.memory_space<vmem_shared>> -> memref<80x128xf32, #tpu.memory_space<vmem_shared>>
      %dma_wait3A_131 = arith.constant 0 : i32
      %dma_wait3A_132 = tpu.memref_slice %arg9[%add3A_6, %dma_wait3A_131] : memref<10240x128xf32, #tpu.memory_space<vmem_shared>> -> memref<80x128xf32, #tpu.memory_space<vmem_shared>>
      %dma_wait3A_133 = arith.constant 0 : i32
      %dma_wait3A_134 = arith.constant 0 : i32
      %dma_wait3A_135 = tpu.memref_slice %arg7[%dma_wait3A_133, %dma_wait3A_134] : memref<84x128xf32, #tpu.memory_space<vmem>> -> memref<80x128xf32, #tpu.memory_space<vmem>>
      tpu.wait_dma2 semaphore(%run_scoped3A_116 : memref<!tpu.dma_semaphore, #tpu.memory_space<semaphore_mem>>) src(%dma_wait3A_135 : memref<80x128xf32, #tpu.memory_space<vmem>>) dst(%dma_wait3A_132 : memref<80x128xf32, #tpu.memory_space<vmem_shared>>)
      tpu.yield
    }) : () -> ()
    %mul3A_7 = arith.constant 640 : i32
    %mul3A_8 = arith.muli %arg1, %mul3A_7 : i32
    %add3A_9 = arith.constant 80 : i32
    %add3A_10 = arith.addi %mul3A_8, %add3A_9 : i32
    "tpu.region"() ({
      %run_scoped3A_116 = tpu.sem_alloc : memref<!tpu.dma_semaphore, #tpu.memory_space<semaphore_mem>>
      %dma_start3A_117 = arith.constant 0 : i32
      %dma_start3A_118 = arith.constant 0 : i32
      %dma_start3A_119 = tpu.memref_slice %arg7[%dma_start3A_117, %dma_start3A_118] : memref<84x128xf32, #tpu.memory_space<vmem>> -> memref<80x128xf32, #tpu.memory_space<vmem>>
      %dma_start3A_120 = arith.constant 0 : i32
      %dma_start3A_121 = tpu.memref_slice %arg9[%add3A_10, %dma_start3A_120] : memref<10240x128xf32, #tpu.memory_space<vmem_shared>> -> memref<80x128xf32, #tpu.memory_space<vmem_shared>>
      %dma_start3A_122 = arith.constant 0 : i32
      %dma_start3A_123 = tpu.memref_slice %arg9[%add3A_10, %dma_start3A_122] : memref<10240x128xf32, #tpu.memory_space<vmem_shared>> -> memref<80x128xf32, #tpu.memory_space<vmem_shared>>
      %dma_start3A_124 = arith.constant 0 : i32
      %dma_start3A_125 = arith.constant 0 : i32
      %dma_start3A_126 = tpu.memref_slice %arg7[%dma_start3A_124, %dma_start3A_125] : memref<84x128xf32, #tpu.memory_space<vmem>> -> memref<80x128xf32, #tpu.memory_space<vmem>>
      tpu.enqueue_dma source(%dma_start3A_126 : memref<80x128xf32, #tpu.memory_space<vmem>>) target(%dma_start3A_123 : memref<80x128xf32, #tpu.memory_space<vmem_shared>>) target_semaphore(%run_scoped3A_116 : memref<!tpu.dma_semaphore, #tpu.memory_space<semaphore_mem>>)
      %dma_wait3A = arith.constant 0 : i32
      %dma_wait3A_127 = arith.constant 0 : i32
      %dma_wait3A_128 = tpu.memref_slice %arg7[%dma_wait3A, %dma_wait3A_127] : memref<84x128xf32, #tpu.memory_space<vmem>> -> memref<80x128xf32, #tpu.memory_space<vmem>>
      %dma_wait3A_129 = arith.constant 0 : i32
      %dma_wait3A_130 = tpu.memref_slice %arg9[%add3A_10, %dma_wait3A_129] : memref<10240x128xf32, #tpu.memory_space<vmem_shared>> -> memref<80x128xf32, #tpu.memory_space<vmem_shared>>
      %dma_wait3A_131 = arith.constant 0 : i32
      %dma_wait3A_132 = tpu.memref_slice %arg9[%add3A_10, %dma_wait3A_131] : memref<10240x128xf32, #tpu.memory_space<vmem_shared>> -> memref<80x128xf32, #tpu.memory_space<vmem_shared>>
      %dma_wait3A_133 = arith.constant 0 : i32
      %dma_wait3A_134 = arith.constant 0 : i32
      %dma_wait3A_135 = tpu.memref_slice %arg7[%dma_wait3A_133, %dma_wait3A_134] : memref<84x128xf32, #tpu.memory_space<vmem>> -> memref<80x128xf32, #tpu.memory_space<vmem>>
      tpu.wait_dma2 semaphore(%run_scoped3A_116 : memref<!tpu.dma_semaphore, #tpu.memory_space<semaphore_mem>>) src(%dma_wait3A_135 : memref<80x128xf32, #tpu.memory_space<vmem>>) dst(%dma_wait3A_132 : memref<80x128xf32, #tpu.memory_space<vmem_shared>>)
      tpu.yield
    }) : () -> ()
    %mul3A_11 = arith.constant 640 : i32
    %mul3A_12 = arith.muli %arg1, %mul3A_11 : i32
    %add3A_13 = arith.constant 160 : i32
    %add3A_14 = arith.addi %mul3A_12, %add3A_13 : i32
    "tpu.region"() ({
      %run_scoped3A_116 = tpu.sem_alloc : memref<!tpu.dma_semaphore, #tpu.memory_space<semaphore_mem>>
      %dma_start3A_117 = arith.constant 0 : i32
      %dma_start3A_118 = arith.constant 0 : i32
      %dma_start3A_119 = tpu.memref_slice %arg7[%dma_start3A_117, %dma_start3A_118] : memref<84x128xf32, #tpu.memory_space<vmem>> -> memref<80x128xf32, #tpu.memory_space<vmem>>
      %dma_start3A_120 = arith.constant 0 : i32
      %dma_start3A_121 = tpu.memref_slice %arg9[%add3A_14, %dma_start3A_120] : memref<10240x128xf32, #tpu.memory_space<vmem_shared>> -> memref<80x128xf32, #tpu.memory_space<vmem_shared>>
      %dma_start3A_122 = arith.constant 0 : i32
      %dma_start3A_123 = tpu.memref_slice %arg9[%add3A_14, %dma_start3A_122] : memref<10240x128xf32, #tpu.memory_space<vmem_shared>> -> memref<80x128xf32, #tpu.memory_space<vmem_shared>>
      %dma_start3A_124 = arith.constant 0 : i32
      %dma_start3A_125 = arith.constant 0 : i32
      %dma_start3A_126 = tpu.memref_slice %arg7[%dma_start3A_124, %dma_start3A_125] : memref<84x128xf32, #tpu.memory_space<vmem>> -> memref<80x128xf32, #tpu.memory_space<vmem>>
      tpu.enqueue_dma source(%dma_start3A_126 : memref<80x128xf32, #tpu.memory_space<vmem>>) target(%dma_start3A_123 : memref<80x128xf32, #tpu.memory_space<vmem_shared>>) target_semaphore(%run_scoped3A_116 : memref<!tpu.dma_semaphore, #tpu.memory_space<semaphore_mem>>)
      %dma_wait3A = arith.constant 0 : i32
      %dma_wait3A_127 = arith.constant 0 : i32
      %dma_wait3A_128 = tpu.memref_slice %arg7[%dma_wait3A, %dma_wait3A_127] : memref<84x128xf32, #tpu.memory_space<vmem>> -> memref<80x128xf32, #tpu.memory_space<vmem>>
      %dma_wait3A_129 = arith.constant 0 : i32
      %dma_wait3A_130 = tpu.memref_slice %arg9[%add3A_14, %dma_wait3A_129] : memref<10240x128xf32, #tpu.memory_space<vmem_shared>> -> memref<80x128xf32, #tpu.memory_space<vmem_shared>>
      %dma_wait3A_131 = arith.constant 0 : i32
      %dma_wait3A_132 = tpu.memref_slice %arg9[%add3A_14, %dma_wait3A_131] : memref<10240x128xf32, #tpu.memory_space<vmem_shared>> -> memref<80x128xf32, #tpu.memory_space<vmem_shared>>
      %dma_wait3A_133 = arith.constant 0 : i32
      %dma_wait3A_134 = arith.constant 0 : i32
      %dma_wait3A_135 = tpu.memref_slice %arg7[%dma_wait3A_133, %dma_wait3A_134] : memref<84x128xf32, #tpu.memory_space<vmem>> -> memref<80x128xf32, #tpu.memory_space<vmem>>
      tpu.wait_dma2 semaphore(%run_scoped3A_116 : memref<!tpu.dma_semaphore, #tpu.memory_space<semaphore_mem>>) src(%dma_wait3A_135 : memref<80x128xf32, #tpu.memory_space<vmem>>) dst(%dma_wait3A_132 : memref<80x128xf32, #tpu.memory_space<vmem_shared>>)
      tpu.yield
    }) : () -> ()
    %mul3A_15 = arith.constant 640 : i32
    %mul3A_16 = arith.muli %arg1, %mul3A_15 : i32
    %add3A_17 = arith.constant 240 : i32
    %add3A_18 = arith.addi %mul3A_16, %add3A_17 : i32
    "tpu.region"() ({
      %run_scoped3A_116 = tpu.sem_alloc : memref<!tpu.dma_semaphore, #tpu.memory_space<semaphore_mem>>
      %dma_start3A_117 = arith.constant 0 : i32
      %dma_start3A_118 = arith.constant 0 : i32
      %dma_start3A_119 = tpu.memref_slice %arg7[%dma_start3A_117, %dma_start3A_118] : memref<84x128xf32, #tpu.memory_space<vmem>> -> memref<80x128xf32, #tpu.memory_space<vmem>>
      %dma_start3A_120 = arith.constant 0 : i32
      %dma_start3A_121 = tpu.memref_slice %arg9[%add3A_18, %dma_start3A_120] : memref<10240x128xf32, #tpu.memory_space<vmem_shared>> -> memref<80x128xf32, #tpu.memory_space<vmem_shared>>
      %dma_start3A_122 = arith.constant 0 : i32
      %dma_start3A_123 = tpu.memref_slice %arg9[%add3A_18, %dma_start3A_122] : memref<10240x128xf32, #tpu.memory_space<vmem_shared>> -> memref<80x128xf32, #tpu.memory_space<vmem_shared>>
      %dma_start3A_124 = arith.constant 0 : i32
      %dma_start3A_125 = arith.constant 0 : i32
      %dma_start3A_126 = tpu.memref_slice %arg7[%dma_start3A_124, %dma_start3A_125] : memref<84x128xf32, #tpu.memory_space<vmem>> -> memref<80x128xf32, #tpu.memory_space<vmem>>
      tpu.enqueue_dma source(%dma_start3A_126 : memref<80x128xf32, #tpu.memory_space<vmem>>) target(%dma_start3A_123 : memref<80x128xf32, #tpu.memory_space<vmem_shared>>) target_semaphore(%run_scoped3A_116 : memref<!tpu.dma_semaphore, #tpu.memory_space<semaphore_mem>>)
      %dma_wait3A = arith.constant 0 : i32
      %dma_wait3A_127 = arith.constant 0 : i32
      %dma_wait3A_128 = tpu.memref_slice %arg7[%dma_wait3A, %dma_wait3A_127] : memref<84x128xf32, #tpu.memory_space<vmem>> -> memref<80x128xf32, #tpu.memory_space<vmem>>
      %dma_wait3A_129 = arith.constant 0 : i32
      %dma_wait3A_130 = tpu.memref_slice %arg9[%add3A_18, %dma_wait3A_129] : memref<10240x128xf32, #tpu.memory_space<vmem_shared>> -> memref<80x128xf32, #tpu.memory_space<vmem_shared>>
      %dma_wait3A_131 = arith.constant 0 : i32
      %dma_wait3A_132 = tpu.memref_slice %arg9[%add3A_18, %dma_wait3A_131] : memref<10240x128xf32, #tpu.memory_space<vmem_shared>> -> memref<80x128xf32, #tpu.memory_space<vmem_shared>>
      %dma_wait3A_133 = arith.constant 0 : i32
      %dma_wait3A_134 = arith.constant 0 : i32
      %dma_wait3A_135 = tpu.memref_slice %arg7[%dma_wait3A_133, %dma_wait3A_134] : memref<84x128xf32, #tpu.memory_space<vmem>> -> memref<80x128xf32, #tpu.memory_space<vmem>>
      tpu.wait_dma2 semaphore(%run_scoped3A_116 : memref<!tpu.dma_semaphore, #tpu.memory_space<semaphore_mem>>) src(%dma_wait3A_135 : memref<80x128xf32, #tpu.memory_space<vmem>>) dst(%dma_wait3A_132 : memref<80x128xf32, #tpu.memory_space<vmem_shared>>)
      tpu.yield
    }) : () -> ()
    %mul3A_19 = arith.constant 640 : i32
    %mul3A_20 = arith.muli %arg1, %mul3A_19 : i32
    %add3A_21 = arith.constant 320 : i32
    %add3A_22 = arith.addi %mul3A_20, %add3A_21 : i32
    "tpu.region"() ({
      %run_scoped3A_116 = tpu.sem_alloc : memref<!tpu.dma_semaphore, #tpu.memory_space<semaphore_mem>>
      %dma_start3A_117 = arith.constant 0 : i32
      %dma_start3A_118 = arith.constant 0 : i32
      %dma_start3A_119 = tpu.memref_slice %arg7[%dma_start3A_117, %dma_start3A_118] : memref<84x128xf32, #tpu.memory_space<vmem>> -> memref<80x128xf32, #tpu.memory_space<vmem>>
      %dma_start3A_120 = arith.constant 0 : i32
      %dma_start3A_121 = tpu.memref_slice %arg9[%add3A_22, %dma_start3A_120] : memref<10240x128xf32, #tpu.memory_space<vmem_shared>> -> memref<80x128xf32, #tpu.memory_space<vmem_shared>>
      %dma_start3A_122 = arith.constant 0 : i32
      %dma_start3A_123 = tpu.memref_slice %arg9[%add3A_22, %dma_start3A_122] : memref<10240x128xf32, #tpu.memory_space<vmem_shared>> -> memref<80x128xf32, #tpu.memory_space<vmem_shared>>
      %dma_start3A_124 = arith.constant 0 : i32
      %dma_start3A_125 = arith.constant 0 : i32
      %dma_start3A_126 = tpu.memref_slice %arg7[%dma_start3A_124, %dma_start3A_125] : memref<84x128xf32, #tpu.memory_space<vmem>> -> memref<80x128xf32, #tpu.memory_space<vmem>>
      tpu.enqueue_dma source(%dma_start3A_126 : memref<80x128xf32, #tpu.memory_space<vmem>>) target(%dma_start3A_123 : memref<80x128xf32, #tpu.memory_space<vmem_shared>>) target_semaphore(%run_scoped3A_116 : memref<!tpu.dma_semaphore, #tpu.memory_space<semaphore_mem>>)
      %dma_wait3A = arith.constant 0 : i32
      %dma_wait3A_127 = arith.constant 0 : i32
      %dma_wait3A_128 = tpu.memref_slice %arg7[%dma_wait3A, %dma_wait3A_127] : memref<84x128xf32, #tpu.memory_space<vmem>> -> memref<80x128xf32, #tpu.memory_space<vmem>>
      %dma_wait3A_129 = arith.constant 0 : i32
      %dma_wait3A_130 = tpu.memref_slice %arg9[%add3A_22, %dma_wait3A_129] : memref<10240x128xf32, #tpu.memory_space<vmem_shared>> -> memref<80x128xf32, #tpu.memory_space<vmem_shared>>
      %dma_wait3A_131 = arith.constant 0 : i32
      %dma_wait3A_132 = tpu.memref_slice %arg9[%add3A_22, %dma_wait3A_131] : memref<10240x128xf32, #tpu.memory_space<vmem_shared>> -> memref<80x128xf32, #tpu.memory_space<vmem_shared>>
      %dma_wait3A_133 = arith.constant 0 : i32
      %dma_wait3A_134 = arith.constant 0 : i32
      %dma_wait3A_135 = tpu.memref_slice %arg7[%dma_wait3A_133, %dma_wait3A_134] : memref<84x128xf32, #tpu.memory_space<vmem>> -> memref<80x128xf32, #tpu.memory_space<vmem>>
      tpu.wait_dma2 semaphore(%run_scoped3A_116 : memref<!tpu.dma_semaphore, #tpu.memory_space<semaphore_mem>>) src(%dma_wait3A_135 : memref<80x128xf32, #tpu.memory_space<vmem>>) dst(%dma_wait3A_132 : memref<80x128xf32, #tpu.memory_space<vmem_shared>>)
      tpu.yield
    }) : () -> ()
    %mul3A_23 = arith.constant 640 : i32
    %mul3A_24 = arith.muli %arg1, %mul3A_23 : i32
    %add3A_25 = arith.constant 400 : i32
    %add3A_26 = arith.addi %mul3A_24, %add3A_25 : i32
    "tpu.region"() ({
      %run_scoped3A_116 = tpu.sem_alloc : memref<!tpu.dma_semaphore, #tpu.memory_space<semaphore_mem>>
      %dma_start3A_117 = arith.constant 0 : i32
      %dma_start3A_118 = arith.constant 0 : i32
      %dma_start3A_119 = tpu.memref_slice %arg7[%dma_start3A_117, %dma_start3A_118] : memref<84x128xf32, #tpu.memory_space<vmem>> -> memref<80x128xf32, #tpu.memory_space<vmem>>
      %dma_start3A_120 = arith.constant 0 : i32
      %dma_start3A_121 = tpu.memref_slice %arg9[%add3A_26, %dma_start3A_120] : memref<10240x128xf32, #tpu.memory_space<vmem_shared>> -> memref<80x128xf32, #tpu.memory_space<vmem_shared>>
      %dma_start3A_122 = arith.constant 0 : i32
      %dma_start3A_123 = tpu.memref_slice %arg9[%add3A_26, %dma_start3A_122] : memref<10240x128xf32, #tpu.memory_space<vmem_shared>> -> memref<80x128xf32, #tpu.memory_space<vmem_shared>>
      %dma_start3A_124 = arith.constant 0 : i32
      %dma_start3A_125 = arith.constant 0 : i32
      %dma_start3A_126 = tpu.memref_slice %arg7[%dma_start3A_124, %dma_start3A_125] : memref<84x128xf32, #tpu.memory_space<vmem>> -> memref<80x128xf32, #tpu.memory_space<vmem>>
      tpu.enqueue_dma source(%dma_start3A_126 : memref<80x128xf32, #tpu.memory_space<vmem>>) target(%dma_start3A_123 : memref<80x128xf32, #tpu.memory_space<vmem_shared>>) target_semaphore(%run_scoped3A_116 : memref<!tpu.dma_semaphore, #tpu.memory_space<semaphore_mem>>)
      %dma_wait3A = arith.constant 0 : i32
      %dma_wait3A_127 = arith.constant 0 : i32
      %dma_wait3A_128 = tpu.memref_slice %arg7[%dma_wait3A, %dma_wait3A_127] : memref<84x128xf32, #tpu.memory_space<vmem>> -> memref<80x128xf32, #tpu.memory_space<vmem>>
      %dma_wait3A_129 = arith.constant 0 : i32
      %dma_wait3A_130 = tpu.memref_slice %arg9[%add3A_26, %dma_wait3A_129] : memref<10240x128xf32, #tpu.memory_space<vmem_shared>> -> memref<80x128xf32, #tpu.memory_space<vmem_shared>>
      %dma_wait3A_131 = arith.constant 0 : i32
      %dma_wait3A_132 = tpu.memref_slice %arg9[%add3A_26, %dma_wait3A_131] : memref<10240x128xf32, #tpu.memory_space<vmem_shared>> -> memref<80x128xf32, #tpu.memory_space<vmem_shared>>
      %dma_wait3A_133 = arith.constant 0 : i32
      %dma_wait3A_134 = arith.constant 0 : i32
      %dma_wait3A_135 = tpu.memref_slice %arg7[%dma_wait3A_133, %dma_wait3A_134] : memref<84x128xf32, #tpu.memory_space<vmem>> -> memref<80x128xf32, #tpu.memory_space<vmem>>
      tpu.wait_dma2 semaphore(%run_scoped3A_116 : memref<!tpu.dma_semaphore, #tpu.memory_space<semaphore_mem>>) src(%dma_wait3A_135 : memref<80x128xf32, #tpu.memory_space<vmem>>) dst(%dma_wait3A_132 : memref<80x128xf32, #tpu.memory_space<vmem_shared>>)
      tpu.yield
    }) : () -> ()
    %mul3A_27 = arith.constant 640 : i32
    %mul3A_28 = arith.muli %arg1, %mul3A_27 : i32
    %add3A_29 = arith.constant 480 : i32
    %add3A_30 = arith.addi %mul3A_28, %add3A_29 : i32
    "tpu.region"() ({
      %run_scoped3A_116 = tpu.sem_alloc : memref<!tpu.dma_semaphore, #tpu.memory_space<semaphore_mem>>
      %dma_start3A_117 = arith.constant 0 : i32
      %dma_start3A_118 = arith.constant 0 : i32
      %dma_start3A_119 = tpu.memref_slice %arg7[%dma_start3A_117, %dma_start3A_118] : memref<84x128xf32, #tpu.memory_space<vmem>> -> memref<80x128xf32, #tpu.memory_space<vmem>>
      %dma_start3A_120 = arith.constant 0 : i32
      %dma_start3A_121 = tpu.memref_slice %arg9[%add3A_30, %dma_start3A_120] : memref<10240x128xf32, #tpu.memory_space<vmem_shared>> -> memref<80x128xf32, #tpu.memory_space<vmem_shared>>
      %dma_start3A_122 = arith.constant 0 : i32
      %dma_start3A_123 = tpu.memref_slice %arg9[%add3A_30, %dma_start3A_122] : memref<10240x128xf32, #tpu.memory_space<vmem_shared>> -> memref<80x128xf32, #tpu.memory_space<vmem_shared>>
      %dma_start3A_124 = arith.constant 0 : i32
      %dma_start3A_125 = arith.constant 0 : i32
      %dma_start3A_126 = tpu.memref_slice %arg7[%dma_start3A_124, %dma_start3A_125] : memref<84x128xf32, #tpu.memory_space<vmem>> -> memref<80x128xf32, #tpu.memory_space<vmem>>
      tpu.enqueue_dma source(%dma_start3A_126 : memref<80x128xf32, #tpu.memory_space<vmem>>) target(%dma_start3A_123 : memref<80x128xf32, #tpu.memory_space<vmem_shared>>) target_semaphore(%run_scoped3A_116 : memref<!tpu.dma_semaphore, #tpu.memory_space<semaphore_mem>>)
      %dma_wait3A = arith.constant 0 : i32
      %dma_wait3A_127 = arith.constant 0 : i32
      %dma_wait3A_128 = tpu.memref_slice %arg7[%dma_wait3A, %dma_wait3A_127] : memref<84x128xf32, #tpu.memory_space<vmem>> -> memref<80x128xf32, #tpu.memory_space<vmem>>
      %dma_wait3A_129 = arith.constant 0 : i32
      %dma_wait3A_130 = tpu.memref_slice %arg9[%add3A_30, %dma_wait3A_129] : memref<10240x128xf32, #tpu.memory_space<vmem_shared>> -> memref<80x128xf32, #tpu.memory_space<vmem_shared>>
      %dma_wait3A_131 = arith.constant 0 : i32
      %dma_wait3A_132 = tpu.memref_slice %arg9[%add3A_30, %dma_wait3A_131] : memref<10240x128xf32, #tpu.memory_space<vmem_shared>> -> memref<80x128xf32, #tpu.memory_space<vmem_shared>>
      %dma_wait3A_133 = arith.constant 0 : i32
      %dma_wait3A_134 = arith.constant 0 : i32
      %dma_wait3A_135 = tpu.memref_slice %arg7[%dma_wait3A_133, %dma_wait3A_134] : memref<84x128xf32, #tpu.memory_space<vmem>> -> memref<80x128xf32, #tpu.memory_space<vmem>>
      tpu.wait_dma2 semaphore(%run_scoped3A_116 : memref<!tpu.dma_semaphore, #tpu.memory_space<semaphore_mem>>) src(%dma_wait3A_135 : memref<80x128xf32, #tpu.memory_space<vmem>>) dst(%dma_wait3A_132 : memref<80x128xf32, #tpu.memory_space<vmem_shared>>)
      tpu.yield
    }) : () -> ()
    %mul3A_31 = arith.constant 640 : i32
    %mul3A_32 = arith.muli %arg1, %mul3A_31 : i32
    %add3A_33 = arith.constant 560 : i32
    %add3A_34 = arith.addi %mul3A_32, %add3A_33 : i32
    "tpu.region"() ({
      %run_scoped3A_116 = tpu.sem_alloc : memref<!tpu.dma_semaphore, #tpu.memory_space<semaphore_mem>>
      %dma_start3A_117 = arith.constant 0 : i32
      %dma_start3A_118 = arith.constant 0 : i32
      %dma_start3A_119 = tpu.memref_slice %arg7[%dma_start3A_117, %dma_start3A_118] : memref<84x128xf32, #tpu.memory_space<vmem>> -> memref<80x128xf32, #tpu.memory_space<vmem>>
      %dma_start3A_120 = arith.constant 0 : i32
      %dma_start3A_121 = tpu.memref_slice %arg9[%add3A_34, %dma_start3A_120] : memref<10240x128xf32, #tpu.memory_space<vmem_shared>> -> memref<80x128xf32, #tpu.memory_space<vmem_shared>>
      %dma_start3A_122 = arith.constant 0 : i32
      %dma_start3A_123 = tpu.memref_slice %arg9[%add3A_34, %dma_start3A_122] : memref<10240x128xf32, #tpu.memory_space<vmem_shared>> -> memref<80x128xf32, #tpu.memory_space<vmem_shared>>
      %dma_start3A_124 = arith.constant 0 : i32
      %dma_start3A_125 = arith.constant 0 : i32
      %dma_start3A_126 = tpu.memref_slice %arg7[%dma_start3A_124, %dma_start3A_125] : memref<84x128xf32, #tpu.memory_space<vmem>> -> memref<80x128xf32, #tpu.memory_space<vmem>>
      tpu.enqueue_dma source(%dma_start3A_126 : memref<80x128xf32, #tpu.memory_space<vmem>>) target(%dma_start3A_123 : memref<80x128xf32, #tpu.memory_space<vmem_shared>>) target_semaphore(%run_scoped3A_116 : memref<!tpu.dma_semaphore, #tpu.memory_space<semaphore_mem>>)
      %dma_wait3A = arith.constant 0 : i32
      %dma_wait3A_127 = arith.constant 0 : i32
      %dma_wait3A_128 = tpu.memref_slice %arg7[%dma_wait3A, %dma_wait3A_127] : memref<84x128xf32, #tpu.memory_space<vmem>> -> memref<80x128xf32, #tpu.memory_space<vmem>>
      %dma_wait3A_129 = arith.constant 0 : i32
      %dma_wait3A_130 = tpu.memref_slice %arg9[%add3A_34, %dma_wait3A_129] : memref<10240x128xf32, #tpu.memory_space<vmem_shared>> -> memref<80x128xf32, #tpu.memory_space<vmem_shared>>
      %dma_wait3A_131 = arith.constant 0 : i32
      %dma_wait3A_132 = tpu.memref_slice %arg9[%add3A_34, %dma_wait3A_131] : memref<10240x128xf32, #tpu.memory_space<vmem_shared>> -> memref<80x128xf32, #tpu.memory_space<vmem_shared>>
      %dma_wait3A_133 = arith.constant 0 : i32
      %dma_wait3A_134 = arith.constant 0 : i32
      %dma_wait3A_135 = tpu.memref_slice %arg7[%dma_wait3A_133, %dma_wait3A_134] : memref<84x128xf32, #tpu.memory_space<vmem>> -> memref<80x128xf32, #tpu.memory_space<vmem>>
      tpu.wait_dma2 semaphore(%run_scoped3A_116 : memref<!tpu.dma_semaphore, #tpu.memory_space<semaphore_mem>>) src(%dma_wait3A_135 : memref<80x128xf32, #tpu.memory_space<vmem>>) dst(%dma_wait3A_132 : memref<80x128xf32, #tpu.memory_space<vmem_shared>>)
      tpu.yield
    }) : () -> ()
    %barrier3A = arith.constant 0 : index
    tpu.barrier barrier_id(%barrier3A)
    %run_scoped3A = arith.constant 0 : i32
    "tpu.region"() ({
      %run_scoped3A_116 = tpu.sem_alloc : memref<!tpu.dma_semaphore, #tpu.memory_space<semaphore_mem>>
      %dma_start3A_117 = arith.constant 0 : i32
      %dma_start3A_118 = arith.constant 0 : i32
      %dma_start3A_119 = arith.constant 0 : i32
      %dma_start3A_120 = tpu.memref_slice %arg3[%arg0, %arg1, %run_scoped3A, %dma_start3A_117, %dma_start3A_118, %dma_start3A_119] : memref<2x16x12x10x2x84xi32, #tpu.memory_space<hbm>> -> memref<1x1x1x10x2x84xi32, #tpu.memory_space<hbm>>
      %dma_start3A_121 = tpu.memref_squeeze %dma_start3A_120 : memref<1x1x1x10x2x84xi32, #tpu.memory_space<hbm>> -> memref<10x2x84xi32, #tpu.memory_space<hbm>>
      %dma_start3A_122 = arith.constant 0 : i32
      %dma_start3A_123 = arith.constant 0 : i32
      %dma_start3A_124 = arith.constant 0 : i32
      %dma_start3A_125 = tpu.memref_slice %arg3[%arg0, %arg1, %run_scoped3A, %dma_start3A_122, %dma_start3A_123, %dma_start3A_124] : memref<2x16x12x10x2x84xi32, #tpu.memory_space<hbm>> -> memref<1x1x1x10x2x84xi32, #tpu.memory_space<hbm>>
      %dma_start3A_126 = tpu.memref_squeeze %dma_start3A_125 : memref<1x1x1x10x2x84xi32, #tpu.memory_space<hbm>> -> memref<10x2x84xi32, #tpu.memory_space<hbm>>
      tpu.enqueue_dma source(%dma_start3A_126 : memref<10x2x84xi32, #tpu.memory_space<hbm>>) target(%arg5 : memref<10x2x84xi32, #tpu.memory_space<vmem>>) target_semaphore(%run_scoped3A_116 : memref<!tpu.dma_semaphore, #tpu.memory_space<semaphore_mem>>)
      %dma_wait3A = arith.constant 0 : i32
      %dma_wait3A_127 = arith.constant 0 : i32
      %dma_wait3A_128 = arith.constant 0 : i32
      %dma_wait3A_129 = tpu.memref_slice %arg3[%arg0, %arg1, %run_scoped3A, %dma_wait3A, %dma_wait3A_127, %dma_wait3A_128] : memref<2x16x12x10x2x84xi32, #tpu.memory_space<hbm>> -> memref<1x1x1x10x2x84xi32, #tpu.memory_space<hbm>>
      %dma_wait3A_130 = tpu.memref_squeeze %dma_wait3A_129 : memref<1x1x1x10x2x84xi32, #tpu.memory_space<hbm>> -> memref<10x2x84xi32, #tpu.memory_space<hbm>>
      %dma_wait3A_131 = arith.constant 0 : i32
      %dma_wait3A_132 = arith.constant 0 : i32
      %dma_wait3A_133 = arith.constant 0 : i32
      %dma_wait3A_134 = tpu.memref_slice %arg3[%arg0, %arg1, %run_scoped3A, %dma_wait3A_131, %dma_wait3A_132, %dma_wait3A_133] : memref<2x16x12x10x2x84xi32, #tpu.memory_space<hbm>> -> memref<1x1x1x10x2x84xi32, #tpu.memory_space<hbm>>
      %dma_wait3A_135 = tpu.memref_squeeze %dma_wait3A_134 : memref<1x1x1x10x2x84xi32, #tpu.memory_space<hbm>> -> memref<10x2x84xi32, #tpu.memory_space<hbm>>
      tpu.wait_dma2 semaphore(%run_scoped3A_116 : memref<!tpu.dma_semaphore, #tpu.memory_space<semaphore_mem>>) src(%dma_wait3A_135 : memref<10x2x84xi32, #tpu.memory_space<hbm>>) dst(%arg5 : memref<10x2x84xi32, #tpu.memory_space<vmem>>)
      tpu.yield
    }) : () -> ()
    %dma_start3A = arith.constant 1 : i32
    %dma_start3A_35 = arith.constant 0 : i32
    %dma_start3A_36 = arith.constant 0 : i32
    %dma_start3A_37 = arith.constant 0 : i32
    %dma_start3A_38 = tpu.memref_slice %arg3[%arg0, %arg1, %dma_start3A, %dma_start3A_35, %dma_start3A_36, %dma_start3A_37] : memref<2x16x12x10x2x84xi32, #tpu.memory_space<hbm>> -> memref<1x1x1x10x2x84xi32, #tpu.memory_space<hbm>>
    %dma_start3A_39 = tpu.memref_squeeze %dma_start3A_38 : memref<1x1x1x10x2x84xi32, #tpu.memory_space<hbm>> -> memref<10x2x84xi32, #tpu.memory_space<hbm>>
    %dma_start3A_40 = arith.constant 0 : i32
    %dma_start3A_41 = arith.constant 0 : i32
    %dma_start3A_42 = arith.constant 0 : i32
    %dma_start3A_43 = tpu.memref_slice %arg3[%arg0, %arg1, %dma_start3A, %dma_start3A_40, %dma_start3A_41, %dma_start3A_42] : memref<2x16x12x10x2x84xi32, #tpu.memory_space<hbm>> -> memref<1x1x1x10x2x84xi32, #tpu.memory_space<hbm>>
    %dma_start3A_44 = tpu.memref_squeeze %dma_start3A_43 : memref<1x1x1x10x2x84xi32, #tpu.memory_space<hbm>> -> memref<10x2x84xi32, #tpu.memory_space<hbm>>
    tpu.enqueue_dma source(%dma_start3A_44 : memref<10x2x84xi32, #tpu.memory_space<hbm>>) target(%arg6 : memref<10x2x84xi32, #tpu.memory_space<vmem>>) target_semaphore(%arg13 : memref<!tpu.dma_semaphore, #tpu.memory_space<semaphore_mem>>)
    %dma_start3A_45 = arith.constant 0 : i32
    %dma_start3A_46 = arith.constant 0 : i32
    %dma_start3A_47 = arith.constant 0 : i32
    %dma_start3A_48 = tpu.memref_slice %arg5[%dma_start3A_45, %dma_start3A_46, %dma_start3A_47] : memref<10x2x84xi32, #tpu.memory_space<vmem>> -> memref<1x1x84xi32, #tpu.memory_space<vmem>>
    %dma_start3A_49 = tpu.memref_squeeze %dma_start3A_48 : memref<1x1x84xi32, #tpu.memory_space<vmem>> -> memref<84xi32, #tpu.memory_space<vmem>>
    %dma_start3A_50 = arith.constant 0 : i32
    %dma_start3A_51 = arith.constant 0 : i32
    %dma_start3A_52 = tpu.memref_slice %arg2[%dma_start3A_50, %dma_start3A_51] : memref<20480x128xf32, #tpu.memory_space<hbm>> -> memref<20480x128xf32, #tpu.memory_space<hbm>>
    tpu.enqueue_indirect_dma source(%dma_start3A_52 : memref<20480x128xf32, #tpu.memory_space<hbm>>) target(%arg7 : memref<84x128xf32, #tpu.memory_space<vmem>>) offsets(%dma_start3A_49 : memref<84xi32, #tpu.memory_space<vmem>>) semaphore(%arg10 : memref<!tpu.dma_semaphore, #tpu.memory_space<semaphore_mem>>)
    %scan3A_53 = arith.constant 0 : i32
    %scan3A_54 = arith.constant 0 : i32
    %scan3A_55 = arith.constant 6 : i32
    %scan3A_56 = arith.addi %scan3A_54, %scan3A_55 : i32
    %scan3A_57 = arith.constant 1 : i32
    scf.for %scan3A_116 = %scan3A_54 to %scan3A_56 step %scan3A_57  : i32 {
      %mul3A_117 = arith.constant 2 : i32
      %mul3A_118 = arith.muli %mul3A_117, %scan3A_116 : i32
      %add3A_119 = arith.constant 0 : i32
      %add3A_120 = arith.addi %mul3A_118, %add3A_119 : i32
      %dma_start3A_121 = arith.constant 1 : i32
      %dma_start3A_122 = arith.constant 0 : i32
      %dma_start3A_123 = arith.constant 0 : i32
      %dma_start3A_124 = tpu.memref_slice %arg5[%dma_start3A_121, %dma_start3A_122, %dma_start3A_123] : memref<10x2x84xi32, #tpu.memory_space<vmem>> -> memref<1x1x84xi32, #tpu.memory_space<vmem>>
      %dma_start3A_125 = tpu.memref_squeeze %dma_start3A_124 : memref<1x1x84xi32, #tpu.memory_space<vmem>> -> memref<84xi32, #tpu.memory_space<vmem>>
      %dma_start3A_126 = arith.constant 0 : i32
      %dma_start3A_127 = arith.constant 0 : i32
      %dma_start3A_128 = tpu.memref_slice %arg2[%dma_start3A_126, %dma_start3A_127] : memref<20480x128xf32, #tpu.memory_space<hbm>> -> memref<20480x128xf32, #tpu.memory_space<hbm>>
      tpu.enqueue_indirect_dma source(%dma_start3A_128 : memref<20480x128xf32, #tpu.memory_space<hbm>>) target(%arg8 : memref<84x128xf32, #tpu.memory_space<vmem>>) offsets(%dma_start3A_125 : memref<84xi32, #tpu.memory_space<vmem>>) semaphore(%arg11 : memref<!tpu.dma_semaphore, #tpu.memory_space<semaphore_mem>>)
      %dma_wait3A = arith.constant 0 : i32
      %dma_wait3A_129 = arith.constant 0 : i32
      %dma_wait3A_130 = arith.constant 0 : i32
      %dma_wait3A_131 = tpu.memref_slice %arg5[%dma_wait3A, %dma_wait3A_129, %dma_wait3A_130] : memref<10x2x84xi32, #tpu.memory_space<vmem>> -> memref<1x1x84xi32, #tpu.memory_space<vmem>>
      %dma_wait3A_132 = tpu.memref_squeeze %dma_wait3A_131 : memref<1x1x84xi32, #tpu.memory_space<vmem>> -> memref<84xi32, #tpu.memory_space<vmem>>
      %dma_wait3A_133 = arith.constant 0 : i32
      %dma_wait3A_134 = arith.constant 0 : i32
      %dma_wait3A_135 = tpu.memref_slice %arg2[%dma_wait3A_133, %dma_wait3A_134] : memref<20480x128xf32, #tpu.memory_space<hbm>> -> memref<20480x128xf32, #tpu.memory_space<hbm>>
      tpu.wait_indirect_dma semaphore(%arg10 : memref<!tpu.dma_semaphore, #tpu.memory_space<semaphore_mem>>) src(%dma_wait3A_135 : memref<20480x128xf32, #tpu.memory_space<hbm>>) dst(%arg7 : memref<84x128xf32, #tpu.memory_space<vmem>>)
      %run_scoped3A_136 = arith.constant 0 : i32
      %run_scoped3A_137 = arith.constant 1 : i32
      "tpu.region"() ({
        %run_scoped3A_504 = tpu.sem_alloc : memref<!tpu.dma_semaphore, #tpu.memory_space<semaphore_mem>>
        %dma_start3A_505 = arith.constant 0 : i32
        %dma_start3A_506 = tpu.memref_slice %arg5[%run_scoped3A_136, %run_scoped3A_137, %dma_start3A_505] : memref<10x2x84xi32, #tpu.memory_space<vmem>> -> memref<1x1x84xi32, #tpu.memory_space<vmem>>
        %dma_start3A_507 = tpu.memref_squeeze %dma_start3A_506 : memref<1x1x84xi32, #tpu.memory_space<vmem>> -> memref<84xi32, #tpu.memory_space<vmem>>
        %dma_start3A_508 = arith.constant 0 : i32
        %dma_start3A_509 = arith.constant 0 : i32
        %dma_start3A_510 = tpu.memref_slice %arg9[%dma_start3A_508, %dma_start3A_509] : memref<10240x128xf32, #tpu.memory_space<vmem_shared>> -> memref<10240x128xf32, #tpu.memory_space<vmem_shared>>
        tpu.enqueue_indirect_dma source(%arg7 : memref<84x128xf32, #tpu.memory_space<vmem>>) target(%dma_start3A_510 : memref<10240x128xf32, #tpu.memory_space<vmem_shared>>) offsets(%dma_start3A_507 : memref<84xi32, #tpu.memory_space<vmem>>) semaphore(%run_scoped3A_504 : memref<!tpu.dma_semaphore, #tpu.memory_space<semaphore_mem>>) {add = true}
        %dma_wait3A_511 = arith.constant 0 : i32
        %dma_wait3A_512 = tpu.memref_slice %arg5[%run_scoped3A_136, %run_scoped3A_137, %dma_wait3A_511] : memref<10x2x84xi32, #tpu.memory_space<vmem>> -> memref<1x1x84xi32, #tpu.memory_space<vmem>>
        %dma_wait3A_513 = tpu.memref_squeeze %dma_wait3A_512 : memref<1x1x84xi32, #tpu.memory_space<vmem>> -> memref<84xi32, #tpu.memory_space<vmem>>
        %dma_wait3A_514 = arith.constant 0 : i32
        %dma_wait3A_515 = arith.constant 0 : i32
        %dma_wait3A_516 = tpu.memref_slice %arg9[%dma_wait3A_514, %dma_wait3A_515] : memref<10240x128xf32, #tpu.memory_space<vmem_shared>> -> memref<10240x128xf32, #tpu.memory_space<vmem_shared>>
        tpu.wait_indirect_dma semaphore(%run_scoped3A_504 : memref<!tpu.dma_semaphore, #tpu.memory_space<semaphore_mem>>) src(%arg7 : memref<84x128xf32, #tpu.memory_space<vmem>>) dst(%dma_wait3A_516 : memref<10240x128xf32, #tpu.memory_space<vmem_shared>>)
        tpu.yield
      }) : () -> ()
      %dma_start3A_138 = arith.constant 2 : i32
      %dma_start3A_139 = arith.constant 0 : i32
      %dma_start3A_140 = arith.constant 0 : i32
      %dma_start3A_141 = tpu.memref_slice %arg5[%dma_start3A_138, %dma_start3A_139, %dma_start3A_140] : memref<10x2x84xi32, #tpu.memory_space<vmem>> -> memref<1x1x84xi32, #tpu.memory_space<vmem>>
      %dma_start3A_142 = tpu.memref_squeeze %dma_start3A_141 : memref<1x1x84xi32, #tpu.memory_space<vmem>> -> memref<84xi32, #tpu.memory_space<vmem>>
      %dma_start3A_143 = arith.constant 0 : i32
      %dma_start3A_144 = arith.constant 0 : i32
      %dma_start3A_145 = tpu.memref_slice %arg2[%dma_start3A_143, %dma_start3A_144] : memref<20480x128xf32, #tpu.memory_space<hbm>> -> memref<20480x128xf32, #tpu.memory_space<hbm>>
      tpu.enqueue_indirect_dma source(%dma_start3A_145 : memref<20480x128xf32, #tpu.memory_space<hbm>>) target(%arg7 : memref<84x128xf32, #tpu.memory_space<vmem>>) offsets(%dma_start3A_142 : memref<84xi32, #tpu.memory_space<vmem>>) semaphore(%arg10 : memref<!tpu.dma_semaphore, #tpu.memory_space<semaphore_mem>>)
      %dma_wait3A_146 = arith.constant 1 : i32
      %dma_wait3A_147 = arith.constant 0 : i32
      %dma_wait3A_148 = arith.constant 0 : i32
      %dma_wait3A_149 = tpu.memref_slice %arg5[%dma_wait3A_146, %dma_wait3A_147, %dma_wait3A_148] : memref<10x2x84xi32, #tpu.memory_space<vmem>> -> memref<1x1x84xi32, #tpu.memory_space<vmem>>
      %dma_wait3A_150 = tpu.memref_squeeze %dma_wait3A_149 : memref<1x1x84xi32, #tpu.memory_space<vmem>> -> memref<84xi32, #tpu.memory_space<vmem>>
      %dma_wait3A_151 = arith.constant 0 : i32
      %dma_wait3A_152 = arith.constant 0 : i32
      %dma_wait3A_153 = tpu.memref_slice %arg2[%dma_wait3A_151, %dma_wait3A_152] : memref<20480x128xf32, #tpu.memory_space<hbm>> -> memref<20480x128xf32, #tpu.memory_space<hbm>>
      tpu.wait_indirect_dma semaphore(%arg11 : memref<!tpu.dma_semaphore, #tpu.memory_space<semaphore_mem>>) src(%dma_wait3A_153 : memref<20480x128xf32, #tpu.memory_space<hbm>>) dst(%arg8 : memref<84x128xf32, #tpu.memory_space<vmem>>)
      %run_scoped3A_154 = arith.constant 1 : i32
      %run_scoped3A_155 = arith.constant 1 : i32
      "tpu.region"() ({
        %run_scoped3A_504 = tpu.sem_alloc : memref<!tpu.dma_semaphore, #tpu.memory_space<semaphore_mem>>
        %dma_start3A_505 = arith.constant 0 : i32
        %dma_start3A_506 = tpu.memref_slice %arg5[%run_scoped3A_154, %run_scoped3A_155, %dma_start3A_505] : memref<10x2x84xi32, #tpu.memory_space<vmem>> -> memref<1x1x84xi32, #tpu.memory_space<vmem>>
        %dma_start3A_507 = tpu.memref_squeeze %dma_start3A_506 : memref<1x1x84xi32, #tpu.memory_space<vmem>> -> memref<84xi32, #tpu.memory_space<vmem>>
        %dma_start3A_508 = arith.constant 0 : i32
        %dma_start3A_509 = arith.constant 0 : i32
        %dma_start3A_510 = tpu.memref_slice %arg9[%dma_start3A_508, %dma_start3A_509] : memref<10240x128xf32, #tpu.memory_space<vmem_shared>> -> memref<10240x128xf32, #tpu.memory_space<vmem_shared>>
        tpu.enqueue_indirect_dma source(%arg8 : memref<84x128xf32, #tpu.memory_space<vmem>>) target(%dma_start3A_510 : memref<10240x128xf32, #tpu.memory_space<vmem_shared>>) offsets(%dma_start3A_507 : memref<84xi32, #tpu.memory_space<vmem>>) semaphore(%run_scoped3A_504 : memref<!tpu.dma_semaphore, #tpu.memory_space<semaphore_mem>>) {add = true}
        %dma_wait3A_511 = arith.constant 0 : i32
        %dma_wait3A_512 = tpu.memref_slice %arg5[%run_scoped3A_154, %run_scoped3A_155, %dma_wait3A_511] : memref<10x2x84xi32, #tpu.memory_space<vmem>> -> memref<1x1x84xi32, #tpu.memory_space<vmem>>
        %dma_wait3A_513 = tpu.memref_squeeze %dma_wait3A_512 : memref<1x1x84xi32, #tpu.memory_space<vmem>> -> memref<84xi32, #tpu.memory_space<vmem>>
        %dma_wait3A_514 = arith.constant 0 : i32
        %dma_wait3A_515 = arith.constant 0 : i32
        %dma_wait3A_516 = tpu.memref_slice %arg9[%dma_wait3A_514, %dma_wait3A_515] : memref<10240x128xf32, #tpu.memory_space<vmem_shared>> -> memref<10240x128xf32, #tpu.memory_space<vmem_shared>>
        tpu.wait_indirect_dma semaphore(%run_scoped3A_504 : memref<!tpu.dma_semaphore, #tpu.memory_space<semaphore_mem>>) src(%arg8 : memref<84x128xf32, #tpu.memory_space<vmem>>) dst(%dma_wait3A_516 : memref<10240x128xf32, #tpu.memory_space<vmem_shared>>)
        tpu.yield
      }) : () -> ()
      %dma_start3A_156 = arith.constant 3 : i32
      %dma_start3A_157 = arith.constant 0 : i32
      %dma_start3A_158 = arith.constant 0 : i32
      %dma_start3A_159 = tpu.memref_slice %arg5[%dma_start3A_156, %dma_start3A_157, %dma_start3A_158] : memref<10x2x84xi32, #tpu.memory_space<vmem>> -> memref<1x1x84xi32, #tpu.memory_space<vmem>>
      %dma_start3A_160 = tpu.memref_squeeze %dma_start3A_159 : memref<1x1x84xi32, #tpu.memory_space<vmem>> -> memref<84xi32, #tpu.memory_space<vmem>>
      %dma_start3A_161 = arith.constant 0 : i32
      %dma_start3A_162 = arith.constant 0 : i32
      %dma_start3A_163 = tpu.memref_slice %arg2[%dma_start3A_161, %dma_start3A_162] : memref<20480x128xf32, #tpu.memory_space<hbm>> -> memref<20480x128xf32, #tpu.memory_space<hbm>>
      tpu.enqueue_indirect_dma source(%dma_start3A_163 : memref<20480x128xf32, #tpu.memory_space<hbm>>) target(%arg8 : memref<84x128xf32, #tpu.memory_space<vmem>>) offsets(%dma_start3A_160 : memref<84xi32, #tpu.memory_space<vmem>>) semaphore(%arg11 : memref<!tpu.dma_semaphore, #tpu.memory_space<semaphore_mem>>)
      %dma_wait3A_164 = arith.constant 2 : i32
      %dma_wait3A_165 = arith.constant 0 : i32
      %dma_wait3A_166 = arith.constant 0 : i32
      %dma_wait3A_167 = tpu.memref_slice %arg5[%dma_wait3A_164, %dma_wait3A_165, %dma_wait3A_166] : memref<10x2x84xi32, #tpu.memory_space<vmem>> -> memref<1x1x84xi32, #tpu.memory_space<vmem>>
      %dma_wait3A_168 = tpu.memref_squeeze %dma_wait3A_167 : memref<1x1x84xi32, #tpu.memory_space<vmem>> -> memref<84xi32, #tpu.memory_space<vmem>>
      %dma_wait3A_169 = arith.constant 0 : i32
      %dma_wait3A_170 = arith.constant 0 : i32
      %dma_wait3A_171 = tpu.memref_slice %arg2[%dma_wait3A_169, %dma_wait3A_170] : memref<20480x128xf32, #tpu.memory_space<hbm>> -> memref<20480x128xf32, #tpu.memory_space<hbm>>
      tpu.wait_indirect_dma semaphore(%arg10 : memref<!tpu.dma_semaphore, #tpu.memory_space<semaphore_mem>>) src(%dma_wait3A_171 : memref<20480x128xf32, #tpu.memory_space<hbm>>) dst(%arg7 : memref<84x128xf32, #tpu.memory_space<vmem>>)
      %run_scoped3A_172 = arith.constant 2 : i32
      %run_scoped3A_173 = arith.constant 1 : i32
      "tpu.region"() ({
        %run_scoped3A_504 = tpu.sem_alloc : memref<!tpu.dma_semaphore, #tpu.memory_space<semaphore_mem>>
        %dma_start3A_505 = arith.constant 0 : i32
        %dma_start3A_506 = tpu.memref_slice %arg5[%run_scoped3A_172, %run_scoped3A_173, %dma_start3A_505] : memref<10x2x84xi32, #tpu.memory_space<vmem>> -> memref<1x1x84xi32, #tpu.memory_space<vmem>>
        %dma_start3A_507 = tpu.memref_squeeze %dma_start3A_506 : memref<1x1x84xi32, #tpu.memory_space<vmem>> -> memref<84xi32, #tpu.memory_space<vmem>>
        %dma_start3A_508 = arith.constant 0 : i32
        %dma_start3A_509 = arith.constant 0 : i32
        %dma_start3A_510 = tpu.memref_slice %arg9[%dma_start3A_508, %dma_start3A_509] : memref<10240x128xf32, #tpu.memory_space<vmem_shared>> -> memref<10240x128xf32, #tpu.memory_space<vmem_shared>>
        tpu.enqueue_indirect_dma source(%arg7 : memref<84x128xf32, #tpu.memory_space<vmem>>) target(%dma_start3A_510 : memref<10240x128xf32, #tpu.memory_space<vmem_shared>>) offsets(%dma_start3A_507 : memref<84xi32, #tpu.memory_space<vmem>>) semaphore(%run_scoped3A_504 : memref<!tpu.dma_semaphore, #tpu.memory_space<semaphore_mem>>) {add = true}
        %dma_wait3A_511 = arith.constant 0 : i32
        %dma_wait3A_512 = tpu.memref_slice %arg5[%run_scoped3A_172, %run_scoped3A_173, %dma_wait3A_511] : memref<10x2x84xi32, #tpu.memory_space<vmem>> -> memref<1x1x84xi32, #tpu.memory_space<vmem>>
        %dma_wait3A_513 = tpu.memref_squeeze %dma_wait3A_512 : memref<1x1x84xi32, #tpu.memory_space<vmem>> -> memref<84xi32, #tpu.memory_space<vmem>>
        %dma_wait3A_514 = arith.constant 0 : i32
        %dma_wait3A_515 = arith.constant 0 : i32
        %dma_wait3A_516 = tpu.memref_slice %arg9[%dma_wait3A_514, %dma_wait3A_515] : memref<10240x128xf32, #tpu.memory_space<vmem_shared>> -> memref<10240x128xf32, #tpu.memory_space<vmem_shared>>
        tpu.wait_indirect_dma semaphore(%run_scoped3A_504 : memref<!tpu.dma_semaphore, #tpu.memory_space<semaphore_mem>>) src(%arg7 : memref<84x128xf32, #tpu.memory_space<vmem>>) dst(%dma_wait3A_516 : memref<10240x128xf32, #tpu.memory_space<vmem_shared>>)
        tpu.yield
      }) : () -> ()
      %dma_start3A_174 = arith.constant 4 : i32
      %dma_start3A_175 = arith.constant 0 : i32
      %dma_start3A_176 = arith.constant 0 : i32
      %dma_start3A_177 = tpu.memref_slice %arg5[%dma_start3A_174, %dma_start3A_175, %dma_start3A_176] : memref<10x2x84xi32, #tpu.memory_space<vmem>> -> memref<1x1x84xi32, #tpu.memory_space<vmem>>
      %dma_start3A_178 = tpu.memref_squeeze %dma_start3A_177 : memref<1x1x84xi32, #tpu.memory_space<vmem>> -> memref<84xi32, #tpu.memory_space<vmem>>
      %dma_start3A_179 = arith.constant 0 : i32
      %dma_start3A_180 = arith.constant 0 : i32
      %dma_start3A_181 = tpu.memref_slice %arg2[%dma_start3A_179, %dma_start3A_180] : memref<20480x128xf32, #tpu.memory_space<hbm>> -> memref<20480x128xf32, #tpu.memory_space<hbm>>
      tpu.enqueue_indirect_dma source(%dma_start3A_181 : memref<20480x128xf32, #tpu.memory_space<hbm>>) target(%arg7 : memref<84x128xf32, #tpu.memory_space<vmem>>) offsets(%dma_start3A_178 : memref<84xi32, #tpu.memory_space<vmem>>) semaphore(%arg10 : memref<!tpu.dma_semaphore, #tpu.memory_space<semaphore_mem>>)
      %dma_wait3A_182 = arith.constant 3 : i32
      %dma_wait3A_183 = arith.constant 0 : i32
      %dma_wait3A_184 = arith.constant 0 : i32
      %dma_wait3A_185 = tpu.memref_slice %arg5[%dma_wait3A_182, %dma_wait3A_183, %dma_wait3A_184] : memref<10x2x84xi32, #tpu.memory_space<vmem>> -> memref<1x1x84xi32, #tpu.memory_space<vmem>>
      %dma_wait3A_186 = tpu.memref_squeeze %dma_wait3A_185 : memref<1x1x84xi32, #tpu.memory_space<vmem>> -> memref<84xi32, #tpu.memory_space<vmem>>
      %dma_wait3A_187 = arith.constant 0 : i32
      %dma_wait3A_188 = arith.constant 0 : i32
      %dma_wait3A_189 = tpu.memref_slice %arg2[%dma_wait3A_187, %dma_wait3A_188] : memref<20480x128xf32, #tpu.memory_space<hbm>> -> memref<20480x128xf32, #tpu.memory_space<hbm>>
      tpu.wait_indirect_dma semaphore(%arg11 : memref<!tpu.dma_semaphore, #tpu.memory_space<semaphore_mem>>) src(%dma_wait3A_189 : memref<20480x128xf32, #tpu.memory_space<hbm>>) dst(%arg8 : memref<84x128xf32, #tpu.memory_space<vmem>>)
      %run_scoped3A_190 = arith.constant 3 : i32
      %run_scoped3A_191 = arith.constant 1 : i32
      "tpu.region"() ({
        %run_scoped3A_504 = tpu.sem_alloc : memref<!tpu.dma_semaphore, #tpu.memory_space<semaphore_mem>>
        %dma_start3A_505 = arith.constant 0 : i32
        %dma_start3A_506 = tpu.memref_slice %arg5[%run_scoped3A_190, %run_scoped3A_191, %dma_start3A_505] : memref<10x2x84xi32, #tpu.memory_space<vmem>> -> memref<1x1x84xi32, #tpu.memory_space<vmem>>
        %dma_start3A_507 = tpu.memref_squeeze %dma_start3A_506 : memref<1x1x84xi32, #tpu.memory_space<vmem>> -> memref<84xi32, #tpu.memory_space<vmem>>
        %dma_start3A_508 = arith.constant 0 : i32
        %dma_start3A_509 = arith.constant 0 : i32
        %dma_start3A_510 = tpu.memref_slice %arg9[%dma_start3A_508, %dma_start3A_509] : memref<10240x128xf32, #tpu.memory_space<vmem_shared>> -> memref<10240x128xf32, #tpu.memory_space<vmem_shared>>
        tpu.enqueue_indirect_dma source(%arg8 : memref<84x128xf32, #tpu.memory_space<vmem>>) target(%dma_start3A_510 : memref<10240x128xf32, #tpu.memory_space<vmem_shared>>) offsets(%dma_start3A_507 : memref<84xi32, #tpu.memory_space<vmem>>) semaphore(%run_scoped3A_504 : memref<!tpu.dma_semaphore, #tpu.memory_space<semaphore_mem>>) {add = true}
        %dma_wait3A_511 = arith.constant 0 : i32
        %dma_wait3A_512 = tpu.memref_slice %arg5[%run_scoped3A_190, %run_scoped3A_191, %dma_wait3A_511] : memref<10x2x84xi32, #tpu.memory_space<vmem>> -> memref<1x1x84xi32, #tpu.memory_space<vmem>>
        %dma_wait3A_513 = tpu.memref_squeeze %dma_wait3A_512 : memref<1x1x84xi32, #tpu.memory_space<vmem>> -> memref<84xi32, #tpu.memory_space<vmem>>
        %dma_wait3A_514 = arith.constant 0 : i32
        %dma_wait3A_515 = arith.constant 0 : i32
        %dma_wait3A_516 = tpu.memref_slice %arg9[%dma_wait3A_514, %dma_wait3A_515] : memref<10240x128xf32, #tpu.memory_space<vmem_shared>> -> memref<10240x128xf32, #tpu.memory_space<vmem_shared>>
        tpu.wait_indirect_dma semaphore(%run_scoped3A_504 : memref<!tpu.dma_semaphore, #tpu.memory_space<semaphore_mem>>) src(%arg8 : memref<84x128xf32, #tpu.memory_space<vmem>>) dst(%dma_wait3A_516 : memref<10240x128xf32, #tpu.memory_space<vmem_shared>>)
        tpu.yield
      }) : () -> ()
      %dma_start3A_192 = arith.constant 5 : i32
      %dma_start3A_193 = arith.constant 0 : i32
      %dma_start3A_194 = arith.constant 0 : i32
      %dma_start3A_195 = tpu.memref_slice %arg5[%dma_start3A_192, %dma_start3A_193, %dma_start3A_194] : memref<10x2x84xi32, #tpu.memory_space<vmem>> -> memref<1x1x84xi32, #tpu.memory_space<vmem>>
      %dma_start3A_196 = tpu.memref_squeeze %dma_start3A_195 : memref<1x1x84xi32, #tpu.memory_space<vmem>> -> memref<84xi32, #tpu.memory_space<vmem>>
      %dma_start3A_197 = arith.constant 0 : i32
      %dma_start3A_198 = arith.constant 0 : i32
      %dma_start3A_199 = tpu.memref_slice %arg2[%dma_start3A_197, %dma_start3A_198] : memref<20480x128xf32, #tpu.memory_space<hbm>> -> memref<20480x128xf32, #tpu.memory_space<hbm>>
      tpu.enqueue_indirect_dma source(%dma_start3A_199 : memref<20480x128xf32, #tpu.memory_space<hbm>>) target(%arg8 : memref<84x128xf32, #tpu.memory_space<vmem>>) offsets(%dma_start3A_196 : memref<84xi32, #tpu.memory_space<vmem>>) semaphore(%arg11 : memref<!tpu.dma_semaphore, #tpu.memory_space<semaphore_mem>>)
      %dma_wait3A_200 = arith.constant 4 : i32
      %dma_wait3A_201 = arith.constant 0 : i32
      %dma_wait3A_202 = arith.constant 0 : i32
      %dma_wait3A_203 = tpu.memref_slice %arg5[%dma_wait3A_200, %dma_wait3A_201, %dma_wait3A_202] : memref<10x2x84xi32, #tpu.memory_space<vmem>> -> memref<1x1x84xi32, #tpu.memory_space<vmem>>
      %dma_wait3A_204 = tpu.memref_squeeze %dma_wait3A_203 : memref<1x1x84xi32, #tpu.memory_space<vmem>> -> memref<84xi32, #tpu.memory_space<vmem>>
      %dma_wait3A_205 = arith.constant 0 : i32
      %dma_wait3A_206 = arith.constant 0 : i32
      %dma_wait3A_207 = tpu.memref_slice %arg2[%dma_wait3A_205, %dma_wait3A_206] : memref<20480x128xf32, #tpu.memory_space<hbm>> -> memref<20480x128xf32, #tpu.memory_space<hbm>>
      tpu.wait_indirect_dma semaphore(%arg10 : memref<!tpu.dma_semaphore, #tpu.memory_space<semaphore_mem>>) src(%dma_wait3A_207 : memref<20480x128xf32, #tpu.memory_space<hbm>>) dst(%arg7 : memref<84x128xf32, #tpu.memory_space<vmem>>)
      %run_scoped3A_208 = arith.constant 4 : i32
      %run_scoped3A_209 = arith.constant 1 : i32
      "tpu.region"() ({
        %run_scoped3A_504 = tpu.sem_alloc : memref<!tpu.dma_semaphore, #tpu.memory_space<semaphore_mem>>
        %dma_start3A_505 = arith.constant 0 : i32
        %dma_start3A_506 = tpu.memref_slice %arg5[%run_scoped3A_208, %run_scoped3A_209, %dma_start3A_505] : memref<10x2x84xi32, #tpu.memory_space<vmem>> -> memref<1x1x84xi32, #tpu.memory_space<vmem>>
        %dma_start3A_507 = tpu.memref_squeeze %dma_start3A_506 : memref<1x1x84xi32, #tpu.memory_space<vmem>> -> memref<84xi32, #tpu.memory_space<vmem>>
        %dma_start3A_508 = arith.constant 0 : i32
        %dma_start3A_509 = arith.constant 0 : i32
        %dma_start3A_510 = tpu.memref_slice %arg9[%dma_start3A_508, %dma_start3A_509] : memref<10240x128xf32, #tpu.memory_space<vmem_shared>> -> memref<10240x128xf32, #tpu.memory_space<vmem_shared>>
        tpu.enqueue_indirect_dma source(%arg7 : memref<84x128xf32, #tpu.memory_space<vmem>>) target(%dma_start3A_510 : memref<10240x128xf32, #tpu.memory_space<vmem_shared>>) offsets(%dma_start3A_507 : memref<84xi32, #tpu.memory_space<vmem>>) semaphore(%run_scoped3A_504 : memref<!tpu.dma_semaphore, #tpu.memory_space<semaphore_mem>>) {add = true}
        %dma_wait3A_511 = arith.constant 0 : i32
        %dma_wait3A_512 = tpu.memref_slice %arg5[%run_scoped3A_208, %run_scoped3A_209, %dma_wait3A_511] : memref<10x2x84xi32, #tpu.memory_space<vmem>> -> memref<1x1x84xi32, #tpu.memory_space<vmem>>
        %dma_wait3A_513 = tpu.memref_squeeze %dma_wait3A_512 : memref<1x1x84xi32, #tpu.memory_space<vmem>> -> memref<84xi32, #tpu.memory_space<vmem>>
        %dma_wait3A_514 = arith.constant 0 : i32
        %dma_wait3A_515 = arith.constant 0 : i32
        %dma_wait3A_516 = tpu.memref_slice %arg9[%dma_wait3A_514, %dma_wait3A_515] : memref<10240x128xf32, #tpu.memory_space<vmem_shared>> -> memref<10240x128xf32, #tpu.memory_space<vmem_shared>>
        tpu.wait_indirect_dma semaphore(%run_scoped3A_504 : memref<!tpu.dma_semaphore, #tpu.memory_space<semaphore_mem>>) src(%arg7 : memref<84x128xf32, #tpu.memory_space<vmem>>) dst(%dma_wait3A_516 : memref<10240x128xf32, #tpu.memory_space<vmem_shared>>)
        tpu.yield
      }) : () -> ()
      %dma_start3A_210 = arith.constant 6 : i32
      %dma_start3A_211 = arith.constant 0 : i32
      %dma_start3A_212 = arith.constant 0 : i32
      %dma_start3A_213 = tpu.memref_slice %arg5[%dma_start3A_210, %dma_start3A_211, %dma_start3A_212] : memref<10x2x84xi32, #tpu.memory_space<vmem>> -> memref<1x1x84xi32, #tpu.memory_space<vmem>>
      %dma_start3A_214 = tpu.memref_squeeze %dma_start3A_213 : memref<1x1x84xi32, #tpu.memory_space<vmem>> -> memref<84xi32, #tpu.memory_space<vmem>>
      %dma_start3A_215 = arith.constant 0 : i32
      %dma_start3A_216 = arith.constant 0 : i32
      %dma_start3A_217 = tpu.memref_slice %arg2[%dma_start3A_215, %dma_start3A_216] : memref<20480x128xf32, #tpu.memory_space<hbm>> -> memref<20480x128xf32, #tpu.memory_space<hbm>>
      tpu.enqueue_indirect_dma source(%dma_start3A_217 : memref<20480x128xf32, #tpu.memory_space<hbm>>) target(%arg7 : memref<84x128xf32, #tpu.memory_space<vmem>>) offsets(%dma_start3A_214 : memref<84xi32, #tpu.memory_space<vmem>>) semaphore(%arg10 : memref<!tpu.dma_semaphore, #tpu.memory_space<semaphore_mem>>)
      %dma_wait3A_218 = arith.constant 5 : i32
      %dma_wait3A_219 = arith.constant 0 : i32
      %dma_wait3A_220 = arith.constant 0 : i32
      %dma_wait3A_221 = tpu.memref_slice %arg5[%dma_wait3A_218, %dma_wait3A_219, %dma_wait3A_220] : memref<10x2x84xi32, #tpu.memory_space<vmem>> -> memref<1x1x84xi32, #tpu.memory_space<vmem>>
      %dma_wait3A_222 = tpu.memref_squeeze %dma_wait3A_221 : memref<1x1x84xi32, #tpu.memory_space<vmem>> -> memref<84xi32, #tpu.memory_space<vmem>>
      %dma_wait3A_223 = arith.constant 0 : i32
      %dma_wait3A_224 = arith.constant 0 : i32
      %dma_wait3A_225 = tpu.memref_slice %arg2[%dma_wait3A_223, %dma_wait3A_224] : memref<20480x128xf32, #tpu.memory_space<hbm>> -> memref<20480x128xf32, #tpu.memory_space<hbm>>
      tpu.wait_indirect_dma semaphore(%arg11 : memref<!tpu.dma_semaphore, #tpu.memory_space<semaphore_mem>>) src(%dma_wait3A_225 : memref<20480x128xf32, #tpu.memory_space<hbm>>) dst(%arg8 : memref<84x128xf32, #tpu.memory_space<vmem>>)
      %run_scoped3A_226 = arith.constant 5 : i32
      %run_scoped3A_227 = arith.constant 1 : i32
      "tpu.region"() ({
        %run_scoped3A_504 = tpu.sem_alloc : memref<!tpu.dma_semaphore, #tpu.memory_space<semaphore_mem>>
        %dma_start3A_505 = arith.constant 0 : i32
        %dma_start3A_506 = tpu.memref_slice %arg5[%run_scoped3A_226, %run_scoped3A_227, %dma_start3A_505] : memref<10x2x84xi32, #tpu.memory_space<vmem>> -> memref<1x1x84xi32, #tpu.memory_space<vmem>>
        %dma_start3A_507 = tpu.memref_squeeze %dma_start3A_506 : memref<1x1x84xi32, #tpu.memory_space<vmem>> -> memref<84xi32, #tpu.memory_space<vmem>>
        %dma_start3A_508 = arith.constant 0 : i32
        %dma_start3A_509 = arith.constant 0 : i32
        %dma_start3A_510 = tpu.memref_slice %arg9[%dma_start3A_508, %dma_start3A_509] : memref<10240x128xf32, #tpu.memory_space<vmem_shared>> -> memref<10240x128xf32, #tpu.memory_space<vmem_shared>>
        tpu.enqueue_indirect_dma source(%arg8 : memref<84x128xf32, #tpu.memory_space<vmem>>) target(%dma_start3A_510 : memref<10240x128xf32, #tpu.memory_space<vmem_shared>>) offsets(%dma_start3A_507 : memref<84xi32, #tpu.memory_space<vmem>>) semaphore(%run_scoped3A_504 : memref<!tpu.dma_semaphore, #tpu.memory_space<semaphore_mem>>) {add = true}
        %dma_wait3A_511 = arith.constant 0 : i32
        %dma_wait3A_512 = tpu.memref_slice %arg5[%run_scoped3A_226, %run_scoped3A_227, %dma_wait3A_511] : memref<10x2x84xi32, #tpu.memory_space<vmem>> -> memref<1x1x84xi32, #tpu.memory_space<vmem>>
        %dma_wait3A_513 = tpu.memref_squeeze %dma_wait3A_512 : memref<1x1x84xi32, #tpu.memory_space<vmem>> -> memref<84xi32, #tpu.memory_space<vmem>>
        %dma_wait3A_514 = arith.constant 0 : i32
        %dma_wait3A_515 = arith.constant 0 : i32
        %dma_wait3A_516 = tpu.memref_slice %arg9[%dma_wait3A_514, %dma_wait3A_515] : memref<10240x128xf32, #tpu.memory_space<vmem_shared>> -> memref<10240x128xf32, #tpu.memory_space<vmem_shared>>
        tpu.wait_indirect_dma semaphore(%run_scoped3A_504 : memref<!tpu.dma_semaphore, #tpu.memory_space<semaphore_mem>>) src(%arg8 : memref<84x128xf32, #tpu.memory_space<vmem>>) dst(%dma_wait3A_516 : memref<10240x128xf32, #tpu.memory_space<vmem_shared>>)
        tpu.yield
      }) : () -> ()
      %dma_start3A_228 = arith.constant 7 : i32
      %dma_start3A_229 = arith.constant 0 : i32
      %dma_start3A_230 = arith.constant 0 : i32
      %dma_start3A_231 = tpu.memref_slice %arg5[%dma_start3A_228, %dma_start3A_229, %dma_start3A_230] : memref<10x2x84xi32, #tpu.memory_space<vmem>> -> memref<1x1x84xi32, #tpu.memory_space<vmem>>
      %dma_start3A_232 = tpu.memref_squeeze %dma_start3A_231 : memref<1x1x84xi32, #tpu.memory_space<vmem>> -> memref<84xi32, #tpu.memory_space<vmem>>
      %dma_start3A_233 = arith.constant 0 : i32
      %dma_start3A_234 = arith.constant 0 : i32
      %dma_start3A_235 = tpu.memref_slice %arg2[%dma_start3A_233, %dma_start3A_234] : memref<20480x128xf32, #tpu.memory_space<hbm>> -> memref<20480x128xf32, #tpu.memory_space<hbm>>
      tpu.enqueue_indirect_dma source(%dma_start3A_235 : memref<20480x128xf32, #tpu.memory_space<hbm>>) target(%arg8 : memref<84x128xf32, #tpu.memory_space<vmem>>) offsets(%dma_start3A_232 : memref<84xi32, #tpu.memory_space<vmem>>) semaphore(%arg11 : memref<!tpu.dma_semaphore, #tpu.memory_space<semaphore_mem>>)
      %dma_wait3A_236 = arith.constant 6 : i32
      %dma_wait3A_237 = arith.constant 0 : i32
      %dma_wait3A_238 = arith.constant 0 : i32
      %dma_wait3A_239 = tpu.memref_slice %arg5[%dma_wait3A_236, %dma_wait3A_237, %dma_wait3A_238] : memref<10x2x84xi32, #tpu.memory_space<vmem>> -> memref<1x1x84xi32, #tpu.memory_space<vmem>>
      %dma_wait3A_240 = tpu.memref_squeeze %dma_wait3A_239 : memref<1x1x84xi32, #tpu.memory_space<vmem>> -> memref<84xi32, #tpu.memory_space<vmem>>
      %dma_wait3A_241 = arith.constant 0 : i32
      %dma_wait3A_242 = arith.constant 0 : i32
      %dma_wait3A_243 = tpu.memref_slice %arg2[%dma_wait3A_241, %dma_wait3A_242] : memref<20480x128xf32, #tpu.memory_space<hbm>> -> memref<20480x128xf32, #tpu.memory_space<hbm>>
      tpu.wait_indirect_dma semaphore(%arg10 : memref<!tpu.dma_semaphore, #tpu.memory_space<semaphore_mem>>) src(%dma_wait3A_243 : memref<20480x128xf32, #tpu.memory_space<hbm>>) dst(%arg7 : memref<84x128xf32, #tpu.memory_space<vmem>>)
      %run_scoped3A_244 = arith.constant 6 : i32
      %run_scoped3A_245 = arith.constant 1 : i32
      "tpu.region"() ({
        %run_scoped3A_504 = tpu.sem_alloc : memref<!tpu.dma_semaphore, #tpu.memory_space<semaphore_mem>>
        %dma_start3A_505 = arith.constant 0 : i32
        %dma_start3A_506 = tpu.memref_slice %arg5[%run_scoped3A_244, %run_scoped3A_245, %dma_start3A_505] : memref<10x2x84xi32, #tpu.memory_space<vmem>> -> memref<1x1x84xi32, #tpu.memory_space<vmem>>
        %dma_start3A_507 = tpu.memref_squeeze %dma_start3A_506 : memref<1x1x84xi32, #tpu.memory_space<vmem>> -> memref<84xi32, #tpu.memory_space<vmem>>
        %dma_start3A_508 = arith.constant 0 : i32
        %dma_start3A_509 = arith.constant 0 : i32
        %dma_start3A_510 = tpu.memref_slice %arg9[%dma_start3A_508, %dma_start3A_509] : memref<10240x128xf32, #tpu.memory_space<vmem_shared>> -> memref<10240x128xf32, #tpu.memory_space<vmem_shared>>
        tpu.enqueue_indirect_dma source(%arg7 : memref<84x128xf32, #tpu.memory_space<vmem>>) target(%dma_start3A_510 : memref<10240x128xf32, #tpu.memory_space<vmem_shared>>) offsets(%dma_start3A_507 : memref<84xi32, #tpu.memory_space<vmem>>) semaphore(%run_scoped3A_504 : memref<!tpu.dma_semaphore, #tpu.memory_space<semaphore_mem>>) {add = true}
        %dma_wait3A_511 = arith.constant 0 : i32
        %dma_wait3A_512 = tpu.memref_slice %arg5[%run_scoped3A_244, %run_scoped3A_245, %dma_wait3A_511] : memref<10x2x84xi32, #tpu.memory_space<vmem>> -> memref<1x1x84xi32, #tpu.memory_space<vmem>>
        %dma_wait3A_513 = tpu.memref_squeeze %dma_wait3A_512 : memref<1x1x84xi32, #tpu.memory_space<vmem>> -> memref<84xi32, #tpu.memory_space<vmem>>
        %dma_wait3A_514 = arith.constant 0 : i32
        %dma_wait3A_515 = arith.constant 0 : i32
        %dma_wait3A_516 = tpu.memref_slice %arg9[%dma_wait3A_514, %dma_wait3A_515] : memref<10240x128xf32, #tpu.memory_space<vmem_shared>> -> memref<10240x128xf32, #tpu.memory_space<vmem_shared>>
        tpu.wait_indirect_dma semaphore(%run_scoped3A_504 : memref<!tpu.dma_semaphore, #tpu.memory_space<semaphore_mem>>) src(%arg7 : memref<84x128xf32, #tpu.memory_space<vmem>>) dst(%dma_wait3A_516 : memref<10240x128xf32, #tpu.memory_space<vmem_shared>>)
        tpu.yield
      }) : () -> ()
      %dma_start3A_246 = arith.constant 8 : i32
      %dma_start3A_247 = arith.constant 0 : i32
      %dma_start3A_248 = arith.constant 0 : i32
      %dma_start3A_249 = tpu.memref_slice %arg5[%dma_start3A_246, %dma_start3A_247, %dma_start3A_248] : memref<10x2x84xi32, #tpu.memory_space<vmem>> -> memref<1x1x84xi32, #tpu.memory_space<vmem>>
      %dma_start3A_250 = tpu.memref_squeeze %dma_start3A_249 : memref<1x1x84xi32, #tpu.memory_space<vmem>> -> memref<84xi32, #tpu.memory_space<vmem>>
      %dma_start3A_251 = arith.constant 0 : i32
      %dma_start3A_252 = arith.constant 0 : i32
      %dma_start3A_253 = tpu.memref_slice %arg2[%dma_start3A_251, %dma_start3A_252] : memref<20480x128xf32, #tpu.memory_space<hbm>> -> memref<20480x128xf32, #tpu.memory_space<hbm>>
      tpu.enqueue_indirect_dma source(%dma_start3A_253 : memref<20480x128xf32, #tpu.memory_space<hbm>>) target(%arg7 : memref<84x128xf32, #tpu.memory_space<vmem>>) offsets(%dma_start3A_250 : memref<84xi32, #tpu.memory_space<vmem>>) semaphore(%arg10 : memref<!tpu.dma_semaphore, #tpu.memory_space<semaphore_mem>>)
      %dma_wait3A_254 = arith.constant 7 : i32
      %dma_wait3A_255 = arith.constant 0 : i32
      %dma_wait3A_256 = arith.constant 0 : i32
      %dma_wait3A_257 = tpu.memref_slice %arg5[%dma_wait3A_254, %dma_wait3A_255, %dma_wait3A_256] : memref<10x2x84xi32, #tpu.memory_space<vmem>> -> memref<1x1x84xi32, #tpu.memory_space<vmem>>
      %dma_wait3A_258 = tpu.memref_squeeze %dma_wait3A_257 : memref<1x1x84xi32, #tpu.memory_space<vmem>> -> memref<84xi32, #tpu.memory_space<vmem>>
      %dma_wait3A_259 = arith.constant 0 : i32
      %dma_wait3A_260 = arith.constant 0 : i32
      %dma_wait3A_261 = tpu.memref_slice %arg2[%dma_wait3A_259, %dma_wait3A_260] : memref<20480x128xf32, #tpu.memory_space<hbm>> -> memref<20480x128xf32, #tpu.memory_space<hbm>>
      tpu.wait_indirect_dma semaphore(%arg11 : memref<!tpu.dma_semaphore, #tpu.memory_space<semaphore_mem>>) src(%dma_wait3A_261 : memref<20480x128xf32, #tpu.memory_space<hbm>>) dst(%arg8 : memref<84x128xf32, #tpu.memory_space<vmem>>)
      %run_scoped3A_262 = arith.constant 7 : i32
      %run_scoped3A_263 = arith.constant 1 : i32
      "tpu.region"() ({
        %run_scoped3A_504 = tpu.sem_alloc : memref<!tpu.dma_semaphore, #tpu.memory_space<semaphore_mem>>
        %dma_start3A_505 = arith.constant 0 : i32
        %dma_start3A_506 = tpu.memref_slice %arg5[%run_scoped3A_262, %run_scoped3A_263, %dma_start3A_505] : memref<10x2x84xi32, #tpu.memory_space<vmem>> -> memref<1x1x84xi32, #tpu.memory_space<vmem>>
        %dma_start3A_507 = tpu.memref_squeeze %dma_start3A_506 : memref<1x1x84xi32, #tpu.memory_space<vmem>> -> memref<84xi32, #tpu.memory_space<vmem>>
        %dma_start3A_508 = arith.constant 0 : i32
        %dma_start3A_509 = arith.constant 0 : i32
        %dma_start3A_510 = tpu.memref_slice %arg9[%dma_start3A_508, %dma_start3A_509] : memref<10240x128xf32, #tpu.memory_space<vmem_shared>> -> memref<10240x128xf32, #tpu.memory_space<vmem_shared>>
        tpu.enqueue_indirect_dma source(%arg8 : memref<84x128xf32, #tpu.memory_space<vmem>>) target(%dma_start3A_510 : memref<10240x128xf32, #tpu.memory_space<vmem_shared>>) offsets(%dma_start3A_507 : memref<84xi32, #tpu.memory_space<vmem>>) semaphore(%run_scoped3A_504 : memref<!tpu.dma_semaphore, #tpu.memory_space<semaphore_mem>>) {add = true}
        %dma_wait3A_511 = arith.constant 0 : i32
        %dma_wait3A_512 = tpu.memref_slice %arg5[%run_scoped3A_262, %run_scoped3A_263, %dma_wait3A_511] : memref<10x2x84xi32, #tpu.memory_space<vmem>> -> memref<1x1x84xi32, #tpu.memory_space<vmem>>
        %dma_wait3A_513 = tpu.memref_squeeze %dma_wait3A_512 : memref<1x1x84xi32, #tpu.memory_space<vmem>> -> memref<84xi32, #tpu.memory_space<vmem>>
        %dma_wait3A_514 = arith.constant 0 : i32
        %dma_wait3A_515 = arith.constant 0 : i32
        %dma_wait3A_516 = tpu.memref_slice %arg9[%dma_wait3A_514, %dma_wait3A_515] : memref<10240x128xf32, #tpu.memory_space<vmem_shared>> -> memref<10240x128xf32, #tpu.memory_space<vmem_shared>>
        tpu.wait_indirect_dma semaphore(%run_scoped3A_504 : memref<!tpu.dma_semaphore, #tpu.memory_space<semaphore_mem>>) src(%arg8 : memref<84x128xf32, #tpu.memory_space<vmem>>) dst(%dma_wait3A_516 : memref<10240x128xf32, #tpu.memory_space<vmem_shared>>)
        tpu.yield
      }) : () -> ()
      %dma_start3A_264 = arith.constant 9 : i32
      %dma_start3A_265 = arith.constant 0 : i32
      %dma_start3A_266 = arith.constant 0 : i32
      %dma_start3A_267 = tpu.memref_slice %arg5[%dma_start3A_264, %dma_start3A_265, %dma_start3A_266] : memref<10x2x84xi32, #tpu.memory_space<vmem>> -> memref<1x1x84xi32, #tpu.memory_space<vmem>>
      %dma_start3A_268 = tpu.memref_squeeze %dma_start3A_267 : memref<1x1x84xi32, #tpu.memory_space<vmem>> -> memref<84xi32, #tpu.memory_space<vmem>>
      %dma_start3A_269 = arith.constant 0 : i32
      %dma_start3A_270 = arith.constant 0 : i32
      %dma_start3A_271 = tpu.memref_slice %arg2[%dma_start3A_269, %dma_start3A_270] : memref<20480x128xf32, #tpu.memory_space<hbm>> -> memref<20480x128xf32, #tpu.memory_space<hbm>>
      tpu.enqueue_indirect_dma source(%dma_start3A_271 : memref<20480x128xf32, #tpu.memory_space<hbm>>) target(%arg8 : memref<84x128xf32, #tpu.memory_space<vmem>>) offsets(%dma_start3A_268 : memref<84xi32, #tpu.memory_space<vmem>>) semaphore(%arg11 : memref<!tpu.dma_semaphore, #tpu.memory_space<semaphore_mem>>)
      %dma_wait3A_272 = arith.constant 8 : i32
      %dma_wait3A_273 = arith.constant 0 : i32
      %dma_wait3A_274 = arith.constant 0 : i32
      %dma_wait3A_275 = tpu.memref_slice %arg5[%dma_wait3A_272, %dma_wait3A_273, %dma_wait3A_274] : memref<10x2x84xi32, #tpu.memory_space<vmem>> -> memref<1x1x84xi32, #tpu.memory_space<vmem>>
      %dma_wait3A_276 = tpu.memref_squeeze %dma_wait3A_275 : memref<1x1x84xi32, #tpu.memory_space<vmem>> -> memref<84xi32, #tpu.memory_space<vmem>>
      %dma_wait3A_277 = arith.constant 0 : i32
      %dma_wait3A_278 = arith.constant 0 : i32
      %dma_wait3A_279 = tpu.memref_slice %arg2[%dma_wait3A_277, %dma_wait3A_278] : memref<20480x128xf32, #tpu.memory_space<hbm>> -> memref<20480x128xf32, #tpu.memory_space<hbm>>
      tpu.wait_indirect_dma semaphore(%arg10 : memref<!tpu.dma_semaphore, #tpu.memory_space<semaphore_mem>>) src(%dma_wait3A_279 : memref<20480x128xf32, #tpu.memory_space<hbm>>) dst(%arg7 : memref<84x128xf32, #tpu.memory_space<vmem>>)
      %run_scoped3A_280 = arith.constant 8 : i32
      %run_scoped3A_281 = arith.constant 1 : i32
      "tpu.region"() ({
        %run_scoped3A_504 = tpu.sem_alloc : memref<!tpu.dma_semaphore, #tpu.memory_space<semaphore_mem>>
        %dma_start3A_505 = arith.constant 0 : i32
        %dma_start3A_506 = tpu.memref_slice %arg5[%run_scoped3A_280, %run_scoped3A_281, %dma_start3A_505] : memref<10x2x84xi32, #tpu.memory_space<vmem>> -> memref<1x1x84xi32, #tpu.memory_space<vmem>>
        %dma_start3A_507 = tpu.memref_squeeze %dma_start3A_506 : memref<1x1x84xi32, #tpu.memory_space<vmem>> -> memref<84xi32, #tpu.memory_space<vmem>>
        %dma_start3A_508 = arith.constant 0 : i32
        %dma_start3A_509 = arith.constant 0 : i32
        %dma_start3A_510 = tpu.memref_slice %arg9[%dma_start3A_508, %dma_start3A_509] : memref<10240x128xf32, #tpu.memory_space<vmem_shared>> -> memref<10240x128xf32, #tpu.memory_space<vmem_shared>>
        tpu.enqueue_indirect_dma source(%arg7 : memref<84x128xf32, #tpu.memory_space<vmem>>) target(%dma_start3A_510 : memref<10240x128xf32, #tpu.memory_space<vmem_shared>>) offsets(%dma_start3A_507 : memref<84xi32, #tpu.memory_space<vmem>>) semaphore(%run_scoped3A_504 : memref<!tpu.dma_semaphore, #tpu.memory_space<semaphore_mem>>) {add = true}
        %dma_wait3A_511 = arith.constant 0 : i32
        %dma_wait3A_512 = tpu.memref_slice %arg5[%run_scoped3A_280, %run_scoped3A_281, %dma_wait3A_511] : memref<10x2x84xi32, #tpu.memory_space<vmem>> -> memref<1x1x84xi32, #tpu.memory_space<vmem>>
        %dma_wait3A_513 = tpu.memref_squeeze %dma_wait3A_512 : memref<1x1x84xi32, #tpu.memory_space<vmem>> -> memref<84xi32, #tpu.memory_space<vmem>>
        %dma_wait3A_514 = arith.constant 0 : i32
        %dma_wait3A_515 = arith.constant 0 : i32
        %dma_wait3A_516 = tpu.memref_slice %arg9[%dma_wait3A_514, %dma_wait3A_515] : memref<10240x128xf32, #tpu.memory_space<vmem_shared>> -> memref<10240x128xf32, #tpu.memory_space<vmem_shared>>
        tpu.wait_indirect_dma semaphore(%run_scoped3A_504 : memref<!tpu.dma_semaphore, #tpu.memory_space<semaphore_mem>>) src(%arg7 : memref<84x128xf32, #tpu.memory_space<vmem>>) dst(%dma_wait3A_516 : memref<10240x128xf32, #tpu.memory_space<vmem_shared>>)
        tpu.yield
      }) : () -> ()
      %add3A_282 = arith.constant 1 : i32
      %add3A_283 = arith.addi %add3A_120, %add3A_282 : i32
      %dma_wait3A_284 = arith.constant 0 : i32
      %dma_wait3A_285 = arith.constant 0 : i32
      %dma_wait3A_286 = arith.constant 0 : i32
      %dma_wait3A_287 = tpu.memref_slice %arg3[%arg0, %arg1, %add3A_283, %dma_wait3A_284, %dma_wait3A_285, %dma_wait3A_286] : memref<2x16x12x10x2x84xi32, #tpu.memory_space<hbm>> -> memref<1x1x1x10x2x84xi32, #tpu.memory_space<hbm>>
      %dma_wait3A_288 = tpu.memref_squeeze %dma_wait3A_287 : memref<1x1x1x10x2x84xi32, #tpu.memory_space<hbm>> -> memref<10x2x84xi32, #tpu.memory_space<hbm>>
      %dma_wait3A_289 = arith.constant 0 : i32
      %dma_wait3A_290 = arith.constant 0 : i32
      %dma_wait3A_291 = arith.constant 0 : i32
      %dma_wait3A_292 = tpu.memref_slice %arg3[%arg0, %arg1, %add3A_283, %dma_wait3A_289, %dma_wait3A_290, %dma_wait3A_291] : memref<2x16x12x10x2x84xi32, #tpu.memory_space<hbm>> -> memref<1x1x1x10x2x84xi32, #tpu.memory_space<hbm>>
      %dma_wait3A_293 = tpu.memref_squeeze %dma_wait3A_292 : memref<1x1x1x10x2x84xi32, #tpu.memory_space<hbm>> -> memref<10x2x84xi32, #tpu.memory_space<hbm>>
      tpu.wait_dma2 semaphore(%arg13 : memref<!tpu.dma_semaphore, #tpu.memory_space<semaphore_mem>>) src(%dma_wait3A_293 : memref<10x2x84xi32, #tpu.memory_space<hbm>>) dst(%arg6 : memref<10x2x84xi32, #tpu.memory_space<vmem>>)
      %dma_start3A_294 = arith.constant 0 : i32
      %dma_start3A_295 = arith.constant 0 : i32
      %dma_start3A_296 = arith.constant 0 : i32
      %dma_start3A_297 = tpu.memref_slice %arg6[%dma_start3A_294, %dma_start3A_295, %dma_start3A_296] : memref<10x2x84xi32, #tpu.memory_space<vmem>> -> memref<1x1x84xi32, #tpu.memory_space<vmem>>
      %dma_start3A_298 = tpu.memref_squeeze %dma_start3A_297 : memref<1x1x84xi32, #tpu.memory_space<vmem>> -> memref<84xi32, #tpu.memory_space<vmem>>
      %dma_start3A_299 = arith.constant 0 : i32
      %dma_start3A_300 = arith.constant 0 : i32
      %dma_start3A_301 = tpu.memref_slice %arg2[%dma_start3A_299, %dma_start3A_300] : memref<20480x128xf32, #tpu.memory_space<hbm>> -> memref<20480x128xf32, #tpu.memory_space<hbm>>
      tpu.enqueue_indirect_dma source(%dma_start3A_301 : memref<20480x128xf32, #tpu.memory_space<hbm>>) target(%arg7 : memref<84x128xf32, #tpu.memory_space<vmem>>) offsets(%dma_start3A_298 : memref<84xi32, #tpu.memory_space<vmem>>) semaphore(%arg10 : memref<!tpu.dma_semaphore, #tpu.memory_space<semaphore_mem>>)
      %dma_wait3A_302 = arith.constant 9 : i32
      %dma_wait3A_303 = arith.constant 0 : i32
      %dma_wait3A_304 = arith.constant 0 : i32
      %dma_wait3A_305 = tpu.memref_slice %arg5[%dma_wait3A_302, %dma_wait3A_303, %dma_wait3A_304] : memref<10x2x84xi32, #tpu.memory_space<vmem>> -> memref<1x1x84xi32, #tpu.memory_space<vmem>>
      %dma_wait3A_306 = tpu.memref_squeeze %dma_wait3A_305 : memref<1x1x84xi32, #tpu.memory_space<vmem>> -> memref<84xi32, #tpu.memory_space<vmem>>
      %dma_wait3A_307 = arith.constant 0 : i32
      %dma_wait3A_308 = arith.constant 0 : i32
      %dma_wait3A_309 = tpu.memref_slice %arg2[%dma_wait3A_307, %dma_wait3A_308] : memref<20480x128xf32, #tpu.memory_space<hbm>> -> memref<20480x128xf32, #tpu.memory_space<hbm>>
      tpu.wait_indirect_dma semaphore(%arg11 : memref<!tpu.dma_semaphore, #tpu.memory_space<semaphore_mem>>) src(%dma_wait3A_309 : memref<20480x128xf32, #tpu.memory_space<hbm>>) dst(%arg8 : memref<84x128xf32, #tpu.memory_space<vmem>>)
      %run_scoped3A_310 = arith.constant 9 : i32
      %run_scoped3A_311 = arith.constant 1 : i32
      "tpu.region"() ({
        %run_scoped3A_504 = tpu.sem_alloc : memref<!tpu.dma_semaphore, #tpu.memory_space<semaphore_mem>>
        %dma_start3A_505 = arith.constant 0 : i32
        %dma_start3A_506 = tpu.memref_slice %arg5[%run_scoped3A_310, %run_scoped3A_311, %dma_start3A_505] : memref<10x2x84xi32, #tpu.memory_space<vmem>> -> memref<1x1x84xi32, #tpu.memory_space<vmem>>
        %dma_start3A_507 = tpu.memref_squeeze %dma_start3A_506 : memref<1x1x84xi32, #tpu.memory_space<vmem>> -> memref<84xi32, #tpu.memory_space<vmem>>
        %dma_start3A_508 = arith.constant 0 : i32
        %dma_start3A_509 = arith.constant 0 : i32
        %dma_start3A_510 = tpu.memref_slice %arg9[%dma_start3A_508, %dma_start3A_509] : memref<10240x128xf32, #tpu.memory_space<vmem_shared>> -> memref<10240x128xf32, #tpu.memory_space<vmem_shared>>
        tpu.enqueue_indirect_dma source(%arg8 : memref<84x128xf32, #tpu.memory_space<vmem>>) target(%dma_start3A_510 : memref<10240x128xf32, #tpu.memory_space<vmem_shared>>) offsets(%dma_start3A_507 : memref<84xi32, #tpu.memory_space<vmem>>) semaphore(%run_scoped3A_504 : memref<!tpu.dma_semaphore, #tpu.memory_space<semaphore_mem>>) {add = true}
        %dma_wait3A_511 = arith.constant 0 : i32
        %dma_wait3A_512 = tpu.memref_slice %arg5[%run_scoped3A_310, %run_scoped3A_311, %dma_wait3A_511] : memref<10x2x84xi32, #tpu.memory_space<vmem>> -> memref<1x1x84xi32, #tpu.memory_space<vmem>>
        %dma_wait3A_513 = tpu.memref_squeeze %dma_wait3A_512 : memref<1x1x84xi32, #tpu.memory_space<vmem>> -> memref<84xi32, #tpu.memory_space<vmem>>
        %dma_wait3A_514 = arith.constant 0 : i32
        %dma_wait3A_515 = arith.constant 0 : i32
        %dma_wait3A_516 = tpu.memref_slice %arg9[%dma_wait3A_514, %dma_wait3A_515] : memref<10240x128xf32, #tpu.memory_space<vmem_shared>> -> memref<10240x128xf32, #tpu.memory_space<vmem_shared>>
        tpu.wait_indirect_dma semaphore(%run_scoped3A_504 : memref<!tpu.dma_semaphore, #tpu.memory_space<semaphore_mem>>) src(%arg8 : memref<84x128xf32, #tpu.memory_space<vmem>>) dst(%dma_wait3A_516 : memref<10240x128xf32, #tpu.memory_space<vmem_shared>>)
        tpu.yield
      }) : () -> ()
      %add3A_312 = arith.constant 2 : i32
      %add3A_313 = arith.addi %add3A_120, %add3A_312 : i32
      %lt3A = arith.constant 12 : i32
      %lt3A_314 = arith.cmpi slt, %add3A_313, %lt3A : i32
      %convert_element_type3A = arith.extui %lt3A_314 : i1 to i32
      %cond3A = arith.constant 0 : i32
      %cond3A_315 = arith.cmpi ne, %convert_element_type3A, %cond3A : i32
      scf.if %cond3A_315 {
        %add3A_504 = arith.constant 2 : i32
        %add3A_505 = arith.addi %add3A_120, %add3A_504 : i32
        %dma_start3A_506 = arith.constant 0 : i32
        %dma_start3A_507 = arith.constant 0 : i32
        %dma_start3A_508 = arith.constant 0 : i32
        %dma_start3A_509 = tpu.memref_slice %arg3[%arg0, %arg1, %add3A_505, %dma_start3A_506, %dma_start3A_507, %dma_start3A_508] : memref<2x16x12x10x2x84xi32, #tpu.memory_space<hbm>> -> memref<1x1x1x10x2x84xi32, #tpu.memory_space<hbm>>
        %dma_start3A_510 = tpu.memref_squeeze %dma_start3A_509 : memref<1x1x1x10x2x84xi32, #tpu.memory_space<hbm>> -> memref<10x2x84xi32, #tpu.memory_space<hbm>>
        %dma_start3A_511 = arith.constant 0 : i32
        %dma_start3A_512 = arith.constant 0 : i32
        %dma_start3A_513 = arith.constant 0 : i32
        %dma_start3A_514 = tpu.memref_slice %arg3[%arg0, %arg1, %add3A_505, %dma_start3A_511, %dma_start3A_512, %dma_start3A_513] : memref<2x16x12x10x2x84xi32, #tpu.memory_space<hbm>> -> memref<1x1x1x10x2x84xi32, #tpu.memory_space<hbm>>
        %dma_start3A_515 = tpu.memref_squeeze %dma_start3A_514 : memref<1x1x1x10x2x84xi32, #tpu.memory_space<hbm>> -> memref<10x2x84xi32, #tpu.memory_space<hbm>>
        tpu.enqueue_dma source(%dma_start3A_515 : memref<10x2x84xi32, #tpu.memory_space<hbm>>) target(%arg5 : memref<10x2x84xi32, #tpu.memory_space<vmem>>) target_semaphore(%arg12 : memref<!tpu.dma_semaphore, #tpu.memory_space<semaphore_mem>>)
      } else {
      }
      %mul3A_316 = arith.constant 2 : i32
      %mul3A_317 = arith.muli %mul3A_316, %scan3A_116 : i32
      %add3A_318 = arith.constant 1 : i32
      %add3A_319 = arith.addi %mul3A_317, %add3A_318 : i32
      %dma_start3A_320 = arith.constant 1 : i32
      %dma_start3A_321 = arith.constant 0 : i32
      %dma_start3A_322 = arith.constant 0 : i32
      %dma_start3A_323 = tpu.memref_slice %arg6[%dma_start3A_320, %dma_start3A_321, %dma_start3A_322] : memref<10x2x84xi32, #tpu.memory_space<vmem>> -> memref<1x1x84xi32, #tpu.memory_space<vmem>>
      %dma_start3A_324 = tpu.memref_squeeze %dma_start3A_323 : memref<1x1x84xi32, #tpu.memory_space<vmem>> -> memref<84xi32, #tpu.memory_space<vmem>>
      %dma_start3A_325 = arith.constant 0 : i32
      %dma_start3A_326 = arith.constant 0 : i32
      %dma_start3A_327 = tpu.memref_slice %arg2[%dma_start3A_325, %dma_start3A_326] : memref<20480x128xf32, #tpu.memory_space<hbm>> -> memref<20480x128xf32, #tpu.memory_space<hbm>>
      tpu.enqueue_indirect_dma source(%dma_start3A_327 : memref<20480x128xf32, #tpu.memory_space<hbm>>) target(%arg8 : memref<84x128xf32, #tpu.memory_space<vmem>>) offsets(%dma_start3A_324 : memref<84xi32, #tpu.memory_space<vmem>>) semaphore(%arg11 : memref<!tpu.dma_semaphore, #tpu.memory_space<semaphore_mem>>)
      %dma_wait3A_328 = arith.constant 0 : i32
      %dma_wait3A_329 = arith.constant 0 : i32
      %dma_wait3A_330 = arith.constant 0 : i32
      %dma_wait3A_331 = tpu.memref_slice %arg6[%dma_wait3A_328, %dma_wait3A_329, %dma_wait3A_330] : memref<10x2x84xi32, #tpu.memory_space<vmem>> -> memref<1x1x84xi32, #tpu.memory_space<vmem>>
      %dma_wait3A_332 = tpu.memref_squeeze %dma_wait3A_331 : memref<1x1x84xi32, #tpu.memory_space<vmem>> -> memref<84xi32, #tpu.memory_space<vmem>>
      %dma_wait3A_333 = arith.constant 0 : i32
      %dma_wait3A_334 = arith.constant 0 : i32
      %dma_wait3A_335 = tpu.memref_slice %arg2[%dma_wait3A_333, %dma_wait3A_334] : memref<20480x128xf32, #tpu.memory_space<hbm>> -> memref<20480x128xf32, #tpu.memory_space<hbm>>
      tpu.wait_indirect_dma semaphore(%arg10 : memref<!tpu.dma_semaphore, #tpu.memory_space<semaphore_mem>>) src(%dma_wait3A_335 : memref<20480x128xf32, #tpu.memory_space<hbm>>) dst(%arg7 : memref<84x128xf32, #tpu.memory_space<vmem>>)
      %run_scoped3A_336 = arith.constant 0 : i32
      %run_scoped3A_337 = arith.constant 1 : i32
      "tpu.region"() ({
        %run_scoped3A_504 = tpu.sem_alloc : memref<!tpu.dma_semaphore, #tpu.memory_space<semaphore_mem>>
        %dma_start3A_505 = arith.constant 0 : i32
        %dma_start3A_506 = tpu.memref_slice %arg6[%run_scoped3A_336, %run_scoped3A_337, %dma_start3A_505] : memref<10x2x84xi32, #tpu.memory_space<vmem>> -> memref<1x1x84xi32, #tpu.memory_space<vmem>>
        %dma_start3A_507 = tpu.memref_squeeze %dma_start3A_506 : memref<1x1x84xi32, #tpu.memory_space<vmem>> -> memref<84xi32, #tpu.memory_space<vmem>>
        %dma_start3A_508 = arith.constant 0 : i32
        %dma_start3A_509 = arith.constant 0 : i32
        %dma_start3A_510 = tpu.memref_slice %arg9[%dma_start3A_508, %dma_start3A_509] : memref<10240x128xf32, #tpu.memory_space<vmem_shared>> -> memref<10240x128xf32, #tpu.memory_space<vmem_shared>>
        tpu.enqueue_indirect_dma source(%arg7 : memref<84x128xf32, #tpu.memory_space<vmem>>) target(%dma_start3A_510 : memref<10240x128xf32, #tpu.memory_space<vmem_shared>>) offsets(%dma_start3A_507 : memref<84xi32, #tpu.memory_space<vmem>>) semaphore(%run_scoped3A_504 : memref<!tpu.dma_semaphore, #tpu.memory_space<semaphore_mem>>) {add = true}
        %dma_wait3A_511 = arith.constant 0 : i32
        %dma_wait3A_512 = tpu.memref_slice %arg6[%run_scoped3A_336, %run_scoped3A_337, %dma_wait3A_511] : memref<10x2x84xi32, #tpu.memory_space<vmem>> -> memref<1x1x84xi32, #tpu.memory_space<vmem>>
        %dma_wait3A_513 = tpu.memref_squeeze %dma_wait3A_512 : memref<1x1x84xi32, #tpu.memory_space<vmem>> -> memref<84xi32, #tpu.memory_space<vmem>>
        %dma_wait3A_514 = arith.constant 0 : i32
        %dma_wait3A_515 = arith.constant 0 : i32
        %dma_wait3A_516 = tpu.memref_slice %arg9[%dma_wait3A_514, %dma_wait3A_515] : memref<10240x128xf32, #tpu.memory_space<vmem_shared>> -> memref<10240x128xf32, #tpu.memory_space<vmem_shared>>
        tpu.wait_indirect_dma semaphore(%run_scoped3A_504 : memref<!tpu.dma_semaphore, #tpu.memory_space<semaphore_mem>>) src(%arg7 : memref<84x128xf32, #tpu.memory_space<vmem>>) dst(%dma_wait3A_516 : memref<10240x128xf32, #tpu.memory_space<vmem_shared>>)
        tpu.yield
      }) : () -> ()
      %dma_start3A_338 = arith.constant 2 : i32
      %dma_start3A_339 = arith.constant 0 : i32
      %dma_start3A_340 = arith.constant 0 : i32
      %dma_start3A_341 = tpu.memref_slice %arg6[%dma_start3A_338, %dma_start3A_339, %dma_start3A_340] : memref<10x2x84xi32, #tpu.memory_space<vmem>> -> memref<1x1x84xi32, #tpu.memory_space<vmem>>
      %dma_start3A_342 = tpu.memref_squeeze %dma_start3A_341 : memref<1x1x84xi32, #tpu.memory_space<vmem>> -> memref<84xi32, #tpu.memory_space<vmem>>
      %dma_start3A_343 = arith.constant 0 : i32
      %dma_start3A_344 = arith.constant 0 : i32
      %dma_start3A_345 = tpu.memref_slice %arg2[%dma_start3A_343, %dma_start3A_344] : memref<20480x128xf32, #tpu.memory_space<hbm>> -> memref<20480x128xf32, #tpu.memory_space<hbm>>
      tpu.enqueue_indirect_dma source(%dma_start3A_345 : memref<20480x128xf32, #tpu.memory_space<hbm>>) target(%arg7 : memref<84x128xf32, #tpu.memory_space<vmem>>) offsets(%dma_start3A_342 : memref<84xi32, #tpu.memory_space<vmem>>) semaphore(%arg10 : memref<!tpu.dma_semaphore, #tpu.memory_space<semaphore_mem>>)
      %dma_wait3A_346 = arith.constant 1 : i32
      %dma_wait3A_347 = arith.constant 0 : i32
      %dma_wait3A_348 = arith.constant 0 : i32
      %dma_wait3A_349 = tpu.memref_slice %arg6[%dma_wait3A_346, %dma_wait3A_347, %dma_wait3A_348] : memref<10x2x84xi32, #tpu.memory_space<vmem>> -> memref<1x1x84xi32, #tpu.memory_space<vmem>>
      %dma_wait3A_350 = tpu.memref_squeeze %dma_wait3A_349 : memref<1x1x84xi32, #tpu.memory_space<vmem>> -> memref<84xi32, #tpu.memory_space<vmem>>
      %dma_wait3A_351 = arith.constant 0 : i32
      %dma_wait3A_352 = arith.constant 0 : i32
      %dma_wait3A_353 = tpu.memref_slice %arg2[%dma_wait3A_351, %dma_wait3A_352] : memref<20480x128xf32, #tpu.memory_space<hbm>> -> memref<20480x128xf32, #tpu.memory_space<hbm>>
      tpu.wait_indirect_dma semaphore(%arg11 : memref<!tpu.dma_semaphore, #tpu.memory_space<semaphore_mem>>) src(%dma_wait3A_353 : memref<20480x128xf32, #tpu.memory_space<hbm>>) dst(%arg8 : memref<84x128xf32, #tpu.memory_space<vmem>>)
      %run_scoped3A_354 = arith.constant 1 : i32
      %run_scoped3A_355 = arith.constant 1 : i32
      "tpu.region"() ({
        %run_scoped3A_504 = tpu.sem_alloc : memref<!tpu.dma_semaphore, #tpu.memory_space<semaphore_mem>>
        %dma_start3A_505 = arith.constant 0 : i32
        %dma_start3A_506 = tpu.memref_slice %arg6[%run_scoped3A_354, %run_scoped3A_355, %dma_start3A_505] : memref<10x2x84xi32, #tpu.memory_space<vmem>> -> memref<1x1x84xi32, #tpu.memory_space<vmem>>
        %dma_start3A_507 = tpu.memref_squeeze %dma_start3A_506 : memref<1x1x84xi32, #tpu.memory_space<vmem>> -> memref<84xi32, #tpu.memory_space<vmem>>
        %dma_start3A_508 = arith.constant 0 : i32
        %dma_start3A_509 = arith.constant 0 : i32
        %dma_start3A_510 = tpu.memref_slice %arg9[%dma_start3A_508, %dma_start3A_509] : memref<10240x128xf32, #tpu.memory_space<vmem_shared>> -> memref<10240x128xf32, #tpu.memory_space<vmem_shared>>
        tpu.enqueue_indirect_dma source(%arg8 : memref<84x128xf32, #tpu.memory_space<vmem>>) target(%dma_start3A_510 : memref<10240x128xf32, #tpu.memory_space<vmem_shared>>) offsets(%dma_start3A_507 : memref<84xi32, #tpu.memory_space<vmem>>) semaphore(%run_scoped3A_504 : memref<!tpu.dma_semaphore, #tpu.memory_space<semaphore_mem>>) {add = true}
        %dma_wait3A_511 = arith.constant 0 : i32
        %dma_wait3A_512 = tpu.memref_slice %arg6[%run_scoped3A_354, %run_scoped3A_355, %dma_wait3A_511] : memref<10x2x84xi32, #tpu.memory_space<vmem>> -> memref<1x1x84xi32, #tpu.memory_space<vmem>>
        %dma_wait3A_513 = tpu.memref_squeeze %dma_wait3A_512 : memref<1x1x84xi32, #tpu.memory_space<vmem>> -> memref<84xi32, #tpu.memory_space<vmem>>
        %dma_wait3A_514 = arith.constant 0 : i32
        %dma_wait3A_515 = arith.constant 0 : i32
        %dma_wait3A_516 = tpu.memref_slice %arg9[%dma_wait3A_514, %dma_wait3A_515] : memref<10240x128xf32, #tpu.memory_space<vmem_shared>> -> memref<10240x128xf32, #tpu.memory_space<vmem_shared>>
        tpu.wait_indirect_dma semaphore(%run_scoped3A_504 : memref<!tpu.dma_semaphore, #tpu.memory_space<semaphore_mem>>) src(%arg8 : memref<84x128xf32, #tpu.memory_space<vmem>>) dst(%dma_wait3A_516 : memref<10240x128xf32, #tpu.memory_space<vmem_shared>>)
        tpu.yield
      }) : () -> ()
      %dma_start3A_356 = arith.constant 3 : i32
      %dma_start3A_357 = arith.constant 0 : i32
      %dma_start3A_358 = arith.constant 0 : i32
      %dma_start3A_359 = tpu.memref_slice %arg6[%dma_start3A_356, %dma_start3A_357, %dma_start3A_358] : memref<10x2x84xi32, #tpu.memory_space<vmem>> -> memref<1x1x84xi32, #tpu.memory_space<vmem>>
      %dma_start3A_360 = tpu.memref_squeeze %dma_start3A_359 : memref<1x1x84xi32, #tpu.memory_space<vmem>> -> memref<84xi32, #tpu.memory_space<vmem>>
      %dma_start3A_361 = arith.constant 0 : i32
      %dma_start3A_362 = arith.constant 0 : i32
      %dma_start3A_363 = tpu.memref_slice %arg2[%dma_start3A_361, %dma_start3A_362] : memref<20480x128xf32, #tpu.memory_space<hbm>> -> memref<20480x128xf32, #tpu.memory_space<hbm>>
      tpu.enqueue_indirect_dma source(%dma_start3A_363 : memref<20480x128xf32, #tpu.memory_space<hbm>>) target(%arg8 : memref<84x128xf32, #tpu.memory_space<vmem>>) offsets(%dma_start3A_360 : memref<84xi32, #tpu.memory_space<vmem>>) semaphore(%arg11 : memref<!tpu.dma_semaphore, #tpu.memory_space<semaphore_mem>>)
      %dma_wait3A_364 = arith.constant 2 : i32
      %dma_wait3A_365 = arith.constant 0 : i32
      %dma_wait3A_366 = arith.constant 0 : i32
      %dma_wait3A_367 = tpu.memref_slice %arg6[%dma_wait3A_364, %dma_wait3A_365, %dma_wait3A_366] : memref<10x2x84xi32, #tpu.memory_space<vmem>> -> memref<1x1x84xi32, #tpu.memory_space<vmem>>
      %dma_wait3A_368 = tpu.memref_squeeze %dma_wait3A_367 : memref<1x1x84xi32, #tpu.memory_space<vmem>> -> memref<84xi32, #tpu.memory_space<vmem>>
      %dma_wait3A_369 = arith.constant 0 : i32
      %dma_wait3A_370 = arith.constant 0 : i32
      %dma_wait3A_371 = tpu.memref_slice %arg2[%dma_wait3A_369, %dma_wait3A_370] : memref<20480x128xf32, #tpu.memory_space<hbm>> -> memref<20480x128xf32, #tpu.memory_space<hbm>>
      tpu.wait_indirect_dma semaphore(%arg10 : memref<!tpu.dma_semaphore, #tpu.memory_space<semaphore_mem>>) src(%dma_wait3A_371 : memref<20480x128xf32, #tpu.memory_space<hbm>>) dst(%arg7 : memref<84x128xf32, #tpu.memory_space<vmem>>)
      %run_scoped3A_372 = arith.constant 2 : i32
      %run_scoped3A_373 = arith.constant 1 : i32
      "tpu.region"() ({
        %run_scoped3A_504 = tpu.sem_alloc : memref<!tpu.dma_semaphore, #tpu.memory_space<semaphore_mem>>
        %dma_start3A_505 = arith.constant 0 : i32
        %dma_start3A_506 = tpu.memref_slice %arg6[%run_scoped3A_372, %run_scoped3A_373, %dma_start3A_505] : memref<10x2x84xi32, #tpu.memory_space<vmem>> -> memref<1x1x84xi32, #tpu.memory_space<vmem>>
        %dma_start3A_507 = tpu.memref_squeeze %dma_start3A_506 : memref<1x1x84xi32, #tpu.memory_space<vmem>> -> memref<84xi32, #tpu.memory_space<vmem>>
        %dma_start3A_508 = arith.constant 0 : i32
        %dma_start3A_509 = arith.constant 0 : i32
        %dma_start3A_510 = tpu.memref_slice %arg9[%dma_start3A_508, %dma_start3A_509] : memref<10240x128xf32, #tpu.memory_space<vmem_shared>> -> memref<10240x128xf32, #tpu.memory_space<vmem_shared>>
        tpu.enqueue_indirect_dma source(%arg7 : memref<84x128xf32, #tpu.memory_space<vmem>>) target(%dma_start3A_510 : memref<10240x128xf32, #tpu.memory_space<vmem_shared>>) offsets(%dma_start3A_507 : memref<84xi32, #tpu.memory_space<vmem>>) semaphore(%run_scoped3A_504 : memref<!tpu.dma_semaphore, #tpu.memory_space<semaphore_mem>>) {add = true}
        %dma_wait3A_511 = arith.constant 0 : i32
        %dma_wait3A_512 = tpu.memref_slice %arg6[%run_scoped3A_372, %run_scoped3A_373, %dma_wait3A_511] : memref<10x2x84xi32, #tpu.memory_space<vmem>> -> memref<1x1x84xi32, #tpu.memory_space<vmem>>
        %dma_wait3A_513 = tpu.memref_squeeze %dma_wait3A_512 : memref<1x1x84xi32, #tpu.memory_space<vmem>> -> memref<84xi32, #tpu.memory_space<vmem>>
        %dma_wait3A_514 = arith.constant 0 : i32
        %dma_wait3A_515 = arith.constant 0 : i32
        %dma_wait3A_516 = tpu.memref_slice %arg9[%dma_wait3A_514, %dma_wait3A_515] : memref<10240x128xf32, #tpu.memory_space<vmem_shared>> -> memref<10240x128xf32, #tpu.memory_space<vmem_shared>>
        tpu.wait_indirect_dma semaphore(%run_scoped3A_504 : memref<!tpu.dma_semaphore, #tpu.memory_space<semaphore_mem>>) src(%arg7 : memref<84x128xf32, #tpu.memory_space<vmem>>) dst(%dma_wait3A_516 : memref<10240x128xf32, #tpu.memory_space<vmem_shared>>)
        tpu.yield
      }) : () -> ()
      %dma_start3A_374 = arith.constant 4 : i32
      %dma_start3A_375 = arith.constant 0 : i32
      %dma_start3A_376 = arith.constant 0 : i32
      %dma_start3A_377 = tpu.memref_slice %arg6[%dma_start3A_374, %dma_start3A_375, %dma_start3A_376] : memref<10x2x84xi32, #tpu.memory_space<vmem>> -> memref<1x1x84xi32, #tpu.memory_space<vmem>>
      %dma_start3A_378 = tpu.memref_squeeze %dma_start3A_377 : memref<1x1x84xi32, #tpu.memory_space<vmem>> -> memref<84xi32, #tpu.memory_space<vmem>>
      %dma_start3A_379 = arith.constant 0 : i32
      %dma_start3A_380 = arith.constant 0 : i32
      %dma_start3A_381 = tpu.memref_slice %arg2[%dma_start3A_379, %dma_start3A_380] : memref<20480x128xf32, #tpu.memory_space<hbm>> -> memref<20480x128xf32, #tpu.memory_space<hbm>>
      tpu.enqueue_indirect_dma source(%dma_start3A_381 : memref<20480x128xf32, #tpu.memory_space<hbm>>) target(%arg7 : memref<84x128xf32, #tpu.memory_space<vmem>>) offsets(%dma_start3A_378 : memref<84xi32, #tpu.memory_space<vmem>>) semaphore(%arg10 : memref<!tpu.dma_semaphore, #tpu.memory_space<semaphore_mem>>)
      %dma_wait3A_382 = arith.constant 3 : i32
      %dma_wait3A_383 = arith.constant 0 : i32
      %dma_wait3A_384 = arith.constant 0 : i32
      %dma_wait3A_385 = tpu.memref_slice %arg6[%dma_wait3A_382, %dma_wait3A_383, %dma_wait3A_384] : memref<10x2x84xi32, #tpu.memory_space<vmem>> -> memref<1x1x84xi32, #tpu.memory_space<vmem>>
      %dma_wait3A_386 = tpu.memref_squeeze %dma_wait3A_385 : memref<1x1x84xi32, #tpu.memory_space<vmem>> -> memref<84xi32, #tpu.memory_space<vmem>>
      %dma_wait3A_387 = arith.constant 0 : i32
      %dma_wait3A_388 = arith.constant 0 : i32
      %dma_wait3A_389 = tpu.memref_slice %arg2[%dma_wait3A_387, %dma_wait3A_388] : memref<20480x128xf32, #tpu.memory_space<hbm>> -> memref<20480x128xf32, #tpu.memory_space<hbm>>
      tpu.wait_indirect_dma semaphore(%arg11 : memref<!tpu.dma_semaphore, #tpu.memory_space<semaphore_mem>>) src(%dma_wait3A_389 : memref<20480x128xf32, #tpu.memory_space<hbm>>) dst(%arg8 : memref<84x128xf32, #tpu.memory_space<vmem>>)
      %run_scoped3A_390 = arith.constant 3 : i32
      %run_scoped3A_391 = arith.constant 1 : i32
      "tpu.region"() ({
        %run_scoped3A_504 = tpu.sem_alloc : memref<!tpu.dma_semaphore, #tpu.memory_space<semaphore_mem>>
        %dma_start3A_505 = arith.constant 0 : i32
        %dma_start3A_506 = tpu.memref_slice %arg6[%run_scoped3A_390, %run_scoped3A_391, %dma_start3A_505] : memref<10x2x84xi32, #tpu.memory_space<vmem>> -> memref<1x1x84xi32, #tpu.memory_space<vmem>>
        %dma_start3A_507 = tpu.memref_squeeze %dma_start3A_506 : memref<1x1x84xi32, #tpu.memory_space<vmem>> -> memref<84xi32, #tpu.memory_space<vmem>>
        %dma_start3A_508 = arith.constant 0 : i32
        %dma_start3A_509 = arith.constant 0 : i32
        %dma_start3A_510 = tpu.memref_slice %arg9[%dma_start3A_508, %dma_start3A_509] : memref<10240x128xf32, #tpu.memory_space<vmem_shared>> -> memref<10240x128xf32, #tpu.memory_space<vmem_shared>>
        tpu.enqueue_indirect_dma source(%arg8 : memref<84x128xf32, #tpu.memory_space<vmem>>) target(%dma_start3A_510 : memref<10240x128xf32, #tpu.memory_space<vmem_shared>>) offsets(%dma_start3A_507 : memref<84xi32, #tpu.memory_space<vmem>>) semaphore(%run_scoped3A_504 : memref<!tpu.dma_semaphore, #tpu.memory_space<semaphore_mem>>) {add = true}
        %dma_wait3A_511 = arith.constant 0 : i32
        %dma_wait3A_512 = tpu.memref_slice %arg6[%run_scoped3A_390, %run_scoped3A_391, %dma_wait3A_511] : memref<10x2x84xi32, #tpu.memory_space<vmem>> -> memref<1x1x84xi32, #tpu.memory_space<vmem>>
        %dma_wait3A_513 = tpu.memref_squeeze %dma_wait3A_512 : memref<1x1x84xi32, #tpu.memory_space<vmem>> -> memref<84xi32, #tpu.memory_space<vmem>>
        %dma_wait3A_514 = arith.constant 0 : i32
        %dma_wait3A_515 = arith.constant 0 : i32
        %dma_wait3A_516 = tpu.memref_slice %arg9[%dma_wait3A_514, %dma_wait3A_515] : memref<10240x128xf32, #tpu.memory_space<vmem_shared>> -> memref<10240x128xf32, #tpu.memory_space<vmem_shared>>
        tpu.wait_indirect_dma semaphore(%run_scoped3A_504 : memref<!tpu.dma_semaphore, #tpu.memory_space<semaphore_mem>>) src(%arg8 : memref<84x128xf32, #tpu.memory_space<vmem>>) dst(%dma_wait3A_516 : memref<10240x128xf32, #tpu.memory_space<vmem_shared>>)
        tpu.yield
      }) : () -> ()
      %dma_start3A_392 = arith.constant 5 : i32
      %dma_start3A_393 = arith.constant 0 : i32
      %dma_start3A_394 = arith.constant 0 : i32
      %dma_start3A_395 = tpu.memref_slice %arg6[%dma_start3A_392, %dma_start3A_393, %dma_start3A_394] : memref<10x2x84xi32, #tpu.memory_space<vmem>> -> memref<1x1x84xi32, #tpu.memory_space<vmem>>
      %dma_start3A_396 = tpu.memref_squeeze %dma_start3A_395 : memref<1x1x84xi32, #tpu.memory_space<vmem>> -> memref<84xi32, #tpu.memory_space<vmem>>
      %dma_start3A_397 = arith.constant 0 : i32
      %dma_start3A_398 = arith.constant 0 : i32
      %dma_start3A_399 = tpu.memref_slice %arg2[%dma_start3A_397, %dma_start3A_398] : memref<20480x128xf32, #tpu.memory_space<hbm>> -> memref<20480x128xf32, #tpu.memory_space<hbm>>
      tpu.enqueue_indirect_dma source(%dma_start3A_399 : memref<20480x128xf32, #tpu.memory_space<hbm>>) target(%arg8 : memref<84x128xf32, #tpu.memory_space<vmem>>) offsets(%dma_start3A_396 : memref<84xi32, #tpu.memory_space<vmem>>) semaphore(%arg11 : memref<!tpu.dma_semaphore, #tpu.memory_space<semaphore_mem>>)
      %dma_wait3A_400 = arith.constant 4 : i32
      %dma_wait3A_401 = arith.constant 0 : i32
      %dma_wait3A_402 = arith.constant 0 : i32
      %dma_wait3A_403 = tpu.memref_slice %arg6[%dma_wait3A_400, %dma_wait3A_401, %dma_wait3A_402] : memref<10x2x84xi32, #tpu.memory_space<vmem>> -> memref<1x1x84xi32, #tpu.memory_space<vmem>>
      %dma_wait3A_404 = tpu.memref_squeeze %dma_wait3A_403 : memref<1x1x84xi32, #tpu.memory_space<vmem>> -> memref<84xi32, #tpu.memory_space<vmem>>
      %dma_wait3A_405 = arith.constant 0 : i32
      %dma_wait3A_406 = arith.constant 0 : i32
      %dma_wait3A_407 = tpu.memref_slice %arg2[%dma_wait3A_405, %dma_wait3A_406] : memref<20480x128xf32, #tpu.memory_space<hbm>> -> memref<20480x128xf32, #tpu.memory_space<hbm>>
      tpu.wait_indirect_dma semaphore(%arg10 : memref<!tpu.dma_semaphore, #tpu.memory_space<semaphore_mem>>) src(%dma_wait3A_407 : memref<20480x128xf32, #tpu.memory_space<hbm>>) dst(%arg7 : memref<84x128xf32, #tpu.memory_space<vmem>>)
      %run_scoped3A_408 = arith.constant 4 : i32
      %run_scoped3A_409 = arith.constant 1 : i32
      "tpu.region"() ({
        %run_scoped3A_504 = tpu.sem_alloc : memref<!tpu.dma_semaphore, #tpu.memory_space<semaphore_mem>>
        %dma_start3A_505 = arith.constant 0 : i32
        %dma_start3A_506 = tpu.memref_slice %arg6[%run_scoped3A_408, %run_scoped3A_409, %dma_start3A_505] : memref<10x2x84xi32, #tpu.memory_space<vmem>> -> memref<1x1x84xi32, #tpu.memory_space<vmem>>
        %dma_start3A_507 = tpu.memref_squeeze %dma_start3A_506 : memref<1x1x84xi32, #tpu.memory_space<vmem>> -> memref<84xi32, #tpu.memory_space<vmem>>
        %dma_start3A_508 = arith.constant 0 : i32
        %dma_start3A_509 = arith.constant 0 : i32
        %dma_start3A_510 = tpu.memref_slice %arg9[%dma_start3A_508, %dma_start3A_509] : memref<10240x128xf32, #tpu.memory_space<vmem_shared>> -> memref<10240x128xf32, #tpu.memory_space<vmem_shared>>
        tpu.enqueue_indirect_dma source(%arg7 : memref<84x128xf32, #tpu.memory_space<vmem>>) target(%dma_start3A_510 : memref<10240x128xf32, #tpu.memory_space<vmem_shared>>) offsets(%dma_start3A_507 : memref<84xi32, #tpu.memory_space<vmem>>) semaphore(%run_scoped3A_504 : memref<!tpu.dma_semaphore, #tpu.memory_space<semaphore_mem>>) {add = true}
        %dma_wait3A_511 = arith.constant 0 : i32
        %dma_wait3A_512 = tpu.memref_slice %arg6[%run_scoped3A_408, %run_scoped3A_409, %dma_wait3A_511] : memref<10x2x84xi32, #tpu.memory_space<vmem>> -> memref<1x1x84xi32, #tpu.memory_space<vmem>>
        %dma_wait3A_513 = tpu.memref_squeeze %dma_wait3A_512 : memref<1x1x84xi32, #tpu.memory_space<vmem>> -> memref<84xi32, #tpu.memory_space<vmem>>
        %dma_wait3A_514 = arith.constant 0 : i32
        %dma_wait3A_515 = arith.constant 0 : i32
        %dma_wait3A_516 = tpu.memref_slice %arg9[%dma_wait3A_514, %dma_wait3A_515] : memref<10240x128xf32, #tpu.memory_space<vmem_shared>> -> memref<10240x128xf32, #tpu.memory_space<vmem_shared>>
        tpu.wait_indirect_dma semaphore(%run_scoped3A_504 : memref<!tpu.dma_semaphore, #tpu.memory_space<semaphore_mem>>) src(%arg7 : memref<84x128xf32, #tpu.memory_space<vmem>>) dst(%dma_wait3A_516 : memref<10240x128xf32, #tpu.memory_space<vmem_shared>>)
        tpu.yield
      }) : () -> ()
      %dma_start3A_410 = arith.constant 6 : i32
      %dma_start3A_411 = arith.constant 0 : i32
      %dma_start3A_412 = arith.constant 0 : i32
      %dma_start3A_413 = tpu.memref_slice %arg6[%dma_start3A_410, %dma_start3A_411, %dma_start3A_412] : memref<10x2x84xi32, #tpu.memory_space<vmem>> -> memref<1x1x84xi32, #tpu.memory_space<vmem>>
      %dma_start3A_414 = tpu.memref_squeeze %dma_start3A_413 : memref<1x1x84xi32, #tpu.memory_space<vmem>> -> memref<84xi32, #tpu.memory_space<vmem>>
      %dma_start3A_415 = arith.constant 0 : i32
      %dma_start3A_416 = arith.constant 0 : i32
      %dma_start3A_417 = tpu.memref_slice %arg2[%dma_start3A_415, %dma_start3A_416] : memref<20480x128xf32, #tpu.memory_space<hbm>> -> memref<20480x128xf32, #tpu.memory_space<hbm>>
      tpu.enqueue_indirect_dma source(%dma_start3A_417 : memref<20480x128xf32, #tpu.memory_space<hbm>>) target(%arg7 : memref<84x128xf32, #tpu.memory_space<vmem>>) offsets(%dma_start3A_414 : memref<84xi32, #tpu.memory_space<vmem>>) semaphore(%arg10 : memref<!tpu.dma_semaphore, #tpu.memory_space<semaphore_mem>>)
      %dma_wait3A_418 = arith.constant 5 : i32
      %dma_wait3A_419 = arith.constant 0 : i32
      %dma_wait3A_420 = arith.constant 0 : i32
      %dma_wait3A_421 = tpu.memref_slice %arg6[%dma_wait3A_418, %dma_wait3A_419, %dma_wait3A_420] : memref<10x2x84xi32, #tpu.memory_space<vmem>> -> memref<1x1x84xi32, #tpu.memory_space<vmem>>
      %dma_wait3A_422 = tpu.memref_squeeze %dma_wait3A_421 : memref<1x1x84xi32, #tpu.memory_space<vmem>> -> memref<84xi32, #tpu.memory_space<vmem>>
      %dma_wait3A_423 = arith.constant 0 : i32
      %dma_wait3A_424 = arith.constant 0 : i32
      %dma_wait3A_425 = tpu.memref_slice %arg2[%dma_wait3A_423, %dma_wait3A_424] : memref<20480x128xf32, #tpu.memory_space<hbm>> -> memref<20480x128xf32, #tpu.memory_space<hbm>>
      tpu.wait_indirect_dma semaphore(%arg11 : memref<!tpu.dma_semaphore, #tpu.memory_space<semaphore_mem>>) src(%dma_wait3A_425 : memref<20480x128xf32, #tpu.memory_space<hbm>>) dst(%arg8 : memref<84x128xf32, #tpu.memory_space<vmem>>)
      %run_scoped3A_426 = arith.constant 5 : i32
      %run_scoped3A_427 = arith.constant 1 : i32
      "tpu.region"() ({
        %run_scoped3A_504 = tpu.sem_alloc : memref<!tpu.dma_semaphore, #tpu.memory_space<semaphore_mem>>
        %dma_start3A_505 = arith.constant 0 : i32
        %dma_start3A_506 = tpu.memref_slice %arg6[%run_scoped3A_426, %run_scoped3A_427, %dma_start3A_505] : memref<10x2x84xi32, #tpu.memory_space<vmem>> -> memref<1x1x84xi32, #tpu.memory_space<vmem>>
        %dma_start3A_507 = tpu.memref_squeeze %dma_start3A_506 : memref<1x1x84xi32, #tpu.memory_space<vmem>> -> memref<84xi32, #tpu.memory_space<vmem>>
        %dma_start3A_508 = arith.constant 0 : i32
        %dma_start3A_509 = arith.constant 0 : i32
        %dma_start3A_510 = tpu.memref_slice %arg9[%dma_start3A_508, %dma_start3A_509] : memref<10240x128xf32, #tpu.memory_space<vmem_shared>> -> memref<10240x128xf32, #tpu.memory_space<vmem_shared>>
        tpu.enqueue_indirect_dma source(%arg8 : memref<84x128xf32, #tpu.memory_space<vmem>>) target(%dma_start3A_510 : memref<10240x128xf32, #tpu.memory_space<vmem_shared>>) offsets(%dma_start3A_507 : memref<84xi32, #tpu.memory_space<vmem>>) semaphore(%run_scoped3A_504 : memref<!tpu.dma_semaphore, #tpu.memory_space<semaphore_mem>>) {add = true}
        %dma_wait3A_511 = arith.constant 0 : i32
        %dma_wait3A_512 = tpu.memref_slice %arg6[%run_scoped3A_426, %run_scoped3A_427, %dma_wait3A_511] : memref<10x2x84xi32, #tpu.memory_space<vmem>> -> memref<1x1x84xi32, #tpu.memory_space<vmem>>
        %dma_wait3A_513 = tpu.memref_squeeze %dma_wait3A_512 : memref<1x1x84xi32, #tpu.memory_space<vmem>> -> memref<84xi32, #tpu.memory_space<vmem>>
        %dma_wait3A_514 = arith.constant 0 : i32
        %dma_wait3A_515 = arith.constant 0 : i32
        %dma_wait3A_516 = tpu.memref_slice %arg9[%dma_wait3A_514, %dma_wait3A_515] : memref<10240x128xf32, #tpu.memory_space<vmem_shared>> -> memref<10240x128xf32, #tpu.memory_space<vmem_shared>>
        tpu.wait_indirect_dma semaphore(%run_scoped3A_504 : memref<!tpu.dma_semaphore, #tpu.memory_space<semaphore_mem>>) src(%arg8 : memref<84x128xf32, #tpu.memory_space<vmem>>) dst(%dma_wait3A_516 : memref<10240x128xf32, #tpu.memory_space<vmem_shared>>)
        tpu.yield
      }) : () -> ()
      %dma_start3A_428 = arith.constant 7 : i32
      %dma_start3A_429 = arith.constant 0 : i32
      %dma_start3A_430 = arith.constant 0 : i32
      %dma_start3A_431 = tpu.memref_slice %arg6[%dma_start3A_428, %dma_start3A_429, %dma_start3A_430] : memref<10x2x84xi32, #tpu.memory_space<vmem>> -> memref<1x1x84xi32, #tpu.memory_space<vmem>>
      %dma_start3A_432 = tpu.memref_squeeze %dma_start3A_431 : memref<1x1x84xi32, #tpu.memory_space<vmem>> -> memref<84xi32, #tpu.memory_space<vmem>>
      %dma_start3A_433 = arith.constant 0 : i32
      %dma_start3A_434 = arith.constant 0 : i32
      %dma_start3A_435 = tpu.memref_slice %arg2[%dma_start3A_433, %dma_start3A_434] : memref<20480x128xf32, #tpu.memory_space<hbm>> -> memref<20480x128xf32, #tpu.memory_space<hbm>>
      tpu.enqueue_indirect_dma source(%dma_start3A_435 : memref<20480x128xf32, #tpu.memory_space<hbm>>) target(%arg8 : memref<84x128xf32, #tpu.memory_space<vmem>>) offsets(%dma_start3A_432 : memref<84xi32, #tpu.memory_space<vmem>>) semaphore(%arg11 : memref<!tpu.dma_semaphore, #tpu.memory_space<semaphore_mem>>)
      %dma_wait3A_436 = arith.constant 6 : i32
      %dma_wait3A_437 = arith.constant 0 : i32
      %dma_wait3A_438 = arith.constant 0 : i32
      %dma_wait3A_439 = tpu.memref_slice %arg6[%dma_wait3A_436, %dma_wait3A_437, %dma_wait3A_438] : memref<10x2x84xi32, #tpu.memory_space<vmem>> -> memref<1x1x84xi32, #tpu.memory_space<vmem>>
      %dma_wait3A_440 = tpu.memref_squeeze %dma_wait3A_439 : memref<1x1x84xi32, #tpu.memory_space<vmem>> -> memref<84xi32, #tpu.memory_space<vmem>>
      %dma_wait3A_441 = arith.constant 0 : i32
      %dma_wait3A_442 = arith.constant 0 : i32
      %dma_wait3A_443 = tpu.memref_slice %arg2[%dma_wait3A_441, %dma_wait3A_442] : memref<20480x128xf32, #tpu.memory_space<hbm>> -> memref<20480x128xf32, #tpu.memory_space<hbm>>
      tpu.wait_indirect_dma semaphore(%arg10 : memref<!tpu.dma_semaphore, #tpu.memory_space<semaphore_mem>>) src(%dma_wait3A_443 : memref<20480x128xf32, #tpu.memory_space<hbm>>) dst(%arg7 : memref<84x128xf32, #tpu.memory_space<vmem>>)
      %run_scoped3A_444 = arith.constant 6 : i32
      %run_scoped3A_445 = arith.constant 1 : i32
      "tpu.region"() ({
        %run_scoped3A_504 = tpu.sem_alloc : memref<!tpu.dma_semaphore, #tpu.memory_space<semaphore_mem>>
        %dma_start3A_505 = arith.constant 0 : i32
        %dma_start3A_506 = tpu.memref_slice %arg6[%run_scoped3A_444, %run_scoped3A_445, %dma_start3A_505] : memref<10x2x84xi32, #tpu.memory_space<vmem>> -> memref<1x1x84xi32, #tpu.memory_space<vmem>>
        %dma_start3A_507 = tpu.memref_squeeze %dma_start3A_506 : memref<1x1x84xi32, #tpu.memory_space<vmem>> -> memref<84xi32, #tpu.memory_space<vmem>>
        %dma_start3A_508 = arith.constant 0 : i32
        %dma_start3A_509 = arith.constant 0 : i32
        %dma_start3A_510 = tpu.memref_slice %arg9[%dma_start3A_508, %dma_start3A_509] : memref<10240x128xf32, #tpu.memory_space<vmem_shared>> -> memref<10240x128xf32, #tpu.memory_space<vmem_shared>>
        tpu.enqueue_indirect_dma source(%arg7 : memref<84x128xf32, #tpu.memory_space<vmem>>) target(%dma_start3A_510 : memref<10240x128xf32, #tpu.memory_space<vmem_shared>>) offsets(%dma_start3A_507 : memref<84xi32, #tpu.memory_space<vmem>>) semaphore(%run_scoped3A_504 : memref<!tpu.dma_semaphore, #tpu.memory_space<semaphore_mem>>) {add = true}
        %dma_wait3A_511 = arith.constant 0 : i32
        %dma_wait3A_512 = tpu.memref_slice %arg6[%run_scoped3A_444, %run_scoped3A_445, %dma_wait3A_511] : memref<10x2x84xi32, #tpu.memory_space<vmem>> -> memref<1x1x84xi32, #tpu.memory_space<vmem>>
        %dma_wait3A_513 = tpu.memref_squeeze %dma_wait3A_512 : memref<1x1x84xi32, #tpu.memory_space<vmem>> -> memref<84xi32, #tpu.memory_space<vmem>>
        %dma_wait3A_514 = arith.constant 0 : i32
        %dma_wait3A_515 = arith.constant 0 : i32
        %dma_wait3A_516 = tpu.memref_slice %arg9[%dma_wait3A_514, %dma_wait3A_515] : memref<10240x128xf32, #tpu.memory_space<vmem_shared>> -> memref<10240x128xf32, #tpu.memory_space<vmem_shared>>
        tpu.wait_indirect_dma semaphore(%run_scoped3A_504 : memref<!tpu.dma_semaphore, #tpu.memory_space<semaphore_mem>>) src(%arg7 : memref<84x128xf32, #tpu.memory_space<vmem>>) dst(%dma_wait3A_516 : memref<10240x128xf32, #tpu.memory_space<vmem_shared>>)
        tpu.yield
      }) : () -> ()
      %dma_start3A_446 = arith.constant 8 : i32
      %dma_start3A_447 = arith.constant 0 : i32
      %dma_start3A_448 = arith.constant 0 : i32
      %dma_start3A_449 = tpu.memref_slice %arg6[%dma_start3A_446, %dma_start3A_447, %dma_start3A_448] : memref<10x2x84xi32, #tpu.memory_space<vmem>> -> memref<1x1x84xi32, #tpu.memory_space<vmem>>
      %dma_start3A_450 = tpu.memref_squeeze %dma_start3A_449 : memref<1x1x84xi32, #tpu.memory_space<vmem>> -> memref<84xi32, #tpu.memory_space<vmem>>
      %dma_start3A_451 = arith.constant 0 : i32
      %dma_start3A_452 = arith.constant 0 : i32
      %dma_start3A_453 = tpu.memref_slice %arg2[%dma_start3A_451, %dma_start3A_452] : memref<20480x128xf32, #tpu.memory_space<hbm>> -> memref<20480x128xf32, #tpu.memory_space<hbm>>
      tpu.enqueue_indirect_dma source(%dma_start3A_453 : memref<20480x128xf32, #tpu.memory_space<hbm>>) target(%arg7 : memref<84x128xf32, #tpu.memory_space<vmem>>) offsets(%dma_start3A_450 : memref<84xi32, #tpu.memory_space<vmem>>) semaphore(%arg10 : memref<!tpu.dma_semaphore, #tpu.memory_space<semaphore_mem>>)
      %dma_wait3A_454 = arith.constant 7 : i32
      %dma_wait3A_455 = arith.constant 0 : i32
      %dma_wait3A_456 = arith.constant 0 : i32
      %dma_wait3A_457 = tpu.memref_slice %arg6[%dma_wait3A_454, %dma_wait3A_455, %dma_wait3A_456] : memref<10x2x84xi32, #tpu.memory_space<vmem>> -> memref<1x1x84xi32, #tpu.memory_space<vmem>>
      %dma_wait3A_458 = tpu.memref_squeeze %dma_wait3A_457 : memref<1x1x84xi32, #tpu.memory_space<vmem>> -> memref<84xi32, #tpu.memory_space<vmem>>
      %dma_wait3A_459 = arith.constant 0 : i32
      %dma_wait3A_460 = arith.constant 0 : i32
      %dma_wait3A_461 = tpu.memref_slice %arg2[%dma_wait3A_459, %dma_wait3A_460] : memref<20480x128xf32, #tpu.memory_space<hbm>> -> memref<20480x128xf32, #tpu.memory_space<hbm>>
      tpu.wait_indirect_dma semaphore(%arg11 : memref<!tpu.dma_semaphore, #tpu.memory_space<semaphore_mem>>) src(%dma_wait3A_461 : memref<20480x128xf32, #tpu.memory_space<hbm>>) dst(%arg8 : memref<84x128xf32, #tpu.memory_space<vmem>>)
      %run_scoped3A_462 = arith.constant 7 : i32
      %run_scoped3A_463 = arith.constant 1 : i32
      "tpu.region"() ({
        %run_scoped3A_504 = tpu.sem_alloc : memref<!tpu.dma_semaphore, #tpu.memory_space<semaphore_mem>>
        %dma_start3A_505 = arith.constant 0 : i32
        %dma_start3A_506 = tpu.memref_slice %arg6[%run_scoped3A_462, %run_scoped3A_463, %dma_start3A_505] : memref<10x2x84xi32, #tpu.memory_space<vmem>> -> memref<1x1x84xi32, #tpu.memory_space<vmem>>
        %dma_start3A_507 = tpu.memref_squeeze %dma_start3A_506 : memref<1x1x84xi32, #tpu.memory_space<vmem>> -> memref<84xi32, #tpu.memory_space<vmem>>
        %dma_start3A_508 = arith.constant 0 : i32
        %dma_start3A_509 = arith.constant 0 : i32
        %dma_start3A_510 = tpu.memref_slice %arg9[%dma_start3A_508, %dma_start3A_509] : memref<10240x128xf32, #tpu.memory_space<vmem_shared>> -> memref<10240x128xf32, #tpu.memory_space<vmem_shared>>
        tpu.enqueue_indirect_dma source(%arg8 : memref<84x128xf32, #tpu.memory_space<vmem>>) target(%dma_start3A_510 : memref<10240x128xf32, #tpu.memory_space<vmem_shared>>) offsets(%dma_start3A_507 : memref<84xi32, #tpu.memory_space<vmem>>) semaphore(%run_scoped3A_504 : memref<!tpu.dma_semaphore, #tpu.memory_space<semaphore_mem>>) {add = true}
        %dma_wait3A_511 = arith.constant 0 : i32
        %dma_wait3A_512 = tpu.memref_slice %arg6[%run_scoped3A_462, %run_scoped3A_463, %dma_wait3A_511] : memref<10x2x84xi32, #tpu.memory_space<vmem>> -> memref<1x1x84xi32, #tpu.memory_space<vmem>>
        %dma_wait3A_513 = tpu.memref_squeeze %dma_wait3A_512 : memref<1x1x84xi32, #tpu.memory_space<vmem>> -> memref<84xi32, #tpu.memory_space<vmem>>
        %dma_wait3A_514 = arith.constant 0 : i32
        %dma_wait3A_515 = arith.constant 0 : i32
        %dma_wait3A_516 = tpu.memref_slice %arg9[%dma_wait3A_514, %dma_wait3A_515] : memref<10240x128xf32, #tpu.memory_space<vmem_shared>> -> memref<10240x128xf32, #tpu.memory_space<vmem_shared>>
        tpu.wait_indirect_dma semaphore(%run_scoped3A_504 : memref<!tpu.dma_semaphore, #tpu.memory_space<semaphore_mem>>) src(%arg8 : memref<84x128xf32, #tpu.memory_space<vmem>>) dst(%dma_wait3A_516 : memref<10240x128xf32, #tpu.memory_space<vmem_shared>>)
        tpu.yield
      }) : () -> ()
      %dma_start3A_464 = arith.constant 9 : i32
      %dma_start3A_465 = arith.constant 0 : i32
      %dma_start3A_466 = arith.constant 0 : i32
      %dma_start3A_467 = tpu.memref_slice %arg6[%dma_start3A_464, %dma_start3A_465, %dma_start3A_466] : memref<10x2x84xi32, #tpu.memory_space<vmem>> -> memref<1x1x84xi32, #tpu.memory_space<vmem>>
      %dma_start3A_468 = tpu.memref_squeeze %dma_start3A_467 : memref<1x1x84xi32, #tpu.memory_space<vmem>> -> memref<84xi32, #tpu.memory_space<vmem>>
      %dma_start3A_469 = arith.constant 0 : i32
      %dma_start3A_470 = arith.constant 0 : i32
      %dma_start3A_471 = tpu.memref_slice %arg2[%dma_start3A_469, %dma_start3A_470] : memref<20480x128xf32, #tpu.memory_space<hbm>> -> memref<20480x128xf32, #tpu.memory_space<hbm>>
      tpu.enqueue_indirect_dma source(%dma_start3A_471 : memref<20480x128xf32, #tpu.memory_space<hbm>>) target(%arg8 : memref<84x128xf32, #tpu.memory_space<vmem>>) offsets(%dma_start3A_468 : memref<84xi32, #tpu.memory_space<vmem>>) semaphore(%arg11 : memref<!tpu.dma_semaphore, #tpu.memory_space<semaphore_mem>>)
      %dma_wait3A_472 = arith.constant 8 : i32
      %dma_wait3A_473 = arith.constant 0 : i32
      %dma_wait3A_474 = arith.constant 0 : i32
      %dma_wait3A_475 = tpu.memref_slice %arg6[%dma_wait3A_472, %dma_wait3A_473, %dma_wait3A_474] : memref<10x2x84xi32, #tpu.memory_space<vmem>> -> memref<1x1x84xi32, #tpu.memory_space<vmem>>
      %dma_wait3A_476 = tpu.memref_squeeze %dma_wait3A_475 : memref<1x1x84xi32, #tpu.memory_space<vmem>> -> memref<84xi32, #tpu.memory_space<vmem>>
      %dma_wait3A_477 = arith.constant 0 : i32
      %dma_wait3A_478 = arith.constant 0 : i32
      %dma_wait3A_479 = tpu.memref_slice %arg2[%dma_wait3A_477, %dma_wait3A_478] : memref<20480x128xf32, #tpu.memory_space<hbm>> -> memref<20480x128xf32, #tpu.memory_space<hbm>>
      tpu.wait_indirect_dma semaphore(%arg10 : memref<!tpu.dma_semaphore, #tpu.memory_space<semaphore_mem>>) src(%dma_wait3A_479 : memref<20480x128xf32, #tpu.memory_space<hbm>>) dst(%arg7 : memref<84x128xf32, #tpu.memory_space<vmem>>)
      %run_scoped3A_480 = arith.constant 8 : i32
      %run_scoped3A_481 = arith.constant 1 : i32
      "tpu.region"() ({
        %run_scoped3A_504 = tpu.sem_alloc : memref<!tpu.dma_semaphore, #tpu.memory_space<semaphore_mem>>
        %dma_start3A_505 = arith.constant 0 : i32
        %dma_start3A_506 = tpu.memref_slice %arg6[%run_scoped3A_480, %run_scoped3A_481, %dma_start3A_505] : memref<10x2x84xi32, #tpu.memory_space<vmem>> -> memref<1x1x84xi32, #tpu.memory_space<vmem>>
        %dma_start3A_507 = tpu.memref_squeeze %dma_start3A_506 : memref<1x1x84xi32, #tpu.memory_space<vmem>> -> memref<84xi32, #tpu.memory_space<vmem>>
        %dma_start3A_508 = arith.constant 0 : i32
        %dma_start3A_509 = arith.constant 0 : i32
        %dma_start3A_510 = tpu.memref_slice %arg9[%dma_start3A_508, %dma_start3A_509] : memref<10240x128xf32, #tpu.memory_space<vmem_shared>> -> memref<10240x128xf32, #tpu.memory_space<vmem_shared>>
        tpu.enqueue_indirect_dma source(%arg7 : memref<84x128xf32, #tpu.memory_space<vmem>>) target(%dma_start3A_510 : memref<10240x128xf32, #tpu.memory_space<vmem_shared>>) offsets(%dma_start3A_507 : memref<84xi32, #tpu.memory_space<vmem>>) semaphore(%run_scoped3A_504 : memref<!tpu.dma_semaphore, #tpu.memory_space<semaphore_mem>>) {add = true}
        %dma_wait3A_511 = arith.constant 0 : i32
        %dma_wait3A_512 = tpu.memref_slice %arg6[%run_scoped3A_480, %run_scoped3A_481, %dma_wait3A_511] : memref<10x2x84xi32, #tpu.memory_space<vmem>> -> memref<1x1x84xi32, #tpu.memory_space<vmem>>
        %dma_wait3A_513 = tpu.memref_squeeze %dma_wait3A_512 : memref<1x1x84xi32, #tpu.memory_space<vmem>> -> memref<84xi32, #tpu.memory_space<vmem>>
        %dma_wait3A_514 = arith.constant 0 : i32
        %dma_wait3A_515 = arith.constant 0 : i32
        %dma_wait3A_516 = tpu.memref_slice %arg9[%dma_wait3A_514, %dma_wait3A_515] : memref<10240x128xf32, #tpu.memory_space<vmem_shared>> -> memref<10240x128xf32, #tpu.memory_space<vmem_shared>>
        tpu.wait_indirect_dma semaphore(%run_scoped3A_504 : memref<!tpu.dma_semaphore, #tpu.memory_space<semaphore_mem>>) src(%arg7 : memref<84x128xf32, #tpu.memory_space<vmem>>) dst(%dma_wait3A_516 : memref<10240x128xf32, #tpu.memory_space<vmem_shared>>)
        tpu.yield
      }) : () -> ()
      %lt3A_482 = arith.constant 5 : i32
      %lt3A_483 = arith.cmpi slt, %scan3A_116, %lt3A_482 : i32
      %convert_element_type3A_484 = arith.extui %lt3A_483 : i1 to i32
      %cond3A_485 = arith.constant 0 : i32
      %cond3A_486 = arith.cmpi ne, %convert_element_type3A_484, %cond3A_485 : i32
      scf.if %cond3A_486 {
        %add3A_504 = arith.constant 1 : i32
        %add3A_505 = arith.addi %add3A_319, %add3A_504 : i32
        %dma_wait3A_506 = arith.constant 0 : i32
        %dma_wait3A_507 = arith.constant 0 : i32
        %dma_wait3A_508 = arith.constant 0 : i32
        %dma_wait3A_509 = tpu.memref_slice %arg3[%arg0, %arg1, %add3A_505, %dma_wait3A_506, %dma_wait3A_507, %dma_wait3A_508] : memref<2x16x12x10x2x84xi32, #tpu.memory_space<hbm>> -> memref<1x1x1x10x2x84xi32, #tpu.memory_space<hbm>>
        %dma_wait3A_510 = tpu.memref_squeeze %dma_wait3A_509 : memref<1x1x1x10x2x84xi32, #tpu.memory_space<hbm>> -> memref<10x2x84xi32, #tpu.memory_space<hbm>>
        %dma_wait3A_511 = arith.constant 0 : i32
        %dma_wait3A_512 = arith.constant 0 : i32
        %dma_wait3A_513 = arith.constant 0 : i32
        %dma_wait3A_514 = tpu.memref_slice %arg3[%arg0, %arg1, %add3A_505, %dma_wait3A_511, %dma_wait3A_512, %dma_wait3A_513] : memref<2x16x12x10x2x84xi32, #tpu.memory_space<hbm>> -> memref<1x1x1x10x2x84xi32, #tpu.memory_space<hbm>>
        %dma_wait3A_515 = tpu.memref_squeeze %dma_wait3A_514 : memref<1x1x1x10x2x84xi32, #tpu.memory_space<hbm>> -> memref<10x2x84xi32, #tpu.memory_space<hbm>>
        tpu.wait_dma2 semaphore(%arg12 : memref<!tpu.dma_semaphore, #tpu.memory_space<semaphore_mem>>) src(%dma_wait3A_515 : memref<10x2x84xi32, #tpu.memory_space<hbm>>) dst(%arg5 : memref<10x2x84xi32, #tpu.memory_space<vmem>>)
        %dma_start3A_516 = arith.constant 0 : i32
        %dma_start3A_517 = arith.constant 0 : i32
        %dma_start3A_518 = arith.constant 0 : i32
        %dma_start3A_519 = tpu.memref_slice %arg5[%dma_start3A_516, %dma_start3A_517, %dma_start3A_518] : memref<10x2x84xi32, #tpu.memory_space<vmem>> -> memref<1x1x84xi32, #tpu.memory_space<vmem>>
        %dma_start3A_520 = tpu.memref_squeeze %dma_start3A_519 : memref<1x1x84xi32, #tpu.memory_space<vmem>> -> memref<84xi32, #tpu.memory_space<vmem>>
        %dma_start3A_521 = arith.constant 0 : i32
        %dma_start3A_522 = arith.constant 0 : i32
        %dma_start3A_523 = tpu.memref_slice %arg2[%dma_start3A_521, %dma_start3A_522] : memref<20480x128xf32, #tpu.memory_space<hbm>> -> memref<20480x128xf32, #tpu.memory_space<hbm>>
        tpu.enqueue_indirect_dma source(%dma_start3A_523 : memref<20480x128xf32, #tpu.memory_space<hbm>>) target(%arg7 : memref<84x128xf32, #tpu.memory_space<vmem>>) offsets(%dma_start3A_520 : memref<84xi32, #tpu.memory_space<vmem>>) semaphore(%arg10 : memref<!tpu.dma_semaphore, #tpu.memory_space<semaphore_mem>>)
      } else {
      }
      %dma_wait3A_487 = arith.constant 9 : i32
      %dma_wait3A_488 = arith.constant 0 : i32
      %dma_wait3A_489 = arith.constant 0 : i32
      %dma_wait3A_490 = tpu.memref_slice %arg6[%dma_wait3A_487, %dma_wait3A_488, %dma_wait3A_489] : memref<10x2x84xi32, #tpu.memory_space<vmem>> -> memref<1x1x84xi32, #tpu.memory_space<vmem>>
      %dma_wait3A_491 = tpu.memref_squeeze %dma_wait3A_490 : memref<1x1x84xi32, #tpu.memory_space<vmem>> -> memref<84xi32, #tpu.memory_space<vmem>>
      %dma_wait3A_492 = arith.constant 0 : i32
      %dma_wait3A_493 = arith.constant 0 : i32
      %dma_wait3A_494 = tpu.memref_slice %arg2[%dma_wait3A_492, %dma_wait3A_493] : memref<20480x128xf32, #tpu.memory_space<hbm>> -> memref<20480x128xf32, #tpu.memory_space<hbm>>
      tpu.wait_indirect_dma semaphore(%arg11 : memref<!tpu.dma_semaphore, #tpu.memory_space<semaphore_mem>>) src(%dma_wait3A_494 : memref<20480x128xf32, #tpu.memory_space<hbm>>) dst(%arg8 : memref<84x128xf32, #tpu.memory_space<vmem>>)
      %run_scoped3A_495 = arith.constant 9 : i32
      %run_scoped3A_496 = arith.constant 1 : i32
      "tpu.region"() ({
        %run_scoped3A_504 = tpu.sem_alloc : memref<!tpu.dma_semaphore, #tpu.memory_space<semaphore_mem>>
        %dma_start3A_505 = arith.constant 0 : i32
        %dma_start3A_506 = tpu.memref_slice %arg6[%run_scoped3A_495, %run_scoped3A_496, %dma_start3A_505] : memref<10x2x84xi32, #tpu.memory_space<vmem>> -> memref<1x1x84xi32, #tpu.memory_space<vmem>>
        %dma_start3A_507 = tpu.memref_squeeze %dma_start3A_506 : memref<1x1x84xi32, #tpu.memory_space<vmem>> -> memref<84xi32, #tpu.memory_space<vmem>>
        %dma_start3A_508 = arith.constant 0 : i32
        %dma_start3A_509 = arith.constant 0 : i32
        %dma_start3A_510 = tpu.memref_slice %arg9[%dma_start3A_508, %dma_start3A_509] : memref<10240x128xf32, #tpu.memory_space<vmem_shared>> -> memref<10240x128xf32, #tpu.memory_space<vmem_shared>>
        tpu.enqueue_indirect_dma source(%arg8 : memref<84x128xf32, #tpu.memory_space<vmem>>) target(%dma_start3A_510 : memref<10240x128xf32, #tpu.memory_space<vmem_shared>>) offsets(%dma_start3A_507 : memref<84xi32, #tpu.memory_space<vmem>>) semaphore(%run_scoped3A_504 : memref<!tpu.dma_semaphore, #tpu.memory_space<semaphore_mem>>) {add = true}
        %dma_wait3A_511 = arith.constant 0 : i32
        %dma_wait3A_512 = tpu.memref_slice %arg6[%run_scoped3A_495, %run_scoped3A_496, %dma_wait3A_511] : memref<10x2x84xi32, #tpu.memory_space<vmem>> -> memref<1x1x84xi32, #tpu.memory_space<vmem>>
        %dma_wait3A_513 = tpu.memref_squeeze %dma_wait3A_512 : memref<1x1x84xi32, #tpu.memory_space<vmem>> -> memref<84xi32, #tpu.memory_space<vmem>>
        %dma_wait3A_514 = arith.constant 0 : i32
        %dma_wait3A_515 = arith.constant 0 : i32
        %dma_wait3A_516 = tpu.memref_slice %arg9[%dma_wait3A_514, %dma_wait3A_515] : memref<10240x128xf32, #tpu.memory_space<vmem_shared>> -> memref<10240x128xf32, #tpu.memory_space<vmem_shared>>
        tpu.wait_indirect_dma semaphore(%run_scoped3A_504 : memref<!tpu.dma_semaphore, #tpu.memory_space<semaphore_mem>>) src(%arg8 : memref<84x128xf32, #tpu.memory_space<vmem>>) dst(%dma_wait3A_516 : memref<10240x128xf32, #tpu.memory_space<vmem_shared>>)
        tpu.yield
      }) : () -> ()
      %add3A_497 = arith.constant 2 : i32
      %add3A_498 = arith.addi %add3A_319, %add3A_497 : i32
      %lt3A_499 = arith.constant 12 : i32
      %lt3A_500 = arith.cmpi slt, %add3A_498, %lt3A_499 : i32
      %convert_element_type3A_501 = arith.extui %lt3A_500 : i1 to i32
      %cond3A_502 = arith.constant 0 : i32
      %cond3A_503 = arith.cmpi ne, %convert_element_type3A_501, %cond3A_502 : i32
      scf.if %cond3A_503 {
        %add3A_504 = arith.constant 2 : i32
        %add3A_505 = arith.addi %add3A_319, %add3A_504 : i32
        %dma_start3A_506 = arith.constant 0 : i32
        %dma_start3A_507 = arith.constant 0 : i32
        %dma_start3A_508 = arith.constant 0 : i32
        %dma_start3A_509 = tpu.memref_slice %arg3[%arg0, %arg1, %add3A_505, %dma_start3A_506, %dma_start3A_507, %dma_start3A_508] : memref<2x16x12x10x2x84xi32, #tpu.memory_space<hbm>> -> memref<1x1x1x10x2x84xi32, #tpu.memory_space<hbm>>
        %dma_start3A_510 = tpu.memref_squeeze %dma_start3A_509 : memref<1x1x1x10x2x84xi32, #tpu.memory_space<hbm>> -> memref<10x2x84xi32, #tpu.memory_space<hbm>>
        %dma_start3A_511 = arith.constant 0 : i32
        %dma_start3A_512 = arith.constant 0 : i32
        %dma_start3A_513 = arith.constant 0 : i32
        %dma_start3A_514 = tpu.memref_slice %arg3[%arg0, %arg1, %add3A_505, %dma_start3A_511, %dma_start3A_512, %dma_start3A_513] : memref<2x16x12x10x2x84xi32, #tpu.memory_space<hbm>> -> memref<1x1x1x10x2x84xi32, #tpu.memory_space<hbm>>
        %dma_start3A_515 = tpu.memref_squeeze %dma_start3A_514 : memref<1x1x1x10x2x84xi32, #tpu.memory_space<hbm>> -> memref<10x2x84xi32, #tpu.memory_space<hbm>>
        tpu.enqueue_dma source(%dma_start3A_515 : memref<10x2x84xi32, #tpu.memory_space<hbm>>) target(%arg6 : memref<10x2x84xi32, #tpu.memory_space<vmem>>) target_semaphore(%arg13 : memref<!tpu.dma_semaphore, #tpu.memory_space<semaphore_mem>>)
      } else {
      }
    }
    %scan3A_58 = arith.constant 6 : i32
    %barrier3A_59 = arith.constant 0 : index
    tpu.barrier barrier_id(%barrier3A_59)
    %mul3A_60 = arith.constant 640 : i32
    %mul3A_61 = arith.muli %arg1, %mul3A_60 : i32
    %add3A_62 = arith.constant 0 : i32
    %add3A_63 = arith.addi %mul3A_61, %add3A_62 : i32
    "tpu.region"() ({
      %run_scoped3A_116 = tpu.sem_alloc : memref<!tpu.dma_semaphore, #tpu.memory_space<semaphore_mem>>
      %dma_start3A_117 = arith.constant 0 : i32
      %dma_start3A_118 = arith.constant 0 : i32
      %dma_start3A_119 = tpu.memref_slice %arg7[%dma_start3A_117, %dma_start3A_118] : memref<84x128xf32, #tpu.memory_space<vmem>> -> memref<80x128xf32, #tpu.memory_space<vmem>>
      %dma_start3A_120 = arith.constant 0 : i32
      %dma_start3A_121 = tpu.memref_slice %arg9[%add3A_63, %dma_start3A_120] : memref<10240x128xf32, #tpu.memory_space<vmem_shared>> -> memref<80x128xf32, #tpu.memory_space<vmem_shared>>
      %dma_start3A_122 = arith.constant 0 : i32
      %dma_start3A_123 = arith.constant 0 : i32
      %dma_start3A_124 = tpu.memref_slice %arg7[%dma_start3A_122, %dma_start3A_123] : memref<84x128xf32, #tpu.memory_space<vmem>> -> memref<80x128xf32, #tpu.memory_space<vmem>>
      %dma_start3A_125 = arith.constant 0 : i32
      %dma_start3A_126 = tpu.memref_slice %arg9[%add3A_63, %dma_start3A_125] : memref<10240x128xf32, #tpu.memory_space<vmem_shared>> -> memref<80x128xf32, #tpu.memory_space<vmem_shared>>
      tpu.enqueue_dma source(%dma_start3A_126 : memref<80x128xf32, #tpu.memory_space<vmem_shared>>) target(%dma_start3A_124 : memref<80x128xf32, #tpu.memory_space<vmem>>) target_semaphore(%run_scoped3A_116 : memref<!tpu.dma_semaphore, #tpu.memory_space<semaphore_mem>>)
      %dma_wait3A = arith.constant 0 : i32
      %dma_wait3A_127 = arith.constant 0 : i32
      %dma_wait3A_128 = tpu.memref_slice %arg7[%dma_wait3A, %dma_wait3A_127] : memref<84x128xf32, #tpu.memory_space<vmem>> -> memref<80x128xf32, #tpu.memory_space<vmem>>
      %dma_wait3A_129 = arith.constant 0 : i32
      %dma_wait3A_130 = tpu.memref_slice %arg9[%add3A_63, %dma_wait3A_129] : memref<10240x128xf32, #tpu.memory_space<vmem_shared>> -> memref<80x128xf32, #tpu.memory_space<vmem_shared>>
      %dma_wait3A_131 = arith.constant 0 : i32
      %dma_wait3A_132 = arith.constant 0 : i32
      %dma_wait3A_133 = tpu.memref_slice %arg7[%dma_wait3A_131, %dma_wait3A_132] : memref<84x128xf32, #tpu.memory_space<vmem>> -> memref<80x128xf32, #tpu.memory_space<vmem>>
      %dma_wait3A_134 = arith.constant 0 : i32
      %dma_wait3A_135 = tpu.memref_slice %arg9[%add3A_63, %dma_wait3A_134] : memref<10240x128xf32, #tpu.memory_space<vmem_shared>> -> memref<80x128xf32, #tpu.memory_space<vmem_shared>>
      tpu.wait_dma2 semaphore(%run_scoped3A_116 : memref<!tpu.dma_semaphore, #tpu.memory_space<semaphore_mem>>) src(%dma_wait3A_135 : memref<80x128xf32, #tpu.memory_space<vmem_shared>>) dst(%dma_wait3A_133 : memref<80x128xf32, #tpu.memory_space<vmem>>)
      tpu.yield
    }) : () -> ()
    %mul3A_64 = arith.constant 10240 : i32
    %mul3A_65 = arith.muli %arg0, %mul3A_64 : i32
    %add3A_66 = arith.addi %mul3A_65, %add3A_63 : i32
    "tpu.region"() ({
      %run_scoped3A_116 = tpu.sem_alloc : memref<!tpu.dma_semaphore, #tpu.memory_space<semaphore_mem>>
      %dma_start3A_117 = arith.constant 0 : i32
      %dma_start3A_118 = arith.constant 0 : i32
      %dma_start3A_119 = tpu.memref_slice %arg7[%dma_start3A_117, %dma_start3A_118] : memref<84x128xf32, #tpu.memory_space<vmem>> -> memref<80x128xf32, #tpu.memory_space<vmem>>
      %dma_start3A_120 = arith.constant 0 : i32
      %dma_start3A_121 = tpu.memref_slice %arg4[%add3A_66, %dma_start3A_120] : memref<20480x128xf32, #tpu.memory_space<hbm>> -> memref<80x128xf32, #tpu.memory_space<hbm>>
      %dma_start3A_122 = arith.constant 0 : i32
      %dma_start3A_123 = tpu.memref_slice %arg4[%add3A_66, %dma_start3A_122] : memref<20480x128xf32, #tpu.memory_space<hbm>> -> memref<80x128xf32, #tpu.memory_space<hbm>>
      %dma_start3A_124 = arith.constant 0 : i32
      %dma_start3A_125 = arith.constant 0 : i32
      %dma_start3A_126 = tpu.memref_slice %arg7[%dma_start3A_124, %dma_start3A_125] : memref<84x128xf32, #tpu.memory_space<vmem>> -> memref<80x128xf32, #tpu.memory_space<vmem>>
      tpu.enqueue_dma source(%dma_start3A_126 : memref<80x128xf32, #tpu.memory_space<vmem>>) target(%dma_start3A_123 : memref<80x128xf32, #tpu.memory_space<hbm>>) target_semaphore(%run_scoped3A_116 : memref<!tpu.dma_semaphore, #tpu.memory_space<semaphore_mem>>)
      %dma_wait3A = arith.constant 0 : i32
      %dma_wait3A_127 = arith.constant 0 : i32
      %dma_wait3A_128 = tpu.memref_slice %arg7[%dma_wait3A, %dma_wait3A_127] : memref<84x128xf32, #tpu.memory_space<vmem>> -> memref<80x128xf32, #tpu.memory_space<vmem>>
      %dma_wait3A_129 = arith.constant 0 : i32
      %dma_wait3A_130 = tpu.memref_slice %arg4[%add3A_66, %dma_wait3A_129] : memref<20480x128xf32, #tpu.memory_space<hbm>> -> memref<80x128xf32, #tpu.memory_space<hbm>>
      %dma_wait3A_131 = arith.constant 0 : i32
      %dma_wait3A_132 = tpu.memref_slice %arg4[%add3A_66, %dma_wait3A_131] : memref<20480x128xf32, #tpu.memory_space<hbm>> -> memref<80x128xf32, #tpu.memory_space<hbm>>
      %dma_wait3A_133 = arith.constant 0 : i32
      %dma_wait3A_134 = arith.constant 0 : i32
      %dma_wait3A_135 = tpu.memref_slice %arg7[%dma_wait3A_133, %dma_wait3A_134] : memref<84x128xf32, #tpu.memory_space<vmem>> -> memref<80x128xf32, #tpu.memory_space<vmem>>
      tpu.wait_dma2 semaphore(%run_scoped3A_116 : memref<!tpu.dma_semaphore, #tpu.memory_space<semaphore_mem>>) src(%dma_wait3A_135 : memref<80x128xf32, #tpu.memory_space<vmem>>) dst(%dma_wait3A_132 : memref<80x128xf32, #tpu.memory_space<hbm>>)
      tpu.yield
    }) : () -> ()
    %mul3A_67 = arith.constant 640 : i32
    %mul3A_68 = arith.muli %arg1, %mul3A_67 : i32
    %add3A_69 = arith.constant 80 : i32
    %add3A_70 = arith.addi %mul3A_68, %add3A_69 : i32
    "tpu.region"() ({
      %run_scoped3A_116 = tpu.sem_alloc : memref<!tpu.dma_semaphore, #tpu.memory_space<semaphore_mem>>
      %dma_start3A_117 = arith.constant 0 : i32
      %dma_start3A_118 = arith.constant 0 : i32
      %dma_start3A_119 = tpu.memref_slice %arg7[%dma_start3A_117, %dma_start3A_118] : memref<84x128xf32, #tpu.memory_space<vmem>> -> memref<80x128xf32, #tpu.memory_space<vmem>>
      %dma_start3A_120 = arith.constant 0 : i32
      %dma_start3A_121 = tpu.memref_slice %arg9[%add3A_70, %dma_start3A_120] : memref<10240x128xf32, #tpu.memory_space<vmem_shared>> -> memref<80x128xf32, #tpu.memory_space<vmem_shared>>
      %dma_start3A_122 = arith.constant 0 : i32
      %dma_start3A_123 = arith.constant 0 : i32
      %dma_start3A_124 = tpu.memref_slice %arg7[%dma_start3A_122, %dma_start3A_123] : memref<84x128xf32, #tpu.memory_space<vmem>> -> memref<80x128xf32, #tpu.memory_space<vmem>>
      %dma_start3A_125 = arith.constant 0 : i32
      %dma_start3A_126 = tpu.memref_slice %arg9[%add3A_70, %dma_start3A_125] : memref<10240x128xf32, #tpu.memory_space<vmem_shared>> -> memref<80x128xf32, #tpu.memory_space<vmem_shared>>
      tpu.enqueue_dma source(%dma_start3A_126 : memref<80x128xf32, #tpu.memory_space<vmem_shared>>) target(%dma_start3A_124 : memref<80x128xf32, #tpu.memory_space<vmem>>) target_semaphore(%run_scoped3A_116 : memref<!tpu.dma_semaphore, #tpu.memory_space<semaphore_mem>>)
      %dma_wait3A = arith.constant 0 : i32
      %dma_wait3A_127 = arith.constant 0 : i32
      %dma_wait3A_128 = tpu.memref_slice %arg7[%dma_wait3A, %dma_wait3A_127] : memref<84x128xf32, #tpu.memory_space<vmem>> -> memref<80x128xf32, #tpu.memory_space<vmem>>
      %dma_wait3A_129 = arith.constant 0 : i32
      %dma_wait3A_130 = tpu.memref_slice %arg9[%add3A_70, %dma_wait3A_129] : memref<10240x128xf32, #tpu.memory_space<vmem_shared>> -> memref<80x128xf32, #tpu.memory_space<vmem_shared>>
      %dma_wait3A_131 = arith.constant 0 : i32
      %dma_wait3A_132 = arith.constant 0 : i32
      %dma_wait3A_133 = tpu.memref_slice %arg7[%dma_wait3A_131, %dma_wait3A_132] : memref<84x128xf32, #tpu.memory_space<vmem>> -> memref<80x128xf32, #tpu.memory_space<vmem>>
      %dma_wait3A_134 = arith.constant 0 : i32
      %dma_wait3A_135 = tpu.memref_slice %arg9[%add3A_70, %dma_wait3A_134] : memref<10240x128xf32, #tpu.memory_space<vmem_shared>> -> memref<80x128xf32, #tpu.memory_space<vmem_shared>>
      tpu.wait_dma2 semaphore(%run_scoped3A_116 : memref<!tpu.dma_semaphore, #tpu.memory_space<semaphore_mem>>) src(%dma_wait3A_135 : memref<80x128xf32, #tpu.memory_space<vmem_shared>>) dst(%dma_wait3A_133 : memref<80x128xf32, #tpu.memory_space<vmem>>)
      tpu.yield
    }) : () -> ()
    %mul3A_71 = arith.constant 10240 : i32
    %mul3A_72 = arith.muli %arg0, %mul3A_71 : i32
    %add3A_73 = arith.addi %mul3A_72, %add3A_70 : i32
    "tpu.region"() ({
      %run_scoped3A_116 = tpu.sem_alloc : memref<!tpu.dma_semaphore, #tpu.memory_space<semaphore_mem>>
      %dma_start3A_117 = arith.constant 0 : i32
      %dma_start3A_118 = arith.constant 0 : i32
      %dma_start3A_119 = tpu.memref_slice %arg7[%dma_start3A_117, %dma_start3A_118] : memref<84x128xf32, #tpu.memory_space<vmem>> -> memref<80x128xf32, #tpu.memory_space<vmem>>
      %dma_start3A_120 = arith.constant 0 : i32
      %dma_start3A_121 = tpu.memref_slice %arg4[%add3A_73, %dma_start3A_120] : memref<20480x128xf32, #tpu.memory_space<hbm>> -> memref<80x128xf32, #tpu.memory_space<hbm>>
      %dma_start3A_122 = arith.constant 0 : i32
      %dma_start3A_123 = tpu.memref_slice %arg4[%add3A_73, %dma_start3A_122] : memref<20480x128xf32, #tpu.memory_space<hbm>> -> memref<80x128xf32, #tpu.memory_space<hbm>>
      %dma_start3A_124 = arith.constant 0 : i32
      %dma_start3A_125 = arith.constant 0 : i32
      %dma_start3A_126 = tpu.memref_slice %arg7[%dma_start3A_124, %dma_start3A_125] : memref<84x128xf32, #tpu.memory_space<vmem>> -> memref<80x128xf32, #tpu.memory_space<vmem>>
      tpu.enqueue_dma source(%dma_start3A_126 : memref<80x128xf32, #tpu.memory_space<vmem>>) target(%dma_start3A_123 : memref<80x128xf32, #tpu.memory_space<hbm>>) target_semaphore(%run_scoped3A_116 : memref<!tpu.dma_semaphore, #tpu.memory_space<semaphore_mem>>)
      %dma_wait3A = arith.constant 0 : i32
      %dma_wait3A_127 = arith.constant 0 : i32
      %dma_wait3A_128 = tpu.memref_slice %arg7[%dma_wait3A, %dma_wait3A_127] : memref<84x128xf32, #tpu.memory_space<vmem>> -> memref<80x128xf32, #tpu.memory_space<vmem>>
      %dma_wait3A_129 = arith.constant 0 : i32
      %dma_wait3A_130 = tpu.memref_slice %arg4[%add3A_73, %dma_wait3A_129] : memref<20480x128xf32, #tpu.memory_space<hbm>> -> memref<80x128xf32, #tpu.memory_space<hbm>>
      %dma_wait3A_131 = arith.constant 0 : i32
      %dma_wait3A_132 = tpu.memref_slice %arg4[%add3A_73, %dma_wait3A_131] : memref<20480x128xf32, #tpu.memory_space<hbm>> -> memref<80x128xf32, #tpu.memory_space<hbm>>
      %dma_wait3A_133 = arith.constant 0 : i32
      %dma_wait3A_134 = arith.constant 0 : i32
      %dma_wait3A_135 = tpu.memref_slice %arg7[%dma_wait3A_133, %dma_wait3A_134] : memref<84x128xf32, #tpu.memory_space<vmem>> -> memref<80x128xf32, #tpu.memory_space<vmem>>
      tpu.wait_dma2 semaphore(%run_scoped3A_116 : memref<!tpu.dma_semaphore, #tpu.memory_space<semaphore_mem>>) src(%dma_wait3A_135 : memref<80x128xf32, #tpu.memory_space<vmem>>) dst(%dma_wait3A_132 : memref<80x128xf32, #tpu.memory_space<hbm>>)
      tpu.yield
    }) : () -> ()
    %mul3A_74 = arith.constant 640 : i32
    %mul3A_75 = arith.muli %arg1, %mul3A_74 : i32
    %add3A_76 = arith.constant 160 : i32
    %add3A_77 = arith.addi %mul3A_75, %add3A_76 : i32
    "tpu.region"() ({
      %run_scoped3A_116 = tpu.sem_alloc : memref<!tpu.dma_semaphore, #tpu.memory_space<semaphore_mem>>
      %dma_start3A_117 = arith.constant 0 : i32
      %dma_start3A_118 = arith.constant 0 : i32
      %dma_start3A_119 = tpu.memref_slice %arg7[%dma_start3A_117, %dma_start3A_118] : memref<84x128xf32, #tpu.memory_space<vmem>> -> memref<80x128xf32, #tpu.memory_space<vmem>>
      %dma_start3A_120 = arith.constant 0 : i32
      %dma_start3A_121 = tpu.memref_slice %arg9[%add3A_77, %dma_start3A_120] : memref<10240x128xf32, #tpu.memory_space<vmem_shared>> -> memref<80x128xf32, #tpu.memory_space<vmem_shared>>
      %dma_start3A_122 = arith.constant 0 : i32
      %dma_start3A_123 = arith.constant 0 : i32
      %dma_start3A_124 = tpu.memref_slice %arg7[%dma_start3A_122, %dma_start3A_123] : memref<84x128xf32, #tpu.memory_space<vmem>> -> memref<80x128xf32, #tpu.memory_space<vmem>>
      %dma_start3A_125 = arith.constant 0 : i32
      %dma_start3A_126 = tpu.memref_slice %arg9[%add3A_77, %dma_start3A_125] : memref<10240x128xf32, #tpu.memory_space<vmem_shared>> -> memref<80x128xf32, #tpu.memory_space<vmem_shared>>
      tpu.enqueue_dma source(%dma_start3A_126 : memref<80x128xf32, #tpu.memory_space<vmem_shared>>) target(%dma_start3A_124 : memref<80x128xf32, #tpu.memory_space<vmem>>) target_semaphore(%run_scoped3A_116 : memref<!tpu.dma_semaphore, #tpu.memory_space<semaphore_mem>>)
      %dma_wait3A = arith.constant 0 : i32
      %dma_wait3A_127 = arith.constant 0 : i32
      %dma_wait3A_128 = tpu.memref_slice %arg7[%dma_wait3A, %dma_wait3A_127] : memref<84x128xf32, #tpu.memory_space<vmem>> -> memref<80x128xf32, #tpu.memory_space<vmem>>
      %dma_wait3A_129 = arith.constant 0 : i32
      %dma_wait3A_130 = tpu.memref_slice %arg9[%add3A_77, %dma_wait3A_129] : memref<10240x128xf32, #tpu.memory_space<vmem_shared>> -> memref<80x128xf32, #tpu.memory_space<vmem_shared>>
      %dma_wait3A_131 = arith.constant 0 : i32
      %dma_wait3A_132 = arith.constant 0 : i32
      %dma_wait3A_133 = tpu.memref_slice %arg7[%dma_wait3A_131, %dma_wait3A_132] : memref<84x128xf32, #tpu.memory_space<vmem>> -> memref<80x128xf32, #tpu.memory_space<vmem>>
      %dma_wait3A_134 = arith.constant 0 : i32
      %dma_wait3A_135 = tpu.memref_slice %arg9[%add3A_77, %dma_wait3A_134] : memref<10240x128xf32, #tpu.memory_space<vmem_shared>> -> memref<80x128xf32, #tpu.memory_space<vmem_shared>>
      tpu.wait_dma2 semaphore(%run_scoped3A_116 : memref<!tpu.dma_semaphore, #tpu.memory_space<semaphore_mem>>) src(%dma_wait3A_135 : memref<80x128xf32, #tpu.memory_space<vmem_shared>>) dst(%dma_wait3A_133 : memref<80x128xf32, #tpu.memory_space<vmem>>)
      tpu.yield
    }) : () -> ()
    %mul3A_78 = arith.constant 10240 : i32
    %mul3A_79 = arith.muli %arg0, %mul3A_78 : i32
    %add3A_80 = arith.addi %mul3A_79, %add3A_77 : i32
    "tpu.region"() ({
      %run_scoped3A_116 = tpu.sem_alloc : memref<!tpu.dma_semaphore, #tpu.memory_space<semaphore_mem>>
      %dma_start3A_117 = arith.constant 0 : i32
      %dma_start3A_118 = arith.constant 0 : i32
      %dma_start3A_119 = tpu.memref_slice %arg7[%dma_start3A_117, %dma_start3A_118] : memref<84x128xf32, #tpu.memory_space<vmem>> -> memref<80x128xf32, #tpu.memory_space<vmem>>
      %dma_start3A_120 = arith.constant 0 : i32
      %dma_start3A_121 = tpu.memref_slice %arg4[%add3A_80, %dma_start3A_120] : memref<20480x128xf32, #tpu.memory_space<hbm>> -> memref<80x128xf32, #tpu.memory_space<hbm>>
      %dma_start3A_122 = arith.constant 0 : i32
      %dma_start3A_123 = tpu.memref_slice %arg4[%add3A_80, %dma_start3A_122] : memref<20480x128xf32, #tpu.memory_space<hbm>> -> memref<80x128xf32, #tpu.memory_space<hbm>>
      %dma_start3A_124 = arith.constant 0 : i32
      %dma_start3A_125 = arith.constant 0 : i32
      %dma_start3A_126 = tpu.memref_slice %arg7[%dma_start3A_124, %dma_start3A_125] : memref<84x128xf32, #tpu.memory_space<vmem>> -> memref<80x128xf32, #tpu.memory_space<vmem>>
      tpu.enqueue_dma source(%dma_start3A_126 : memref<80x128xf32, #tpu.memory_space<vmem>>) target(%dma_start3A_123 : memref<80x128xf32, #tpu.memory_space<hbm>>) target_semaphore(%run_scoped3A_116 : memref<!tpu.dma_semaphore, #tpu.memory_space<semaphore_mem>>)
      %dma_wait3A = arith.constant 0 : i32
      %dma_wait3A_127 = arith.constant 0 : i32
      %dma_wait3A_128 = tpu.memref_slice %arg7[%dma_wait3A, %dma_wait3A_127] : memref<84x128xf32, #tpu.memory_space<vmem>> -> memref<80x128xf32, #tpu.memory_space<vmem>>
      %dma_wait3A_129 = arith.constant 0 : i32
      %dma_wait3A_130 = tpu.memref_slice %arg4[%add3A_80, %dma_wait3A_129] : memref<20480x128xf32, #tpu.memory_space<hbm>> -> memref<80x128xf32, #tpu.memory_space<hbm>>
      %dma_wait3A_131 = arith.constant 0 : i32
      %dma_wait3A_132 = tpu.memref_slice %arg4[%add3A_80, %dma_wait3A_131] : memref<20480x128xf32, #tpu.memory_space<hbm>> -> memref<80x128xf32, #tpu.memory_space<hbm>>
      %dma_wait3A_133 = arith.constant 0 : i32
      %dma_wait3A_134 = arith.constant 0 : i32
      %dma_wait3A_135 = tpu.memref_slice %arg7[%dma_wait3A_133, %dma_wait3A_134] : memref<84x128xf32, #tpu.memory_space<vmem>> -> memref<80x128xf32, #tpu.memory_space<vmem>>
      tpu.wait_dma2 semaphore(%run_scoped3A_116 : memref<!tpu.dma_semaphore, #tpu.memory_space<semaphore_mem>>) src(%dma_wait3A_135 : memref<80x128xf32, #tpu.memory_space<vmem>>) dst(%dma_wait3A_132 : memref<80x128xf32, #tpu.memory_space<hbm>>)
      tpu.yield
    }) : () -> ()
    %mul3A_81 = arith.constant 640 : i32
    %mul3A_82 = arith.muli %arg1, %mul3A_81 : i32
    %add3A_83 = arith.constant 240 : i32
    %add3A_84 = arith.addi %mul3A_82, %add3A_83 : i32
    "tpu.region"() ({
      %run_scoped3A_116 = tpu.sem_alloc : memref<!tpu.dma_semaphore, #tpu.memory_space<semaphore_mem>>
      %dma_start3A_117 = arith.constant 0 : i32
      %dma_start3A_118 = arith.constant 0 : i32
      %dma_start3A_119 = tpu.memref_slice %arg7[%dma_start3A_117, %dma_start3A_118] : memref<84x128xf32, #tpu.memory_space<vmem>> -> memref<80x128xf32, #tpu.memory_space<vmem>>
      %dma_start3A_120 = arith.constant 0 : i32
      %dma_start3A_121 = tpu.memref_slice %arg9[%add3A_84, %dma_start3A_120] : memref<10240x128xf32, #tpu.memory_space<vmem_shared>> -> memref<80x128xf32, #tpu.memory_space<vmem_shared>>
      %dma_start3A_122 = arith.constant 0 : i32
      %dma_start3A_123 = arith.constant 0 : i32
      %dma_start3A_124 = tpu.memref_slice %arg7[%dma_start3A_122, %dma_start3A_123] : memref<84x128xf32, #tpu.memory_space<vmem>> -> memref<80x128xf32, #tpu.memory_space<vmem>>
      %dma_start3A_125 = arith.constant 0 : i32
      %dma_start3A_126 = tpu.memref_slice %arg9[%add3A_84, %dma_start3A_125] : memref<10240x128xf32, #tpu.memory_space<vmem_shared>> -> memref<80x128xf32, #tpu.memory_space<vmem_shared>>
      tpu.enqueue_dma source(%dma_start3A_126 : memref<80x128xf32, #tpu.memory_space<vmem_shared>>) target(%dma_start3A_124 : memref<80x128xf32, #tpu.memory_space<vmem>>) target_semaphore(%run_scoped3A_116 : memref<!tpu.dma_semaphore, #tpu.memory_space<semaphore_mem>>)
      %dma_wait3A = arith.constant 0 : i32
      %dma_wait3A_127 = arith.constant 0 : i32
      %dma_wait3A_128 = tpu.memref_slice %arg7[%dma_wait3A, %dma_wait3A_127] : memref<84x128xf32, #tpu.memory_space<vmem>> -> memref<80x128xf32, #tpu.memory_space<vmem>>
      %dma_wait3A_129 = arith.constant 0 : i32
      %dma_wait3A_130 = tpu.memref_slice %arg9[%add3A_84, %dma_wait3A_129] : memref<10240x128xf32, #tpu.memory_space<vmem_shared>> -> memref<80x128xf32, #tpu.memory_space<vmem_shared>>
      %dma_wait3A_131 = arith.constant 0 : i32
      %dma_wait3A_132 = arith.constant 0 : i32
      %dma_wait3A_133 = tpu.memref_slice %arg7[%dma_wait3A_131, %dma_wait3A_132] : memref<84x128xf32, #tpu.memory_space<vmem>> -> memref<80x128xf32, #tpu.memory_space<vmem>>
      %dma_wait3A_134 = arith.constant 0 : i32
      %dma_wait3A_135 = tpu.memref_slice %arg9[%add3A_84, %dma_wait3A_134] : memref<10240x128xf32, #tpu.memory_space<vmem_shared>> -> memref<80x128xf32, #tpu.memory_space<vmem_shared>>
      tpu.wait_dma2 semaphore(%run_scoped3A_116 : memref<!tpu.dma_semaphore, #tpu.memory_space<semaphore_mem>>) src(%dma_wait3A_135 : memref<80x128xf32, #tpu.memory_space<vmem_shared>>) dst(%dma_wait3A_133 : memref<80x128xf32, #tpu.memory_space<vmem>>)
      tpu.yield
    }) : () -> ()
    %mul3A_85 = arith.constant 10240 : i32
    %mul3A_86 = arith.muli %arg0, %mul3A_85 : i32
    %add3A_87 = arith.addi %mul3A_86, %add3A_84 : i32
    "tpu.region"() ({
      %run_scoped3A_116 = tpu.sem_alloc : memref<!tpu.dma_semaphore, #tpu.memory_space<semaphore_mem>>
      %dma_start3A_117 = arith.constant 0 : i32
      %dma_start3A_118 = arith.constant 0 : i32
      %dma_start3A_119 = tpu.memref_slice %arg7[%dma_start3A_117, %dma_start3A_118] : memref<84x128xf32, #tpu.memory_space<vmem>> -> memref<80x128xf32, #tpu.memory_space<vmem>>
      %dma_start3A_120 = arith.constant 0 : i32
      %dma_start3A_121 = tpu.memref_slice %arg4[%add3A_87, %dma_start3A_120] : memref<20480x128xf32, #tpu.memory_space<hbm>> -> memref<80x128xf32, #tpu.memory_space<hbm>>
      %dma_start3A_122 = arith.constant 0 : i32
      %dma_start3A_123 = tpu.memref_slice %arg4[%add3A_87, %dma_start3A_122] : memref<20480x128xf32, #tpu.memory_space<hbm>> -> memref<80x128xf32, #tpu.memory_space<hbm>>
      %dma_start3A_124 = arith.constant 0 : i32
      %dma_start3A_125 = arith.constant 0 : i32
      %dma_start3A_126 = tpu.memref_slice %arg7[%dma_start3A_124, %dma_start3A_125] : memref<84x128xf32, #tpu.memory_space<vmem>> -> memref<80x128xf32, #tpu.memory_space<vmem>>
      tpu.enqueue_dma source(%dma_start3A_126 : memref<80x128xf32, #tpu.memory_space<vmem>>) target(%dma_start3A_123 : memref<80x128xf32, #tpu.memory_space<hbm>>) target_semaphore(%run_scoped3A_116 : memref<!tpu.dma_semaphore, #tpu.memory_space<semaphore_mem>>)
      %dma_wait3A = arith.constant 0 : i32
      %dma_wait3A_127 = arith.constant 0 : i32
      %dma_wait3A_128 = tpu.memref_slice %arg7[%dma_wait3A, %dma_wait3A_127] : memref<84x128xf32, #tpu.memory_space<vmem>> -> memref<80x128xf32, #tpu.memory_space<vmem>>
      %dma_wait3A_129 = arith.constant 0 : i32
      %dma_wait3A_130 = tpu.memref_slice %arg4[%add3A_87, %dma_wait3A_129] : memref<20480x128xf32, #tpu.memory_space<hbm>> -> memref<80x128xf32, #tpu.memory_space<hbm>>
      %dma_wait3A_131 = arith.constant 0 : i32
      %dma_wait3A_132 = tpu.memref_slice %arg4[%add3A_87, %dma_wait3A_131] : memref<20480x128xf32, #tpu.memory_space<hbm>> -> memref<80x128xf32, #tpu.memory_space<hbm>>
      %dma_wait3A_133 = arith.constant 0 : i32
      %dma_wait3A_134 = arith.constant 0 : i32
      %dma_wait3A_135 = tpu.memref_slice %arg7[%dma_wait3A_133, %dma_wait3A_134] : memref<84x128xf32, #tpu.memory_space<vmem>> -> memref<80x128xf32, #tpu.memory_space<vmem>>
      tpu.wait_dma2 semaphore(%run_scoped3A_116 : memref<!tpu.dma_semaphore, #tpu.memory_space<semaphore_mem>>) src(%dma_wait3A_135 : memref<80x128xf32, #tpu.memory_space<vmem>>) dst(%dma_wait3A_132 : memref<80x128xf32, #tpu.memory_space<hbm>>)
      tpu.yield
    }) : () -> ()
    %mul3A_88 = arith.constant 640 : i32
    %mul3A_89 = arith.muli %arg1, %mul3A_88 : i32
    %add3A_90 = arith.constant 320 : i32
    %add3A_91 = arith.addi %mul3A_89, %add3A_90 : i32
    "tpu.region"() ({
      %run_scoped3A_116 = tpu.sem_alloc : memref<!tpu.dma_semaphore, #tpu.memory_space<semaphore_mem>>
      %dma_start3A_117 = arith.constant 0 : i32
      %dma_start3A_118 = arith.constant 0 : i32
      %dma_start3A_119 = tpu.memref_slice %arg7[%dma_start3A_117, %dma_start3A_118] : memref<84x128xf32, #tpu.memory_space<vmem>> -> memref<80x128xf32, #tpu.memory_space<vmem>>
      %dma_start3A_120 = arith.constant 0 : i32
      %dma_start3A_121 = tpu.memref_slice %arg9[%add3A_91, %dma_start3A_120] : memref<10240x128xf32, #tpu.memory_space<vmem_shared>> -> memref<80x128xf32, #tpu.memory_space<vmem_shared>>
      %dma_start3A_122 = arith.constant 0 : i32
      %dma_start3A_123 = arith.constant 0 : i32
      %dma_start3A_124 = tpu.memref_slice %arg7[%dma_start3A_122, %dma_start3A_123] : memref<84x128xf32, #tpu.memory_space<vmem>> -> memref<80x128xf32, #tpu.memory_space<vmem>>
      %dma_start3A_125 = arith.constant 0 : i32
      %dma_start3A_126 = tpu.memref_slice %arg9[%add3A_91, %dma_start3A_125] : memref<10240x128xf32, #tpu.memory_space<vmem_shared>> -> memref<80x128xf32, #tpu.memory_space<vmem_shared>>
      tpu.enqueue_dma source(%dma_start3A_126 : memref<80x128xf32, #tpu.memory_space<vmem_shared>>) target(%dma_start3A_124 : memref<80x128xf32, #tpu.memory_space<vmem>>) target_semaphore(%run_scoped3A_116 : memref<!tpu.dma_semaphore, #tpu.memory_space<semaphore_mem>>)
      %dma_wait3A = arith.constant 0 : i32
      %dma_wait3A_127 = arith.constant 0 : i32
      %dma_wait3A_128 = tpu.memref_slice %arg7[%dma_wait3A, %dma_wait3A_127] : memref<84x128xf32, #tpu.memory_space<vmem>> -> memref<80x128xf32, #tpu.memory_space<vmem>>
      %dma_wait3A_129 = arith.constant 0 : i32
      %dma_wait3A_130 = tpu.memref_slice %arg9[%add3A_91, %dma_wait3A_129] : memref<10240x128xf32, #tpu.memory_space<vmem_shared>> -> memref<80x128xf32, #tpu.memory_space<vmem_shared>>
      %dma_wait3A_131 = arith.constant 0 : i32
      %dma_wait3A_132 = arith.constant 0 : i32
      %dma_wait3A_133 = tpu.memref_slice %arg7[%dma_wait3A_131, %dma_wait3A_132] : memref<84x128xf32, #tpu.memory_space<vmem>> -> memref<80x128xf32, #tpu.memory_space<vmem>>
      %dma_wait3A_134 = arith.constant 0 : i32
      %dma_wait3A_135 = tpu.memref_slice %arg9[%add3A_91, %dma_wait3A_134] : memref<10240x128xf32, #tpu.memory_space<vmem_shared>> -> memref<80x128xf32, #tpu.memory_space<vmem_shared>>
      tpu.wait_dma2 semaphore(%run_scoped3A_116 : memref<!tpu.dma_semaphore, #tpu.memory_space<semaphore_mem>>) src(%dma_wait3A_135 : memref<80x128xf32, #tpu.memory_space<vmem_shared>>) dst(%dma_wait3A_133 : memref<80x128xf32, #tpu.memory_space<vmem>>)
      tpu.yield
    }) : () -> ()
    %mul3A_92 = arith.constant 10240 : i32
    %mul3A_93 = arith.muli %arg0, %mul3A_92 : i32
    %add3A_94 = arith.addi %mul3A_93, %add3A_91 : i32
    "tpu.region"() ({
      %run_scoped3A_116 = tpu.sem_alloc : memref<!tpu.dma_semaphore, #tpu.memory_space<semaphore_mem>>
      %dma_start3A_117 = arith.constant 0 : i32
      %dma_start3A_118 = arith.constant 0 : i32
      %dma_start3A_119 = tpu.memref_slice %arg7[%dma_start3A_117, %dma_start3A_118] : memref<84x128xf32, #tpu.memory_space<vmem>> -> memref<80x128xf32, #tpu.memory_space<vmem>>
      %dma_start3A_120 = arith.constant 0 : i32
      %dma_start3A_121 = tpu.memref_slice %arg4[%add3A_94, %dma_start3A_120] : memref<20480x128xf32, #tpu.memory_space<hbm>> -> memref<80x128xf32, #tpu.memory_space<hbm>>
      %dma_start3A_122 = arith.constant 0 : i32
      %dma_start3A_123 = tpu.memref_slice %arg4[%add3A_94, %dma_start3A_122] : memref<20480x128xf32, #tpu.memory_space<hbm>> -> memref<80x128xf32, #tpu.memory_space<hbm>>
      %dma_start3A_124 = arith.constant 0 : i32
      %dma_start3A_125 = arith.constant 0 : i32
      %dma_start3A_126 = tpu.memref_slice %arg7[%dma_start3A_124, %dma_start3A_125] : memref<84x128xf32, #tpu.memory_space<vmem>> -> memref<80x128xf32, #tpu.memory_space<vmem>>
      tpu.enqueue_dma source(%dma_start3A_126 : memref<80x128xf32, #tpu.memory_space<vmem>>) target(%dma_start3A_123 : memref<80x128xf32, #tpu.memory_space<hbm>>) target_semaphore(%run_scoped3A_116 : memref<!tpu.dma_semaphore, #tpu.memory_space<semaphore_mem>>)
      %dma_wait3A = arith.constant 0 : i32
      %dma_wait3A_127 = arith.constant 0 : i32
      %dma_wait3A_128 = tpu.memref_slice %arg7[%dma_wait3A, %dma_wait3A_127] : memref<84x128xf32, #tpu.memory_space<vmem>> -> memref<80x128xf32, #tpu.memory_space<vmem>>
      %dma_wait3A_129 = arith.constant 0 : i32
      %dma_wait3A_130 = tpu.memref_slice %arg4[%add3A_94, %dma_wait3A_129] : memref<20480x128xf32, #tpu.memory_space<hbm>> -> memref<80x128xf32, #tpu.memory_space<hbm>>
      %dma_wait3A_131 = arith.constant 0 : i32
      %dma_wait3A_132 = tpu.memref_slice %arg4[%add3A_94, %dma_wait3A_131] : memref<20480x128xf32, #tpu.memory_space<hbm>> -> memref<80x128xf32, #tpu.memory_space<hbm>>
      %dma_wait3A_133 = arith.constant 0 : i32
      %dma_wait3A_134 = arith.constant 0 : i32
      %dma_wait3A_135 = tpu.memref_slice %arg7[%dma_wait3A_133, %dma_wait3A_134] : memref<84x128xf32, #tpu.memory_space<vmem>> -> memref<80x128xf32, #tpu.memory_space<vmem>>
      tpu.wait_dma2 semaphore(%run_scoped3A_116 : memref<!tpu.dma_semaphore, #tpu.memory_space<semaphore_mem>>) src(%dma_wait3A_135 : memref<80x128xf32, #tpu.memory_space<vmem>>) dst(%dma_wait3A_132 : memref<80x128xf32, #tpu.memory_space<hbm>>)
      tpu.yield
    }) : () -> ()
    %mul3A_95 = arith.constant 640 : i32
    %mul3A_96 = arith.muli %arg1, %mul3A_95 : i32
    %add3A_97 = arith.constant 400 : i32
    %add3A_98 = arith.addi %mul3A_96, %add3A_97 : i32
    "tpu.region"() ({
      %run_scoped3A_116 = tpu.sem_alloc : memref<!tpu.dma_semaphore, #tpu.memory_space<semaphore_mem>>
      %dma_start3A_117 = arith.constant 0 : i32
      %dma_start3A_118 = arith.constant 0 : i32
      %dma_start3A_119 = tpu.memref_slice %arg7[%dma_start3A_117, %dma_start3A_118] : memref<84x128xf32, #tpu.memory_space<vmem>> -> memref<80x128xf32, #tpu.memory_space<vmem>>
      %dma_start3A_120 = arith.constant 0 : i32
      %dma_start3A_121 = tpu.memref_slice %arg9[%add3A_98, %dma_start3A_120] : memref<10240x128xf32, #tpu.memory_space<vmem_shared>> -> memref<80x128xf32, #tpu.memory_space<vmem_shared>>
      %dma_start3A_122 = arith.constant 0 : i32
      %dma_start3A_123 = arith.constant 0 : i32
      %dma_start3A_124 = tpu.memref_slice %arg7[%dma_start3A_122, %dma_start3A_123] : memref<84x128xf32, #tpu.memory_space<vmem>> -> memref<80x128xf32, #tpu.memory_space<vmem>>
      %dma_start3A_125 = arith.constant 0 : i32
      %dma_start3A_126 = tpu.memref_slice %arg9[%add3A_98, %dma_start3A_125] : memref<10240x128xf32, #tpu.memory_space<vmem_shared>> -> memref<80x128xf32, #tpu.memory_space<vmem_shared>>
      tpu.enqueue_dma source(%dma_start3A_126 : memref<80x128xf32, #tpu.memory_space<vmem_shared>>) target(%dma_start3A_124 : memref<80x128xf32, #tpu.memory_space<vmem>>) target_semaphore(%run_scoped3A_116 : memref<!tpu.dma_semaphore, #tpu.memory_space<semaphore_mem>>)
      %dma_wait3A = arith.constant 0 : i32
      %dma_wait3A_127 = arith.constant 0 : i32
      %dma_wait3A_128 = tpu.memref_slice %arg7[%dma_wait3A, %dma_wait3A_127] : memref<84x128xf32, #tpu.memory_space<vmem>> -> memref<80x128xf32, #tpu.memory_space<vmem>>
      %dma_wait3A_129 = arith.constant 0 : i32
      %dma_wait3A_130 = tpu.memref_slice %arg9[%add3A_98, %dma_wait3A_129] : memref<10240x128xf32, #tpu.memory_space<vmem_shared>> -> memref<80x128xf32, #tpu.memory_space<vmem_shared>>
      %dma_wait3A_131 = arith.constant 0 : i32
      %dma_wait3A_132 = arith.constant 0 : i32
      %dma_wait3A_133 = tpu.memref_slice %arg7[%dma_wait3A_131, %dma_wait3A_132] : memref<84x128xf32, #tpu.memory_space<vmem>> -> memref<80x128xf32, #tpu.memory_space<vmem>>
      %dma_wait3A_134 = arith.constant 0 : i32
      %dma_wait3A_135 = tpu.memref_slice %arg9[%add3A_98, %dma_wait3A_134] : memref<10240x128xf32, #tpu.memory_space<vmem_shared>> -> memref<80x128xf32, #tpu.memory_space<vmem_shared>>
      tpu.wait_dma2 semaphore(%run_scoped3A_116 : memref<!tpu.dma_semaphore, #tpu.memory_space<semaphore_mem>>) src(%dma_wait3A_135 : memref<80x128xf32, #tpu.memory_space<vmem_shared>>) dst(%dma_wait3A_133 : memref<80x128xf32, #tpu.memory_space<vmem>>)
      tpu.yield
    }) : () -> ()
    %mul3A_99 = arith.constant 10240 : i32
    %mul3A_100 = arith.muli %arg0, %mul3A_99 : i32
    %add3A_101 = arith.addi %mul3A_100, %add3A_98 : i32
    "tpu.region"() ({
      %run_scoped3A_116 = tpu.sem_alloc : memref<!tpu.dma_semaphore, #tpu.memory_space<semaphore_mem>>
      %dma_start3A_117 = arith.constant 0 : i32
      %dma_start3A_118 = arith.constant 0 : i32
      %dma_start3A_119 = tpu.memref_slice %arg7[%dma_start3A_117, %dma_start3A_118] : memref<84x128xf32, #tpu.memory_space<vmem>> -> memref<80x128xf32, #tpu.memory_space<vmem>>
      %dma_start3A_120 = arith.constant 0 : i32
      %dma_start3A_121 = tpu.memref_slice %arg4[%add3A_101, %dma_start3A_120] : memref<20480x128xf32, #tpu.memory_space<hbm>> -> memref<80x128xf32, #tpu.memory_space<hbm>>
      %dma_start3A_122 = arith.constant 0 : i32
      %dma_start3A_123 = tpu.memref_slice %arg4[%add3A_101, %dma_start3A_122] : memref<20480x128xf32, #tpu.memory_space<hbm>> -> memref<80x128xf32, #tpu.memory_space<hbm>>
      %dma_start3A_124 = arith.constant 0 : i32
      %dma_start3A_125 = arith.constant 0 : i32
      %dma_start3A_126 = tpu.memref_slice %arg7[%dma_start3A_124, %dma_start3A_125] : memref<84x128xf32, #tpu.memory_space<vmem>> -> memref<80x128xf32, #tpu.memory_space<vmem>>
      tpu.enqueue_dma source(%dma_start3A_126 : memref<80x128xf32, #tpu.memory_space<vmem>>) target(%dma_start3A_123 : memref<80x128xf32, #tpu.memory_space<hbm>>) target_semaphore(%run_scoped3A_116 : memref<!tpu.dma_semaphore, #tpu.memory_space<semaphore_mem>>)
      %dma_wait3A = arith.constant 0 : i32
      %dma_wait3A_127 = arith.constant 0 : i32
      %dma_wait3A_128 = tpu.memref_slice %arg7[%dma_wait3A, %dma_wait3A_127] : memref<84x128xf32, #tpu.memory_space<vmem>> -> memref<80x128xf32, #tpu.memory_space<vmem>>
      %dma_wait3A_129 = arith.constant 0 : i32
      %dma_wait3A_130 = tpu.memref_slice %arg4[%add3A_101, %dma_wait3A_129] : memref<20480x128xf32, #tpu.memory_space<hbm>> -> memref<80x128xf32, #tpu.memory_space<hbm>>
      %dma_wait3A_131 = arith.constant 0 : i32
      %dma_wait3A_132 = tpu.memref_slice %arg4[%add3A_101, %dma_wait3A_131] : memref<20480x128xf32, #tpu.memory_space<hbm>> -> memref<80x128xf32, #tpu.memory_space<hbm>>
      %dma_wait3A_133 = arith.constant 0 : i32
      %dma_wait3A_134 = arith.constant 0 : i32
      %dma_wait3A_135 = tpu.memref_slice %arg7[%dma_wait3A_133, %dma_wait3A_134] : memref<84x128xf32, #tpu.memory_space<vmem>> -> memref<80x128xf32, #tpu.memory_space<vmem>>
      tpu.wait_dma2 semaphore(%run_scoped3A_116 : memref<!tpu.dma_semaphore, #tpu.memory_space<semaphore_mem>>) src(%dma_wait3A_135 : memref<80x128xf32, #tpu.memory_space<vmem>>) dst(%dma_wait3A_132 : memref<80x128xf32, #tpu.memory_space<hbm>>)
      tpu.yield
    }) : () -> ()
    %mul3A_102 = arith.constant 640 : i32
    %mul3A_103 = arith.muli %arg1, %mul3A_102 : i32
    %add3A_104 = arith.constant 480 : i32
    %add3A_105 = arith.addi %mul3A_103, %add3A_104 : i32
    "tpu.region"() ({
      %run_scoped3A_116 = tpu.sem_alloc : memref<!tpu.dma_semaphore, #tpu.memory_space<semaphore_mem>>
      %dma_start3A_117 = arith.constant 0 : i32
      %dma_start3A_118 = arith.constant 0 : i32
      %dma_start3A_119 = tpu.memref_slice %arg7[%dma_start3A_117, %dma_start3A_118] : memref<84x128xf32, #tpu.memory_space<vmem>> -> memref<80x128xf32, #tpu.memory_space<vmem>>
      %dma_start3A_120 = arith.constant 0 : i32
      %dma_start3A_121 = tpu.memref_slice %arg9[%add3A_105, %dma_start3A_120] : memref<10240x128xf32, #tpu.memory_space<vmem_shared>> -> memref<80x128xf32, #tpu.memory_space<vmem_shared>>
      %dma_start3A_122 = arith.constant 0 : i32
      %dma_start3A_123 = arith.constant 0 : i32
      %dma_start3A_124 = tpu.memref_slice %arg7[%dma_start3A_122, %dma_start3A_123] : memref<84x128xf32, #tpu.memory_space<vmem>> -> memref<80x128xf32, #tpu.memory_space<vmem>>
      %dma_start3A_125 = arith.constant 0 : i32
      %dma_start3A_126 = tpu.memref_slice %arg9[%add3A_105, %dma_start3A_125] : memref<10240x128xf32, #tpu.memory_space<vmem_shared>> -> memref<80x128xf32, #tpu.memory_space<vmem_shared>>
      tpu.enqueue_dma source(%dma_start3A_126 : memref<80x128xf32, #tpu.memory_space<vmem_shared>>) target(%dma_start3A_124 : memref<80x128xf32, #tpu.memory_space<vmem>>) target_semaphore(%run_scoped3A_116 : memref<!tpu.dma_semaphore, #tpu.memory_space<semaphore_mem>>)
      %dma_wait3A = arith.constant 0 : i32
      %dma_wait3A_127 = arith.constant 0 : i32
      %dma_wait3A_128 = tpu.memref_slice %arg7[%dma_wait3A, %dma_wait3A_127] : memref<84x128xf32, #tpu.memory_space<vmem>> -> memref<80x128xf32, #tpu.memory_space<vmem>>
      %dma_wait3A_129 = arith.constant 0 : i32
      %dma_wait3A_130 = tpu.memref_slice %arg9[%add3A_105, %dma_wait3A_129] : memref<10240x128xf32, #tpu.memory_space<vmem_shared>> -> memref<80x128xf32, #tpu.memory_space<vmem_shared>>
      %dma_wait3A_131 = arith.constant 0 : i32
      %dma_wait3A_132 = arith.constant 0 : i32
      %dma_wait3A_133 = tpu.memref_slice %arg7[%dma_wait3A_131, %dma_wait3A_132] : memref<84x128xf32, #tpu.memory_space<vmem>> -> memref<80x128xf32, #tpu.memory_space<vmem>>
      %dma_wait3A_134 = arith.constant 0 : i32
      %dma_wait3A_135 = tpu.memref_slice %arg9[%add3A_105, %dma_wait3A_134] : memref<10240x128xf32, #tpu.memory_space<vmem_shared>> -> memref<80x128xf32, #tpu.memory_space<vmem_shared>>
      tpu.wait_dma2 semaphore(%run_scoped3A_116 : memref<!tpu.dma_semaphore, #tpu.memory_space<semaphore_mem>>) src(%dma_wait3A_135 : memref<80x128xf32, #tpu.memory_space<vmem_shared>>) dst(%dma_wait3A_133 : memref<80x128xf32, #tpu.memory_space<vmem>>)
      tpu.yield
    }) : () -> ()
    %mul3A_106 = arith.constant 10240 : i32
    %mul3A_107 = arith.muli %arg0, %mul3A_106 : i32
    %add3A_108 = arith.addi %mul3A_107, %add3A_105 : i32
    "tpu.region"() ({
      %run_scoped3A_116 = tpu.sem_alloc : memref<!tpu.dma_semaphore, #tpu.memory_space<semaphore_mem>>
      %dma_start3A_117 = arith.constant 0 : i32
      %dma_start3A_118 = arith.constant 0 : i32
      %dma_start3A_119 = tpu.memref_slice %arg7[%dma_start3A_117, %dma_start3A_118] : memref<84x128xf32, #tpu.memory_space<vmem>> -> memref<80x128xf32, #tpu.memory_space<vmem>>
      %dma_start3A_120 = arith.constant 0 : i32
      %dma_start3A_121 = tpu.memref_slice %arg4[%add3A_108, %dma_start3A_120] : memref<20480x128xf32, #tpu.memory_space<hbm>> -> memref<80x128xf32, #tpu.memory_space<hbm>>
      %dma_start3A_122 = arith.constant 0 : i32
      %dma_start3A_123 = tpu.memref_slice %arg4[%add3A_108, %dma_start3A_122] : memref<20480x128xf32, #tpu.memory_space<hbm>> -> memref<80x128xf32, #tpu.memory_space<hbm>>
      %dma_start3A_124 = arith.constant 0 : i32
      %dma_start3A_125 = arith.constant 0 : i32
      %dma_start3A_126 = tpu.memref_slice %arg7[%dma_start3A_124, %dma_start3A_125] : memref<84x128xf32, #tpu.memory_space<vmem>> -> memref<80x128xf32, #tpu.memory_space<vmem>>
      tpu.enqueue_dma source(%dma_start3A_126 : memref<80x128xf32, #tpu.memory_space<vmem>>) target(%dma_start3A_123 : memref<80x128xf32, #tpu.memory_space<hbm>>) target_semaphore(%run_scoped3A_116 : memref<!tpu.dma_semaphore, #tpu.memory_space<semaphore_mem>>)
      %dma_wait3A = arith.constant 0 : i32
      %dma_wait3A_127 = arith.constant 0 : i32
      %dma_wait3A_128 = tpu.memref_slice %arg7[%dma_wait3A, %dma_wait3A_127] : memref<84x128xf32, #tpu.memory_space<vmem>> -> memref<80x128xf32, #tpu.memory_space<vmem>>
      %dma_wait3A_129 = arith.constant 0 : i32
      %dma_wait3A_130 = tpu.memref_slice %arg4[%add3A_108, %dma_wait3A_129] : memref<20480x128xf32, #tpu.memory_space<hbm>> -> memref<80x128xf32, #tpu.memory_space<hbm>>
      %dma_wait3A_131 = arith.constant 0 : i32
      %dma_wait3A_132 = tpu.memref_slice %arg4[%add3A_108, %dma_wait3A_131] : memref<20480x128xf32, #tpu.memory_space<hbm>> -> memref<80x128xf32, #tpu.memory_space<hbm>>
      %dma_wait3A_133 = arith.constant 0 : i32
      %dma_wait3A_134 = arith.constant 0 : i32
      %dma_wait3A_135 = tpu.memref_slice %arg7[%dma_wait3A_133, %dma_wait3A_134] : memref<84x128xf32, #tpu.memory_space<vmem>> -> memref<80x128xf32, #tpu.memory_space<vmem>>
      tpu.wait_dma2 semaphore(%run_scoped3A_116 : memref<!tpu.dma_semaphore, #tpu.memory_space<semaphore_mem>>) src(%dma_wait3A_135 : memref<80x128xf32, #tpu.memory_space<vmem>>) dst(%dma_wait3A_132 : memref<80x128xf32, #tpu.memory_space<hbm>>)
      tpu.yield
    }) : () -> ()
    %mul3A_109 = arith.constant 640 : i32
    %mul3A_110 = arith.muli %arg1, %mul3A_109 : i32
    %add3A_111 = arith.constant 560 : i32
    %add3A_112 = arith.addi %mul3A_110, %add3A_111 : i32
    "tpu.region"() ({
      %run_scoped3A_116 = tpu.sem_alloc : memref<!tpu.dma_semaphore, #tpu.memory_space<semaphore_mem>>
      %dma_start3A_117 = arith.constant 0 : i32
      %dma_start3A_118 = arith.constant 0 : i32
      %dma_start3A_119 = tpu.memref_slice %arg7[%dma_start3A_117, %dma_start3A_118] : memref<84x128xf32, #tpu.memory_space<vmem>> -> memref<80x128xf32, #tpu.memory_space<vmem>>
      %dma_start3A_120 = arith.constant 0 : i32
      %dma_start3A_121 = tpu.memref_slice %arg9[%add3A_112, %dma_start3A_120] : memref<10240x128xf32, #tpu.memory_space<vmem_shared>> -> memref<80x128xf32, #tpu.memory_space<vmem_shared>>
      %dma_start3A_122 = arith.constant 0 : i32
      %dma_start3A_123 = arith.constant 0 : i32
      %dma_start3A_124 = tpu.memref_slice %arg7[%dma_start3A_122, %dma_start3A_123] : memref<84x128xf32, #tpu.memory_space<vmem>> -> memref<80x128xf32, #tpu.memory_space<vmem>>
      %dma_start3A_125 = arith.constant 0 : i32
      %dma_start3A_126 = tpu.memref_slice %arg9[%add3A_112, %dma_start3A_125] : memref<10240x128xf32, #tpu.memory_space<vmem_shared>> -> memref<80x128xf32, #tpu.memory_space<vmem_shared>>
      tpu.enqueue_dma source(%dma_start3A_126 : memref<80x128xf32, #tpu.memory_space<vmem_shared>>) target(%dma_start3A_124 : memref<80x128xf32, #tpu.memory_space<vmem>>) target_semaphore(%run_scoped3A_116 : memref<!tpu.dma_semaphore, #tpu.memory_space<semaphore_mem>>)
      %dma_wait3A = arith.constant 0 : i32
      %dma_wait3A_127 = arith.constant 0 : i32
      %dma_wait3A_128 = tpu.memref_slice %arg7[%dma_wait3A, %dma_wait3A_127] : memref<84x128xf32, #tpu.memory_space<vmem>> -> memref<80x128xf32, #tpu.memory_space<vmem>>
      %dma_wait3A_129 = arith.constant 0 : i32
      %dma_wait3A_130 = tpu.memref_slice %arg9[%add3A_112, %dma_wait3A_129] : memref<10240x128xf32, #tpu.memory_space<vmem_shared>> -> memref<80x128xf32, #tpu.memory_space<vmem_shared>>
      %dma_wait3A_131 = arith.constant 0 : i32
      %dma_wait3A_132 = arith.constant 0 : i32
      %dma_wait3A_133 = tpu.memref_slice %arg7[%dma_wait3A_131, %dma_wait3A_132] : memref<84x128xf32, #tpu.memory_space<vmem>> -> memref<80x128xf32, #tpu.memory_space<vmem>>
      %dma_wait3A_134 = arith.constant 0 : i32
      %dma_wait3A_135 = tpu.memref_slice %arg9[%add3A_112, %dma_wait3A_134] : memref<10240x128xf32, #tpu.memory_space<vmem_shared>> -> memref<80x128xf32, #tpu.memory_space<vmem_shared>>
      tpu.wait_dma2 semaphore(%run_scoped3A_116 : memref<!tpu.dma_semaphore, #tpu.memory_space<semaphore_mem>>) src(%dma_wait3A_135 : memref<80x128xf32, #tpu.memory_space<vmem_shared>>) dst(%dma_wait3A_133 : memref<80x128xf32, #tpu.memory_space<vmem>>)
      tpu.yield
    }) : () -> ()
    %mul3A_113 = arith.constant 10240 : i32
    %mul3A_114 = arith.muli %arg0, %mul3A_113 : i32
    %add3A_115 = arith.addi %mul3A_114, %add3A_112 : i32
    "tpu.region"() ({
      %run_scoped3A_116 = tpu.sem_alloc : memref<!tpu.dma_semaphore, #tpu.memory_space<semaphore_mem>>
      %dma_start3A_117 = arith.constant 0 : i32
      %dma_start3A_118 = arith.constant 0 : i32
      %dma_start3A_119 = tpu.memref_slice %arg7[%dma_start3A_117, %dma_start3A_118] : memref<84x128xf32, #tpu.memory_space<vmem>> -> memref<80x128xf32, #tpu.memory_space<vmem>>
      %dma_start3A_120 = arith.constant 0 : i32
      %dma_start3A_121 = tpu.memref_slice %arg4[%add3A_115, %dma_start3A_120] : memref<20480x128xf32, #tpu.memory_space<hbm>> -> memref<80x128xf32, #tpu.memory_space<hbm>>
      %dma_start3A_122 = arith.constant 0 : i32
      %dma_start3A_123 = tpu.memref_slice %arg4[%add3A_115, %dma_start3A_122] : memref<20480x128xf32, #tpu.memory_space<hbm>> -> memref<80x128xf32, #tpu.memory_space<hbm>>
      %dma_start3A_124 = arith.constant 0 : i32
      %dma_start3A_125 = arith.constant 0 : i32
      %dma_start3A_126 = tpu.memref_slice %arg7[%dma_start3A_124, %dma_start3A_125] : memref<84x128xf32, #tpu.memory_space<vmem>> -> memref<80x128xf32, #tpu.memory_space<vmem>>
      tpu.enqueue_dma source(%dma_start3A_126 : memref<80x128xf32, #tpu.memory_space<vmem>>) target(%dma_start3A_123 : memref<80x128xf32, #tpu.memory_space<hbm>>) target_semaphore(%run_scoped3A_116 : memref<!tpu.dma_semaphore, #tpu.memory_space<semaphore_mem>>)
      %dma_wait3A = arith.constant 0 : i32
      %dma_wait3A_127 = arith.constant 0 : i32
      %dma_wait3A_128 = tpu.memref_slice %arg7[%dma_wait3A, %dma_wait3A_127] : memref<84x128xf32, #tpu.memory_space<vmem>> -> memref<80x128xf32, #tpu.memory_space<vmem>>
      %dma_wait3A_129 = arith.constant 0 : i32
      %dma_wait3A_130 = tpu.memref_slice %arg4[%add3A_115, %dma_wait3A_129] : memref<20480x128xf32, #tpu.memory_space<hbm>> -> memref<80x128xf32, #tpu.memory_space<hbm>>
      %dma_wait3A_131 = arith.constant 0 : i32
      %dma_wait3A_132 = tpu.memref_slice %arg4[%add3A_115, %dma_wait3A_131] : memref<20480x128xf32, #tpu.memory_space<hbm>> -> memref<80x128xf32, #tpu.memory_space<hbm>>
      %dma_wait3A_133 = arith.constant 0 : i32
      %dma_wait3A_134 = arith.constant 0 : i32
      %dma_wait3A_135 = tpu.memref_slice %arg7[%dma_wait3A_133, %dma_wait3A_134] : memref<84x128xf32, #tpu.memory_space<vmem>> -> memref<80x128xf32, #tpu.memory_space<vmem>>
      tpu.wait_dma2 semaphore(%run_scoped3A_116 : memref<!tpu.dma_semaphore, #tpu.memory_space<semaphore_mem>>) src(%dma_wait3A_135 : memref<80x128xf32, #tpu.memory_space<vmem>>) dst(%dma_wait3A_132 : memref<80x128xf32, #tpu.memory_space<hbm>>)
      tpu.yield
    }) : () -> ()
    return
  }
}

module attributes {stable_mosaic.version = 14 : i64} {
  func.func @_tc1_body(%arg0: i32, %arg1: i32, %arg2: memref<640x256xf32, #tpu.memory_space<vmem>>, %arg3: memref<256x128xf32, #tpu.memory_space<vmem>>, %arg4: memref<640x1xf32, #tpu.memory_space<vmem>>, %arg5: memref<640x128xf32, #tpu.memory_space<vmem>>) attributes {dimension_semantics = [#tpu.dimension_semantics<arbitrary>, #tpu.dimension_semantics<arbitrary>], iteration_bounds = array<i64: 16, 2>, scalar_prefetch = 0 : i64, scratch_operands = 0 : i64, tpu.core_type = #tpu.core_type<tc>, window_params = [{transform_indices = @transform_0, window_bounds = array<i64: 640, 256>}, {transform_indices = @transform_1, window_bounds = array<i64: 256, 128>}, {transform_indices = @transform_2, window_bounds = array<i64: 640, 1>}, {transform_indices = @transform_3, window_bounds = array<i64: 640, 128>}]} {
    %get3A = arith.constant 0 : index
    %get3A_0 = arith.constant 0 : index
    %get3A_1 = vector.load %arg4[%get3A, %get3A_0] : memref<640x1xf32, #tpu.memory_space<vmem>>, vector<640x1xf32>
    %max3A = arith.constant 1.000000e+00 : f32
    %max3A_2 = vector.broadcast %max3A : f32 to vector<640x1xf32>
    %max3A_3 = arith.maximumf %get3A_1, %max3A_2 : vector<640x1xf32>
    %rsqrt3A = math.rsqrt %max3A_3 : vector<640x1xf32>
    %get3A_4 = arith.constant 0 : index
    %get3A_5 = arith.constant 0 : index
    %get3A_6 = vector.load %arg2[%get3A_4, %get3A_5] : memref<640x256xf32, #tpu.memory_space<vmem>>, vector<640x256xf32>
    %get3A_7 = arith.constant 0 : index
    %get3A_8 = arith.constant 0 : index
    %get3A_9 = vector.load %arg3[%get3A_7, %get3A_8] : memref<256x128xf32, #tpu.memory_space<vmem>>, vector<256x128xf32>
    %dot_general3A = arith.constant dense<0.000000e+00> : vector<640x128xf32>
    %dot_general3A_10 = tpu.matmul %get3A_6, %get3A_9, %dot_general3A {dimension_numbers = #tpu.dot_dimension_numbers<[1], [0], [0], [1], [0, 0, 1, 1], [], []>, transpose_lhs_hint = false} : vector<640x256xf32>, vector<256x128xf32>, vector<640x128xf32> -> vector<640x128xf32>
    %mul3A = vector.broadcast %rsqrt3A : vector<640x1xf32> to vector<640x128xf32>
    %mul3A_11 = arith.mulf %dot_general3A_10, %mul3A : vector<640x128xf32>
    %swap3A = arith.constant 0 : index
    %swap3A_12 = arith.constant 0 : index
    %swap3A_13 = vector.load %arg5[%swap3A, %swap3A_12] : memref<640x128xf32, #tpu.memory_space<vmem>>, vector<640x128xf32>
    tpu.vector_store %arg5[%swap3A, %swap3A_12], %mul3A_11 {strides = array<i32>} : memref<640x128xf32, #tpu.memory_space<vmem>>, vector<640x128xf32>,
    return
  }
  func.func @transform_0(%arg0: i32, %arg1: i32) -> (i32, i32) {
    %c0_i32 = arith.constant 0 : i32
    %c0_i32_0 = arith.constant 0 : i32
    return %arg0, %c0_i32 : i32, i32
  }
  func.func @transform_1(%arg0: i32, %arg1: i32) -> (i32, i32) {
    %c0_i32 = arith.constant 0 : i32
    %c0_i32_0 = arith.constant 0 : i32
    return %c0_i32, %arg1 : i32, i32
  }
  func.func @transform_2(%arg0: i32, %arg1: i32) -> (i32, i32) {
    %c0_i32 = arith.constant 0 : i32
    %c0_i32_0 = arith.constant 0 : i32
    return %arg0, %c0_i32 : i32, i32
  }
  func.func @transform_3(%arg0: i32, %arg1: i32) -> (i32, i32) {
    %mul3A = arith.constant 16 : i32
    %mul3A_0 = arith.muli %arg1, %mul3A : i32
    %add3A = arith.addi %mul3A_0, %arg0 : i32
    %c0_i32 = arith.constant 0 : i32
    %c0_i32_1 = arith.constant 0 : i32
    return %add3A, %c0_i32 : i32, i32
  }
}

module attributes {stable_mosaic.version = 14 : i64} {
  func.func @_tc2_body(%arg0: i32, %arg1: i32, %arg2: memref<640x128xf32, #tpu.memory_space<vmem>>, %arg3: memref<640x128xf32, #tpu.memory_space<vmem>>, %arg4: memref<256x128xf32, #tpu.memory_space<vmem>>, %arg5: memref<1x256xf32, #tpu.memory_space<vmem>>, %arg6: memref<640x1xf32, #tpu.memory_space<vmem>>, %arg7: memref<640x1xf32, #tpu.memory_space<vmem>>, %arg8: memref<640x128xf32, #tpu.memory_space<vmem>>) attributes {dimension_semantics = [#tpu.dimension_semantics<arbitrary>, #tpu.dimension_semantics<arbitrary>], iteration_bounds = array<i64: 16, 2>, scalar_prefetch = 0 : i64, scratch_operands = 0 : i64, tpu.core_type = #tpu.core_type<tc>, window_params = [{transform_indices = @transform_0, window_bounds = array<i64: 640, 128>}, {transform_indices = @transform_1, window_bounds = array<i64: 640, 128>}, {transform_indices = @transform_2, window_bounds = array<i64: 256, 128>}, {pipeline_mode = #tpu.pipeline_mode<synchronous>, transform_indices = @transform_3, window_bounds = array<i64: 1, 256>}, {transform_indices = @transform_4, window_bounds = array<i64: 640, 1>}, {transform_indices = @transform_5, window_bounds = array<i64: 640, 1>}, {transform_indices = @transform_6, window_bounds = array<i64: 640, 128>}]} {
    %get3A = arith.constant 0 : index
    %get3A_0 = arith.constant 0 : index
    %get3A_1 = vector.load %arg6[%get3A, %get3A_0] : memref<640x1xf32, #tpu.memory_space<vmem>>, vector<640x1xf32>
    %max3A = arith.constant 1.000000e+00 : f32
    %max3A_2 = vector.broadcast %max3A : f32 to vector<640x1xf32>
    %max3A_3 = arith.maximumf %get3A_1, %max3A_2 : vector<640x1xf32>
    %rsqrt3A = math.rsqrt %max3A_3 : vector<640x1xf32>
    %get3A_4 = arith.constant 0 : index
    %get3A_5 = arith.constant 0 : index
    %get3A_6 = vector.load %arg7[%get3A_4, %get3A_5] : memref<640x1xf32, #tpu.memory_space<vmem>>, vector<640x1xf32>
    %max3A_7 = arith.constant 1.000000e+00 : f32
    %max3A_8 = vector.broadcast %max3A_7 : f32 to vector<640x1xf32>
    %max3A_9 = arith.maximumf %get3A_6, %max3A_8 : vector<640x1xf32>
    %rsqrt3A_10 = math.rsqrt %max3A_9 : vector<640x1xf32>
    %get3A_11 = arith.constant 0 : index
    %get3A_12 = arith.constant 0 : index
    %get3A_13 = vector.load %arg2[%get3A_11, %get3A_12] : memref<640x128xf32, #tpu.memory_space<vmem>>, vector<640x128xf32>
    %get3A_14 = arith.constant 0 : index
    %get3A_15 = arith.constant 0 : index
    %get3A_16 = vector.load %arg3[%get3A_14, %get3A_15] : memref<640x128xf32, #tpu.memory_space<vmem>>, vector<640x128xf32>
    %concatenate3A = tpu.concatenate %get3A_13, %get3A_16 in 1 : vector<640x128xf32>, vector<640x128xf32> -> vector<640x256xf32>
    %mul3A = vector.broadcast %rsqrt3A : vector<640x1xf32> to vector<640x256xf32>
    %mul3A_17 = arith.mulf %concatenate3A, %mul3A : vector<640x256xf32>
    %get3A_18 = arith.constant 0 : index
    %get3A_19 = arith.constant 0 : index
    %get3A_20 = vector.load %arg5[%get3A_18, %get3A_19] : memref<1x256xf32, #tpu.memory_space<vmem>>, vector<1x256xf32>
    %add3A = vector.broadcast %get3A_20 : vector<1x256xf32> to vector<640x256xf32>
    %add3A_21 = arith.addf %mul3A_17, %add3A : vector<640x256xf32>
    %max3A_22 = arith.constant 0.000000e+00 : f32
    %max3A_23 = vector.broadcast %max3A_22 : f32 to vector<640x256xf32>
    %max3A_24 = arith.maximumf %add3A_21, %max3A_23 : vector<640x256xf32>
    %get3A_25 = arith.constant 0 : index
    %get3A_26 = arith.constant 0 : index
    %get3A_27 = vector.load %arg4[%get3A_25, %get3A_26] : memref<256x128xf32, #tpu.memory_space<vmem>>, vector<256x128xf32>
    %dot_general3A = arith.constant dense<0.000000e+00> : vector<640x128xf32>
    %dot_general3A_28 = tpu.matmul %max3A_24, %get3A_27, %dot_general3A {dimension_numbers = #tpu.dot_dimension_numbers<[1], [0], [0], [1], [0, 0, 1, 1], [], []>, transpose_lhs_hint = false} : vector<640x256xf32>, vector<256x128xf32>, vector<640x128xf32> -> vector<640x128xf32>
    %mul3A_29 = vector.broadcast %rsqrt3A_10 : vector<640x1xf32> to vector<640x128xf32>
    %mul3A_30 = arith.mulf %dot_general3A_28, %mul3A_29 : vector<640x128xf32>
    %swap3A = arith.constant 0 : index
    %swap3A_31 = arith.constant 0 : index
    %swap3A_32 = vector.load %arg8[%swap3A, %swap3A_31] : memref<640x128xf32, #tpu.memory_space<vmem>>, vector<640x128xf32>
    tpu.vector_store %arg8[%swap3A, %swap3A_31], %mul3A_30 {strides = array<i32>} : memref<640x128xf32, #tpu.memory_space<vmem>>, vector<640x128xf32>,
    return
  }
  func.func @transform_0(%arg0: i32, %arg1: i32) -> (i32, i32) {
    %c0_i32 = arith.constant 0 : i32
    %c0_i32_0 = arith.constant 0 : i32
    return %arg0, %c0_i32 : i32, i32
  }
  func.func @transform_1(%arg0: i32, %arg1: i32) -> (i32, i32) {
    %add3A = arith.constant 16 : i32
    %add3A_0 = arith.addi %add3A, %arg0 : i32
    %c0_i32 = arith.constant 0 : i32
    %c0_i32_1 = arith.constant 0 : i32
    return %add3A_0, %c0_i32 : i32, i32
  }
  func.func @transform_2(%arg0: i32, %arg1: i32) -> (i32, i32) {
    %c0_i32 = arith.constant 0 : i32
    %c0_i32_0 = arith.constant 0 : i32
    return %c0_i32, %arg1 : i32, i32
  }
  func.func @transform_3(%arg0: i32, %arg1: i32) -> (i32, i32) {
    %c0_i32 = arith.constant 0 : i32
    %c0_i32_0 = arith.constant 0 : i32
    %c0_i32_1 = arith.constant 0 : i32
    return %c0_i32, %c0_i32_0 : i32, i32
  }
  func.func @transform_4(%arg0: i32, %arg1: i32) -> (i32, i32) {
    %c0_i32 = arith.constant 0 : i32
    %c0_i32_0 = arith.constant 0 : i32
    return %arg0, %c0_i32 : i32, i32
  }
  func.func @transform_5(%arg0: i32, %arg1: i32) -> (i32, i32) {
    %c0_i32 = arith.constant 0 : i32
    %c0_i32_0 = arith.constant 0 : i32
    return %arg0, %c0_i32 : i32, i32
  }
  func.func @transform_6(%arg0: i32, %arg1: i32) -> (i32, i32) {
    %mul3A = arith.constant 16 : i32
    %mul3A_0 = arith.muli %arg1, %mul3A : i32
    %add3A = arith.addi %mul3A_0, %arg0 : i32
    %c0_i32 = arith.constant 0 : i32
    %c0_i32_1 = arith.constant 0 : i32
    return %add3A, %c0_i32 : i32, i32
  }
}

module attributes {stable_mosaic.version = 14 : i64} {
  func.func @_tc3_body(%arg0: i32, %arg1: memref<640x128xf32, #tpu.memory_space<vmem>>, %arg2: memref<640x128xf32, #tpu.memory_space<vmem>>, %arg3: memref<1x256xf32, #tpu.memory_space<vmem>>, %arg4: memref<640x1xf32, #tpu.memory_space<vmem>>, %arg5: memref<640x256xf32, #tpu.memory_space<vmem>>) attributes {dimension_semantics = [#tpu.dimension_semantics<arbitrary>], iteration_bounds = array<i64: 16>, scalar_prefetch = 0 : i64, scratch_operands = 0 : i64, tpu.core_type = #tpu.core_type<tc>, window_params = [{transform_indices = @transform_0, window_bounds = array<i64: 640, 128>}, {transform_indices = @transform_1, window_bounds = array<i64: 640, 128>}, {pipeline_mode = #tpu.pipeline_mode<synchronous>, transform_indices = @transform_2, window_bounds = array<i64: 1, 256>}, {transform_indices = @transform_3, window_bounds = array<i64: 640, 1>}, {transform_indices = @transform_4, window_bounds = array<i64: 640, 256>}]} {
    %get3A = arith.constant 0 : index
    %get3A_0 = arith.constant 0 : index
    %get3A_1 = vector.load %arg4[%get3A, %get3A_0] : memref<640x1xf32, #tpu.memory_space<vmem>>, vector<640x1xf32>
    %max3A = arith.constant 1.000000e+00 : f32
    %max3A_2 = vector.broadcast %max3A : f32 to vector<640x1xf32>
    %max3A_3 = arith.maximumf %get3A_1, %max3A_2 : vector<640x1xf32>
    %rsqrt3A = math.rsqrt %max3A_3 : vector<640x1xf32>
    %get3A_4 = arith.constant 0 : index
    %get3A_5 = arith.constant 0 : index
    %get3A_6 = vector.load %arg1[%get3A_4, %get3A_5] : memref<640x128xf32, #tpu.memory_space<vmem>>, vector<640x128xf32>
    %get3A_7 = arith.constant 0 : index
    %get3A_8 = arith.constant 0 : index
    %get3A_9 = vector.load %arg2[%get3A_7, %get3A_8] : memref<640x128xf32, #tpu.memory_space<vmem>>, vector<640x128xf32>
    %concatenate3A = tpu.concatenate %get3A_6, %get3A_9 in 1 : vector<640x128xf32>, vector<640x128xf32> -> vector<640x256xf32>
    %mul3A = vector.broadcast %rsqrt3A : vector<640x1xf32> to vector<640x256xf32>
    %mul3A_10 = arith.mulf %concatenate3A, %mul3A : vector<640x256xf32>
    %get3A_11 = arith.constant 0 : index
    %get3A_12 = arith.constant 0 : index
    %get3A_13 = vector.load %arg3[%get3A_11, %get3A_12] : memref<1x256xf32, #tpu.memory_space<vmem>>, vector<1x256xf32>
    %add3A = vector.broadcast %get3A_13 : vector<1x256xf32> to vector<640x256xf32>
    %add3A_14 = arith.addf %mul3A_10, %add3A : vector<640x256xf32>
    %max3A_15 = arith.constant 0.000000e+00 : f32
    %max3A_16 = vector.broadcast %max3A_15 : f32 to vector<640x256xf32>
    %max3A_17 = arith.maximumf %add3A_14, %max3A_16 : vector<640x256xf32>
    %swap3A = arith.constant 0 : index
    %swap3A_18 = arith.constant 0 : index
    %swap3A_19 = vector.load %arg5[%swap3A, %swap3A_18] : memref<640x256xf32, #tpu.memory_space<vmem>>, vector<640x256xf32>
    tpu.vector_store %arg5[%swap3A, %swap3A_18], %max3A_17 {strides = array<i32>} : memref<640x256xf32, #tpu.memory_space<vmem>>, vector<640x256xf32>,
    return
  }
  func.func @transform_0(%arg0: i32) -> (i32, i32) {
    %c0_i32 = arith.constant 0 : i32
    %c0_i32_0 = arith.constant 0 : i32
    return %arg0, %c0_i32 : i32, i32
  }
  func.func @transform_1(%arg0: i32) -> (i32, i32) {
    %add3A = arith.constant 16 : i32
    %add3A_0 = arith.addi %add3A, %arg0 : i32
    %c0_i32 = arith.constant 0 : i32
    %c0_i32_1 = arith.constant 0 : i32
    return %add3A_0, %c0_i32 : i32, i32
  }
  func.func @transform_2(%arg0: i32) -> (i32, i32) {
    %c0_i32 = arith.constant 0 : i32
    %c0_i32_0 = arith.constant 0 : i32
    %c0_i32_1 = arith.constant 0 : i32
    return %c0_i32, %c0_i32_0 : i32, i32
  }
  func.func @transform_3(%arg0: i32) -> (i32, i32) {
    %c0_i32 = arith.constant 0 : i32
    %c0_i32_0 = arith.constant 0 : i32
    return %arg0, %c0_i32 : i32, i32
  }
  func.func @transform_4(%arg0: i32) -> (i32, i32) {
    %c0_i32 = arith.constant 0 : i32
    %c0_i32_0 = arith.constant 0 : i32
    return %arg0, %c0_i32 : i32, i32
  }
}

</mosaic_0001>

<sc_bundles>
// kernel: kernel.11.cloned.1.call-start
scs
__scs_entry_jumppad:
0x0: {  	(pc) =	sbr.rel $0x88, $3  }
0x1: {  	(tag) =	ssettag $0x0;
	lr =	simm.s32 $0x1  }
0x2: {  	[smem:$0x3F9B] =	sst lr;
	_ =	strace $0xD0000000  }
0x3: {  	_ = 	snop  }
0x4: {  	_ = 	snop  }
0x5: {  	_ = 	snop  }
0x6: {  	_ = 	snop  }
0x7: {  	_ = 	snop  }
__scs_overlays_trampoline_lowered:
0x8: {  	[smem:$0x3FAA] =	sst s0  }
0x9: {  	[smem:$0x3FAB] =	sst s1  }
0xa: {  	[smem:$0x3FAC] =	sst s2  }
0xb: {  	[smem:$0x3FAD] =	sst s3  }
0xc: {  	[smem:$0x3FAE] =	sst s4  }
0xd: {  	[smem:$0x3FAF] =	sst s5  }
0xe: {  	[smem:$0x3FB0] =	sst s6  }
0xf: {  	[smem:$0x3FB1] =	sst s7  }
0x10: {  	[smem:$0x3FB2] =	sst s8  }
0x11: {  	[smem:$0x3FB3] =	sst s9;
	s0 =	simm.s32 @!p0 $0x0  }
0x12: {  	s1 =	sld [smem:$0x3F99];
	s0 =	simm.s32 @p0 $0x1  }
0x13: {  	[smem:$0x3FB4] =	sst s0;
	s0 =	simm.s32 @!p1 $0x0  }
0x14: {  	s2 =	sld [smem:$0x3F98];
	s0 =	simm.s32 @p1 $0x1  }
0x15: {  	[smem:$0x3FB5] =	sst s0;
	s0 =	simm.s32 @!p2 $0x0  }
0x16: {  	s3 =	sld [smem:$0x3FDB];
	s0 =	simm.s32 @p2 $0x1  }
0x17: {  	s4 =	simm.s32 $0x1BF5;
	[smem:$0x3FB7] =	sst s0  }
0x18: {  	s0 =	sld [smem:$0x3F9A];
	_ =	swait.ge [sflag:s4], $0x0  }
0x19: {  	s7 =	sld [smem:$0x3F9B]  }
0x1a: {  	s8 =	sadd.s32 $0xFFFFE003, lr  }
0x1b: {  	s9 =	sadd.s32 $0xFFFFFEF7, lr;
	s5 =	simm.s32 $0xFFFFFFFF;
	p2 =	slt.u32 s8, $0xFFFFF086  }
0x1c: {  	p1 =	slt.u32 s9, $0xF7A;
	s5 =	simm.s32 @!p2 $0x0  }
0x1d: {  	s5 =	simm.s32 @p1 $0x1;
	p0 =	seq.s32 s7, s2  }
0x1e: {  	s7 =	smul.u32 @!p0 $0xF7A, s2;
	p2 =	seq.s32 @!p0 s5, $0x0  }
0x1f: {  	s9 =	smul.u32 $0xF7A, s1;
	s8 =	simm.s32 @!p0 $0x1BF5;
	p2 =	por !p2, p0  }
0x20: {  	[sflag:s8] =	ssyncset.s32 @!p0 $0xFFFFF086;
	s6 =	sadd.s32 @!p0 s3, s7;
	s7 =	simm.s32 @!p0 $0x108  }
0x21: {  	s3 =	sadd.s32 s3, s9;
	s6 =	sadd.s32 @!p0 $0x88, s6;
	s7 =	simm.s32 @p2 $0x1082  }
0x22: {  	[simem:s7], [sflag:s8] =	dma.local @!p0 [hbm:s6], $0xF7A  }
0x23: {  	s9 =	sor.u32 $0xD0000000, s2;
	s6 =	simm.s32 $0x108;
	_ =	swait.ge @!p0 [sflag:s8], $0x0  }
0x24: {  	s3 =	sadd.s32 $0x88, s3;
	s6 =	simm.s32 @!p1 $0x1082;
	[sflag:s4] =	ssyncset.s32 $0xFFFFF086  }
0x25: {  	[simem:s6], [sflag:s4] =	dma.local [hbm:s3], $0xF7A  }
0x26: {  	[smem:$0x3F9B] =	sst s1;
	(tag) =	ssettag s2;
	_ =	strace s9  }
0x27: {  	s1 =	sld [smem:$0x3FAB]  }
0x28: {  	s2 =	sld [smem:$0x3FAC]  }
0x29: {  	s4 =	sld [smem:$0x3FAE]  }
0x2a: {  	p0 =	seq.s32 s5, $0x0;
	s5 =	sld [smem:$0x3FAF]  }
0x2b: {  	s6 =	sld [smem:$0x3FB0]  }
0x2c: {  	s7 =	sld [smem:$0x3FB1]  }
0x2d: {  	s3 =	simm.s32 $0x108;
	s8 =	sld [smem:$0x3FB2]  }
0x2e: {  	s3 =	simm.s32 @!p0 $0x1082;
	s9 =	sld [smem:$0x3FB3]  }
0x2f: {  	lr =	sadd.s32 s0, s3;
	s0 =	sld [smem:$0x3FAA]  }
0x30: {  	s3 =	sld [smem:$0x3FAD]  }
0x31: {  	[smem:$0x3FB6] =	sst s10  }
0x32: {  	s10 =	sld [smem:$0x3FB4];
	_ =	sdelay $0x3  }
0x33: {  	p0 =	seq.s32 s10, $0x1;
	s10 =	sld [smem:$0x3FB6];
	_ =	sdelay $0x3  }
0x34: {  	[smem:$0x3FB6] =	sst s10  }
0x35: {  	s10 =	sld [smem:$0x3FB5];
	_ =	sdelay $0x3  }
0x36: {  	p1 =	seq.s32 s10, $0x1;
	s10 =	sld [smem:$0x3FB6];
	_ =	sdelay $0x3  }
0x37: {  	[smem:$0x3FB6] =	sst s10  }
0x38: {  	s10 =	sld [smem:$0x3FB7]  }
0x39: {  	_ = 	snop;
	(pc) =	sbr.ind lr, $3  }
0x3a: {  	_ = 	snop  }
0x3b: {  	_ = 	snop  }
0x3c: {  	p2 =	seq.s32 s10, $0x1;
	s10 =	sld [smem:$0x3FB6]  }
0x3d: {  	_ =	shalt  }
0x3e: {  	_ =	shalt  }
0x3f: {  	_ =	shalt  }
0x40: {  	_ =	shalt  }
0x41: {  	_ =	shalt  }
0x42: {  	_ =	shalt  }
0x43: {  	_ =	shalt  }
0x44: {  	_ =	shalt  }
0x45: {  	_ =	shalt  }
0x46: {  	_ =	shalt  }
0x47: {  	_ =	shalt  }
0x48: {  	_ =	shalt  }
0x49: {  	_ =	shalt  }
0x4a: {  	_ =	shalt  }
0x4b: {  	_ =	shalt  }
0x4c: {  	_ =	shalt  }
0x4d: {  	_ =	shalt  }
0x4e: {  	_ =	shalt  }
0x4f: {  	_ =	shalt  }
0x50: {  	_ =	shalt  }
0x51: {  	_ =	shalt  }
0x52: {  	_ =	shalt  }
0x53: {  	_ =	shalt  }
0x54: {  	_ =	shalt  }
0x55: {  	_ =	shalt  }
0x56: {  	_ =	shalt  }
0x57: {  	_ =	shalt  }
0x58: {  	_ =	shalt  }
0x59: {  	_ =	shalt  }
0x5a: {  	_ =	shalt  }
0x5b: {  	_ =	shalt  }
0x5c: {  	_ =	shalt  }
0x5d: {  	_ =	shalt  }
0x5e: {  	_ =	shalt  }
0x5f: {  	_ =	shalt  }
0x60: {  	_ =	shalt  }
0x61: {  	_ =	shalt  }
0x62: {  	_ =	shalt  }
0x63: {  	_ =	shalt  }
0x64: {  	_ =	shalt  }
0x65: {  	_ =	shalt  }
0x66: {  	_ =	shalt  }
0x67: {  	_ =	shalt  }
0x68: {  	_ =	shalt  }
0x69: {  	_ =	shalt  }
0x6a: {  	_ =	shalt  }
0x6b: {  	_ =	shalt  }
0x6c: {  	_ =	shalt  }
0x6d: {  	_ =	shalt  }
0x6e: {  	_ =	shalt  }
0x6f: {  	_ =	shalt  }
0x70: {  	_ =	shalt  }
0x71: {  	_ =	shalt  }
0x72: {  	_ =	shalt  }
0x73: {  	_ =	shalt  }
0x74: {  	_ =	shalt  }
0x75: {  	_ =	shalt  }
0x76: {  	_ =	shalt  }
0x77: {  	_ =	shalt  }
0x78: {  	_ =	shalt  }
0x79: {  	_ =	shalt  }
0x7a: {  	_ =	shalt  }
0x7b: {  	_ =	shalt  }
0x7c: {  	_ =	shalt  }
0x7d: {  	_ =	shalt  }
0x7e: {  	_ =	shalt  }
0x7f: {  	_ =	shalt  }
0x80: {  	_ =	shalt  }
0x81: {  	_ =	shalt  }
0x82: {  	_ =	shalt  }
0x83: {  	_ =	shalt  }
0x84: {  	_ =	shalt  }
0x85: {  	_ =	shalt  }
0x86: {  	_ =	shalt  }
0x87: {  	_ =	shalt  }
.Lfunc_end0:
.L_simem_size_0:
called_computation.1_lowered:
.L_overlay_start_0:
0x88: {  	s2 =	sld [smem:$0x3FD9]  }
0x89: {  	s3 =	sld [smem:$0x3FFE];
	_ =	sdelay $0x1  }
0x8a: {  	s1 =	srdreg.scid  }
0x8b: {  	s0 =	sand.u32 $0x1, s1  }
0x8c: {  	s17 =	sshll.u32 s0, $0xA;
	s2 =	sadd.s32 s3, s2  }
0x8d: {  	s2 =	sadd.s32 s2, s17  }
0x8e: {  	[smem:$0x3FC2] =	sst s2  }
0x8f: {  	_ = 	snop  }
0x90: {  	s2 =	sld [smem:$0x3FD0];
	(tm) =	ssettm $0x1  }
0x91: {  	s18 =	sld [smem:$0x3FFB];
	_ =	sdelay $0x3  }
0x92: {  	_ =	strace s18  }
0x93: {  	s3 =	sld [smem:$0x3FFC];
	_ =	sdelay $0x3  }
0x94: {  	_ =	strace s3  }
0x95: {  	s3 =	sld [smem:$0x3FFD];
	_ =	sdelay $0x3  }
0x96: {  	_ =	strace s3  }
0x97: {  	_ =	strace $0x8FFFFFFF  }
0x98: {  	s19 =	sld [smem:$0x3FDB];
	_ =	sdelay $0x1  }
0x99: {  	s4 =	simm.s32 $_scs_section_size  }
0x9a: {  	s5 =	simm.s32 $_size__tile_overlayer_lowered;
	s6 =	simm.s32 $_tile_overlayer_lowered  }
0x9b: {  	s22 =	simm.s32 $0x1BFF;
	s21 =	sshll.u32 s6, $0x1;
	s3 =	sadd.s32 s4, s19  }
0x9c: {  	s7 =	simm.s32 $0x0;
	s20 =	sshll.u32 s5, $0x1;
	s5 =	sadd.s32 s21, s3  }
0x9d: {  	[timem:s7], [sflag:s22] =	dma.local [hbm:s5], s20  }
0x9e: {  	_ =	swait.ge [sflag:s22], s20  }
0x9f: {  	s4 =	ssub.s32 $0x0, s20;
	[sflag:s22] =	ssyncset.done $0x0  }
0xa0: {  	[sflag:s22] =	ssyncadd.s32 s4;
	_ =	sdelay $0x1  }
0xa1: {  	s23 =	simm.s32 $0x1B8B  }
0xa2: {  	_ =	swait.ge [sflag:s23], $0x1  }
0xa3: {  	[sflag:s23] =	ssyncset.done $0x0  }
0xa4: {  	s25 =	simm.s32 $0x1B8E;
	s24 =	sld [smem:$0x3FFE];
	[sflag:s23] =	ssyncadd.s32 $0xFFFFFFFF  }
0xa5: {  	s26 =	simm.s32 $execute0_lowered;
	[smem:$0x3FD2] =	sst s25  }
0xa6: {  	s5 =	sshll.u32 s26, $0x1;
	_ =	strace $0x80000049;
	[dreg:$0x1] =	wrdreg $0xFFFFFFFF  }
0xa7: {  	s28 =	simm.s32 $_size_execute0_lowered;
	s3 =	sadd.s32 s3, s5;
	[dreg:$0x0] =	wrdreg $0x0  }
0xa8: {  	s5 =	sshll.u32 s28, $0x1;
	[dreg:$0x2] =	wrdreg s3  }
0xa9: {  	[dreg:$0x3] =	wrdreg s5  }
0xaa: {  	[dreg:$0x4] =	wrdreg $0xC0  }
0xab: {  	_ =	task [dreg:s7], $0x5FFFF  }
0xac: {  	[dreg:$0x1] =	wrdreg $0xFFFFFFFF  }
0xad: {  	[dreg:$0x0] =	wrdreg $0x60  }
0xae: {  	[dreg:$0x2] =	wrdreg s24  }
0xaf: {  	[dreg:$0x3] =	wrdreg s2  }
0xb0: {  	[dreg:$0x4] =	wrdreg $0x6C000  }
0xb1: {  	[dreg:$0x5] =	wrdreg $0x9  }
0xb2: {  	_ =	task.clear_ibuf [dreg:s7], $0x6FFFF;
	_ =	strace $0x90000049  }
0xb3: {  	s29 =	simm.s32 $0x9;
	_ =	strace $0x8000004B  }
0xb4: {  	_ =	swait.ge [sflag:s29], $0x1  }
0xb5: {  	[sflag:s29] =	ssyncadd.s32 $0xFFFFFFFF  }
0xb6: {  	_ =	strace $0x9000004B  }
0xb7: {  	_ =	sfence  }
0xb8: {  	s30 =	sld [smem:$0x0];
	_ =	sdelay $0x2  }
0xb9: {  	s31 =	sshll.u32 s1, $0xD;
	s1 =	sshrl.u32 s1, $0x2  }
0xba: {  	s3 =	sand.u32 $0x4000, s31;
	s1 =	sadd.s32 s1, s30  }
0xbb: {  	s0 =	sor.u32 s3, s0;
	s1 =	sshll.u32 s1, $0x11  }
0xbc: {  	s0 =	sor.u32 s1, s0  }
0xbd: {  	s0 =	sadd.s32 $0x8F2B, s0  }
0xbe: {  	[sflag:s0] =	ssyncadd.remote.s32 $0x1  }
0xbf: {  	_ =	sfence.sel $0xFFFF  }
0xc0: {  	[dreg:$0x0] =	wrdreg $0xFFFFFFFF;
	(pc) =	sbr.abs _section_cstart, $3  }
0xc1: {  	[dreg:$0x1] =	wrdreg $0xFFFFFFFF  }
0xc2: {  	_ =	task.clear_ibuf [dreg:s7], $0x2FFFF;
	_ =	strace $0x9FFFFFFF  }
0xc3: {  	(tm) =	ssettm $0x7FFFFFFF  }
tec
execute0_lowered:
.L_overlay_start_1:
0x0: {  	(tag) =	ssettag $0x1  }
0x1: {  	s0 =	rddreg [dreg:$0x0]  }
0x2: {  	s17 =	rddreg [dreg:$0x1]  }
0x3: {  	s3 =	rddreg [dreg:$0x2]  }
0x4: {  	s4 =	simm.s32 $0x0;
	s1 =	srdreg.scid;
	s14 =	stileid.u32  }
0x5: {  	s28 =	simm.s32 $0x1400;
	s29 =	simm.s32 $0x5;
	s2 =	smul.u32 $0x280, s14  }
0x6: {  	s30 =	simm.s32 $0xA00;
	s31 =	simm.s32 $0x54;
	s7 =	smul.u32 $0x50000, s14  }
0x7: {  	[smem:$0x7FF] =	sst s4;
	s1 =	sand.u32 $0x1, s1;
	s14 =	smul.u32 $0x7800, s14  }
0x8: {  	s5 =	sadd.s32 $0x2000, s0;
	s0 =	sadd.s32 $0x52000, s0;
	s13 =	smul.u32 $0x78000, s1  }
0x9: {  	_ =	strace $0x8000004A;
	s6 =	ssub.s32 $0x2, s1;
	s1 =	smul.u32 $0x2800, s1  }
0xa: {  	s8 =	sshrl.u32 s6, $0x1;
	s7 =	sshrl.u32 s7, $0x2;
	s26 =	sor.u32 $0x50, s2  }
0xb: {  	s9 =	sadd.s32 $0xA0, s2;
	s10 =	sadd.s32 $0xF0, s2;
	s11 =	sadd.s32 $0x140, s2  }
0xc: {  	s12 =	sadd.s32 $0x190, s2;
	s24 =	sadd.s32 $0x1E0, s2;
	s16 =	sadd.s32 $0x230, s2  }
0xd: {  	s6 =	ssub.s32 s6, s8;
	s18 =	sadd.s32 s7, s3;
	s19 =	sshll.u32 s26, $0x7  }
0xe: {  	s20 =	sshll.u32 s9, $0x7;
	s21 =	sshll.u32 s10, $0x7;
	s22 =	sshll.u32 s11, $0x7  }
0xf: {  	s23 =	sshll.u32 s12, $0x7;
	s15 =	sshll.u32 s24, $0x7;
	s13 =	sadd.s32 s14, s13  }
0x10: {  	s25 =	sshll.u32 s16, $0x7;
	s2 =	sadd.s32 s2, s1;
	s8 =	sadd.s32 s1, s26  }
0x11: {  	s9 =	sadd.s32 s1, s9;
	s10 =	sadd.s32 s1, s10;
	s11 =	sadd.s32 s1, s11  }
0x12: {  	s12 =	sadd.s32 s1, s12;
	s19 =	sadd.s32 s19, s3;
	s7 =	sadd.s32 s20, s3  }
0x13: {  	s15 =	sadd.s32 s15, s3;
	s14 =	sadd.s32 s25, s3;
	[dreg:$0x4] =	wrdreg s18  }
0x14: {  	s26 =	sshrl.u32 s13, $0x3;
	s2 =	sshll.u32 s2, $0x4;
	[dreg:$0x6] =	wrdreg s7  }
0x15: {  	s8 =	sshll.u32 s8, $0x4;
	s9 =	sshll.u32 s9, $0x4;
	[dreg:$0xa] =	wrdreg s15  }
0x16: {  	s10 =	sshll.u32 s10, $0x4;
	s25 =	sadd.s32 $0x1400, s13;
	[dreg:$0xb] =	wrdreg s14  }
0x17: {  	s20 =	sshll.u32 s12, $0x4;
	s12 =	simm.s32 $0x1280;
	[dreg:$0x16] =	wrdreg s25  }
0x18: {  	s7 =	sadd.s32 s21, s3;
	s2 =	sadd.s32 s0, s2;
	[dreg:$0x5] =	wrdreg s19  }
0x19: {  	s8 =	sadd.s32 s0, s8;
	s15 =	sshll.u32 s11, $0x4;
	[dreg:$0x7] =	wrdreg s7  }
0x1a: {  	s14 =	simm.s32 $0x1;
	s25 =	simm.s32 $0xE80;
	[dreg:$0xc] =	wrdreg s2  }
0x1b: {  	s11 =	simm.s32 $0x1300;
	s7 =	sadd.s32 s22, s3;
	[dreg:$0xd] =	wrdreg s8  }
0x1c: {  	s2 =	sadd.s32 s0, s9;
	s22 =	sadd.s32 $0x1E00, s13;
	s13 =	simm.s32 $0x4  }
0x1d: {  	s8 =	simm.s32 $0x1080;
	s9 =	simm.s32 $0x1200;
	[dreg:$0x8] =	wrdreg s7  }
0x1e: {  	s7 =	sadd.s32 s23, s3;
	[dreg:$0xe] =	wrdreg s2;
	s2 =	sadd.s32 s0, s10  }
0x1f: {  	s23 =	sadd.s32 s17, s26;
	s10 =	simm.s32 $0x1180;
	[dreg:$0x9] =	wrdreg s7  }
0x20: {  	s7 =	sadd.s32 s1, s24;
	s1 =	sadd.s32 s1, s16;
	[dreg:$0xf] =	wrdreg s2  }
0x21: {  	s16 =	sadd.s32 s0, s15;
	s2 =	sadd.s32 s0, s20;
	[dreg:$0x14] =	wrdreg s23  }
0x22: {  	s24 =	smax.u32 s6, $0x1;
	s26 =	sadd.s32 $0x140, s23;
	[dreg:$0x10] =	wrdreg s16  }
0x23: {  	s20 =	simm.s32 $0xC80;
	s23 =	simm.s32 $0xD80;
	[dreg:$0x11] =	wrdreg s2  }
0x24: {  	s6 =	simm.s32 $0xF80;
	s21 =	sshll.u32 s7, $0x4;
	[dreg:$0x15] =	wrdreg s24  }
0x25: {  	s1 =	sshll.u32 s1, $0x4;
	[dreg:$0x17] =	wrdreg s26;
	s26 =	simm.s32 $0xF00  }
.Ltmp0:
0x26: {  	s7 =	simm.s32 $0x1100;
	s2 =	sadd.s32 s0, s21;
	(pc) =	sbr.rel .LBB2_1-.Ltmp0, $4  }
0x27: {  	s16 =	simm.s32 $0x0;
	s0 =	sadd.s32 s0, s1;
	[dreg:$0x12] =	wrdreg s2  }
0x28: {  	s21 =	simm.s32 $0xE00;
	s1 =	simm.s32 $0x1380;
	[dreg:$0x13] =	wrdreg s0  }
0x29: {  	s0 =	sshrl.u32 s22, $0x3;
	s2 =	simm.s32 $0x4000;
	s22 =	simm.s32 $0x1000  }
0x2a: {  	v0 =	vimm.f32 $0.0e+00;
	s24 =	sadd.s32 s0, s17;
	s17 =	simm.s32 $0x2;
	s0 =	simm.s32 $0x3  }
.LBB2_6:
0x2b: {  	_ =	swait.ge [sflag:s17], $0x2A00  }
0x2c: {  	[sflag:s17] =	ssyncset.done $0x0  }
0x2d: {  	[sflag:s17] =	ssyncadd.s32 $0xFFFFD600  }
0x2e: {  	[spmem:s3] =	stream.indirect.scatter.add.f32 [tilespmem:s2], [sflag:$0x5], $0x80, s1, s31, $0xb8;
	[tilespmem:$0x1AC00] =	vst v63  }
0x2f: {  	_ =	swait.ge [sflag:s29], $0x2A00  }
0x30: {  	[sflag:s29] =	ssyncset.done $0x0  }
0x31: {  	[sflag:s29] =	ssyncadd.s32 $0xFFFFD600  }
0x32: {  	[bflag:$0x0] =	sbarrier.arrive $0xFFFF  }
0x33: {  	s18 =	rddreg [dreg:$0x4]  }
0x34: {  	[tilespmem:s28], [sflag:$0x5] =	stream.linear.gather [spmem:s18], $0x2800, $0x38;
	[tilespmem:$0x1AC00] =	vst v63  }
0x35: {  	_ =	swait.ge [sflag:s29], $0x2800  }
0x36: {  	[sflag:s29] =	ssyncset.done $0x0  }
0x37: {  	s15 =	rddreg [dreg:$0xc];
	[sflag:s29] =	ssyncadd.s32 $0xFFFFD800  }
0x38: {  	[hbm4b:s15+s4] =	stream.linear.scatter [tilespmem:s28], [sflag:$0x5], $0x2800, $0x38;
	[tilespmem:$0x1AC00] =	vst v63  }
0x39: {  	_ =	swait.ge [sflag:s29], $0x2800  }
0x3a: {  	[sflag:s29] =	ssyncset.done $0x0  }
0x3b: {  	s19 =	rddreg [dreg:$0x5];
	[sflag:s29] =	ssyncadd.s32 $0xFFFFD800  }
0x3c: {  	[tilespmem:s28], [sflag:$0x5] =	stream.linear.gather [spmem:s19], $0x2800, $0x38;
	[tilespmem:$0x1AC00] =	vst v63  }
0x3d: {  	_ =	swait.ge [sflag:s29], $0x2800  }
0x3e: {  	[sflag:s29] =	ssyncset.done $0x0  }
0x3f: {  	s16 =	rddreg [dreg:$0xd];
	[sflag:s29] =	ssyncadd.s32 $0xFFFFD800  }
0x40: {  	[hbm4b:s16+s4] =	stream.linear.scatter [tilespmem:s28], [sflag:$0x5], $0x2800, $0x38;
	[tilespmem:$0x1AC00] =	vst v63  }
0x41: {  	_ =	swait.ge [sflag:s29], $0x2800  }
0x42: {  	[sflag:s29] =	ssyncset.done $0x0  }
0x43: {  	s16 =	rddreg [dreg:$0x6];
	[sflag:s29] =	ssyncadd.s32 $0xFFFFD800  }
0x44: {  	[tilespmem:s28], [sflag:$0x5] =	stream.linear.gather [spmem:s16], $0x2800, $0x38;
	[tilespmem:$0x1AC00] =	vst v63  }
0x45: {  	_ =	swait.ge [sflag:s29], $0x2800  }
0x46: {  	[sflag:s29] =	ssyncset.done $0x0  }
0x47: {  	s16 =	rddreg [dreg:$0xe];
	[sflag:s29] =	ssyncadd.s32 $0xFFFFD800  }
0x48: {  	[hbm4b:s16+s4] =	stream.linear.scatter [tilespmem:s28], [sflag:$0x5], $0x2800, $0x38;
	[tilespmem:$0x1AC00] =	vst v63  }
0x49: {  	_ =	swait.ge [sflag:s29], $0x2800  }
0x4a: {  	[sflag:s29] =	ssyncset.done $0x0  }
0x4b: {  	s16 =	rddreg [dreg:$0x7];
	[sflag:s29] =	ssyncadd.s32 $0xFFFFD800  }
0x4c: {  	[tilespmem:s28], [sflag:$0x5] =	stream.linear.gather [spmem:s16], $0x2800, $0x38;
	[tilespmem:$0x1AC00] =	vst v63  }
0x4d: {  	_ =	swait.ge [sflag:s29], $0x2800  }
0x4e: {  	[sflag:s29] =	ssyncset.done $0x0  }
0x4f: {  	s16 =	rddreg [dreg:$0xf];
	[sflag:s29] =	ssyncadd.s32 $0xFFFFD800  }
0x50: {  	[hbm4b:s16+s4] =	stream.linear.scatter [tilespmem:s28], [sflag:$0x5], $0x2800, $0x38;
	[tilespmem:$0x1AC00] =	vst v63  }
0x51: {  	_ =	swait.ge [sflag:s29], $0x2800  }
0x52: {  	[sflag:s29] =	ssyncset.done $0x0  }
0x53: {  	s16 =	rddreg [dreg:$0x8];
	[sflag:s29] =	ssyncadd.s32 $0xFFFFD800  }
0x54: {  	[tilespmem:s28], [sflag:$0x5] =	stream.linear.gather [spmem:s16], $0x2800, $0x38;
	[tilespmem:$0x1AC00] =	vst v63  }
0x55: {  	_ =	swait.ge [sflag:s29], $0x2800  }
0x56: {  	[sflag:s29] =	ssyncset.done $0x0  }
0x57: {  	s16 =	rddreg [dreg:$0x10];
	[sflag:s29] =	ssyncadd.s32 $0xFFFFD800  }
0x58: {  	[hbm4b:s16+s4] =	stream.linear.scatter [tilespmem:s28], [sflag:$0x5], $0x2800, $0x38;
	[tilespmem:$0x1AC00] =	vst v63  }
0x59: {  	_ =	swait.ge [sflag:s29], $0x2800  }
0x5a: {  	[sflag:s29] =	ssyncset.done $0x0  }
0x5b: {  	s16 =	rddreg [dreg:$0x9];
	[sflag:s29] =	ssyncadd.s32 $0xFFFFD800  }
0x5c: {  	[tilespmem:s28], [sflag:$0x5] =	stream.linear.gather [spmem:s16], $0x2800, $0x38;
	[tilespmem:$0x1AC00] =	vst v63  }
0x5d: {  	_ =	swait.ge [sflag:s29], $0x2800  }
0x5e: {  	[sflag:s29] =	ssyncset.done $0x0  }
0x5f: {  	s16 =	rddreg [dreg:$0x11];
	[sflag:s29] =	ssyncadd.s32 $0xFFFFD800  }
0x60: {  	[hbm4b:s16+s4] =	stream.linear.scatter [tilespmem:s28], [sflag:$0x5], $0x2800, $0x38;
	[tilespmem:$0x1AC00] =	vst v63  }
0x61: {  	_ =	swait.ge [sflag:s29], $0x2800  }
0x62: {  	[sflag:s29] =	ssyncset.done $0x0  }
0x63: {  	s16 =	rddreg [dreg:$0xa];
	[sflag:s29] =	ssyncadd.s32 $0xFFFFD800  }
0x64: {  	[tilespmem:s28], [sflag:$0x5] =	stream.linear.gather [spmem:s16], $0x2800, $0x38;
	[tilespmem:$0x1AC00] =	vst v63  }
0x65: {  	_ =	swait.ge [sflag:s29], $0x2800  }
0x66: {  	[sflag:s29] =	ssyncset.done $0x0  }
0x67: {  	s16 =	rddreg [dreg:$0x12];
	[sflag:s29] =	ssyncadd.s32 $0xFFFFD800  }
0x68: {  	[hbm4b:s16+s4] =	stream.linear.scatter [tilespmem:s28], [sflag:$0x5], $0x2800, $0x38;
	[tilespmem:$0x1AC00] =	vst v63  }
0x69: {  	_ =	swait.ge [sflag:s29], $0x2800  }
0x6a: {  	[sflag:s29] =	ssyncset.done $0x0  }
0x6b: {  	s16 =	rddreg [dreg:$0xb];
	[sflag:s29] =	ssyncadd.s32 $0xFFFFD800  }
0x6c: {  	[tilespmem:s28], [sflag:$0x5] =	stream.linear.gather [spmem:s16], $0x2800, $0x38;
	[tilespmem:$0x1AC00] =	vst v63  }
0x6d: {  	_ =	swait.ge [sflag:s29], $0x2800  }
0x6e: {  	[sflag:s29] =	ssyncset.done $0x0  }
0x6f: {  	s16 =	rddreg [dreg:$0x13];
	[sflag:s29] =	ssyncadd.s32 $0xFFFFD800  }
0x70: {  	[hbm4b:s16+s4] =	stream.linear.scatter [tilespmem:s28], [sflag:$0x5], $0x2800, $0x38;
	[tilespmem:$0x1AC00] =	vst v63  }
0x71: {  	_ =	swait.ge [sflag:s29], $0x2800  }
0x72: {  	s16 =	rddreg [dreg:$0x18]  }
0x73: {  	s15 =	rddreg [dreg:$0x15];
	s16 =	sadd.s32 $0x1, s16  }
0x74: {  	p0 =	sne.s32 s16, s15  }
.Ltmp1:
0x75: {  	_ = 	snop;
	(pc) =	sbr.rel @!p0 .LBB2_7-.Ltmp1, $3  }
0x76: {  	_ =	sdelay $0x1  }
0x77: {  	[sflag:s29] =	ssyncset.done $0x0  }
0x78: {  	[sflag:s29] =	ssyncadd.s32 $0xFFFFD800  }
.LBB2_1:
0x79: {  	[dreg:$0x18] =	wrdreg s16;
	s15 =	simm.s32 $0x0;
	s16 =	simm.s32 $0x200  }
.LBB2_2:
0x7a: {  	p0 =	sne.s32 s16, $0x9E00;
	[tilespmem:s15+$0x1470] =	vst v0  }
0x7b: {  	[tilespmem:s15+$0x1400] =	vst v0  }
0x7c: {  	[tilespmem:s15+$0x1410] =	vst v0  }
.Ltmp2:
0x7d: {  	[tilespmem:s15+$0x1420] =	vst v0;
	(pc) =	sbr.rel @p0 .LBB2_2-.Ltmp2, $4  }
0x7e: {  	[tilespmem:s15+$0x1430] =	vst v0  }
0x7f: {  	[tilespmem:s15+$0x1440] =	vst v0  }
0x80: {  	[tilespmem:s15+$0x1450] =	vst v0  }
0x81: {  	[tilespmem:s15+$0x1460] =	vst v0;
	s15 =	sshra.s32 s16, $0x2;
	s16 =	sadd.s32 $0x200, s16  }
0x82: {  	[tilespmem:s15+$0x1470] =	vst v0  }
0x83: {  	[tilespmem:s15+$0x1400] =	vst v0  }
0x84: {  	[tilespmem:s15+$0x1410] =	vst v0  }
0x85: {  	[tilespmem:s15+$0x1420] =	vst v0  }
0x86: {  	[tilespmem:s15+$0x1430] =	vst v0  }
0x87: {  	[tilespmem:s15+$0x1440] =	vst v0  }
0x88: {  	[tilespmem:s15+$0x1450] =	vst v0  }
0x89: {  	[tilespmem:s15+$0x1460] =	vst v0  }
0x8a: {  	[spmem:s18] =	stream.linear.scatter [tilespmem:s28], [sflag:$0x5], $0x2800, $0x38;
	[tilespmem:$0x1AC00] =	vst v63  }
0x8b: {  	_ =	swait.ge [sflag:s29], $0x2800  }
0x8c: {  	[sflag:s29] =	ssyncset.done $0x0  }
0x8d: {  	[sflag:s29] =	ssyncadd.s32 $0xFFFFD800  }
0x8e: {  	[spmem:s19] =	stream.linear.scatter [tilespmem:s28], [sflag:$0x5], $0x2800, $0x38;
	[tilespmem:$0x1AC00] =	vst v63  }
0x8f: {  	_ =	swait.ge [sflag:s29], $0x2800  }
0x90: {  	[sflag:s29] =	ssyncset.done $0x0  }
0x91: {  	s19 =	rddreg [dreg:$0x6];
	[sflag:s29] =	ssyncadd.s32 $0xFFFFD800  }
0x92: {  	[spmem:s19] =	stream.linear.scatter [tilespmem:s28], [sflag:$0x5], $0x2800, $0x38;
	[tilespmem:$0x1AC00] =	vst v63  }
0x93: {  	_ =	swait.ge [sflag:s29], $0x2800  }
0x94: {  	[sflag:s29] =	ssyncset.done $0x0  }
0x95: {  	s16 =	rddreg [dreg:$0x7];
	[sflag:s29] =	ssyncadd.s32 $0xFFFFD800  }
0x96: {  	[spmem:s16] =	stream.linear.scatter [tilespmem:s28], [sflag:$0x5], $0x2800, $0x38;
	[tilespmem:$0x1AC00] =	vst v63  }
0x97: {  	_ =	swait.ge [sflag:s29], $0x2800  }
0x98: {  	[sflag:s29] =	ssyncset.done $0x0  }
0x99: {  	s18 =	rddreg [dreg:$0x8];
	[sflag:s29] =	ssyncadd.s32 $0xFFFFD800  }
0x9a: {  	[spmem:s18] =	stream.linear.scatter [tilespmem:s28], [sflag:$0x5], $0x2800, $0x38;
	[tilespmem:$0x1AC00] =	vst v63  }
0x9b: {  	_ =	swait.ge [sflag:s29], $0x2800  }
0x9c: {  	[sflag:s29] =	ssyncset.done $0x0  }
0x9d: {  	s19 =	rddreg [dreg:$0x9];
	[sflag:s29] =	ssyncadd.s32 $0xFFFFD800  }
0x9e: {  	[spmem:s19] =	stream.linear.scatter [tilespmem:s28], [sflag:$0x5], $0x2800, $0x38;
	[tilespmem:$0x1AC00] =	vst v63  }
0x9f: {  	_ =	swait.ge [sflag:s29], $0x2800  }
0xa0: {  	[sflag:s29] =	ssyncset.done $0x0  }
0xa1: {  	s16 =	rddreg [dreg:$0xa];
	[sflag:s29] =	ssyncadd.s32 $0xFFFFD800  }
0xa2: {  	[spmem:s16] =	stream.linear.scatter [tilespmem:s28], [sflag:$0x5], $0x2800, $0x38;
	[tilespmem:$0x1AC00] =	vst v63  }
0xa3: {  	_ =	swait.ge [sflag:s29], $0x2800  }
0xa4: {  	[sflag:s29] =	ssyncset.done $0x0  }
0xa5: {  	s18 =	rddreg [dreg:$0xb];
	[sflag:s29] =	ssyncadd.s32 $0xFFFFD800  }
0xa6: {  	[spmem:s18] =	stream.linear.scatter [tilespmem:s28], [sflag:$0x5], $0x2800, $0x38;
	[tilespmem:$0x1AC00] =	vst v63  }
0xa7: {  	_ =	swait.ge [sflag:s29], $0x2800  }
0xa8: {  	[sflag:s29] =	ssyncset.done $0x0  }
0xa9: {  	[sflag:s29] =	ssyncadd.s32 $0xFFFFD800  }
0xaa: {  	[bflag:$0x0] =	sbarrier.arrive $0xFFFF  }
0xab: {  	s15 =	simm.s32 $0x0;
	s16 =	rddreg [dreg:$0x14]  }
0xac: {  	[tilespmem:s15], [sflag:$0x5] =	stream.linear.gather [hbm4b:s16+s15], $0xA00, $0x38;
	[tilespmem:$0x1AC00] =	vst v63  }
0xad: {  	_ =	swait.ge [sflag:s29], $0xA00  }
0xae: {  	[sflag:s29] =	ssyncset.done $0x0  }
0xaf: {  	s19 =	rddreg [dreg:$0x17];
	[sflag:s29] =	ssyncadd.s32 $0xFFFFF600  }
0xb0: {  	[tilespmem:s30], [sflag:$0x4] =	stream.linear.gather [hbm4b:s19+s15], $0xA00, $0x38;
	[tilespmem:$0x1AC00] =	vst v63  }
0xb1: {  	s16 =	rddreg [dreg:$0x16]  }
0xb2: {  	[tilespmem:s28], [sflag:$0x1] =	stream.indirect.gather [hbm4b:s5+s31], $0x80, s15, s31, $0xb8;
	[tilespmem:$0x1AC00] =	vst v63  }
.LBB2_4:
0xb3: {  	s18 =	simm.s32 $0x100  }
0xb4: {  	[tilespmem:s2], [sflag:$0x2] =	stream.indirect.gather [hbm4b:s5+s31], $0x80, s18, s31, $0xb8;
	[tilespmem:$0x1AC00] =	vst v63  }
0xb5: {  	_ =	swait.ge [sflag:s14], $0x2A00  }
0xb6: {  	[sflag:s14] =	ssyncset.done $0x0  }
0xb7: {  	s19 =	simm.s32 $0x80;
	[sflag:s14] =	ssyncadd.s32 $0xFFFFD600  }
0xb8: {  	[spmem:s3] =	stream.indirect.scatter.add.f32 [tilespmem:s28], [sflag:$0x5], $0x80, s19, s31, $0xb8;
	[tilespmem:$0x1AC00] =	vst v63  }
0xb9: {  	_ =	swait.ge [sflag:s29], $0x2A00  }
0xba: {  	[sflag:s29] =	ssyncset.done $0x0  }
0xbb: {  	s19 =	simm.s32 $0x200;
	[sflag:s29] =	ssyncadd.s32 $0xFFFFD600  }
0xbc: {  	[tilespmem:s28], [sflag:$0x1] =	stream.indirect.gather [hbm4b:s5+s31], $0x80, s19, s31, $0xb8;
	[tilespmem:$0x1AC00] =	vst v63  }
0xbd: {  	_ =	swait.ge [sflag:s17], $0x2A00  }
0xbe: {  	[sflag:s17] =	ssyncset.done $0x0  }
0xbf: {  	s19 =	simm.s32 $0x180;
	[sflag:s17] =	ssyncadd.s32 $0xFFFFD600  }
0xc0: {  	[spmem:s3] =	stream.indirect.scatter.add.f32 [tilespmem:s2], [sflag:$0x5], $0x80, s19, s31, $0xb8;
	[tilespmem:$0x1AC00] =	vst v63  }
0xc1: {  	_ =	swait.ge [sflag:s29], $0x2A00  }
0xc2: {  	[sflag:s29] =	ssyncset.done $0x0  }
0xc3: {  	s19 =	simm.s32 $0x300;
	[sflag:s29] =	ssyncadd.s32 $0xFFFFD600  }
0xc4: {  	[tilespmem:s2], [sflag:$0x2] =	stream.indirect.gather [hbm4b:s5+s31], $0x80, s19, s31, $0xb8;
	[tilespmem:$0x1AC00] =	vst v63  }
0xc5: {  	_ =	swait.ge [sflag:s14], $0x2A00  }
0xc6: {  	[sflag:s14] =	ssyncset.done $0x0  }
0xc7: {  	s19 =	simm.s32 $0x280;
	[sflag:s14] =	ssyncadd.s32 $0xFFFFD600  }
0xc8: {  	[spmem:s3] =	stream.indirect.scatter.add.f32 [tilespmem:s28], [sflag:$0x5], $0x80, s19, s31, $0xb8;
	[tilespmem:$0x1AC00] =	vst v63  }
0xc9: {  	_ =	swait.ge [sflag:s29], $0x2A00  }
0xca: {  	[sflag:s29] =	ssyncset.done $0x0  }
0xcb: {  	s19 =	simm.s32 $0x400;
	[sflag:s29] =	ssyncadd.s32 $0xFFFFD600  }
0xcc: {  	[tilespmem:s28], [sflag:$0x1] =	stream.indirect.gather [hbm4b:s5+s31], $0x80, s19, s31, $0xb8;
	[tilespmem:$0x1AC00] =	vst v63  }
0xcd: {  	_ =	swait.ge [sflag:s17], $0x2A00  }
0xce: {  	[sflag:s17] =	ssyncset.done $0x0  }
0xcf: {  	s19 =	simm.s32 $0x380;
	[sflag:s17] =	ssyncadd.s32 $0xFFFFD600  }
0xd0: {  	[spmem:s3] =	stream.indirect.scatter.add.f32 [tilespmem:s2], [sflag:$0x5], $0x80, s19, s31, $0xb8;
	[tilespmem:$0x1AC00] =	vst v63  }
0xd1: {  	_ =	swait.ge [sflag:s29], $0x2A00  }
0xd2: {  	[sflag:s29] =	ssyncset.done $0x0  }
0xd3: {  	s19 =	simm.s32 $0x500;
	[sflag:s29] =	ssyncadd.s32 $0xFFFFD600  }
0xd4: {  	[tilespmem:s2], [sflag:$0x2] =	stream.indirect.gather [hbm4b:s5+s31], $0x80, s19, s31, $0xb8;
	[tilespmem:$0x1AC00] =	vst v63  }
0xd5: {  	_ =	swait.ge [sflag:s14], $0x2A00  }
0xd6: {  	[sflag:s14] =	ssyncset.done $0x0  }
0xd7: {  	s19 =	simm.s32 $0x480;
	[sflag:s14] =	ssyncadd.s32 $0xFFFFD600  }
0xd8: {  	[spmem:s3] =	stream.indirect.scatter.add.f32 [tilespmem:s28], [sflag:$0x5], $0x80, s19, s31, $0xb8;
	[tilespmem:$0x1AC00] =	vst v63  }
0xd9: {  	_ =	swait.ge [sflag:s29], $0x2A00  }
0xda: {  	[sflag:s29] =	ssyncset.done $0x0  }
0xdb: {  	s19 =	simm.s32 $0x600;
	[sflag:s29] =	ssyncadd.s32 $0xFFFFD600  }
0xdc: {  	[tilespmem:s28], [sflag:$0x1] =	stream.indirect.gather [hbm4b:s5+s31], $0x80, s19, s31, $0xb8;
	[tilespmem:$0x1AC00] =	vst v63  }
0xdd: {  	_ =	swait.ge [sflag:s17], $0x2A00  }
0xde: {  	[sflag:s17] =	ssyncset.done $0x0  }
0xdf: {  	s19 =	simm.s32 $0x580;
	[sflag:s17] =	ssyncadd.s32 $0xFFFFD600  }
0xe0: {  	[spmem:s3] =	stream.indirect.scatter.add.f32 [tilespmem:s2], [sflag:$0x5], $0x80, s19, s31, $0xb8;
	[tilespmem:$0x1AC00] =	vst v63  }
0xe1: {  	_ =	swait.ge [sflag:s29], $0x2A00  }
0xe2: {  	[sflag:s29] =	ssyncset.done $0x0  }
0xe3: {  	s19 =	simm.s32 $0x700;
	[sflag:s29] =	ssyncadd.s32 $0xFFFFD600  }
0xe4: {  	[tilespmem:s2], [sflag:$0x2] =	stream.indirect.gather [hbm4b:s5+s31], $0x80, s19, s31, $0xb8;
	[tilespmem:$0x1AC00] =	vst v63  }
0xe5: {  	_ =	swait.ge [sflag:s14], $0x2A00  }
0xe6: {  	[sflag:s14] =	ssyncset.done $0x0  }
0xe7: {  	s19 =	simm.s32 $0x680;
	[sflag:s14] =	ssyncadd.s32 $0xFFFFD600  }
0xe8: {  	[spmem:s3] =	stream.indirect.scatter.add.f32 [tilespmem:s28], [sflag:$0x5], $0x80, s19, s31, $0xb8;
	[tilespmem:$0x1AC00] =	vst v63  }
0xe9: {  	_ =	swait.ge [sflag:s29], $0x2A00  }
0xea: {  	[sflag:s29] =	ssyncset.done $0x0  }
0xeb: {  	s19 =	simm.s32 $0x800;
	[sflag:s29] =	ssyncadd.s32 $0xFFFFD600  }
0xec: {  	[tilespmem:s28], [sflag:$0x1] =	stream.indirect.gather [hbm4b:s5+s31], $0x80, s19, s31, $0xb8;
	[tilespmem:$0x1AC00] =	vst v63  }
0xed: {  	_ =	swait.ge [sflag:s17], $0x2A00  }
0xee: {  	[sflag:s17] =	ssyncset.done $0x0  }
0xef: {  	s19 =	simm.s32 $0x780;
	[sflag:s17] =	ssyncadd.s32 $0xFFFFD600  }
0xf0: {  	[spmem:s3] =	stream.indirect.scatter.add.f32 [tilespmem:s2], [sflag:$0x5], $0x80, s19, s31, $0xb8;
	[tilespmem:$0x1AC00] =	vst v63  }
0xf1: {  	_ =	swait.ge [sflag:s29], $0x2A00  }
0xf2: {  	[sflag:s29] =	ssyncset.done $0x0  }
0xf3: {  	s19 =	simm.s32 $0x900;
	[sflag:s29] =	ssyncadd.s32 $0xFFFFD600  }
0xf4: {  	[tilespmem:s2], [sflag:$0x2] =	stream.indirect.gather [hbm4b:s5+s31], $0x80, s19, s31, $0xb8;
	[tilespmem:$0x1AC00] =	vst v63  }
0xf5: {  	_ =	swait.ge [sflag:s14], $0x2A00  }
0xf6: {  	[sflag:s14] =	ssyncset.done $0x0  }
0xf7: {  	s19 =	simm.s32 $0x880;
	[sflag:s14] =	ssyncadd.s32 $0xFFFFD600  }
0xf8: {  	[spmem:s3] =	stream.indirect.scatter.add.f32 [tilespmem:s28], [sflag:$0x5], $0x80, s19, s31, $0xb8;
	[tilespmem:$0x1AC00] =	vst v63  }
0xf9: {  	_ =	swait.ge [sflag:s29], $0x2A00  }
0xfa: {  	[sflag:s29] =	ssyncset.done $0x0  }
0xfb: {  	[sflag:s29] =	ssyncadd.s32 $0xFFFFD600  }
0xfc: {  	_ =	swait.ge [sflag:s13], $0xA00  }
0xfd: {  	[sflag:s13] =	ssyncset.done $0x0  }
0xfe: {  	[sflag:s13] =	ssyncadd.s32 $0xFFFFF600  }
0xff: {  	[tilespmem:s28], [sflag:$0x1] =	stream.indirect.gather [hbm4b:s5+s31], $0x80, s30, s31, $0xb8;
	[tilespmem:$0x1AC00] =	vst v63  }
0x100: {  	_ =	swait.ge [sflag:s17], $0x2A00  }
0x101: {  	[sflag:s17] =	ssyncset.done $0x0  }
0x102: {  	s19 =	simm.s32 $0x980;
	[sflag:s17] =	ssyncadd.s32 $0xFFFFD600  }
0x103: {  	[spmem:s3] =	stream.indirect.scatter.add.f32 [tilespmem:s2], [sflag:$0x5], $0x80, s19, s31, $0xb8;
	[tilespmem:$0x1AC00] =	vst v63  }
0x104: {  	_ =	swait.ge [sflag:s29], $0x2A00  }
0x105: {  	[sflag:s29] =	ssyncset.done $0x0  }
0x106: {  	p0 =	seq.s32 s15, $0xC80;
	[sflag:s29] =	ssyncadd.s32 $0xFFFFD600  }
0x107: {  	s18 =	sshrl.u32 @!p0 s16, $0x3;
	s19 =	rddreg [dreg:$0x1]  }
0x108: {  	s18 =	sadd.s32 @!p0 s19, s18;
	s19 =	simm.s32 @!p0 $0x0  }
0x109: {  	[tilespmem:s19], [sflag:$0x3] =	stream.linear.gather @!p0 [hbm4b:s18+s19], $0xA00, $0x38;
	[tilespmem:$0x1AC00] =	vst v63  }
0x10a: {  	s19 =	simm.s32 $0xB00  }
0x10b: {  	[tilespmem:s2], [sflag:$0x2] =	stream.indirect.gather [hbm4b:s5+s31], $0x80, s19, s31, $0xb8;
	[tilespmem:$0x1AC00] =	vst v63  }
0x10c: {  	_ =	swait.ge [sflag:s14], $0x2A00  }
0x10d: {  	[sflag:s14] =	ssyncset.done $0x0  }
0x10e: {  	s19 =	simm.s32 $0xA80;
	[sflag:s14] =	ssyncadd.s32 $0xFFFFD600  }
0x10f: {  	[spmem:s3] =	stream.indirect.scatter.add.f32 [tilespmem:s28], [sflag:$0x5], $0x80, s19, s31, $0xb8;
	[tilespmem:$0x1AC00] =	vst v63  }
0x110: {  	_ =	swait.ge [sflag:s29], $0x2A00  }
0x111: {  	[sflag:s29] =	ssyncset.done $0x0  }
0x112: {  	s19 =	simm.s32 $0xC00;
	[sflag:s29] =	ssyncadd.s32 $0xFFFFD600  }
0x113: {  	[tilespmem:s28], [sflag:$0x1] =	stream.indirect.gather [hbm4b:s5+s31], $0x80, s19, s31, $0xb8;
	[tilespmem:$0x1AC00] =	vst v63  }
0x114: {  	_ =	swait.ge [sflag:s17], $0x2A00  }
0x115: {  	[sflag:s17] =	ssyncset.done $0x0  }
0x116: {  	s19 =	simm.s32 $0xB80;
	[sflag:s17] =	ssyncadd.s32 $0xFFFFD600  }
0x117: {  	[spmem:s3] =	stream.indirect.scatter.add.f32 [tilespmem:s2], [sflag:$0x5], $0x80, s19, s31, $0xb8;
	[tilespmem:$0x1AC00] =	vst v63  }
0x118: {  	_ =	swait.ge [sflag:s29], $0x2A00  }
0x119: {  	[sflag:s29] =	ssyncset.done $0x0  }
0x11a: {  	s19 =	simm.s32 $0xD00;
	[sflag:s29] =	ssyncadd.s32 $0xFFFFD600  }
0x11b: {  	[tilespmem:s2], [sflag:$0x2] =	stream.indirect.gather [hbm4b:s5+s31], $0x80, s19, s31, $0xb8;
	[tilespmem:$0x1AC00] =	vst v63  }
0x11c: {  	_ =	swait.ge [sflag:s14], $0x2A00  }
0x11d: {  	[sflag:s14] =	ssyncset.done $0x0  }
0x11e: {  	[sflag:s14] =	ssyncadd.s32 $0xFFFFD600  }
0x11f: {  	[spmem:s3] =	stream.indirect.scatter.add.f32 [tilespmem:s28], [sflag:$0x5], $0x80, s20, s31, $0xb8;
	[tilespmem:$0x1AC00] =	vst v63  }
0x120: {  	_ =	swait.ge [sflag:s29], $0x2A00  }
0x121: {  	[sflag:s29] =	ssyncset.done $0x0  }
0x122: {  	[sflag:s29] =	ssyncadd.s32 $0xFFFFD600  }
0x123: {  	[tilespmem:s28], [sflag:$0x1] =	stream.indirect.gather [hbm4b:s5+s31], $0x80, s21, s31, $0xb8;
	[tilespmem:$0x1AC00] =	vst v63  }
0x124: {  	_ =	swait.ge [sflag:s17], $0x2A00  }
0x125: {  	[sflag:s17] =	ssyncset.done $0x0  }
0x126: {  	[sflag:s17] =	ssyncadd.s32 $0xFFFFD600  }
0x127: {  	[spmem:s3] =	stream.indirect.scatter.add.f32 [tilespmem:s2], [sflag:$0x5], $0x80, s23, s31, $0xb8;
	[tilespmem:$0x1AC00] =	vst v63  }
0x128: {  	_ =	swait.ge [sflag:s29], $0x2A00  }
0x129: {  	[sflag:s29] =	ssyncset.done $0x0  }
0x12a: {  	[sflag:s29] =	ssyncadd.s32 $0xFFFFD600  }
0x12b: {  	[tilespmem:s2], [sflag:$0x2] =	stream.indirect.gather [hbm4b:s5+s31], $0x80, s26, s31, $0xb8;
	[tilespmem:$0x1AC00] =	vst v63  }
0x12c: {  	_ =	swait.ge [sflag:s14], $0x2A00  }
0x12d: {  	[sflag:s14] =	ssyncset.done $0x0  }
0x12e: {  	[sflag:s14] =	ssyncadd.s32 $0xFFFFD600  }
0x12f: {  	[spmem:s3] =	stream.indirect.scatter.add.f32 [tilespmem:s28], [sflag:$0x5], $0x80, s25, s31, $0xb8;
	[tilespmem:$0x1AC00] =	vst v63  }
0x130: {  	_ =	swait.ge [sflag:s29], $0x2A00  }
0x131: {  	[sflag:s29] =	ssyncset.done $0x0  }
0x132: {  	[sflag:s29] =	ssyncadd.s32 $0xFFFFD600  }
0x133: {  	[tilespmem:s28], [sflag:$0x1] =	stream.indirect.gather [hbm4b:s5+s31], $0x80, s22, s31, $0xb8;
	[tilespmem:$0x1AC00] =	vst v63  }
0x134: {  	_ =	swait.ge [sflag:s17], $0x2A00  }
0x135: {  	[sflag:s17] =	ssyncset.done $0x0  }
0x136: {  	[sflag:s17] =	ssyncadd.s32 $0xFFFFD600  }
0x137: {  	[spmem:s3] =	stream.indirect.scatter.add.f32 [tilespmem:s2], [sflag:$0x5], $0x80, s6, s31, $0xb8;
	[tilespmem:$0x1AC00] =	vst v63  }
0x138: {  	_ =	swait.ge [sflag:s29], $0x2A00  }
0x139: {  	[sflag:s29] =	ssyncset.done $0x0  }
0x13a: {  	[sflag:s29] =	ssyncadd.s32 $0xFFFFD600  }
0x13b: {  	[tilespmem:s2], [sflag:$0x2] =	stream.indirect.gather [hbm4b:s5+s31], $0x80, s7, s31, $0xb8;
	[tilespmem:$0x1AC00] =	vst v63  }
0x13c: {  	_ =	swait.ge [sflag:s14], $0x2A00  }
0x13d: {  	[sflag:s14] =	ssyncset.done $0x0  }
0x13e: {  	[sflag:s14] =	ssyncadd.s32 $0xFFFFD600  }
0x13f: {  	[spmem:s3] =	stream.indirect.scatter.add.f32 [tilespmem:s28], [sflag:$0x5], $0x80, s8, s31, $0xb8;
	[tilespmem:$0x1AC00] =	vst v63  }
0x140: {  	_ =	swait.ge [sflag:s29], $0x2A00  }
0x141: {  	[sflag:s29] =	ssyncset.done $0x0  }
0x142: {  	[sflag:s29] =	ssyncadd.s32 $0xFFFFD600  }
0x143: {  	[tilespmem:s28], [sflag:$0x1] =	stream.indirect.gather [hbm4b:s5+s31], $0x80, s9, s31, $0xb8;
	[tilespmem:$0x1AC00] =	vst v63  }
0x144: {  	_ =	swait.ge [sflag:s17], $0x2A00  }
0x145: {  	[sflag:s17] =	ssyncset.done $0x0  }
0x146: {  	[sflag:s17] =	ssyncadd.s32 $0xFFFFD600  }
0x147: {  	[spmem:s3] =	stream.indirect.scatter.add.f32 [tilespmem:s2], [sflag:$0x5], $0x80, s10, s31, $0xb8;
	[tilespmem:$0x1AC00] =	vst v63  }
0x148: {  	_ =	swait.ge [sflag:s29], $0x2A00  }
0x149: {  	[sflag:s29] =	ssyncset.done $0x0  }
0x14a: {  	[sflag:s29] =	ssyncadd.s32 $0xFFFFD600  }
0x14b: {  	[tilespmem:s2], [sflag:$0x2] =	stream.indirect.gather [hbm4b:s5+s31], $0x80, s11, s31, $0xb8;
	[tilespmem:$0x1AC00] =	vst v63  }
0x14c: {  	_ =	swait.ge [sflag:s14], $0x2A00  }
0x14d: {  	[sflag:s14] =	ssyncset.done $0x0  }
.Ltmp3:
0x14e: {  	[sflag:s14] =	ssyncadd.s32 $0xFFFFD600;
	(pc) =	sbr.rel @p0 .LBB2_6-.Ltmp3, $4  }
0x14f: {  	[spmem:s3] =	stream.indirect.scatter.add.f32 [tilespmem:s28], [sflag:$0x5], $0x80, s12, s31, $0xb8;
	[tilespmem:$0x1AC00] =	vst v63  }
0x150: {  	_ =	swait.ge [sflag:s29], $0x2A00  }
0x151: {  	[sflag:s29] =	ssyncset.done $0x0  }
0x152: {  	[sflag:s29] =	ssyncadd.s32 $0xFFFFD600  }
0x153: {  	_ =	swait.ge [sflag:s0], $0xA00  }
0x154: {  	[sflag:s0] =	ssyncset.done $0x0  }
0x155: {  	[sflag:s0] =	ssyncadd.s32 $0xFFFFF600  }
0x156: {  	[tilespmem:s28], [sflag:$0x1] =	stream.indirect.gather [hbm4b:s5+s31], $0x80, s4, s31, $0xb8;
	[tilespmem:$0x1AC00] =	vst v63  }
0x157: {  	_ =	swait.ge [sflag:s17], $0x2A00  }
0x158: {  	[sflag:s17] =	ssyncset.done $0x0  }
0x159: {  	[sflag:s17] =	ssyncadd.s32 $0xFFFFD600  }
0x15a: {  	[spmem:s3] =	stream.indirect.scatter.add.f32 [tilespmem:s2], [sflag:$0x5], $0x80, s1, s31, $0xb8;
	[tilespmem:$0x1AC00] =	vst v63  }
.Ltmp4:
0x15b: {  	_ = 	snop;
	(pc) =	sbr.rel .LBB2_4-.Ltmp4, $4  }
0x15c: {  	_ =	swait.ge [sflag:s29], $0x2A00  }
0x15d: {  	s18 =	sadd.s32 s15, s24;
	[sflag:s29] =	ssyncset.done $0x0  }
0x15e: {  	s15 =	sadd.s32 $0x280, s15;
	s16 =	sadd.s32 $0x1400, s16;
	[sflag:s29] =	ssyncadd.s32 $0xFFFFD600  }
0x15f: {  	[tilespmem:s30], [sflag:$0x4] =	stream.linear.gather [hbm4b:s18+s4], $0xA00, $0x38;
	[tilespmem:$0x1AC00] =	vst v63  }
.LBB2_7:
0x160: {  	_ =	sfence.sel $0x180000  }
0x161: {  	[bflag:$0x0] =	sbarrier.arrive $0xFFFF  }
0x162: {  	_ =	strace $0x9000004A  }
0x163: {  	s0 =	stileid.u32;
	[bflag:$0x2] =	sbarrier.arrive $0xFFFF  }
0x164: {  	p0 =	sne.s32 s0, $0x0;
	s0 =	rddreg [dreg:$0x3]  }
0x165: {  	s0 =	sadd.s32 @!p0 $0x100000, s0  }
0x166: {  	[sflag:s0] =	ssyncadd.tile.s32 @!p0 $0x1;
	_ =	shalt  }
.Lfunc_end2:
_tile_overlayer_lowered:
.L_overlay_start_2:
0x167: {  	(tag) =	ssettag $0x2  }
0x168: {  	s0 =	rddreg [dreg:$0x0];
	s2 =	stileid.u32  }
0x169: {  	s1 =	rddreg [dreg:$0x1];
	p0 =	sne.s32 s2, $0x0  }
0x16a: {  	s3 =	rddreg [dreg:$0x2];
	[bflag:$0x3] =	sbarrier.arrive $0xFFFF;
	s2 =	simm.s32 @!p0 $0x1C05  }
0x16b: {  	[timem:s3], [sflag:s2] =	dma.local @!p0 [hbm:s0], s1  }
0x16c: {  	s0 =	simm.s32 @!p0 $0x5  }
0x16d: {  	_ =	swait.ge @!p0 [sflag:s0], s1  }
0x16e: {  	s1 =	ssub.s32 @!p0 $0x0, s1;
	[sflag:s0] =	ssyncset.done @!p0 $0x0  }
0x16f: {  	[sflag:s0] =	ssyncadd.s32 @!p0 s1  }
0x170: {  	[bflag:$0x3] =	sbarrier.arrive $0xFFFF  }
0x171: {  	_ =	shalt  }

// kernel: kernel.14.cloned.1.call-start
scs
__scs_entry_jumppad:
0x0: {  	(pc) =	sbr.rel $0x88, $3  }
0x1: {  	(tag) =	ssettag $0x0;
	lr =	simm.s32 $0x1  }
0x2: {  	[smem:$0x3F9B] =	sst lr;
	_ =	strace $0xD0000000  }
0x3: {  	_ = 	snop  }
0x4: {  	_ = 	snop  }
0x5: {  	_ = 	snop  }
0x6: {  	_ = 	snop  }
0x7: {  	_ = 	snop  }
__scs_overlays_trampoline_lowered:
0x8: {  	[smem:$0x3FAA] =	sst s0  }
0x9: {  	[smem:$0x3FAB] =	sst s1  }
0xa: {  	[smem:$0x3FAC] =	sst s2  }
0xb: {  	[smem:$0x3FAD] =	sst s3  }
0xc: {  	[smem:$0x3FAE] =	sst s4  }
0xd: {  	[smem:$0x3FAF] =	sst s5  }
0xe: {  	[smem:$0x3FB0] =	sst s6  }
0xf: {  	[smem:$0x3FB1] =	sst s7  }
0x10: {  	[smem:$0x3FB2] =	sst s8  }
0x11: {  	[smem:$0x3FB3] =	sst s9;
	s0 =	simm.s32 @!p0 $0x0  }
0x12: {  	s1 =	sld [smem:$0x3F99];
	s0 =	simm.s32 @p0 $0x1  }
0x13: {  	[smem:$0x3FB4] =	sst s0;
	s0 =	simm.s32 @!p1 $0x0  }
0x14: {  	s2 =	sld [smem:$0x3F98];
	s0 =	simm.s32 @p1 $0x1  }
0x15: {  	[smem:$0x3FB5] =	sst s0;
	s0 =	simm.s32 @!p2 $0x0  }
0x16: {  	s3 =	sld [smem:$0x3FDB];
	s0 =	simm.s32 @p2 $0x1  }
0x17: {  	s4 =	simm.s32 $0x1BF5;
	[smem:$0x3FB7] =	sst s0  }
0x18: {  	s0 =	sld [smem:$0x3F9A];
	_ =	swait.ge [sflag:s4], $0x0  }
0x19: {  	s7 =	sld [smem:$0x3F9B]  }
0x1a: {  	s8 =	sadd.s32 $0xFFFFE003, lr  }
0x1b: {  	s9 =	sadd.s32 $0xFFFFFEF7, lr;
	s5 =	simm.s32 $0xFFFFFFFF;
	p2 =	slt.u32 s8, $0xFFFFF086  }
0x1c: {  	p1 =	slt.u32 s9, $0xF7A;
	s5 =	simm.s32 @!p2 $0x0  }
0x1d: {  	s5 =	simm.s32 @p1 $0x1;
	p0 =	seq.s32 s7, s2  }
0x1e: {  	s7 =	smul.u32 @!p0 $0xF7A, s2;
	p2 =	seq.s32 @!p0 s5, $0x0  }
0x1f: {  	s9 =	smul.u32 $0xF7A, s1;
	s8 =	simm.s32 @!p0 $0x1BF5;
	p2 =	por !p2, p0  }
0x20: {  	[sflag:s8] =	ssyncset.s32 @!p0 $0xFFFFF086;
	s6 =	sadd.s32 @!p0 s3, s7;
	s7 =	simm.s32 @!p0 $0x108  }
0x21: {  	s3 =	sadd.s32 s3, s9;
	s6 =	sadd.s32 @!p0 $0x88, s6;
	s7 =	simm.s32 @p2 $0x1082  }
0x22: {  	[simem:s7], [sflag:s8] =	dma.local @!p0 [hbm:s6], $0xF7A  }
0x23: {  	s9 =	sor.u32 $0xD0000000, s2;
	s6 =	simm.s32 $0x108;
	_ =	swait.ge @!p0 [sflag:s8], $0x0  }
0x24: {  	s3 =	sadd.s32 $0x88, s3;
	s6 =	simm.s32 @!p1 $0x1082;
	[sflag:s4] =	ssyncset.s32 $0xFFFFF086  }
0x25: {  	[simem:s6], [sflag:s4] =	dma.local [hbm:s3], $0xF7A  }
0x26: {  	[smem:$0x3F9B] =	sst s1;
	(tag) =	ssettag s2;
	_ =	strace s9  }
0x27: {  	s1 =	sld [smem:$0x3FAB]  }
0x28: {  	s2 =	sld [smem:$0x3FAC]  }
0x29: {  	s4 =	sld [smem:$0x3FAE]  }
0x2a: {  	p0 =	seq.s32 s5, $0x0;
	s5 =	sld [smem:$0x3FAF]  }
0x2b: {  	s6 =	sld [smem:$0x3FB0]  }
0x2c: {  	s7 =	sld [smem:$0x3FB1]  }
0x2d: {  	s3 =	simm.s32 $0x108;
	s8 =	sld [smem:$0x3FB2]  }
0x2e: {  	s3 =	simm.s32 @!p0 $0x1082;
	s9 =	sld [smem:$0x3FB3]  }
0x2f: {  	lr =	sadd.s32 s0, s3;
	s0 =	sld [smem:$0x3FAA]  }
0x30: {  	s3 =	sld [smem:$0x3FAD]  }
0x31: {  	[smem:$0x3FB6] =	sst s10  }
0x32: {  	s10 =	sld [smem:$0x3FB4];
	_ =	sdelay $0x3  }
0x33: {  	p0 =	seq.s32 s10, $0x1;
	s10 =	sld [smem:$0x3FB6];
	_ =	sdelay $0x3  }
0x34: {  	[smem:$0x3FB6] =	sst s10  }
0x35: {  	s10 =	sld [smem:$0x3FB5];
	_ =	sdelay $0x3  }
0x36: {  	p1 =	seq.s32 s10, $0x1;
	s10 =	sld [smem:$0x3FB6];
	_ =	sdelay $0x3  }
0x37: {  	[smem:$0x3FB6] =	sst s10  }
0x38: {  	s10 =	sld [smem:$0x3FB7]  }
0x39: {  	_ = 	snop;
	(pc) =	sbr.ind lr, $3  }
0x3a: {  	_ = 	snop  }
0x3b: {  	_ = 	snop  }
0x3c: {  	p2 =	seq.s32 s10, $0x1;
	s10 =	sld [smem:$0x3FB6]  }
0x3d: {  	_ =	shalt  }
0x3e: {  	_ =	shalt  }
0x3f: {  	_ =	shalt  }
0x40: {  	_ =	shalt  }
0x41: {  	_ =	shalt  }
0x42: {  	_ =	shalt  }
0x43: {  	_ =	shalt  }
0x44: {  	_ =	shalt  }
0x45: {  	_ =	shalt  }
0x46: {  	_ =	shalt  }
0x47: {  	_ =	shalt  }
0x48: {  	_ =	shalt  }
0x49: {  	_ =	shalt  }
0x4a: {  	_ =	shalt  }
0x4b: {  	_ =	shalt  }
0x4c: {  	_ =	shalt  }
0x4d: {  	_ =	shalt  }
0x4e: {  	_ =	shalt  }
0x4f: {  	_ =	shalt  }
0x50: {  	_ =	shalt  }
0x51: {  	_ =	shalt  }
0x52: {  	_ =	shalt  }
0x53: {  	_ =	shalt  }
0x54: {  	_ =	shalt  }
0x55: {  	_ =	shalt  }
0x56: {  	_ =	shalt  }
0x57: {  	_ =	shalt  }
0x58: {  	_ =	shalt  }
0x59: {  	_ =	shalt  }
0x5a: {  	_ =	shalt  }
0x5b: {  	_ =	shalt  }
0x5c: {  	_ =	shalt  }
0x5d: {  	_ =	shalt  }
0x5e: {  	_ =	shalt  }
0x5f: {  	_ =	shalt  }
0x60: {  	_ =	shalt  }
0x61: {  	_ =	shalt  }
0x62: {  	_ =	shalt  }
0x63: {  	_ =	shalt  }
0x64: {  	_ =	shalt  }
0x65: {  	_ =	shalt  }
0x66: {  	_ =	shalt  }
0x67: {  	_ =	shalt  }
0x68: {  	_ =	shalt  }
0x69: {  	_ =	shalt  }
0x6a: {  	_ =	shalt  }
0x6b: {  	_ =	shalt  }
0x6c: {  	_ =	shalt  }
0x6d: {  	_ =	shalt  }
0x6e: {  	_ =	shalt  }
0x6f: {  	_ =	shalt  }
0x70: {  	_ =	shalt  }
0x71: {  	_ =	shalt  }
0x72: {  	_ =	shalt  }
0x73: {  	_ =	shalt  }
0x74: {  	_ =	shalt  }
0x75: {  	_ =	shalt  }
0x76: {  	_ =	shalt  }
0x77: {  	_ =	shalt  }
0x78: {  	_ =	shalt  }
0x79: {  	_ =	shalt  }
0x7a: {  	_ =	shalt  }
0x7b: {  	_ =	shalt  }
0x7c: {  	_ =	shalt  }
0x7d: {  	_ =	shalt  }
0x7e: {  	_ =	shalt  }
0x7f: {  	_ =	shalt  }
0x80: {  	_ =	shalt  }
0x81: {  	_ =	shalt  }
0x82: {  	_ =	shalt  }
0x83: {  	_ =	shalt  }
0x84: {  	_ =	shalt  }
0x85: {  	_ =	shalt  }
0x86: {  	_ =	shalt  }
0x87: {  	_ =	shalt  }
.Lfunc_end0:
.L_simem_size_0:
called_computation.2_lowered:
.L_overlay_start_0:
0x88: {  	s2 =	sld [smem:$0x3FD9]  }
0x89: {  	s3 =	sld [smem:$0x3FFE];
	_ =	sdelay $0x1  }
0x8a: {  	s1 =	srdreg.scid  }
0x8b: {  	s0 =	sand.u32 $0x1, s1  }
0x8c: {  	s17 =	sshll.u32 s0, $0xA;
	s2 =	sadd.s32 s3, s2  }
0x8d: {  	s2 =	sadd.s32 s2, s17  }
0x8e: {  	[smem:$0x3FC2] =	sst s2  }
0x8f: {  	_ = 	snop  }
0x90: {  	s2 =	sld [smem:$0x3FD0];
	(tm) =	ssettm $0x1  }
0x91: {  	s18 =	sld [smem:$0x3FFB];
	_ =	sdelay $0x3  }
0x92: {  	_ =	strace s18  }
0x93: {  	s3 =	sld [smem:$0x3FFC];
	_ =	sdelay $0x3  }
0x94: {  	_ =	strace s3  }
0x95: {  	s3 =	sld [smem:$0x3FFD];
	_ =	sdelay $0x3  }
0x96: {  	_ =	strace s3  }
0x97: {  	_ =	strace $0x8FFFFFFF  }
0x98: {  	s19 =	sld [smem:$0x3FDB];
	_ =	sdelay $0x1  }
0x99: {  	s4 =	simm.s32 $_scs_section_size  }
0x9a: {  	s5 =	simm.s32 $_size__tile_overlayer_lowered;
	s6 =	simm.s32 $_tile_overlayer_lowered  }
0x9b: {  	s22 =	simm.s32 $0x1BFF;
	s21 =	sshll.u32 s6, $0x1;
	s3 =	sadd.s32 s4, s19  }
0x9c: {  	s7 =	simm.s32 $0x0;
	s20 =	sshll.u32 s5, $0x1;
	s5 =	sadd.s32 s21, s3  }
0x9d: {  	[timem:s7], [sflag:s22] =	dma.local [hbm:s5], s20  }
0x9e: {  	_ =	swait.ge [sflag:s22], s20  }
0x9f: {  	s4 =	ssub.s32 $0x0, s20;
	[sflag:s22] =	ssyncset.done $0x0  }
0xa0: {  	[sflag:s22] =	ssyncadd.s32 s4;
	_ =	sdelay $0x1  }
0xa1: {  	s23 =	simm.s32 $0x1B8B  }
0xa2: {  	_ =	swait.ge [sflag:s23], $0x1  }
0xa3: {  	[sflag:s23] =	ssyncset.done $0x0  }
0xa4: {  	s25 =	simm.s32 $0x1B8E;
	s24 =	sld [smem:$0x3FFE];
	[sflag:s23] =	ssyncadd.s32 $0xFFFFFFFF  }
0xa5: {  	s26 =	simm.s32 $execute0_lowered;
	[smem:$0x3FD2] =	sst s25  }
0xa6: {  	s5 =	sshll.u32 s26, $0x1;
	_ =	strace $0x8000004C;
	[dreg:$0x1] =	wrdreg $0xFFFFFFFF  }
0xa7: {  	s28 =	simm.s32 $_size_execute0_lowered;
	s3 =	sadd.s32 s3, s5;
	[dreg:$0x0] =	wrdreg $0x0  }
0xa8: {  	s5 =	sshll.u32 s28, $0x1;
	[dreg:$0x2] =	wrdreg s3  }
0xa9: {  	[dreg:$0x3] =	wrdreg s5  }
0xaa: {  	[dreg:$0x4] =	wrdreg $0xC0  }
0xab: {  	_ =	task [dreg:s7], $0x5FFFF  }
0xac: {  	[dreg:$0x1] =	wrdreg $0xFFFFFFFF  }
0xad: {  	[dreg:$0x0] =	wrdreg $0x60  }
0xae: {  	[dreg:$0x2] =	wrdreg s24  }
0xaf: {  	[dreg:$0x3] =	wrdreg s2  }
0xb0: {  	[dreg:$0x4] =	wrdreg $0x6C000  }
0xb1: {  	[dreg:$0x5] =	wrdreg $0x9  }
0xb2: {  	_ =	task.clear_ibuf [dreg:s7], $0x6FFFF;
	_ =	strace $0x9000004C  }
0xb3: {  	s29 =	simm.s32 $0x9;
	_ =	strace $0x8000004E  }
0xb4: {  	_ =	swait.ge [sflag:s29], $0x1  }
0xb5: {  	[sflag:s29] =	ssyncadd.s32 $0xFFFFFFFF  }
0xb6: {  	_ =	strace $0x9000004E  }
0xb7: {  	_ =	sfence  }
0xb8: {  	s30 =	sld [smem:$0x0];
	_ =	sdelay $0x2  }
0xb9: {  	s31 =	sshll.u32 s1, $0xD;
	s1 =	sshrl.u32 s1, $0x2  }
0xba: {  	s3 =	sand.u32 $0x4000, s31;
	s1 =	sadd.s32 s1, s30  }
0xbb: {  	s0 =	sor.u32 s3, s0;
	s1 =	sshll.u32 s1, $0x11  }
0xbc: {  	s0 =	sor.u32 s1, s0  }
0xbd: {  	s0 =	sadd.s32 $0x8F2B, s0  }
0xbe: {  	[sflag:s0] =	ssyncadd.remote.s32 $0x1  }
0xbf: {  	_ =	sfence.sel $0xFFFF  }
0xc0: {  	[dreg:$0x0] =	wrdreg $0xFFFFFFFF;
	(pc) =	sbr.abs _section_cstart, $3  }
0xc1: {  	[dreg:$0x1] =	wrdreg $0xFFFFFFFF  }
0xc2: {  	_ =	task.clear_ibuf [dreg:s7], $0x2FFFF;
	_ =	strace $0x9FFFFFFF  }
0xc3: {  	(tm) =	ssettm $0x7FFFFFFF  }
tec
execute0_lowered:
.L_overlay_start_1:
0x0: {  	(tag) =	ssettag $0x1  }
0x1: {  	s0 =	rddreg [dreg:$0x0]  }
0x2: {  	s17 =	rddreg [dreg:$0x1]  }
0x3: {  	s3 =	rddreg [dreg:$0x2]  }
0x4: {  	s4 =	simm.s32 $0x0;
	s1 =	srdreg.scid;
	s14 =	stileid.u32  }
0x5: {  	s28 =	simm.s32 $0x1400;
	s29 =	simm.s32 $0x5;
	s2 =	smul.u32 $0x280, s14  }
0x6: {  	s30 =	simm.s32 $0xA00;
	s31 =	simm.s32 $0x54;
	s7 =	smul.u32 $0x50000, s14  }
0x7: {  	[smem:$0x7FF] =	sst s4;
	s1 =	sand.u32 $0x1, s1;
	s14 =	smul.u32 $0x7800, s14  }
0x8: {  	s5 =	sadd.s32 $0x2000, s0;
	s0 =	sadd.s32 $0x52000, s0;
	s13 =	smul.u32 $0x78000, s1  }
0x9: {  	_ =	strace $0x8000004D;
	s6 =	ssub.s32 $0x2, s1;
	s1 =	smul.u32 $0x2800, s1  }
0xa: {  	s8 =	sshrl.u32 s6, $0x1;
	s7 =	sshrl.u32 s7, $0x2;
	s26 =	sor.u32 $0x50, s2  }
0xb: {  	s9 =	sadd.s32 $0xA0, s2;
	s10 =	sadd.s32 $0xF0, s2;
	s11 =	sadd.s32 $0x140, s2  }
0xc: {  	s12 =	sadd.s32 $0x190, s2;
	s24 =	sadd.s32 $0x1E0, s2;
	s16 =	sadd.s32 $0x230, s2  }
0xd: {  	s6 =	ssub.s32 s6, s8;
	s18 =	sadd.s32 s7, s3;
	s19 =	sshll.u32 s26, $0x7  }
0xe: {  	s20 =	sshll.u32 s9, $0x7;
	s21 =	sshll.u32 s10, $0x7;
	s22 =	sshll.u32 s11, $0x7  }
0xf: {  	s23 =	sshll.u32 s12, $0x7;
	s15 =	sshll.u32 s24, $0x7;
	s13 =	sadd.s32 s14, s13  }
0x10: {  	s25 =	sshll.u32 s16, $0x7;
	s2 =	sadd.s32 s2, s1;
	s8 =	sadd.s32 s1, s26  }
0x11: {  	s9 =	sadd.s32 s1, s9;
	s10 =	sadd.s32 s1, s10;
	s11 =	sadd.s32 s1, s11  }
0x12: {  	s12 =	sadd.s32 s1, s12;
	s19 =	sadd.s32 s19, s3;
	s7 =	sadd.s32 s20, s3  }
0x13: {  	s15 =	sadd.s32 s15, s3;
	s14 =	sadd.s32 s25, s3;
	[dreg:$0x4] =	wrdreg s18  }
0x14: {  	s26 =	sshrl.u32 s13, $0x3;
	s2 =	sshll.u32 s2, $0x4;
	[dreg:$0x6] =	wrdreg s7  }
0x15: {  	s8 =	sshll.u32 s8, $0x4;
	s9 =	sshll.u32 s9, $0x4;
	[dreg:$0xa] =	wrdreg s15  }
0x16: {  	s10 =	sshll.u32 s10, $0x4;
	s25 =	sadd.s32 $0x1400, s13;
	[dreg:$0xb] =	wrdreg s14  }
0x17: {  	s20 =	sshll.u32 s12, $0x4;
	s12 =	simm.s32 $0x1280;
	[dreg:$0x16] =	wrdreg s25  }
0x18: {  	s7 =	sadd.s32 s21, s3;
	s2 =	sadd.s32 s0, s2;
	[dreg:$0x5] =	wrdreg s19  }
0x19: {  	s8 =	sadd.s32 s0, s8;
	s15 =	sshll.u32 s11, $0x4;
	[dreg:$0x7] =	wrdreg s7  }
0x1a: {  	s14 =	simm.s32 $0x1;
	s25 =	simm.s32 $0xE80;
	[dreg:$0xc] =	wrdreg s2  }
0x1b: {  	s11 =	simm.s32 $0x1300;
	s7 =	sadd.s32 s22, s3;
	[dreg:$0xd] =	wrdreg s8  }
0x1c: {  	s2 =	sadd.s32 s0, s9;
	s22 =	sadd.s32 $0x1E00, s13;
	s13 =	simm.s32 $0x4  }
0x1d: {  	s8 =	simm.s32 $0x1080;
	s9 =	simm.s32 $0x1200;
	[dreg:$0x8] =	wrdreg s7  }
0x1e: {  	s7 =	sadd.s32 s23, s3;
	[dreg:$0xe] =	wrdreg s2;
	s2 =	sadd.s32 s0, s10  }
0x1f: {  	s23 =	sadd.s32 s17, s26;
	s10 =	simm.s32 $0x1180;
	[dreg:$0x9] =	wrdreg s7  }
0x20: {  	s7 =	sadd.s32 s1, s24;
	s1 =	sadd.s32 s1, s16;
	[dreg:$0xf] =	wrdreg s2  }
0x21: {  	s16 =	sadd.s32 s0, s15;
	s2 =	sadd.s32 s0, s20;
	[dreg:$0x14] =	wrdreg s23  }
0x22: {  	s24 =	smax.u32 s6, $0x1;
	s26 =	sadd.s32 $0x140, s23;
	[dreg:$0x10] =	wrdreg s16  }
0x23: {  	s20 =	simm.s32 $0xC80;
	s23 =	simm.s32 $0xD80;
	[dreg:$0x11] =	wrdreg s2  }
0x24: {  	s6 =	simm.s32 $0xF80;
	s21 =	sshll.u32 s7, $0x4;
	[dreg:$0x15] =	wrdreg s24  }
0x25: {  	s1 =	sshll.u32 s1, $0x4;
	[dreg:$0x17] =	wrdreg s26;
	s26 =	simm.s32 $0xF00  }
.Ltmp0:
0x26: {  	s7 =	simm.s32 $0x1100;
	s2 =	sadd.s32 s0, s21;
	(pc) =	sbr.rel .LBB2_1-.Ltmp0, $4  }
0x27: {  	s16 =	simm.s32 $0x0;
	s0 =	sadd.s32 s0, s1;
	[dreg:$0x12] =	wrdreg s2  }
0x28: {  	s21 =	simm.s32 $0xE00;
	s1 =	simm.s32 $0x1380;
	[dreg:$0x13] =	wrdreg s0  }
0x29: {  	s0 =	sshrl.u32 s22, $0x3;
	s2 =	simm.s32 $0x4000;
	s22 =	simm.s32 $0x1000  }
0x2a: {  	v0 =	vimm.f32 $0.0e+00;
	s24 =	sadd.s32 s0, s17;
	s17 =	simm.s32 $0x2;
	s0 =	simm.s32 $0x3  }
.LBB2_6:
0x2b: {  	_ =	swait.ge [sflag:s17], $0x2A00  }
0x2c: {  	[sflag:s17] =	ssyncset.done $0x0  }
0x2d: {  	[sflag:s17] =	ssyncadd.s32 $0xFFFFD600  }
0x2e: {  	[spmem:s3] =	stream.indirect.scatter.add.f32 [tilespmem:s2], [sflag:$0x5], $0x80, s1, s31, $0xb8;
	[tilespmem:$0x1AC00] =	vst v63  }
0x2f: {  	_ =	swait.ge [sflag:s29], $0x2A00  }
0x30: {  	[sflag:s29] =	ssyncset.done $0x0  }
0x31: {  	[sflag:s29] =	ssyncadd.s32 $0xFFFFD600  }
0x32: {  	[bflag:$0x0] =	sbarrier.arrive $0xFFFF  }
0x33: {  	s18 =	rddreg [dreg:$0x4]  }
0x34: {  	[tilespmem:s28], [sflag:$0x5] =	stream.linear.gather [spmem:s18], $0x2800, $0x38;
	[tilespmem:$0x1AC00] =	vst v63  }
0x35: {  	_ =	swait.ge [sflag:s29], $0x2800  }
0x36: {  	[sflag:s29] =	ssyncset.done $0x0  }
0x37: {  	s15 =	rddreg [dreg:$0xc];
	[sflag:s29] =	ssyncadd.s32 $0xFFFFD800  }
0x38: {  	[hbm4b:s15+s4] =	stream.linear.scatter [tilespmem:s28], [sflag:$0x5], $0x2800, $0x38;
	[tilespmem:$0x1AC00] =	vst v63  }
0x39: {  	_ =	swait.ge [sflag:s29], $0x2800  }
0x3a: {  	[sflag:s29] =	ssyncset.done $0x0  }
0x3b: {  	s19 =	rddreg [dreg:$0x5];
	[sflag:s29] =	ssyncadd.s32 $0xFFFFD800  }
0x3c: {  	[tilespmem:s28], [sflag:$0x5] =	stream.linear.gather [spmem:s19], $0x2800, $0x38;
	[tilespmem:$0x1AC00] =	vst v63  }
0x3d: {  	_ =	swait.ge [sflag:s29], $0x2800  }
0x3e: {  	[sflag:s29] =	ssyncset.done $0x0  }
0x3f: {  	s16 =	rddreg [dreg:$0xd];
	[sflag:s29] =	ssyncadd.s32 $0xFFFFD800  }
0x40: {  	[hbm4b:s16+s4] =	stream.linear.scatter [tilespmem:s28], [sflag:$0x5], $0x2800, $0x38;
	[tilespmem:$0x1AC00] =	vst v63  }
0x41: {  	_ =	swait.ge [sflag:s29], $0x2800  }
0x42: {  	[sflag:s29] =	ssyncset.done $0x0  }
0x43: {  	s16 =	rddreg [dreg:$0x6];
	[sflag:s29] =	ssyncadd.s32 $0xFFFFD800  }
0x44: {  	[tilespmem:s28], [sflag:$0x5] =	stream.linear.gather [spmem:s16], $0x2800, $0x38;
	[tilespmem:$0x1AC00] =	vst v63  }
0x45: {  	_ =	swait.ge [sflag:s29], $0x2800  }
0x46: {  	[sflag:s29] =	ssyncset.done $0x0  }
0x47: {  	s16 =	rddreg [dreg:$0xe];
	[sflag:s29] =	ssyncadd.s32 $0xFFFFD800  }
0x48: {  	[hbm4b:s16+s4] =	stream.linear.scatter [tilespmem:s28], [sflag:$0x5], $0x2800, $0x38;
	[tilespmem:$0x1AC00] =	vst v63  }
0x49: {  	_ =	swait.ge [sflag:s29], $0x2800  }
0x4a: {  	[sflag:s29] =	ssyncset.done $0x0  }
0x4b: {  	s16 =	rddreg [dreg:$0x7];
	[sflag:s29] =	ssyncadd.s32 $0xFFFFD800  }
0x4c: {  	[tilespmem:s28], [sflag:$0x5] =	stream.linear.gather [spmem:s16], $0x2800, $0x38;
	[tilespmem:$0x1AC00] =	vst v63  }
0x4d: {  	_ =	swait.ge [sflag:s29], $0x2800  }
0x4e: {  	[sflag:s29] =	ssyncset.done $0x0  }
0x4f: {  	s16 =	rddreg [dreg:$0xf];
	[sflag:s29] =	ssyncadd.s32 $0xFFFFD800  }
0x50: {  	[hbm4b:s16+s4] =	stream.linear.scatter [tilespmem:s28], [sflag:$0x5], $0x2800, $0x38;
	[tilespmem:$0x1AC00] =	vst v63  }
0x51: {  	_ =	swait.ge [sflag:s29], $0x2800  }
0x52: {  	[sflag:s29] =	ssyncset.done $0x0  }
0x53: {  	s16 =	rddreg [dreg:$0x8];
	[sflag:s29] =	ssyncadd.s32 $0xFFFFD800  }
0x54: {  	[tilespmem:s28], [sflag:$0x5] =	stream.linear.gather [spmem:s16], $0x2800, $0x38;
	[tilespmem:$0x1AC00] =	vst v63  }
0x55: {  	_ =	swait.ge [sflag:s29], $0x2800  }
0x56: {  	[sflag:s29] =	ssyncset.done $0x0  }
0x57: {  	s16 =	rddreg [dreg:$0x10];
	[sflag:s29] =	ssyncadd.s32 $0xFFFFD800  }
0x58: {  	[hbm4b:s16+s4] =	stream.linear.scatter [tilespmem:s28], [sflag:$0x5], $0x2800, $0x38;
	[tilespmem:$0x1AC00] =	vst v63  }
0x59: {  	_ =	swait.ge [sflag:s29], $0x2800  }
0x5a: {  	[sflag:s29] =	ssyncset.done $0x0  }
0x5b: {  	s16 =	rddreg [dreg:$0x9];
	[sflag:s29] =	ssyncadd.s32 $0xFFFFD800  }
0x5c: {  	[tilespmem:s28], [sflag:$0x5] =	stream.linear.gather [spmem:s16], $0x2800, $0x38;
	[tilespmem:$0x1AC00] =	vst v63  }
0x5d: {  	_ =	swait.ge [sflag:s29], $0x2800  }
0x5e: {  	[sflag:s29] =	ssyncset.done $0x0  }
0x5f: {  	s16 =	rddreg [dreg:$0x11];
	[sflag:s29] =	ssyncadd.s32 $0xFFFFD800  }
0x60: {  	[hbm4b:s16+s4] =	stream.linear.scatter [tilespmem:s28], [sflag:$0x5], $0x2800, $0x38;
	[tilespmem:$0x1AC00] =	vst v63  }
0x61: {  	_ =	swait.ge [sflag:s29], $0x2800  }
0x62: {  	[sflag:s29] =	ssyncset.done $0x0  }
0x63: {  	s16 =	rddreg [dreg:$0xa];
	[sflag:s29] =	ssyncadd.s32 $0xFFFFD800  }
0x64: {  	[tilespmem:s28], [sflag:$0x5] =	stream.linear.gather [spmem:s16], $0x2800, $0x38;
	[tilespmem:$0x1AC00] =	vst v63  }
0x65: {  	_ =	swait.ge [sflag:s29], $0x2800  }
0x66: {  	[sflag:s29] =	ssyncset.done $0x0  }
0x67: {  	s16 =	rddreg [dreg:$0x12];
	[sflag:s29] =	ssyncadd.s32 $0xFFFFD800  }
0x68: {  	[hbm4b:s16+s4] =	stream.linear.scatter [tilespmem:s28], [sflag:$0x5], $0x2800, $0x38;
	[tilespmem:$0x1AC00] =	vst v63  }
0x69: {  	_ =	swait.ge [sflag:s29], $0x2800  }
0x6a: {  	[sflag:s29] =	ssyncset.done $0x0  }
0x6b: {  	s16 =	rddreg [dreg:$0xb];
	[sflag:s29] =	ssyncadd.s32 $0xFFFFD800  }
0x6c: {  	[tilespmem:s28], [sflag:$0x5] =	stream.linear.gather [spmem:s16], $0x2800, $0x38;
	[tilespmem:$0x1AC00] =	vst v63  }
0x6d: {  	_ =	swait.ge [sflag:s29], $0x2800  }
0x6e: {  	[sflag:s29] =	ssyncset.done $0x0  }
0x6f: {  	s16 =	rddreg [dreg:$0x13];
	[sflag:s29] =	ssyncadd.s32 $0xFFFFD800  }
0x70: {  	[hbm4b:s16+s4] =	stream.linear.scatter [tilespmem:s28], [sflag:$0x5], $0x2800, $0x38;
	[tilespmem:$0x1AC00] =	vst v63  }
0x71: {  	_ =	swait.ge [sflag:s29], $0x2800  }
0x72: {  	s16 =	rddreg [dreg:$0x18]  }
0x73: {  	s15 =	rddreg [dreg:$0x15];
	s16 =	sadd.s32 $0x1, s16  }
0x74: {  	p0 =	sne.s32 s16, s15  }
.Ltmp1:
0x75: {  	_ = 	snop;
	(pc) =	sbr.rel @!p0 .LBB2_7-.Ltmp1, $3  }
0x76: {  	_ =	sdelay $0x1  }
0x77: {  	[sflag:s29] =	ssyncset.done $0x0  }
0x78: {  	[sflag:s29] =	ssyncadd.s32 $0xFFFFD800  }
.LBB2_1:
0x79: {  	[dreg:$0x18] =	wrdreg s16;
	s15 =	simm.s32 $0x0;
	s16 =	simm.s32 $0x200  }
.LBB2_2:
0x7a: {  	p0 =	sne.s32 s16, $0x9E00;
	[tilespmem:s15+$0x1470] =	vst v0  }
0x7b: {  	[tilespmem:s15+$0x1400] =	vst v0  }
0x7c: {  	[tilespmem:s15+$0x1410] =	vst v0  }
.Ltmp2:
0x7d: {  	[tilespmem:s15+$0x1420] =	vst v0;
	(pc) =	sbr.rel @p0 .LBB2_2-.Ltmp2, $4  }
0x7e: {  	[tilespmem:s15+$0x1430] =	vst v0  }
0x7f: {  	[tilespmem:s15+$0x1440] =	vst v0  }
0x80: {  	[tilespmem:s15+$0x1450] =	vst v0  }
0x81: {  	[tilespmem:s15+$0x1460] =	vst v0;
	s15 =	sshra.s32 s16, $0x2;
	s16 =	sadd.s32 $0x200, s16  }
0x82: {  	[tilespmem:s15+$0x1470] =	vst v0  }
0x83: {  	[tilespmem:s15+$0x1400] =	vst v0  }
0x84: {  	[tilespmem:s15+$0x1410] =	vst v0  }
0x85: {  	[tilespmem:s15+$0x1420] =	vst v0  }
0x86: {  	[tilespmem:s15+$0x1430] =	vst v0  }
0x87: {  	[tilespmem:s15+$0x1440] =	vst v0  }
0x88: {  	[tilespmem:s15+$0x1450] =	vst v0  }
0x89: {  	[tilespmem:s15+$0x1460] =	vst v0  }
0x8a: {  	[spmem:s18] =	stream.linear.scatter [tilespmem:s28], [sflag:$0x5], $0x2800, $0x38;
	[tilespmem:$0x1AC00] =	vst v63  }
0x8b: {  	_ =	swait.ge [sflag:s29], $0x2800  }
0x8c: {  	[sflag:s29] =	ssyncset.done $0x0  }
0x8d: {  	[sflag:s29] =	ssyncadd.s32 $0xFFFFD800  }
0x8e: {  	[spmem:s19] =	stream.linear.scatter [tilespmem:s28], [sflag:$0x5], $0x2800, $0x38;
	[tilespmem:$0x1AC00] =	vst v63  }
0x8f: {  	_ =	swait.ge [sflag:s29], $0x2800  }
0x90: {  	[sflag:s29] =	ssyncset.done $0x0  }
0x91: {  	s19 =	rddreg [dreg:$0x6];
	[sflag:s29] =	ssyncadd.s32 $0xFFFFD800  }
0x92: {  	[spmem:s19] =	stream.linear.scatter [tilespmem:s28], [sflag:$0x5], $0x2800, $0x38;
	[tilespmem:$0x1AC00] =	vst v63  }
0x93: {  	_ =	swait.ge [sflag:s29], $0x2800  }
0x94: {  	[sflag:s29] =	ssyncset.done $0x0  }
0x95: {  	s16 =	rddreg [dreg:$0x7];
	[sflag:s29] =	ssyncadd.s32 $0xFFFFD800  }
0x96: {  	[spmem:s16] =	stream.linear.scatter [tilespmem:s28], [sflag:$0x5], $0x2800, $0x38;
	[tilespmem:$0x1AC00] =	vst v63  }
0x97: {  	_ =	swait.ge [sflag:s29], $0x2800  }
0x98: {  	[sflag:s29] =	ssyncset.done $0x0  }
0x99: {  	s18 =	rddreg [dreg:$0x8];
	[sflag:s29] =	ssyncadd.s32 $0xFFFFD800  }
0x9a: {  	[spmem:s18] =	stream.linear.scatter [tilespmem:s28], [sflag:$0x5], $0x2800, $0x38;
	[tilespmem:$0x1AC00] =	vst v63  }
0x9b: {  	_ =	swait.ge [sflag:s29], $0x2800  }
0x9c: {  	[sflag:s29] =	ssyncset.done $0x0  }
0x9d: {  	s19 =	rddreg [dreg:$0x9];
	[sflag:s29] =	ssyncadd.s32 $0xFFFFD800  }
0x9e: {  	[spmem:s19] =	stream.linear.scatter [tilespmem:s28], [sflag:$0x5], $0x2800, $0x38;
	[tilespmem:$0x1AC00] =	vst v63  }
0x9f: {  	_ =	swait.ge [sflag:s29], $0x2800  }
0xa0: {  	[sflag:s29] =	ssyncset.done $0x0  }
0xa1: {  	s16 =	rddreg [dreg:$0xa];
	[sflag:s29] =	ssyncadd.s32 $0xFFFFD800  }
0xa2: {  	[spmem:s16] =	stream.linear.scatter [tilespmem:s28], [sflag:$0x5], $0x2800, $0x38;
	[tilespmem:$0x1AC00] =	vst v63  }
0xa3: {  	_ =	swait.ge [sflag:s29], $0x2800  }
0xa4: {  	[sflag:s29] =	ssyncset.done $0x0  }
0xa5: {  	s18 =	rddreg [dreg:$0xb];
	[sflag:s29] =	ssyncadd.s32 $0xFFFFD800  }
0xa6: {  	[spmem:s18] =	stream.linear.scatter [tilespmem:s28], [sflag:$0x5], $0x2800, $0x38;
	[tilespmem:$0x1AC00] =	vst v63  }
0xa7: {  	_ =	swait.ge [sflag:s29], $0x2800  }
0xa8: {  	[sflag:s29] =	ssyncset.done $0x0  }
0xa9: {  	[sflag:s29] =	ssyncadd.s32 $0xFFFFD800  }
0xaa: {  	[bflag:$0x0] =	sbarrier.arrive $0xFFFF  }
0xab: {  	s15 =	simm.s32 $0x0;
	s16 =	rddreg [dreg:$0x14]  }
0xac: {  	[tilespmem:s15], [sflag:$0x5] =	stream.linear.gather [hbm4b:s16+s15], $0xA00, $0x38;
	[tilespmem:$0x1AC00] =	vst v63  }
0xad: {  	_ =	swait.ge [sflag:s29], $0xA00  }
0xae: {  	[sflag:s29] =	ssyncset.done $0x0  }
0xaf: {  	s19 =	rddreg [dreg:$0x17];
	[sflag:s29] =	ssyncadd.s32 $0xFFFFF600  }
0xb0: {  	[tilespmem:s30], [sflag:$0x4] =	stream.linear.gather [hbm4b:s19+s15], $0xA00, $0x38;
	[tilespmem:$0x1AC00] =	vst v63  }
0xb1: {  	s16 =	rddreg [dreg:$0x16]  }
0xb2: {  	[tilespmem:s28], [sflag:$0x1] =	stream.indirect.gather [hbm4b:s5+s31], $0x80, s15, s31, $0xb8;
	[tilespmem:$0x1AC00] =	vst v63  }
.LBB2_4:
0xb3: {  	s18 =	simm.s32 $0x100  }
0xb4: {  	[tilespmem:s2], [sflag:$0x2] =	stream.indirect.gather [hbm4b:s5+s31], $0x80, s18, s31, $0xb8;
	[tilespmem:$0x1AC00] =	vst v63  }
0xb5: {  	_ =	swait.ge [sflag:s14], $0x2A00  }
0xb6: {  	[sflag:s14] =	ssyncset.done $0x0  }
0xb7: {  	s19 =	simm.s32 $0x80;
	[sflag:s14] =	ssyncadd.s32 $0xFFFFD600  }
0xb8: {  	[spmem:s3] =	stream.indirect.scatter.add.f32 [tilespmem:s28], [sflag:$0x5], $0x80, s19, s31, $0xb8;
	[tilespmem:$0x1AC00] =	vst v63  }
0xb9: {  	_ =	swait.ge [sflag:s29], $0x2A00  }
0xba: {  	[sflag:s29] =	ssyncset.done $0x0  }
0xbb: {  	s19 =	simm.s32 $0x200;
	[sflag:s29] =	ssyncadd.s32 $0xFFFFD600  }
0xbc: {  	[tilespmem:s28], [sflag:$0x1] =	stream.indirect.gather [hbm4b:s5+s31], $0x80, s19, s31, $0xb8;
	[tilespmem:$0x1AC00] =	vst v63  }
0xbd: {  	_ =	swait.ge [sflag:s17], $0x2A00  }
0xbe: {  	[sflag:s17] =	ssyncset.done $0x0  }
0xbf: {  	s19 =	simm.s32 $0x180;
	[sflag:s17] =	ssyncadd.s32 $0xFFFFD600  }
0xc0: {  	[spmem:s3] =	stream.indirect.scatter.add.f32 [tilespmem:s2], [sflag:$0x5], $0x80, s19, s31, $0xb8;
	[tilespmem:$0x1AC00] =	vst v63  }
0xc1: {  	_ =	swait.ge [sflag:s29], $0x2A00  }
0xc2: {  	[sflag:s29] =	ssyncset.done $0x0  }
0xc3: {  	s19 =	simm.s32 $0x300;
	[sflag:s29] =	ssyncadd.s32 $0xFFFFD600  }
0xc4: {  	[tilespmem:s2], [sflag:$0x2] =	stream.indirect.gather [hbm4b:s5+s31], $0x80, s19, s31, $0xb8;
	[tilespmem:$0x1AC00] =	vst v63  }
0xc5: {  	_ =	swait.ge [sflag:s14], $0x2A00  }
0xc6: {  	[sflag:s14] =	ssyncset.done $0x0  }
0xc7: {  	s19 =	simm.s32 $0x280;
	[sflag:s14] =	ssyncadd.s32 $0xFFFFD600  }
0xc8: {  	[spmem:s3] =	stream.indirect.scatter.add.f32 [tilespmem:s28], [sflag:$0x5], $0x80, s19, s31, $0xb8;
	[tilespmem:$0x1AC00] =	vst v63  }
0xc9: {  	_ =	swait.ge [sflag:s29], $0x2A00  }
0xca: {  	[sflag:s29] =	ssyncset.done $0x0  }
0xcb: {  	s19 =	simm.s32 $0x400;
	[sflag:s29] =	ssyncadd.s32 $0xFFFFD600  }
0xcc: {  	[tilespmem:s28], [sflag:$0x1] =	stream.indirect.gather [hbm4b:s5+s31], $0x80, s19, s31, $0xb8;
	[tilespmem:$0x1AC00] =	vst v63  }
0xcd: {  	_ =	swait.ge [sflag:s17], $0x2A00  }
0xce: {  	[sflag:s17] =	ssyncset.done $0x0  }
0xcf: {  	s19 =	simm.s32 $0x380;
	[sflag:s17] =	ssyncadd.s32 $0xFFFFD600  }
0xd0: {  	[spmem:s3] =	stream.indirect.scatter.add.f32 [tilespmem:s2], [sflag:$0x5], $0x80, s19, s31, $0xb8;
	[tilespmem:$0x1AC00] =	vst v63  }
0xd1: {  	_ =	swait.ge [sflag:s29], $0x2A00  }
0xd2: {  	[sflag:s29] =	ssyncset.done $0x0  }
0xd3: {  	s19 =	simm.s32 $0x500;
	[sflag:s29] =	ssyncadd.s32 $0xFFFFD600  }
0xd4: {  	[tilespmem:s2], [sflag:$0x2] =	stream.indirect.gather [hbm4b:s5+s31], $0x80, s19, s31, $0xb8;
	[tilespmem:$0x1AC00] =	vst v63  }
0xd5: {  	_ =	swait.ge [sflag:s14], $0x2A00  }
0xd6: {  	[sflag:s14] =	ssyncset.done $0x0  }
0xd7: {  	s19 =	simm.s32 $0x480;
	[sflag:s14] =	ssyncadd.s32 $0xFFFFD600  }
0xd8: {  	[spmem:s3] =	stream.indirect.scatter.add.f32 [tilespmem:s28], [sflag:$0x5], $0x80, s19, s31, $0xb8;
	[tilespmem:$0x1AC00] =	vst v63  }
0xd9: {  	_ =	swait.ge [sflag:s29], $0x2A00  }
0xda: {  	[sflag:s29] =	ssyncset.done $0x0  }
0xdb: {  	s19 =	simm.s32 $0x600;
	[sflag:s29] =	ssyncadd.s32 $0xFFFFD600  }
0xdc: {  	[tilespmem:s28], [sflag:$0x1] =	stream.indirect.gather [hbm4b:s5+s31], $0x80, s19, s31, $0xb8;
	[tilespmem:$0x1AC00] =	vst v63  }
0xdd: {  	_ =	swait.ge [sflag:s17], $0x2A00  }
0xde: {  	[sflag:s17] =	ssyncset.done $0x0  }
0xdf: {  	s19 =	simm.s32 $0x580;
	[sflag:s17] =	ssyncadd.s32 $0xFFFFD600  }
0xe0: {  	[spmem:s3] =	stream.indirect.scatter.add.f32 [tilespmem:s2], [sflag:$0x5], $0x80, s19, s31, $0xb8;
	[tilespmem:$0x1AC00] =	vst v63  }
0xe1: {  	_ =	swait.ge [sflag:s29], $0x2A00  }
0xe2: {  	[sflag:s29] =	ssyncset.done $0x0  }
0xe3: {  	s19 =	simm.s32 $0x700;
	[sflag:s29] =	ssyncadd.s32 $0xFFFFD600  }
0xe4: {  	[tilespmem:s2], [sflag:$0x2] =	stream.indirect.gather [hbm4b:s5+s31], $0x80, s19, s31, $0xb8;
	[tilespmem:$0x1AC00] =	vst v63  }
0xe5: {  	_ =	swait.ge [sflag:s14], $0x2A00  }
0xe6: {  	[sflag:s14] =	ssyncset.done $0x0  }
0xe7: {  	s19 =	simm.s32 $0x680;
	[sflag:s14] =	ssyncadd.s32 $0xFFFFD600  }
0xe8: {  	[spmem:s3] =	stream.indirect.scatter.add.f32 [tilespmem:s28], [sflag:$0x5], $0x80, s19, s31, $0xb8;
	[tilespmem:$0x1AC00] =	vst v63  }
0xe9: {  	_ =	swait.ge [sflag:s29], $0x2A00  }
0xea: {  	[sflag:s29] =	ssyncset.done $0x0  }
0xeb: {  	s19 =	simm.s32 $0x800;
	[sflag:s29] =	ssyncadd.s32 $0xFFFFD600  }
0xec: {  	[tilespmem:s28], [sflag:$0x1] =	stream.indirect.gather [hbm4b:s5+s31], $0x80, s19, s31, $0xb8;
	[tilespmem:$0x1AC00] =	vst v63  }
0xed: {  	_ =	swait.ge [sflag:s17], $0x2A00  }
0xee: {  	[sflag:s17] =	ssyncset.done $0x0  }
0xef: {  	s19 =	simm.s32 $0x780;
	[sflag:s17] =	ssyncadd.s32 $0xFFFFD600  }
0xf0: {  	[spmem:s3] =	stream.indirect.scatter.add.f32 [tilespmem:s2], [sflag:$0x5], $0x80, s19, s31, $0xb8;
	[tilespmem:$0x1AC00] =	vst v63  }
0xf1: {  	_ =	swait.ge [sflag:s29], $0x2A00  }
0xf2: {  	[sflag:s29] =	ssyncset.done $0x0  }
0xf3: {  	s19 =	simm.s32 $0x900;
	[sflag:s29] =	ssyncadd.s32 $0xFFFFD600  }
0xf4: {  	[tilespmem:s2], [sflag:$0x2] =	stream.indirect.gather [hbm4b:s5+s31], $0x80, s19, s31, $0xb8;
	[tilespmem:$0x1AC00] =	vst v63  }
0xf5: {  	_ =	swait.ge [sflag:s14], $0x2A00  }
0xf6: {  	[sflag:s14] =	ssyncset.done $0x0  }
0xf7: {  	s19 =	simm.s32 $0x880;
	[sflag:s14] =	ssyncadd.s32 $0xFFFFD600  }
0xf8: {  	[spmem:s3] =	stream.indirect.scatter.add.f32 [tilespmem:s28], [sflag:$0x5], $0x80, s19, s31, $0xb8;
	[tilespmem:$0x1AC00] =	vst v63  }
0xf9: {  	_ =	swait.ge [sflag:s29], $0x2A00  }
0xfa: {  	[sflag:s29] =	ssyncset.done $0x0  }
0xfb: {  	[sflag:s29] =	ssyncadd.s32 $0xFFFFD600  }
0xfc: {  	_ =	swait.ge [sflag:s13], $0xA00  }
0xfd: {  	[sflag:s13] =	ssyncset.done $0x0  }
0xfe: {  	[sflag:s13] =	ssyncadd.s32 $0xFFFFF600  }
0xff: {  	[tilespmem:s28], [sflag:$0x1] =	stream.indirect.gather [hbm4b:s5+s31], $0x80, s30, s31, $0xb8;
	[tilespmem:$0x1AC00] =	vst v63  }
0x100: {  	_ =	swait.ge [sflag:s17], $0x2A00  }
0x101: {  	[sflag:s17] =	ssyncset.done $0x0  }
0x102: {  	s19 =	simm.s32 $0x980;
	[sflag:s17] =	ssyncadd.s32 $0xFFFFD600  }
0x103: {  	[spmem:s3] =	stream.indirect.scatter.add.f32 [tilespmem:s2], [sflag:$0x5], $0x80, s19, s31, $0xb8;
	[tilespmem:$0x1AC00] =	vst v63  }
0x104: {  	_ =	swait.ge [sflag:s29], $0x2A00  }
0x105: {  	[sflag:s29] =	ssyncset.done $0x0  }
0x106: {  	p0 =	seq.s32 s15, $0xC80;
	[sflag:s29] =	ssyncadd.s32 $0xFFFFD600  }
0x107: {  	s18 =	sshrl.u32 @!p0 s16, $0x3;
	s19 =	rddreg [dreg:$0x1]  }
0x108: {  	s18 =	sadd.s32 @!p0 s19, s18;
	s19 =	simm.s32 @!p0 $0x0  }
0x109: {  	[tilespmem:s19], [sflag:$0x3] =	stream.linear.gather @!p0 [hbm4b:s18+s19], $0xA00, $0x38;
	[tilespmem:$0x1AC00] =	vst v63  }
0x10a: {  	s19 =	simm.s32 $0xB00  }
0x10b: {  	[tilespmem:s2], [sflag:$0x2] =	stream.indirect.gather [hbm4b:s5+s31], $0x80, s19, s31, $0xb8;
	[tilespmem:$0x1AC00] =	vst v63  }
0x10c: {  	_ =	swait.ge [sflag:s14], $0x2A00  }
0x10d: {  	[sflag:s14] =	ssyncset.done $0x0  }
0x10e: {  	s19 =	simm.s32 $0xA80;
	[sflag:s14] =	ssyncadd.s32 $0xFFFFD600  }
0x10f: {  	[spmem:s3] =	stream.indirect.scatter.add.f32 [tilespmem:s28], [sflag:$0x5], $0x80, s19, s31, $0xb8;
	[tilespmem:$0x1AC00] =	vst v63  }
0x110: {  	_ =	swait.ge [sflag:s29], $0x2A00  }
0x111: {  	[sflag:s29] =	ssyncset.done $0x0  }
0x112: {  	s19 =	simm.s32 $0xC00;
	[sflag:s29] =	ssyncadd.s32 $0xFFFFD600  }
0x113: {  	[tilespmem:s28], [sflag:$0x1] =	stream.indirect.gather [hbm4b:s5+s31], $0x80, s19, s31, $0xb8;
	[tilespmem:$0x1AC00] =	vst v63  }
0x114: {  	_ =	swait.ge [sflag:s17], $0x2A00  }
0x115: {  	[sflag:s17] =	ssyncset.done $0x0  }
0x116: {  	s19 =	simm.s32 $0xB80;
	[sflag:s17] =	ssyncadd.s32 $0xFFFFD600  }
0x117: {  	[spmem:s3] =	stream.indirect.scatter.add.f32 [tilespmem:s2], [sflag:$0x5], $0x80, s19, s31, $0xb8;
	[tilespmem:$0x1AC00] =	vst v63  }
0x118: {  	_ =	swait.ge [sflag:s29], $0x2A00  }
0x119: {  	[sflag:s29] =	ssyncset.done $0x0  }
0x11a: {  	s19 =	simm.s32 $0xD00;
	[sflag:s29] =	ssyncadd.s32 $0xFFFFD600  }
0x11b: {  	[tilespmem:s2], [sflag:$0x2] =	stream.indirect.gather [hbm4b:s5+s31], $0x80, s19, s31, $0xb8;
	[tilespmem:$0x1AC00] =	vst v63  }
0x11c: {  	_ =	swait.ge [sflag:s14], $0x2A00  }
0x11d: {  	[sflag:s14] =	ssyncset.done $0x0  }
0x11e: {  	[sflag:s14] =	ssyncadd.s32 $0xFFFFD600  }
0x11f: {  	[spmem:s3] =	stream.indirect.scatter.add.f32 [tilespmem:s28], [sflag:$0x5], $0x80, s20, s31, $0xb8;
	[tilespmem:$0x1AC00] =	vst v63  }
0x120: {  	_ =	swait.ge [sflag:s29], $0x2A00  }
0x121: {  	[sflag:s29] =	ssyncset.done $0x0  }
0x122: {  	[sflag:s29] =	ssyncadd.s32 $0xFFFFD600  }
0x123: {  	[tilespmem:s28], [sflag:$0x1] =	stream.indirect.gather [hbm4b:s5+s31], $0x80, s21, s31, $0xb8;
	[tilespmem:$0x1AC00] =	vst v63  }
0x124: {  	_ =	swait.ge [sflag:s17], $0x2A00  }
0x125: {  	[sflag:s17] =	ssyncset.done $0x0  }
0x126: {  	[sflag:s17] =	ssyncadd.s32 $0xFFFFD600  }
0x127: {  	[spmem:s3] =	stream.indirect.scatter.add.f32 [tilespmem:s2], [sflag:$0x5], $0x80, s23, s31, $0xb8;
	[tilespmem:$0x1AC00] =	vst v63  }
0x128: {  	_ =	swait.ge [sflag:s29], $0x2A00  }
0x129: {  	[sflag:s29] =	ssyncset.done $0x0  }
0x12a: {  	[sflag:s29] =	ssyncadd.s32 $0xFFFFD600  }
0x12b: {  	[tilespmem:s2], [sflag:$0x2] =	stream.indirect.gather [hbm4b:s5+s31], $0x80, s26, s31, $0xb8;
	[tilespmem:$0x1AC00] =	vst v63  }
0x12c: {  	_ =	swait.ge [sflag:s14], $0x2A00  }
0x12d: {  	[sflag:s14] =	ssyncset.done $0x0  }
0x12e: {  	[sflag:s14] =	ssyncadd.s32 $0xFFFFD600  }
0x12f: {  	[spmem:s3] =	stream.indirect.scatter.add.f32 [tilespmem:s28], [sflag:$0x5], $0x80, s25, s31, $0xb8;
	[tilespmem:$0x1AC00] =	vst v63  }
0x130: {  	_ =	swait.ge [sflag:s29], $0x2A00  }
0x131: {  	[sflag:s29] =	ssyncset.done $0x0  }
0x132: {  	[sflag:s29] =	ssyncadd.s32 $0xFFFFD600  }
0x133: {  	[tilespmem:s28], [sflag:$0x1] =	stream.indirect.gather [hbm4b:s5+s31], $0x80, s22, s31, $0xb8;
	[tilespmem:$0x1AC00] =	vst v63  }
0x134: {  	_ =	swait.ge [sflag:s17], $0x2A00  }
0x135: {  	[sflag:s17] =	ssyncset.done $0x0  }
0x136: {  	[sflag:s17] =	ssyncadd.s32 $0xFFFFD600  }
0x137: {  	[spmem:s3] =	stream.indirect.scatter.add.f32 [tilespmem:s2], [sflag:$0x5], $0x80, s6, s31, $0xb8;
	[tilespmem:$0x1AC00] =	vst v63  }
0x138: {  	_ =	swait.ge [sflag:s29], $0x2A00  }
0x139: {  	[sflag:s29] =	ssyncset.done $0x0  }
0x13a: {  	[sflag:s29] =	ssyncadd.s32 $0xFFFFD600  }
0x13b: {  	[tilespmem:s2], [sflag:$0x2] =	stream.indirect.gather [hbm4b:s5+s31], $0x80, s7, s31, $0xb8;
	[tilespmem:$0x1AC00] =	vst v63  }
0x13c: {  	_ =	swait.ge [sflag:s14], $0x2A00  }
0x13d: {  	[sflag:s14] =	ssyncset.done $0x0  }
0x13e: {  	[sflag:s14] =	ssyncadd.s32 $0xFFFFD600  }
0x13f: {  	[spmem:s3] =	stream.indirect.scatter.add.f32 [tilespmem:s28], [sflag:$0x5], $0x80, s8, s31, $0xb8;
	[tilespmem:$0x1AC00] =	vst v63  }
0x140: {  	_ =	swait.ge [sflag:s29], $0x2A00  }
0x141: {  	[sflag:s29] =	ssyncset.done $0x0  }
0x142: {  	[sflag:s29] =	ssyncadd.s32 $0xFFFFD600  }
0x143: {  	[tilespmem:s28], [sflag:$0x1] =	stream.indirect.gather [hbm4b:s5+s31], $0x80, s9, s31, $0xb8;
	[tilespmem:$0x1AC00] =	vst v63  }
0x144: {  	_ =	swait.ge [sflag:s17], $0x2A00  }
0x145: {  	[sflag:s17] =	ssyncset.done $0x0  }
0x146: {  	[sflag:s17] =	ssyncadd.s32 $0xFFFFD600  }
0x147: {  	[spmem:s3] =	stream.indirect.scatter.add.f32 [tilespmem:s2], [sflag:$0x5], $0x80, s10, s31, $0xb8;
	[tilespmem:$0x1AC00] =	vst v63  }
0x148: {  	_ =	swait.ge [sflag:s29], $0x2A00  }
0x149: {  	[sflag:s29] =	ssyncset.done $0x0  }
0x14a: {  	[sflag:s29] =	ssyncadd.s32 $0xFFFFD600  }
0x14b: {  	[tilespmem:s2], [sflag:$0x2] =	stream.indirect.gather [hbm4b:s5+s31], $0x80, s11, s31, $0xb8;
	[tilespmem:$0x1AC00] =	vst v63  }
0x14c: {  	_ =	swait.ge [sflag:s14], $0x2A00  }
0x14d: {  	[sflag:s14] =	ssyncset.done $0x0  }
.Ltmp3:
0x14e: {  	[sflag:s14] =	ssyncadd.s32 $0xFFFFD600;
	(pc) =	sbr.rel @p0 .LBB2_6-.Ltmp3, $4  }
0x14f: {  	[spmem:s3] =	stream.indirect.scatter.add.f32 [tilespmem:s28], [sflag:$0x5], $0x80, s12, s31, $0xb8;
	[tilespmem:$0x1AC00] =	vst v63  }
0x150: {  	_ =	swait.ge [sflag:s29], $0x2A00  }
0x151: {  	[sflag:s29] =	ssyncset.done $0x0  }
0x152: {  	[sflag:s29] =	ssyncadd.s32 $0xFFFFD600  }
0x153: {  	_ =	swait.ge [sflag:s0], $0xA00  }
0x154: {  	[sflag:s0] =	ssyncset.done $0x0  }
0x155: {  	[sflag:s0] =	ssyncadd.s32 $0xFFFFF600  }
0x156: {  	[tilespmem:s28], [sflag:$0x1] =	stream.indirect.gather [hbm4b:s5+s31], $0x80, s4, s31, $0xb8;
	[tilespmem:$0x1AC00] =	vst v63  }
0x157: {  	_ =	swait.ge [sflag:s17], $0x2A00  }
0x158: {  	[sflag:s17] =	ssyncset.done $0x0  }
0x159: {  	[sflag:s17] =	ssyncadd.s32 $0xFFFFD600  }
0x15a: {  	[spmem:s3] =	stream.indirect.scatter.add.f32 [tilespmem:s2], [sflag:$0x5], $0x80, s1, s31, $0xb8;
	[tilespmem:$0x1AC00] =	vst v63  }
.Ltmp4:
0x15b: {  	_ = 	snop;
	(pc) =	sbr.rel .LBB2_4-.Ltmp4, $4  }
0x15c: {  	_ =	swait.ge [sflag:s29], $0x2A00  }
0x15d: {  	s18 =	sadd.s32 s15, s24;
	[sflag:s29] =	ssyncset.done $0x0  }
0x15e: {  	s15 =	sadd.s32 $0x280, s15;
	s16 =	sadd.s32 $0x1400, s16;
	[sflag:s29] =	ssyncadd.s32 $0xFFFFD600  }
0x15f: {  	[tilespmem:s30], [sflag:$0x4] =	stream.linear.gather [hbm4b:s18+s4], $0xA00, $0x38;
	[tilespmem:$0x1AC00] =	vst v63  }
.LBB2_7:
0x160: {  	_ =	sfence.sel $0x180000  }
0x161: {  	[bflag:$0x0] =	sbarrier.arrive $0xFFFF  }
0x162: {  	_ =	strace $0x9000004D  }
0x163: {  	s0 =	stileid.u32;
	[bflag:$0x2] =	sbarrier.arrive $0xFFFF  }
0x164: {  	p0 =	sne.s32 s0, $0x0;
	s0 =	rddreg [dreg:$0x3]  }
0x165: {  	s0 =	sadd.s32 @!p0 $0x100000, s0  }
0x166: {  	[sflag:s0] =	ssyncadd.tile.s32 @!p0 $0x1;
	_ =	shalt  }
.Lfunc_end2:
_tile_overlayer_lowered:
.L_overlay_start_2:
0x167: {  	(tag) =	ssettag $0x2  }
0x168: {  	s0 =	rddreg [dreg:$0x0];
	s2 =	stileid.u32  }
0x169: {  	s1 =	rddreg [dreg:$0x1];
	p0 =	sne.s32 s2, $0x0  }
0x16a: {  	s3 =	rddreg [dreg:$0x2];
	[bflag:$0x3] =	sbarrier.arrive $0xFFFF;
	s2 =	simm.s32 @!p0 $0x1C05  }
0x16b: {  	[timem:s3], [sflag:s2] =	dma.local @!p0 [hbm:s0], s1  }
0x16c: {  	s0 =	simm.s32 @!p0 $0x5  }
0x16d: {  	_ =	swait.ge @!p0 [sflag:s0], s1  }
0x16e: {  	s1 =	ssub.s32 @!p0 $0x0, s1;
	[sflag:s0] =	ssyncset.done @!p0 $0x0  }
0x16f: {  	[sflag:s0] =	ssyncadd.s32 @!p0 s1  }
0x170: {  	[bflag:$0x3] =	sbarrier.arrive $0xFFFF  }
0x171: {  	_ =	shalt  }

// kernel: kernel.8.cloned.1.call-start
scs
__scs_entry_jumppad:
0x0: {  	(pc) =	sbr.rel $0x88, $3  }
0x1: {  	(tag) =	ssettag $0x0;
	lr =	simm.s32 $0x1  }
0x2: {  	[smem:$0x3F9B] =	sst lr;
	_ =	strace $0xD0000000  }
0x3: {  	_ = 	snop  }
0x4: {  	_ = 	snop  }
0x5: {  	_ = 	snop  }
0x6: {  	_ = 	snop  }
0x7: {  	_ = 	snop  }
__scs_overlays_trampoline_lowered:
0x8: {  	[smem:$0x3FAA] =	sst s0  }
0x9: {  	[smem:$0x3FAB] =	sst s1  }
0xa: {  	[smem:$0x3FAC] =	sst s2  }
0xb: {  	[smem:$0x3FAD] =	sst s3  }
0xc: {  	[smem:$0x3FAE] =	sst s4  }
0xd: {  	[smem:$0x3FAF] =	sst s5  }
0xe: {  	[smem:$0x3FB0] =	sst s6  }
0xf: {  	[smem:$0x3FB1] =	sst s7  }
0x10: {  	[smem:$0x3FB2] =	sst s8  }
0x11: {  	[smem:$0x3FB3] =	sst s9;
	s0 =	simm.s32 @!p0 $0x0  }
0x12: {  	s1 =	sld [smem:$0x3F99];
	s0 =	simm.s32 @p0 $0x1  }
0x13: {  	[smem:$0x3FB4] =	sst s0;
	s0 =	simm.s32 @!p1 $0x0  }
0x14: {  	s2 =	sld [smem:$0x3F98];
	s0 =	simm.s32 @p1 $0x1  }
0x15: {  	[smem:$0x3FB5] =	sst s0;
	s0 =	simm.s32 @!p2 $0x0  }
0x16: {  	s3 =	sld [smem:$0x3FDB];
	s0 =	simm.s32 @p2 $0x1  }
0x17: {  	s4 =	simm.s32 $0x1BF5;
	[smem:$0x3FB7] =	sst s0  }
0x18: {  	s0 =	sld [smem:$0x3F9A];
	_ =	swait.ge [sflag:s4], $0x0  }
0x19: {  	s7 =	sld [smem:$0x3F9B]  }
0x1a: {  	s8 =	sadd.s32 $0xFFFFE003, lr  }
0x1b: {  	s9 =	sadd.s32 $0xFFFFFEF7, lr;
	s5 =	simm.s32 $0xFFFFFFFF;
	p2 =	slt.u32 s8, $0xFFFFF086  }
0x1c: {  	p1 =	slt.u32 s9, $0xF7A;
	s5 =	simm.s32 @!p2 $0x0  }
0x1d: {  	s5 =	simm.s32 @p1 $0x1;
	p0 =	seq.s32 s7, s2  }
0x1e: {  	s7 =	smul.u32 @!p0 $0xF7A, s2;
	p2 =	seq.s32 @!p0 s5, $0x0  }
0x1f: {  	s9 =	smul.u32 $0xF7A, s1;
	s8 =	simm.s32 @!p0 $0x1BF5;
	p2 =	por !p2, p0  }
0x20: {  	[sflag:s8] =	ssyncset.s32 @!p0 $0xFFFFF086;
	s6 =	sadd.s32 @!p0 s3, s7;
	s7 =	simm.s32 @!p0 $0x108  }
0x21: {  	s3 =	sadd.s32 s3, s9;
	s6 =	sadd.s32 @!p0 $0x88, s6;
	s7 =	simm.s32 @p2 $0x1082  }
0x22: {  	[simem:s7], [sflag:s8] =	dma.local @!p0 [hbm:s6], $0xF7A  }
0x23: {  	s9 =	sor.u32 $0xD0000000, s2;
	s6 =	simm.s32 $0x108;
	_ =	swait.ge @!p0 [sflag:s8], $0x0  }
0x24: {  	s3 =	sadd.s32 $0x88, s3;
	s6 =	simm.s32 @!p1 $0x1082;
	[sflag:s4] =	ssyncset.s32 $0xFFFFF086  }
0x25: {  	[simem:s6], [sflag:s4] =	dma.local [hbm:s3], $0xF7A  }
0x26: {  	[smem:$0x3F9B] =	sst s1;
	(tag) =	ssettag s2;
	_ =	strace s9  }
0x27: {  	s1 =	sld [smem:$0x3FAB]  }
0x28: {  	s2 =	sld [smem:$0x3FAC]  }
0x29: {  	s4 =	sld [smem:$0x3FAE]  }
0x2a: {  	p0 =	seq.s32 s5, $0x0;
	s5 =	sld [smem:$0x3FAF]  }
0x2b: {  	s6 =	sld [smem:$0x3FB0]  }
0x2c: {  	s7 =	sld [smem:$0x3FB1]  }
0x2d: {  	s3 =	simm.s32 $0x108;
	s8 =	sld [smem:$0x3FB2]  }
0x2e: {  	s3 =	simm.s32 @!p0 $0x1082;
	s9 =	sld [smem:$0x3FB3]  }
0x2f: {  	lr =	sadd.s32 s0, s3;
	s0 =	sld [smem:$0x3FAA]  }
0x30: {  	s3 =	sld [smem:$0x3FAD]  }
0x31: {  	[smem:$0x3FB6] =	sst s10  }
0x32: {  	s10 =	sld [smem:$0x3FB4];
	_ =	sdelay $0x3  }
0x33: {  	p0 =	seq.s32 s10, $0x1;
	s10 =	sld [smem:$0x3FB6];
	_ =	sdelay $0x3  }
0x34: {  	[smem:$0x3FB6] =	sst s10  }
0x35: {  	s10 =	sld [smem:$0x3FB5];
	_ =	sdelay $0x3  }
0x36: {  	p1 =	seq.s32 s10, $0x1;
	s10 =	sld [smem:$0x3FB6];
	_ =	sdelay $0x3  }
0x37: {  	[smem:$0x3FB6] =	sst s10  }
0x38: {  	s10 =	sld [smem:$0x3FB7]  }
0x39: {  	_ = 	snop;
	(pc) =	sbr.ind lr, $3  }
0x3a: {  	_ = 	snop  }
0x3b: {  	_ = 	snop  }
0x3c: {  	p2 =	seq.s32 s10, $0x1;
	s10 =	sld [smem:$0x3FB6]  }
0x3d: {  	_ =	shalt  }
0x3e: {  	_ =	shalt  }
0x3f: {  	_ =	shalt  }
0x40: {  	_ =	shalt  }
0x41: {  	_ =	shalt  }
0x42: {  	_ =	shalt  }
0x43: {  	_ =	shalt  }
0x44: {  	_ =	shalt  }
0x45: {  	_ =	shalt  }
0x46: {  	_ =	shalt  }
0x47: {  	_ =	shalt  }
0x48: {  	_ =	shalt  }
0x49: {  	_ =	shalt  }
0x4a: {  	_ =	shalt  }
0x4b: {  	_ =	shalt  }
0x4c: {  	_ =	shalt  }
0x4d: {  	_ =	shalt  }
0x4e: {  	_ =	shalt  }
0x4f: {  	_ =	shalt  }
0x50: {  	_ =	shalt  }
0x51: {  	_ =	shalt  }
0x52: {  	_ =	shalt  }
0x53: {  	_ =	shalt  }
0x54: {  	_ =	shalt  }
0x55: {  	_ =	shalt  }
0x56: {  	_ =	shalt  }
0x57: {  	_ =	shalt  }
0x58: {  	_ =	shalt  }
0x59: {  	_ =	shalt  }
0x5a: {  	_ =	shalt  }
0x5b: {  	_ =	shalt  }
0x5c: {  	_ =	shalt  }
0x5d: {  	_ =	shalt  }
0x5e: {  	_ =	shalt  }
0x5f: {  	_ =	shalt  }
0x60: {  	_ =	shalt  }
0x61: {  	_ =	shalt  }
0x62: {  	_ =	shalt  }
0x63: {  	_ =	shalt  }
0x64: {  	_ =	shalt  }
0x65: {  	_ =	shalt  }
0x66: {  	_ =	shalt  }
0x67: {  	_ =	shalt  }
0x68: {  	_ =	shalt  }
0x69: {  	_ =	shalt  }
0x6a: {  	_ =	shalt  }
0x6b: {  	_ =	shalt  }
0x6c: {  	_ =	shalt  }
0x6d: {  	_ =	shalt  }
0x6e: {  	_ =	shalt  }
0x6f: {  	_ =	shalt  }
0x70: {  	_ =	shalt  }
0x71: {  	_ =	shalt  }
0x72: {  	_ =	shalt  }
0x73: {  	_ =	shalt  }
0x74: {  	_ =	shalt  }
0x75: {  	_ =	shalt  }
0x76: {  	_ =	shalt  }
0x77: {  	_ =	shalt  }
0x78: {  	_ =	shalt  }
0x79: {  	_ =	shalt  }
0x7a: {  	_ =	shalt  }
0x7b: {  	_ =	shalt  }
0x7c: {  	_ =	shalt  }
0x7d: {  	_ =	shalt  }
0x7e: {  	_ =	shalt  }
0x7f: {  	_ =	shalt  }
0x80: {  	_ =	shalt  }
0x81: {  	_ =	shalt  }
0x82: {  	_ =	shalt  }
0x83: {  	_ =	shalt  }
0x84: {  	_ =	shalt  }
0x85: {  	_ =	shalt  }
0x86: {  	_ =	shalt  }
0x87: {  	_ =	shalt  }
.Lfunc_end0:
.L_simem_size_0:
called_computation_lowered:
.L_overlay_start_0:
0x88: {  	s2 =	sld [smem:$0x3FD9]  }
0x89: {  	s3 =	sld [smem:$0x3FFE];
	_ =	sdelay $0x1  }
0x8a: {  	s1 =	srdreg.scid  }
0x8b: {  	s0 =	sand.u32 $0x1, s1  }
0x8c: {  	s17 =	sshll.u32 s0, $0xA;
	s2 =	sadd.s32 s3, s2  }
0x8d: {  	s2 =	sadd.s32 s2, s17  }
0x8e: {  	[smem:$0x3FC2] =	sst s2  }
0x8f: {  	_ = 	snop  }
0x90: {  	s2 =	sld [smem:$0x3FD0];
	(tm) =	ssettm $0x1  }
0x91: {  	s18 =	sld [smem:$0x3FFB];
	_ =	sdelay $0x3  }
0x92: {  	_ =	strace s18  }
0x93: {  	s3 =	sld [smem:$0x3FFC];
	_ =	sdelay $0x3  }
0x94: {  	_ =	strace s3  }
0x95: {  	s3 =	sld [smem:$0x3FFD];
	_ =	sdelay $0x3  }
0x96: {  	_ =	strace s3  }
0x97: {  	_ =	strace $0x8FFFFFFF  }
0x98: {  	s19 =	sld [smem:$0x3FDB];
	_ =	sdelay $0x1  }
0x99: {  	s4 =	simm.s32 $_scs_section_size  }
0x9a: {  	s5 =	simm.s32 $_size__tile_overlayer_lowered;
	s6 =	simm.s32 $_tile_overlayer_lowered  }
0x9b: {  	s22 =	simm.s32 $0x1BFF;
	s21 =	sshll.u32 s6, $0x1;
	s3 =	sadd.s32 s4, s19  }
0x9c: {  	s7 =	simm.s32 $0x0;
	s20 =	sshll.u32 s5, $0x1;
	s5 =	sadd.s32 s21, s3  }
0x9d: {  	[timem:s7], [sflag:s22] =	dma.local [hbm:s5], s20  }
0x9e: {  	_ =	swait.ge [sflag:s22], s20  }
0x9f: {  	s4 =	ssub.s32 $0x0, s20;
	[sflag:s22] =	ssyncset.done $0x0  }
0xa0: {  	[sflag:s22] =	ssyncadd.s32 s4;
	_ =	sdelay $0x1  }
0xa1: {  	s23 =	simm.s32 $0x1B8B  }
0xa2: {  	_ =	swait.ge [sflag:s23], $0x1  }
0xa3: {  	[sflag:s23] =	ssyncset.done $0x0  }
0xa4: {  	s25 =	simm.s32 $0x1B8E;
	s24 =	sld [smem:$0x3FFE];
	[sflag:s23] =	ssyncadd.s32 $0xFFFFFFFF  }
0xa5: {  	s26 =	simm.s32 $execute0_lowered;
	[smem:$0x3FD2] =	sst s25  }
0xa6: {  	s5 =	sshll.u32 s26, $0x1;
	_ =	strace $0x80000046;
	[dreg:$0x1] =	wrdreg $0xFFFFFFFF  }
0xa7: {  	s28 =	simm.s32 $_size_execute0_lowered;
	s3 =	sadd.s32 s3, s5;
	[dreg:$0x0] =	wrdreg $0x0  }
0xa8: {  	s5 =	sshll.u32 s28, $0x1;
	[dreg:$0x2] =	wrdreg s3  }
0xa9: {  	[dreg:$0x3] =	wrdreg s5  }
0xaa: {  	[dreg:$0x4] =	wrdreg $0xC0  }
0xab: {  	_ =	task [dreg:s7], $0x5FFFF  }
0xac: {  	[dreg:$0x1] =	wrdreg $0xFFFFFFFF  }
0xad: {  	[dreg:$0x0] =	wrdreg $0x60  }
0xae: {  	[dreg:$0x2] =	wrdreg s2  }
0xaf: {  	[dreg:$0x3] =	wrdreg s24  }
0xb0: {  	[dreg:$0x4] =	wrdreg $0x7B000  }
0xb1: {  	[dreg:$0x5] =	wrdreg $0x9  }
0xb2: {  	_ =	task.clear_ibuf [dreg:s7], $0x6FFFF;
	_ =	strace $0x90000046  }
0xb3: {  	s29 =	simm.s32 $0x9;
	_ =	strace $0x80000048  }
0xb4: {  	_ =	swait.ge [sflag:s29], $0x1  }
0xb5: {  	[sflag:s29] =	ssyncadd.s32 $0xFFFFFFFF  }
0xb6: {  	_ =	strace $0x90000048  }
0xb7: {  	_ =	sfence  }
0xb8: {  	s30 =	sld [smem:$0x0];
	_ =	sdelay $0x2  }
0xb9: {  	s31 =	sshll.u32 s1, $0xD;
	s1 =	sshrl.u32 s1, $0x2  }
0xba: {  	s3 =	sand.u32 $0x4000, s31;
	s1 =	sadd.s32 s1, s30  }
0xbb: {  	s0 =	sor.u32 s3, s0;
	s1 =	sshll.u32 s1, $0x11  }
0xbc: {  	s0 =	sor.u32 s1, s0  }
0xbd: {  	s0 =	sadd.s32 $0x8F2B, s0  }
0xbe: {  	[sflag:s0] =	ssyncadd.remote.s32 $0x1  }
0xbf: {  	_ =	sfence.sel $0xFFFF  }
0xc0: {  	[dreg:$0x0] =	wrdreg $0xFFFFFFFF;
	(pc) =	sbr.abs _section_cstart, $3  }
0xc1: {  	[dreg:$0x1] =	wrdreg $0xFFFFFFFF  }
0xc2: {  	_ =	task.clear_ibuf [dreg:s7], $0x2FFFF;
	_ =	strace $0x9FFFFFFF  }
0xc3: {  	(tm) =	ssettm $0x7FFFFFFF  }
tec
execute0_lowered:
.L_overlay_start_1:
0x0: {  	(tag) =	ssettag $0x1  }
0x1: {  	s6 =	rddreg [dreg:$0x0]  }
0x2: {  	s5 =	rddreg [dreg:$0x1]  }
0x3: {  	s2 =	rddreg [dreg:$0x2]  }
0x4: {  	s0 =	rddreg [dreg:$0x3];
	s4 =	srdreg.scid  }
0x5: {  	s1 =	stileid.u32;
	s3 =	simm.s32 $0x0;
	s12 =	simm.s32 $0x7800  }
0x6: {  	s13 =	simm.s32 $0x80;
	s14 =	simm.s32 $0x100;
	s8 =	smul.u32 $0x500, s1  }
0x7: {  	s15 =	simm.s32 $0x0;
	s7 =	sand.u32 $0x1, s4;
	s9 =	smul.u32 $0xA00, s1  }
0x8: {  	[smem:$0x7FF] =	sst s3;
	s10 =	smul.u32 $0xF00, s1;
	s4 =	sshll.u32 s7, $0x7  }
0x9: {  	_ =	strace $0x80000047;
	s7 =	ssub.s32 $0x2, s7;
	s8 =	sor.u32 s4, s8  }
0xa: {  	s31 =	sshrl.u32 s7, $0x1;
	s9 =	sshrl.u32 s9, $0x2;
	s6 =	sadd.s32 s6, s10  }
0xb: {  	s10 =	simm.s32 $0x1;
	s8 =	sshrl.u32 s8, $0x3;
	s11 =	ssub.s32 s7, s31  }
0xc: {  	s8 =	sadd.s32 s8, s5;
	s5 =	sadd.s32 s9, s2;
	s9 =	simm.s32 $0x7880  }
0xd: {  	v0 =	vimm.f32 $1.000000000e+00;
	v1 =	vimm.f32 $0.0e+00;
	s7 =	sadd.s32 $0x2000, s8;
	s8 =	smax.u32 s11, $0x1;
	s11 =	simm.s32 $0x54  }
.LBB2_1:
0xe: {  	[tilespmem:$0x7800] =	vst v0  }
0xf: {  	[tilespmem:$0x7810] =	vst v0  }
0x10: {  	[tilespmem:$0x7820] =	vst v0  }
0x11: {  	[tilespmem:$0x7830] =	vst v0  }
0x12: {  	[tilespmem:$0x7840] =	vst v0  }
0x13: {  	[tilespmem:$0x7850] =	vst v0  }
0x14: {  	[tilespmem:$0x7880] =	vst v1  }
0x15: {  	[tilespmem:$0x7890] =	vst v1  }
0x16: {  	[tilespmem:$0x78A0] =	vst v1  }
0x17: {  	[tilespmem:$0x78B0] =	vst v1  }
0x18: {  	[tilespmem:$0x78C0] =	vst v1  }
0x19: {  	[tilespmem:$0x78D0] =	vst v1  }
0x1a: {  	[tilespmem:$0x78E0] =	vst v1  }
0x1b: {  	[tilespmem:$0x78F0] =	vst v1  }
0x1c: {  	[tilespmem:$0x7900] =	vst v1  }
0x1d: {  	[tilespmem:$0x7910] =	vst v1  }
0x1e: {  	[tilespmem:$0x7920] =	vst v1  }
0x1f: {  	[tilespmem:$0x7930] =	vst v1  }
0x20: {  	[tilespmem:$0x7940] =	vst v1  }
0x21: {  	[tilespmem:$0x7950] =	vst v1  }
0x22: {  	[tilespmem:$0x7960] =	vst v1  }
0x23: {  	[tilespmem:$0x7970] =	vst v1  }
0x24: {  	[tilespmem:$0x7980] =	vst v1  }
0x25: {  	[tilespmem:$0x7990] =	vst v1  }
0x26: {  	[tilespmem:$0x79A0] =	vst v1  }
0x27: {  	[tilespmem:$0x79B0] =	vst v1  }
0x28: {  	[tilespmem:$0x79C0] =	vst v1  }
0x29: {  	[tilespmem:$0x79D0] =	vst v1  }
0x2a: {  	[tilespmem:$0x79E0] =	vst v1  }
0x2b: {  	[tilespmem:$0x79F0] =	vst v1  }
0x2c: {  	[tilespmem:$0x7A00] =	vst v1  }
0x2d: {  	[tilespmem:$0x7A10] =	vst v1  }
0x2e: {  	[tilespmem:$0x7A20] =	vst v1  }
0x2f: {  	[tilespmem:$0x7A30] =	vst v1  }
0x30: {  	[tilespmem:$0x7A40] =	vst v1  }
0x31: {  	[tilespmem:$0x7A50] =	vst v1  }
0x32: {  	[tilespmem:$0x7A60] =	vst v1  }
0x33: {  	[tilespmem:$0x7A70] =	vst v1  }
0x34: {  	[tilespmem:$0x7A80] =	vst v1  }
0x35: {  	[tilespmem:$0x7A90] =	vst v1  }
0x36: {  	[tilespmem:$0x7AA0] =	vst v1  }
0x37: {  	[tilespmem:$0x7AB0] =	vst v1  }
0x38: {  	[tilespmem:$0x7AC0] =	vst v1  }
0x39: {  	[tilespmem:$0x7AD0] =	vst v1  }
0x3a: {  	[tilespmem:$0x7AE0] =	vst v1  }
0x3b: {  	[tilespmem:$0x7AF0] =	vst v1  }
0x3c: {  	[spmem:s5] =	stream.linear.scatter [tilespmem:s9], [sflag:$0x1], $0x280, $0x38;
	[tilespmem:$0x7D80] =	vst v63  }
0x3d: {  	_ =	swait.ge [sflag:s10], $0x280  }
0x3e: {  	[sflag:s10] =	ssyncset.done $0x0  }
0x3f: {  	[sflag:s10] =	ssyncadd.s32 $0xFFFFFD80  }
0x40: {  	[tilespmem:s3], [sflag:$0x1] =	stream.linear.gather [hbm4b:s6+s3], $0x7800, $0x38;
	[tilespmem:$0x7D80] =	vst v63  }
0x41: {  	_ =	swait.ge [sflag:s10], $0x7800  }
0x42: {  	[sflag:s10] =	ssyncset.done $0x0  }
0x43: {  	[sflag:s10] =	ssyncadd.s32 $0xFFFF8800  }
0x44: {  	s16 =	sadd.s32 $0x0, s4;
	[bflag:$0x0] =	sbarrier.arrive $0xFFFF  }
0x45: {  	[spmem:s2] =	stream.indirect.scatter.add.f32 [tilespmem:s12], [sflag:$0x1], $0x1, s16, s11, $0xb8;
	[tilespmem:$0x7D80] =	vst v63  }
0x46: {  	_ =	swait.ge [sflag:s10], $0x54  }
0x47: {  	[sflag:s10] =	ssyncset.done $0x0  }
0x48: {  	s17 =	sadd.s32 $0x100, s16;
	[sflag:s10] =	ssyncadd.s32 $0xFFFFFFAC  }
0x49: {  	[spmem:s2] =	stream.indirect.scatter.add.f32 [tilespmem:s12], [sflag:$0x1], $0x1, s17, s11, $0xb8;
	[tilespmem:$0x7D80] =	vst v63  }
0x4a: {  	_ =	swait.ge [sflag:s10], $0x54  }
0x4b: {  	[sflag:s10] =	ssyncset.done $0x0  }
0x4c: {  	s24 =	sadd.s32 $0x200, s16;
	[sflag:s10] =	ssyncadd.s32 $0xFFFFFFAC  }
0x4d: {  	[spmem:s2] =	stream.indirect.scatter.add.f32 [tilespmem:s12], [sflag:$0x1], $0x1, s24, s11, $0xb8;
	[tilespmem:$0x7D80] =	vst v63  }
0x4e: {  	_ =	swait.ge [sflag:s10], $0x54  }
0x4f: {  	[sflag:s10] =	ssyncset.done $0x0  }
0x50: {  	s25 =	sadd.s32 $0x300, s16;
	[sflag:s10] =	ssyncadd.s32 $0xFFFFFFAC  }
0x51: {  	[spmem:s2] =	stream.indirect.scatter.add.f32 [tilespmem:s12], [sflag:$0x1], $0x1, s25, s11, $0xb8;
	[tilespmem:$0x7D80] =	vst v63  }
0x52: {  	_ =	swait.ge [sflag:s10], $0x54  }
0x53: {  	[sflag:s10] =	ssyncset.done $0x0  }
0x54: {  	s26 =	sadd.s32 $0x400, s16;
	[sflag:s10] =	ssyncadd.s32 $0xFFFFFFAC  }
0x55: {  	[spmem:s2] =	stream.indirect.scatter.add.f32 [tilespmem:s12], [sflag:$0x1], $0x1, s26, s11, $0xb8;
	[tilespmem:$0x7D80] =	vst v63  }
0x56: {  	_ =	swait.ge [sflag:s10], $0x54  }
0x57: {  	[sflag:s10] =	ssyncset.done $0x0  }
0x58: {  	s28 =	sadd.s32 $0x500, s16;
	[sflag:s10] =	ssyncadd.s32 $0xFFFFFFAC  }
0x59: {  	[spmem:s2] =	stream.indirect.scatter.add.f32 [tilespmem:s12], [sflag:$0x1], $0x1, s28, s11, $0xb8;
	[tilespmem:$0x7D80] =	vst v63  }
0x5a: {  	_ =	swait.ge [sflag:s10], $0x54  }
0x5b: {  	[sflag:s10] =	ssyncset.done $0x0  }
0x5c: {  	s29 =	sadd.s32 $0x600, s16;
	[sflag:s10] =	ssyncadd.s32 $0xFFFFFFAC  }
0x5d: {  	[spmem:s2] =	stream.indirect.scatter.add.f32 [tilespmem:s12], [sflag:$0x1], $0x1, s29, s11, $0xb8;
	[tilespmem:$0x7D80] =	vst v63  }
0x5e: {  	_ =	swait.ge [sflag:s10], $0x54  }
0x5f: {  	[sflag:s10] =	ssyncset.done $0x0  }
0x60: {  	s30 =	sadd.s32 $0x700, s16;
	[sflag:s10] =	ssyncadd.s32 $0xFFFFFFAC  }
0x61: {  	[spmem:s2] =	stream.indirect.scatter.add.f32 [tilespmem:s12], [sflag:$0x1], $0x1, s30, s11, $0xb8;
	[tilespmem:$0x7D80] =	vst v63  }
0x62: {  	_ =	swait.ge [sflag:s10], $0x54  }
0x63: {  	[sflag:s10] =	ssyncset.done $0x0  }
0x64: {  	s31 =	sadd.s32 $0x800, s16;
	[sflag:s10] =	ssyncadd.s32 $0xFFFFFFAC  }
0x65: {  	[spmem:s2] =	stream.indirect.scatter.add.f32 [tilespmem:s12], [sflag:$0x1], $0x1, s31, s11, $0xb8;
	[tilespmem:$0x7D80] =	vst v63  }
0x66: {  	_ =	swait.ge [sflag:s10], $0x54  }
0x67: {  	[sflag:s10] =	ssyncset.done $0x0  }
0x68: {  	s16 =	sadd.s32 $0x900, s16;
	[sflag:s10] =	ssyncadd.s32 $0xFFFFFFAC  }
0x69: {  	[spmem:s2] =	stream.indirect.scatter.add.f32 [tilespmem:s12], [sflag:$0x1], $0x1, s16, s11, $0xb8;
	[tilespmem:$0x7D80] =	vst v63  }
0x6a: {  	_ =	swait.ge [sflag:s10], $0x54  }
0x6b: {  	s19 =	simm.s32 $0x5000;
	s17 =	simm.s32 $0xA00;
	[sflag:s10] =	ssyncset.done $0x0  }
.LBB2_2:
0x6c: {  	s18 =	sadd.s32 s17, s4  }
0x6d: {  	[sflag:s10] =	ssyncadd.s32 $0xFFFFFFAC;
	s17 =	smov.u32 s19;
	s16 =	sadd.s32 $0x2800, s19  }
0x6e: {  	[spmem:s2] =	stream.indirect.scatter.add.f32 [tilespmem:s12], [sflag:$0x1], $0x1, s18, s11, $0xb8;
	[tilespmem:$0x7D80] =	vst v63  }
0x6f: {  	p0 =	sne.s32 s19, $0x1B800;
	_ =	swait.ge [sflag:s10], $0x54  }
0x70: {  	[sflag:s10] =	ssyncset.done $0x0  }
0x71: {  	s19 =	sadd.s32 $0x100, s18;
	[sflag:s10] =	ssyncadd.s32 $0xFFFFFFAC  }
0x72: {  	[spmem:s2] =	stream.indirect.scatter.add.f32 [tilespmem:s12], [sflag:$0x1], $0x1, s19, s11, $0xb8;
	[tilespmem:$0x7D80] =	vst v63  }
0x73: {  	_ =	swait.ge [sflag:s10], $0x54  }
0x74: {  	[sflag:s10] =	ssyncset.done $0x0  }
0x75: {  	s19 =	sadd.s32 $0x200, s18;
	[sflag:s10] =	ssyncadd.s32 $0xFFFFFFAC  }
0x76: {  	[spmem:s2] =	stream.indirect.scatter.add.f32 [tilespmem:s12], [sflag:$0x1], $0x1, s19, s11, $0xb8;
	[tilespmem:$0x7D80] =	vst v63  }
0x77: {  	_ =	swait.ge [sflag:s10], $0x54  }
0x78: {  	[sflag:s10] =	ssyncset.done $0x0  }
0x79: {  	s19 =	sadd.s32 $0x300, s18;
	[sflag:s10] =	ssyncadd.s32 $0xFFFFFFAC  }
0x7a: {  	[spmem:s2] =	stream.indirect.scatter.add.f32 [tilespmem:s12], [sflag:$0x1], $0x1, s19, s11, $0xb8;
	[tilespmem:$0x7D80] =	vst v63  }
0x7b: {  	_ =	swait.ge [sflag:s10], $0x54  }
0x7c: {  	[sflag:s10] =	ssyncset.done $0x0  }
0x7d: {  	s19 =	sadd.s32 $0x400, s18;
	[sflag:s10] =	ssyncadd.s32 $0xFFFFFFAC  }
0x7e: {  	[spmem:s2] =	stream.indirect.scatter.add.f32 [tilespmem:s12], [sflag:$0x1], $0x1, s19, s11, $0xb8;
	[tilespmem:$0x7D80] =	vst v63  }
0x7f: {  	_ =	swait.ge [sflag:s10], $0x54  }
0x80: {  	[sflag:s10] =	ssyncset.done $0x0  }
0x81: {  	s19 =	sadd.s32 $0x500, s18;
	[sflag:s10] =	ssyncadd.s32 $0xFFFFFFAC  }
0x82: {  	[spmem:s2] =	stream.indirect.scatter.add.f32 [tilespmem:s12], [sflag:$0x1], $0x1, s19, s11, $0xb8;
	[tilespmem:$0x7D80] =	vst v63  }
0x83: {  	_ =	swait.ge [sflag:s10], $0x54  }
0x84: {  	[sflag:s10] =	ssyncset.done $0x0  }
0x85: {  	s19 =	sadd.s32 $0x600, s18;
	[sflag:s10] =	ssyncadd.s32 $0xFFFFFFAC  }
0x86: {  	[spmem:s2] =	stream.indirect.scatter.add.f32 [tilespmem:s12], [sflag:$0x1], $0x1, s19, s11, $0xb8;
	[tilespmem:$0x7D80] =	vst v63  }
0x87: {  	_ =	swait.ge [sflag:s10], $0x54  }
0x88: {  	[sflag:s10] =	ssyncset.done $0x0  }
0x89: {  	s19 =	sadd.s32 $0x700, s18;
	[sflag:s10] =	ssyncadd.s32 $0xFFFFFFAC  }
0x8a: {  	[spmem:s2] =	stream.indirect.scatter.add.f32 [tilespmem:s12], [sflag:$0x1], $0x1, s19, s11, $0xb8;
	[tilespmem:$0x7D80] =	vst v63  }
0x8b: {  	_ =	swait.ge [sflag:s10], $0x54  }
0x8c: {  	[sflag:s10] =	ssyncset.done $0x0  }
0x8d: {  	s19 =	sadd.s32 $0x800, s18;
	[sflag:s10] =	ssyncadd.s32 $0xFFFFFFAC  }
0x8e: {  	[spmem:s2] =	stream.indirect.scatter.add.f32 [tilespmem:s12], [sflag:$0x1], $0x1, s19, s11, $0xb8;
	[tilespmem:$0x7D80] =	vst v63  }
0x8f: {  	_ =	swait.ge [sflag:s10], $0x54  }
.Ltmp0:
0x90: {  	[sflag:s10] =	ssyncset.done $0x0;
	(pc) =	sbr.rel @p0 .LBB2_2-.Ltmp0, $4  }
0x91: {  	s18 =	sadd.s32 $0x900, s18;
	[sflag:s10] =	ssyncadd.s32 $0xFFFFFFAC  }
0x92: {  	[spmem:s2] =	stream.indirect.scatter.add.f32 [tilespmem:s12], [sflag:$0x1], $0x1, s18, s11, $0xb8;
	[tilespmem:$0x7D80] =	vst v63  }
0x93: {  	_ =	swait.ge [sflag:s10], $0x54  }
0x94: {  	s17 =	sshra.s32 s17, $0x2;
	s19 =	smov.u32 s16;
	[sflag:s10] =	ssyncset.done $0x0  }
0x95: {  	s16 =	sadd.s32 s17, s4;
	[sflag:s10] =	ssyncadd.s32 $0xFFFFFFAC  }
0x96: {  	[spmem:s2] =	stream.indirect.scatter.add.f32 [tilespmem:s12], [sflag:$0x1], $0x1, s16, s11, $0xb8;
	[tilespmem:$0x7D80] =	vst v63  }
0x97: {  	_ =	swait.ge [sflag:s10], $0x54  }
0x98: {  	[sflag:s10] =	ssyncset.done $0x0  }
0x99: {  	s17 =	sadd.s32 $0x100, s16;
	[sflag:s10] =	ssyncadd.s32 $0xFFFFFFAC  }
0x9a: {  	[spmem:s2] =	stream.indirect.scatter.add.f32 [tilespmem:s12], [sflag:$0x1], $0x1, s17, s11, $0xb8;
	[tilespmem:$0x7D80] =	vst v63  }
0x9b: {  	_ =	swait.ge [sflag:s10], $0x54  }
0x9c: {  	[sflag:s10] =	ssyncset.done $0x0  }
0x9d: {  	s24 =	sadd.s32 $0x200, s16;
	[sflag:s10] =	ssyncadd.s32 $0xFFFFFFAC  }
0x9e: {  	[spmem:s2] =	stream.indirect.scatter.add.f32 [tilespmem:s12], [sflag:$0x1], $0x1, s24, s11, $0xb8;
	[tilespmem:$0x7D80] =	vst v63  }
0x9f: {  	_ =	swait.ge [sflag:s10], $0x54  }
0xa0: {  	[sflag:s10] =	ssyncset.done $0x0  }
0xa1: {  	s25 =	sadd.s32 $0x300, s16;
	[sflag:s10] =	ssyncadd.s32 $0xFFFFFFAC  }
0xa2: {  	[spmem:s2] =	stream.indirect.scatter.add.f32 [tilespmem:s12], [sflag:$0x1], $0x1, s25, s11, $0xb8;
	[tilespmem:$0x7D80] =	vst v63  }
0xa3: {  	_ =	swait.ge [sflag:s10], $0x54  }
0xa4: {  	[sflag:s10] =	ssyncset.done $0x0  }
0xa5: {  	s26 =	sadd.s32 $0x400, s16;
	[sflag:s10] =	ssyncadd.s32 $0xFFFFFFAC  }
0xa6: {  	[spmem:s2] =	stream.indirect.scatter.add.f32 [tilespmem:s12], [sflag:$0x1], $0x1, s26, s11, $0xb8;
	[tilespmem:$0x7D80] =	vst v63  }
0xa7: {  	_ =	swait.ge [sflag:s10], $0x54  }
0xa8: {  	[sflag:s10] =	ssyncset.done $0x0  }
0xa9: {  	s28 =	sadd.s32 $0x500, s16;
	[sflag:s10] =	ssyncadd.s32 $0xFFFFFFAC  }
0xaa: {  	[spmem:s2] =	stream.indirect.scatter.add.f32 [tilespmem:s12], [sflag:$0x1], $0x1, s28, s11, $0xb8;
	[tilespmem:$0x7D80] =	vst v63  }
0xab: {  	_ =	swait.ge [sflag:s10], $0x54  }
0xac: {  	[sflag:s10] =	ssyncset.done $0x0  }
0xad: {  	s29 =	sadd.s32 $0x600, s16;
	[sflag:s10] =	ssyncadd.s32 $0xFFFFFFAC  }
0xae: {  	[spmem:s2] =	stream.indirect.scatter.add.f32 [tilespmem:s12], [sflag:$0x1], $0x1, s29, s11, $0xb8;
	[tilespmem:$0x7D80] =	vst v63  }
0xaf: {  	_ =	swait.ge [sflag:s10], $0x54  }
0xb0: {  	[sflag:s10] =	ssyncset.done $0x0  }
0xb1: {  	s30 =	sadd.s32 $0x700, s16;
	[sflag:s10] =	ssyncadd.s32 $0xFFFFFFAC  }
0xb2: {  	[spmem:s2] =	stream.indirect.scatter.add.f32 [tilespmem:s12], [sflag:$0x1], $0x1, s30, s11, $0xb8;
	[tilespmem:$0x7D80] =	vst v63  }
0xb3: {  	_ =	swait.ge [sflag:s10], $0x54  }
0xb4: {  	[sflag:s10] =	ssyncset.done $0x0  }
0xb5: {  	s31 =	sadd.s32 $0x800, s16;
	[sflag:s10] =	ssyncadd.s32 $0xFFFFFFAC  }
0xb6: {  	[spmem:s2] =	stream.indirect.scatter.add.f32 [tilespmem:s12], [sflag:$0x1], $0x1, s31, s11, $0xb8;
	[tilespmem:$0x7D80] =	vst v63  }
0xb7: {  	_ =	swait.ge [sflag:s10], $0x54  }
0xb8: {  	[sflag:s10] =	ssyncset.done $0x0  }
0xb9: {  	s16 =	sadd.s32 $0x900, s16;
	[sflag:s10] =	ssyncadd.s32 $0xFFFFFFAC  }
0xba: {  	[spmem:s2] =	stream.indirect.scatter.add.f32 [tilespmem:s12], [sflag:$0x1], $0x1, s16, s11, $0xb8;
	[tilespmem:$0x7D80] =	vst v63  }
0xbb: {  	_ =	swait.ge [sflag:s10], $0x54  }
0xbc: {  	[sflag:s10] =	ssyncset.done $0x0  }
0xbd: {  	[sflag:s10] =	ssyncadd.s32 $0xFFFFFFAC  }
0xbe: {  	[bflag:$0x0] =	sbarrier.arrive $0xFFFF  }
0xbf: {  	[tilespmem:s9], [sflag:$0x1] =	stream.linear.gather [spmem:s5], $0x280, $0x38;
	[tilespmem:$0x7D80] =	vst v63  }
0xc0: {  	s15 =	sadd.s32 $0x1, s15;
	_ =	swait.ge [sflag:s10], $0x280  }
0xc1: {  	p0 =	sne.s32 s15, s8;
	[sflag:s10] =	ssyncset.done $0x0  }
.Ltmp1:
0xc2: {  	[sflag:s10] =	ssyncadd.s32 $0xFFFFFD80;
	(pc) =	sbr.rel @p0 .LBB2_1-.Ltmp1, $4  }
0xc3: {  	[hbm4b:s7+s13] =	stream.strided.scatter [tilespmem:s9], [sflag:$0x1], $0x280, s14, s13, $0x38;
	[tilespmem:$0x7D80] =	vst v63  }
0xc4: {  	_ =	swait.ge [sflag:s10], $0x280  }
0xc5: {  	[sflag:s10] =	ssyncset.done $0x0  }
0xc6: {  	[sflag:s10] =	ssyncadd.s32 $0xFFFFFD80  }
0xc7: {  	_ =	sfence.sel $0x180000  }
0xc8: {  	[bflag:$0x0] =	sbarrier.arrive $0xFFFF  }
0xc9: {  	p0 =	sne.s32 s1, $0x0;
	_ =	strace $0x90000047  }
0xca: {  	s0 =	sadd.s32 @!p0 $0x100000, s0;
	[bflag:$0x2] =	sbarrier.arrive $0xFFFF  }
0xcb: {  	[sflag:s0] =	ssyncadd.tile.s32 @!p0 $0x1;
	_ =	shalt  }
.Lfunc_end2:
_tile_overlayer_lowered:
.L_overlay_start_2:
0xcc: {  	(tag) =	ssettag $0x2  }
0xcd: {  	s0 =	rddreg [dreg:$0x0];
	s2 =	stileid.u32  }
0xce: {  	s1 =	rddreg [dreg:$0x1];
	p0 =	sne.s32 s2, $0x0  }
0xcf: {  	s3 =	rddreg [dreg:$0x2];
	[bflag:$0x3] =	sbarrier.arrive $0xFFFF;
	s2 =	simm.s32 @!p0 $0x1C01  }
0xd0: {  	[timem:s3], [sflag:s2] =	dma.local @!p0 [hbm:s0], s1  }
0xd1: {  	s0 =	simm.s32 @!p0 $0x1  }
0xd2: {  	_ =	swait.ge @!p0 [sflag:s0], s1  }
0xd3: {  	s1 =	ssub.s32 @!p0 $0x0, s1;
	[sflag:s0] =	ssyncset.done @!p0 $0x0  }
0xd4: {  	[sflag:s0] =	ssyncadd.s32 @!p0 s1  }
0xd5: {  	[bflag:$0x3] =	sbarrier.arrive $0xFFFF  }
0xd6: {  	_ =	shalt  }

</sc_bundles>
